<compile_context>
chip_gen: v7x
topology: tpu7x:2x2x1
jax: 0.10.2.dev20260603
libtpu: 0.0.44.dev20260713+nightly
codegen_flags: <defaults>
</compile_context>

<pallas_src>
import jax
import jax.numpy as jnp
from jax import lax
from jax.experimental import pallas as pl
from jax.experimental.pallas import tpu as pltpu
from jax.experimental.pallas import tpu_sc as plsc

B, S, D = 1024, 512, 128
N = B * S
NC, NS = 2, 16
NW = NC * NS
TOK_PER_TILE = N // NW
T = 64
CHUNKS = TOK_PER_TILE // T
DV = D // 16
TU = 2


def _rsqrt(x):
    i = lax.bitcast_convert_type(x, jnp.int32)
    i = 0x5F3759DF - lax.shift_right_arithmetic(i, 1)
    y = lax.bitcast_convert_type(i, jnp.float32)
    for _ in range(3):
        y = y * (1.5 - 0.5 * x * y * y)
    return y


def _tree_sum(vs):
    while len(vs) > 1:
        vs = [vs[i] + vs[i + 1] for i in range(0, len(vs), 2)]
    return vs[0]


def _body(ids_hbm, tt_hbm, word_hbm, pos_hbm, ttrow_hbm, gamma_hbm, beta_hbm,
          out_hbm,
          idx0, idx1, idx2, idx3, ttv0, ttv1, ttv2, ttv3,
          rows0, rows1, ob0, ob1,
          pos_v, ttrow_v, gamma_v, beta_v,
          gsem0, gsem1, isem0, isem1, isem2, isem3, osem0, osem1):
    idx = (idx0, idx1, idx2, idx3)
    ttv = (ttv0, ttv1, ttv2, ttv3)
    rows = (rows0, rows1)
    obuf = (ob0, ob1)
    gsem = (gsem0, gsem1)
    isem = (isem0, isem1, isem2, isem3)
    osem = (osem0, osem1)

    wid = lax.axis_index("s") * NC + lax.axis_index("c")
    base_tile = wid * TOK_PER_TILE

    pltpu.sync_copy(pos_hbm, pos_v)
    pltpu.sync_copy(ttrow_hbm, ttrow_v)
    pltpu.sync_copy(gamma_hbm, gamma_v)
    pltpu.sync_copy(beta_hbm, beta_v)

    def ids_copies(c, ib):
        base = base_tile + c * T
        return (pltpu.make_async_copy(ids_hbm.at[pl.ds(base, T)],
                                      idx[ib], isem[ib]),
                pltpu.make_async_copy(tt_hbm.at[pl.ds(base, T)],
                                      ttv[ib].at[pl.ds(0, T)], isem[ib]))

    def gather(ib, rb):
        return pltpu.make_async_copy(word_hbm.at[idx[ib]], rows[rb], gsem[rb])

    def outpair(c0, p):
        base = base_tile + c0 * T
        return pltpu.make_async_copy(obuf[p], out_hbm.at[pl.ds(base, 2 * T)],
                                     osem[p])

    def compute(rb, ib, ro, p, c):
        rows_v, ttv_v, ob_v = rows[rb], ttv[ib], obuf[p]
        s_off = lax.rem(c * T, S)
        gammas = [gamma_v[pl.ds(16 * k, 16)] for k in range(DV)]
        betas = [beta_v[pl.ds(16 * k, 16)] for k in range(DV)]

        @plsc.parallel_loop(0, T, step=TU)
        def _(i0):
            tgrp = ttv_v[pl.ds(i0, 16)]
            for u in range(TU):
                i = i0 + u
                t = tgrp[u]
                s_row = s_off + i
                xs = []
                for k in range(DV):
                    sl = pl.ds(16 * k, 16)
                    x = rows_v[i, sl] + pos_v[s_row, sl] + ttrow_v[t, sl]
                    xs.append(x)
                s1 = jnp.sum(_tree_sum(xs))
                s2 = jnp.sum(_tree_sum([x * x for x in xs]))
                mean = s1 * (1.0 / D)
                var = s2 * (1.0 / D) - mean * mean
                a = _rsqrt(jnp.full((16,), var + 1e-5, jnp.float32))
                sh = jnp.full((16,), -mean, jnp.float32) * a
                for k in range(DV):
                    y = (xs[k] * a + sh) * gammas[k] + betas[k]
                    ob_v[ro + i, pl.ds(16 * k, 16)] = y

    def step(c, b4):
        rb = b4 % 2
        p = b4 // 2
        ro = (b4 % 2) * T

        @pl.when(c + 1 < CHUNKS)
        def _():
            for cp in ids_copies(c + 1, (b4 + 1) % 4):
                cp.wait()
            gather((b4 + 1) % 4, 1 - rb).start()

        gather(b4, rb).wait()

        if b4 % 2 == 0:
            @pl.when(c >= 4)
            def _():
                outpair(c - 4, p).wait()

        compute(rb, b4, ro, p, c)

        @pl.when(c + 3 < CHUNKS)
        def _():
            for cp in ids_copies(c + 3, (b4 + 3) % 4):
                cp.start()

        if b4 % 2 == 1:
            outpair(c - 1, p).start()

    for k in (0, 1, 2):
        for cp in ids_copies(k, k):
            cp.start()
    for cp in ids_copies(0, 0):
        cp.wait()
    gather(0, 0).start()

    def loop_body(i, carry):
        for b4 in range(4):
            step(4 * i + b4, b4)
        return carry

    lax.fori_loop(0, CHUNKS // 4, loop_body, 0)
    outpair(CHUNKS - 4, 0).wait()
    outpair(CHUNKS - 2, 1).wait()


def kernel(input_ids, token_type_ids, word_table, pos_table, tt_table,
           ln_gamma, ln_beta):
    ids = input_ids.reshape(N).astype(jnp.int32)
    tts = token_type_ids.reshape(N).astype(jnp.int32)

    mesh = plsc.VectorSubcoreMesh(core_axis_name="c", subcore_axis_name="s",
                                  num_cores=NC, num_subcores=NS)
    fn = pl.kernel(
        _body,
        out_type=jax.ShapeDtypeStruct((N, D), jnp.float32),
        mesh=mesh,
        scratch_types=[
            pltpu.VMEM((T,), jnp.int32),
            pltpu.VMEM((T,), jnp.int32),
            pltpu.VMEM((T,), jnp.int32),
            pltpu.VMEM((T,), jnp.int32),
            pltpu.VMEM((T + 16,), jnp.int32),
            pltpu.VMEM((T + 16,), jnp.int32),
            pltpu.VMEM((T + 16,), jnp.int32),
            pltpu.VMEM((T + 16,), jnp.int32),
            pltpu.VMEM((T, D), jnp.float32),
            pltpu.VMEM((T, D), jnp.float32),
            pltpu.VMEM((2 * T, D), jnp.float32),
            pltpu.VMEM((2 * T, D), jnp.float32),
            pltpu.VMEM((S, D), jnp.float32),
            pltpu.VMEM((2, D), jnp.float32),
            pltpu.VMEM((D,), jnp.float32),
            pltpu.VMEM((D,), jnp.float32),
            pltpu.SemaphoreType.DMA,
            pltpu.SemaphoreType.DMA,
            pltpu.SemaphoreType.DMA,
            pltpu.SemaphoreType.DMA,
            pltpu.SemaphoreType.DMA,
            pltpu.SemaphoreType.DMA,
            pltpu.SemaphoreType.DMA,
            pltpu.SemaphoreType.DMA,
        ],
        compiler_params=pltpu.CompilerParams(needs_layout_passes=False),
    )
    out = fn(ids, tts, word_table, pos_table, tt_table, ln_gamma, ln_beta)
    return out.reshape(B, S, D)

# --- scband reference (transcript-rebuilt; emitter-appended) ---
"""Pipeline reference for scband-i3-bert-embeddings-38001870635112 (READ-ONLY COPY).

The authoritative reference and input builder live on the scoring server;
editing this copy changes nothing except your own understanding.
"""

import jax, jax.numpy as jnp
import numpy as np

VOCAB = 100000
D_MODEL = 128
MAX_LEN = 512
BATCH = 1024
SEQ = 512

def setup_inputs(seed: int = 0) -> dict:
    key = jax.random.key(seed)
    k1, k2, k3, k4, k5, k6 = jax.random.split(key, 6)
    input_ids = jax.random.randint(k1, (BATCH, SEQ), 0, VOCAB, dtype=jnp.int64 if jax.config.jax_enable_x64 else jnp.int32)
    token_type_ids = jax.random.randint(k2, (BATCH, SEQ), 0, 2, dtype=jnp.int64 if jax.config.jax_enable_x64 else jnp.int32)
    word_table = jax.random.normal(k3, (VOCAB, D_MODEL), dtype=jnp.float32) * 0.02
    pos_table = jax.random.normal(k4, (MAX_LEN, D_MODEL), dtype=jnp.float32) * 0.02
    tt_table = jax.random.normal(k5, (2, D_MODEL), dtype=jnp.float32) * 0.02
    ln_gamma = jnp.ones((D_MODEL,), dtype=jnp.float32)
    ln_beta = jnp.zeros((D_MODEL,), dtype=jnp.float32)
    return {"input_ids": input_ids, "token_type_ids": token_type_ids,
            "word_table": word_table, "pos_table": pos_table, "tt_table": tt_table,
            "ln_gamma": ln_gamma, "ln_beta": ln_beta}

def _layer_norm(x, gamma, beta, eps=1e-5):
    mean = jnp.mean(x, axis=-1, keepdims=True)
    var = jnp.mean(jnp.square(x - mean), axis=-1, keepdims=True)
    return (x - mean) / jnp.sqrt(var + eps) * gamma + beta

def reference(input_ids, token_type_ids, word_table, pos_table, tt_table, ln_gamma, ln_beta):
    seq_len = input_ids.shape[1]
    pos_ids = jnp.arange(seq_len)[None, :]  # [1, S]
    word_emb = jnp.take(word_table, input_ids, axis=0)          # [B, S, D]
    pos_emb = jnp.take(pos_table, pos_ids, axis=0)               # [1, S, D]
    tt_emb = jnp.take(tt_table, token_type_ids, axis=0)          # [B, S, D]
    embeddings = word_emb + pos_emb + tt_emb
    out = _layer_norm(embeddings, ln_gamma, ln_beta)
    # dropout is identity in eval mode
    return out

if __name__ == "__main__":
    import jax
    _d = setup_inputs()
    print(jax.jit(kernel)(*tuple(_d.values())))

</pallas_src>

<mosaic_0001>
#map = affine_map<(d0, d1) -> (0)>
#map1 = affine_map<(d0, d1) -> (0, 0)>
module attributes {stable_mosaic.version = 14 : i64} {
  func.func @_body(%arg0: i32, %arg1: i32, %arg2: memref<524288xi32, #tpu.memory_space<hbm>>, %arg3: memref<524288xi32, #tpu.memory_space<hbm>>, %arg4: memref<100000x128xf32, #tpu.memory_space<hbm>>, %arg5: memref<512x128xf32, #tpu.memory_space<hbm>>, %arg6: memref<2x128xf32, #tpu.memory_space<hbm>>, %arg7: memref<128xf32, #tpu.memory_space<hbm>>, %arg8: memref<128xf32, #tpu.memory_space<hbm>>, %arg9: memref<524288x128xf32, #tpu.memory_space<hbm>>, %arg10: memref<64xi32, #tpu.memory_space<vmem>>, %arg11: memref<64xi32, #tpu.memory_space<vmem>>, %arg12: memref<64xi32, #tpu.memory_space<vmem>>, %arg13: memref<64xi32, #tpu.memory_space<vmem>>, %arg14: memref<80xi32, #tpu.memory_space<vmem>>, %arg15: memref<80xi32, #tpu.memory_space<vmem>>, %arg16: memref<80xi32, #tpu.memory_space<vmem>>, %arg17: memref<80xi32, #tpu.memory_space<vmem>>, %arg18: memref<64x128xf32, #tpu.memory_space<vmem>>, %arg19: memref<64x128xf32, #tpu.memory_space<vmem>>, %arg20: memref<128x128xf32, #tpu.memory_space<vmem>>, %arg21: memref<128x128xf32, #tpu.memory_space<vmem>>, %arg22: memref<512x128xf32, #tpu.memory_space<vmem>>, %arg23: memref<2x128xf32, #tpu.memory_space<vmem>>, %arg24: memref<128xf32, #tpu.memory_space<vmem>>, %arg25: memref<128xf32, #tpu.memory_space<vmem>>, %arg26: memref<!tpu.dma_semaphore, #tpu.memory_space<semaphore_mem>>, %arg27: memref<!tpu.dma_semaphore, #tpu.memory_space<semaphore_mem>>, %arg28: memref<!tpu.dma_semaphore, #tpu.memory_space<semaphore_mem>>, %arg29: memref<!tpu.dma_semaphore, #tpu.memory_space<semaphore_mem>>, %arg30: memref<!tpu.dma_semaphore, #tpu.memory_space<semaphore_mem>>, %arg31: memref<!tpu.dma_semaphore, #tpu.memory_space<semaphore_mem>>, %arg32: memref<!tpu.dma_semaphore, #tpu.memory_space<semaphore_mem>>, %arg33: memref<!tpu.dma_semaphore, #tpu.memory_space<semaphore_mem>>) attributes {dimension_semantics = [#tpu.dimension_semantics<core_parallel>, #tpu.dimension_semantics<subcore_parallel>], iteration_bounds = array<i64: 2, 16>, scalar_prefetch = 0 : i64, scratch_operands = 24 : i64, tpu.core_type = #tpu.core_type<sc_vector_subcore>, window_params = [{transform_indices = #map}, {transform_indices = #map}, {transform_indices = #map1}, {transform_indices = #map1}, {transform_indices = #map1}, {transform_indices = #map}, {transform_indices = #map}, {transform_indices = #map1}]} {
    %mul3A = arith.constant 2 : i32
    %mul3A_0 = arith.muli %arg1, %mul3A : i32
    %add3A = arith.addi %mul3A_0, %arg0 : i32
    %mul3A_1 = arith.constant 16384 : i32
    %mul3A_2 = arith.muli %add3A, %mul3A_1 : i32
    "tpu.region"() ({
      %run_scoped3A = tpu.sem_alloc : memref<!tpu.dma_semaphore, #tpu.memory_space<semaphore_mem>>
      tpu.enqueue_dma source(%arg5 : memref<512x128xf32, #tpu.memory_space<hbm>>) target(%arg22 : memref<512x128xf32, #tpu.memory_space<vmem>>) target_semaphore(%run_scoped3A : memref<!tpu.dma_semaphore, #tpu.memory_space<semaphore_mem>>)
      tpu.wait_dma2 semaphore(%run_scoped3A : memref<!tpu.dma_semaphore, #tpu.memory_space<semaphore_mem>>) src(%arg5 : memref<512x128xf32, #tpu.memory_space<hbm>>) dst(%arg22 : memref<512x128xf32, #tpu.memory_space<vmem>>)
      tpu.yield
    }) : () -> ()
    "tpu.region"() ({
      %run_scoped3A = tpu.sem_alloc : memref<!tpu.dma_semaphore, #tpu.memory_space<semaphore_mem>>
      tpu.enqueue_dma source(%arg6 : memref<2x128xf32, #tpu.memory_space<hbm>>) target(%arg23 : memref<2x128xf32, #tpu.memory_space<vmem>>) target_semaphore(%run_scoped3A : memref<!tpu.dma_semaphore, #tpu.memory_space<semaphore_mem>>)
      tpu.wait_dma2 semaphore(%run_scoped3A : memref<!tpu.dma_semaphore, #tpu.memory_space<semaphore_mem>>) src(%arg6 : memref<2x128xf32, #tpu.memory_space<hbm>>) dst(%arg23 : memref<2x128xf32, #tpu.memory_space<vmem>>)
      tpu.yield
    }) : () -> ()
    "tpu.region"() ({
      %run_scoped3A = tpu.sem_alloc : memref<!tpu.dma_semaphore, #tpu.memory_space<semaphore_mem>>
      tpu.enqueue_dma source(%arg7 : memref<128xf32, #tpu.memory_space<hbm>>) target(%arg24 : memref<128xf32, #tpu.memory_space<vmem>>) target_semaphore(%run_scoped3A : memref<!tpu.dma_semaphore, #tpu.memory_space<semaphore_mem>>)
      tpu.wait_dma2 semaphore(%run_scoped3A : memref<!tpu.dma_semaphore, #tpu.memory_space<semaphore_mem>>) src(%arg7 : memref<128xf32, #tpu.memory_space<hbm>>) dst(%arg24 : memref<128xf32, #tpu.memory_space<vmem>>)
      tpu.yield
    }) : () -> ()
    "tpu.region"() ({
      %run_scoped3A = tpu.sem_alloc : memref<!tpu.dma_semaphore, #tpu.memory_space<semaphore_mem>>
      tpu.enqueue_dma source(%arg8 : memref<128xf32, #tpu.memory_space<hbm>>) target(%arg25 : memref<128xf32, #tpu.memory_space<vmem>>) target_semaphore(%run_scoped3A : memref<!tpu.dma_semaphore, #tpu.memory_space<semaphore_mem>>)
      tpu.wait_dma2 semaphore(%run_scoped3A : memref<!tpu.dma_semaphore, #tpu.memory_space<semaphore_mem>>) src(%arg8 : memref<128xf32, #tpu.memory_space<hbm>>) dst(%arg25 : memref<128xf32, #tpu.memory_space<vmem>>)
      tpu.yield
    }) : () -> ()
    %add3A_3 = arith.constant 0 : i32
    %add3A_4 = arith.addi %mul3A_2, %add3A_3 : i32
    %dma_start3A = tpu.memref_slice %arg2[%add3A_4] : memref<524288xi32, #tpu.memory_space<hbm>> -> memref<64xi32, #tpu.memory_space<hbm>>
    %dma_start3A_5 = tpu.memref_slice %arg2[%add3A_4] : memref<524288xi32, #tpu.memory_space<hbm>> -> memref<64xi32, #tpu.memory_space<hbm>>
    tpu.enqueue_dma source(%dma_start3A_5 : memref<64xi32, #tpu.memory_space<hbm>>) target(%arg10 : memref<64xi32, #tpu.memory_space<vmem>>) target_semaphore(%arg28 : memref<!tpu.dma_semaphore, #tpu.memory_space<semaphore_mem>>)
    %dma_start3A_6 = arith.constant 0 : i32
    %dma_start3A_7 = tpu.memref_slice %arg14[%dma_start3A_6] : memref<80xi32, #tpu.memory_space<vmem>> -> memref<64xi32, #tpu.memory_space<vmem>>
    %dma_start3A_8 = tpu.memref_slice %arg3[%add3A_4] : memref<524288xi32, #tpu.memory_space<hbm>> -> memref<64xi32, #tpu.memory_space<hbm>>
    %dma_start3A_9 = arith.constant 0 : i32
    %dma_start3A_10 = tpu.memref_slice %arg14[%dma_start3A_9] : memref<80xi32, #tpu.memory_space<vmem>> -> memref<64xi32, #tpu.memory_space<vmem>>
    %dma_start3A_11 = tpu.memref_slice %arg3[%add3A_4] : memref<524288xi32, #tpu.memory_space<hbm>> -> memref<64xi32, #tpu.memory_space<hbm>>
    tpu.enqueue_dma source(%dma_start3A_11 : memref<64xi32, #tpu.memory_space<hbm>>) target(%dma_start3A_10 : memref<64xi32, #tpu.memory_space<vmem>>) target_semaphore(%arg28 : memref<!tpu.dma_semaphore, #tpu.memory_space<semaphore_mem>>)
    %add3A_12 = arith.constant 64 : i32
    %add3A_13 = arith.addi %mul3A_2, %add3A_12 : i32
    %dma_start3A_14 = tpu.memref_slice %arg2[%add3A_13] : memref<524288xi32, #tpu.memory_space<hbm>> -> memref<64xi32, #tpu.memory_space<hbm>>
    %dma_start3A_15 = tpu.memref_slice %arg2[%add3A_13] : memref<524288xi32, #tpu.memory_space<hbm>> -> memref<64xi32, #tpu.memory_space<hbm>>
    tpu.enqueue_dma source(%dma_start3A_15 : memref<64xi32, #tpu.memory_space<hbm>>) target(%arg11 : memref<64xi32, #tpu.memory_space<vmem>>) target_semaphore(%arg29 : memref<!tpu.dma_semaphore, #tpu.memory_space<semaphore_mem>>)
    %dma_start3A_16 = arith.constant 0 : i32
    %dma_start3A_17 = tpu.memref_slice %arg15[%dma_start3A_16] : memref<80xi32, #tpu.memory_space<vmem>> -> memref<64xi32, #tpu.memory_space<vmem>>
    %dma_start3A_18 = tpu.memref_slice %arg3[%add3A_13] : memref<524288xi32, #tpu.memory_space<hbm>> -> memref<64xi32, #tpu.memory_space<hbm>>
    %dma_start3A_19 = arith.constant 0 : i32
    %dma_start3A_20 = tpu.memref_slice %arg15[%dma_start3A_19] : memref<80xi32, #tpu.memory_space<vmem>> -> memref<64xi32, #tpu.memory_space<vmem>>
    %dma_start3A_21 = tpu.memref_slice %arg3[%add3A_13] : memref<524288xi32, #tpu.memory_space<hbm>> -> memref<64xi32, #tpu.memory_space<hbm>>
    tpu.enqueue_dma source(%dma_start3A_21 : memref<64xi32, #tpu.memory_space<hbm>>) target(%dma_start3A_20 : memref<64xi32, #tpu.memory_space<vmem>>) target_semaphore(%arg29 : memref<!tpu.dma_semaphore, #tpu.memory_space<semaphore_mem>>)
    %add3A_22 = arith.constant 128 : i32
    %add3A_23 = arith.addi %mul3A_2, %add3A_22 : i32
    %dma_start3A_24 = tpu.memref_slice %arg2[%add3A_23] : memref<524288xi32, #tpu.memory_space<hbm>> -> memref<64xi32, #tpu.memory_space<hbm>>
    %dma_start3A_25 = tpu.memref_slice %arg2[%add3A_23] : memref<524288xi32, #tpu.memory_space<hbm>> -> memref<64xi32, #tpu.memory_space<hbm>>
    tpu.enqueue_dma source(%dma_start3A_25 : memref<64xi32, #tpu.memory_space<hbm>>) target(%arg12 : memref<64xi32, #tpu.memory_space<vmem>>) target_semaphore(%arg30 : memref<!tpu.dma_semaphore, #tpu.memory_space<semaphore_mem>>)
    %dma_start3A_26 = arith.constant 0 : i32
    %dma_start3A_27 = tpu.memref_slice %arg16[%dma_start3A_26] : memref<80xi32, #tpu.memory_space<vmem>> -> memref<64xi32, #tpu.memory_space<vmem>>
    %dma_start3A_28 = tpu.memref_slice %arg3[%add3A_23] : memref<524288xi32, #tpu.memory_space<hbm>> -> memref<64xi32, #tpu.memory_space<hbm>>
    %dma_start3A_29 = arith.constant 0 : i32
    %dma_start3A_30 = tpu.memref_slice %arg16[%dma_start3A_29] : memref<80xi32, #tpu.memory_space<vmem>> -> memref<64xi32, #tpu.memory_space<vmem>>
    %dma_start3A_31 = tpu.memref_slice %arg3[%add3A_23] : memref<524288xi32, #tpu.memory_space<hbm>> -> memref<64xi32, #tpu.memory_space<hbm>>
    tpu.enqueue_dma source(%dma_start3A_31 : memref<64xi32, #tpu.memory_space<hbm>>) target(%dma_start3A_30 : memref<64xi32, #tpu.memory_space<vmem>>) target_semaphore(%arg30 : memref<!tpu.dma_semaphore, #tpu.memory_space<semaphore_mem>>)
    %add3A_32 = arith.constant 0 : i32
    %add3A_33 = arith.addi %mul3A_2, %add3A_32 : i32
    %dma_wait3A = tpu.memref_slice %arg2[%add3A_33] : memref<524288xi32, #tpu.memory_space<hbm>> -> memref<64xi32, #tpu.memory_space<hbm>>
    %dma_wait3A_34 = tpu.memref_slice %arg2[%add3A_33] : memref<524288xi32, #tpu.memory_space<hbm>> -> memref<64xi32, #tpu.memory_space<hbm>>
    tpu.wait_dma2 semaphore(%arg28 : memref<!tpu.dma_semaphore, #tpu.memory_space<semaphore_mem>>) src(%dma_wait3A_34 : memref<64xi32, #tpu.memory_space<hbm>>) dst(%arg10 : memref<64xi32, #tpu.memory_space<vmem>>)
    %dma_wait3A_35 = arith.constant 0 : i32
    %dma_wait3A_36 = tpu.memref_slice %arg14[%dma_wait3A_35] : memref<80xi32, #tpu.memory_space<vmem>> -> memref<64xi32, #tpu.memory_space<vmem>>
    %dma_wait3A_37 = tpu.memref_slice %arg3[%add3A_33] : memref<524288xi32, #tpu.memory_space<hbm>> -> memref<64xi32, #tpu.memory_space<hbm>>
    %dma_wait3A_38 = arith.constant 0 : i32
    %dma_wait3A_39 = tpu.memref_slice %arg14[%dma_wait3A_38] : memref<80xi32, #tpu.memory_space<vmem>> -> memref<64xi32, #tpu.memory_space<vmem>>
    %dma_wait3A_40 = tpu.memref_slice %arg3[%add3A_33] : memref<524288xi32, #tpu.memory_space<hbm>> -> memref<64xi32, #tpu.memory_space<hbm>>
    tpu.wait_dma2 semaphore(%arg28 : memref<!tpu.dma_semaphore, #tpu.memory_space<semaphore_mem>>) src(%dma_wait3A_40 : memref<64xi32, #tpu.memory_space<hbm>>) dst(%dma_wait3A_39 : memref<64xi32, #tpu.memory_space<vmem>>)
    %dma_start3A_41 = arith.constant 0 : i32
    %dma_start3A_42 = arith.constant 0 : i32
    %dma_start3A_43 = tpu.memref_slice %arg4[%dma_start3A_41, %dma_start3A_42] : memref<100000x128xf32, #tpu.memory_space<hbm>> -> memref<100000x128xf32, #tpu.memory_space<hbm>>
    tpu.enqueue_indirect_dma source(%dma_start3A_43 : memref<100000x128xf32, #tpu.memory_space<hbm>>) target(%arg18 : memref<64x128xf32, #tpu.memory_space<vmem>>) offsets(%arg10 : memref<64xi32, #tpu.memory_space<vmem>>) semaphore(%arg26 : memref<!tpu.dma_semaphore, #tpu.memory_space<semaphore_mem>>)
    %scan3A = arith.constant 0 : i32
    %scan3A_44 = arith.constant 0 : i32
    %scan3A_45 = arith.constant 64 : i32
    %scan3A_46 = arith.addi %scan3A_44, %scan3A_45 : i32
    %scan3A_47 = arith.constant 1 : i32
    scf.for %scan3A_61 = %scan3A_44 to %scan3A_46 step %scan3A_47  : i32 {
      %mul3A_62 = arith.constant 4 : i32
      %mul3A_63 = arith.muli %mul3A_62, %scan3A_61 : i32
      %add3A_64 = arith.constant 0 : i32
      %add3A_65 = arith.addi %mul3A_63, %add3A_64 : i32
      %add3A_66 = arith.constant 1 : i32
      %add3A_67 = arith.addi %add3A_65, %add3A_66 : i32
      %lt3A = arith.constant 256 : i32
      %lt3A_68 = arith.cmpi slt, %add3A_67, %lt3A : i32
      %convert_element_type3A = arith.extui %lt3A_68 : i1 to i32
      %cond3A = arith.constant 0 : i32
      %cond3A_69 = arith.cmpi ne, %convert_element_type3A, %cond3A : i32
      scf.if %cond3A_69 {
        %add3A_322 = arith.constant 1 : i32
        %add3A_323 = arith.addi %add3A_65, %add3A_322 : i32
        %mul3A_324 = arith.constant 64 : i32
        %mul3A_325 = arith.muli %add3A_323, %mul3A_324 : i32
        %add3A_326 = arith.addi %mul3A_2, %mul3A_325 : i32
        %dma_wait3A_327 = tpu.memref_slice %arg2[%add3A_326] : memref<524288xi32, #tpu.memory_space<hbm>> -> memref<64xi32, #tpu.memory_space<hbm>>
        %dma_wait3A_328 = tpu.memref_slice %arg2[%add3A_326] : memref<524288xi32, #tpu.memory_space<hbm>> -> memref<64xi32, #tpu.memory_space<hbm>>
        tpu.wait_dma2 semaphore(%arg29 : memref<!tpu.dma_semaphore, #tpu.memory_space<semaphore_mem>>) src(%dma_wait3A_328 : memref<64xi32, #tpu.memory_space<hbm>>) dst(%arg11 : memref<64xi32, #tpu.memory_space<vmem>>)
        %dma_wait3A_329 = arith.constant 0 : i32
        %dma_wait3A_330 = tpu.memref_slice %arg15[%dma_wait3A_329] : memref<80xi32, #tpu.memory_space<vmem>> -> memref<64xi32, #tpu.memory_space<vmem>>
        %dma_wait3A_331 = tpu.memref_slice %arg3[%add3A_326] : memref<524288xi32, #tpu.memory_space<hbm>> -> memref<64xi32, #tpu.memory_space<hbm>>
        %dma_wait3A_332 = arith.constant 0 : i32
        %dma_wait3A_333 = tpu.memref_slice %arg15[%dma_wait3A_332] : memref<80xi32, #tpu.memory_space<vmem>> -> memref<64xi32, #tpu.memory_space<vmem>>
        %dma_wait3A_334 = tpu.memref_slice %arg3[%add3A_326] : memref<524288xi32, #tpu.memory_space<hbm>> -> memref<64xi32, #tpu.memory_space<hbm>>
        tpu.wait_dma2 semaphore(%arg29 : memref<!tpu.dma_semaphore, #tpu.memory_space<semaphore_mem>>) src(%dma_wait3A_334 : memref<64xi32, #tpu.memory_space<hbm>>) dst(%dma_wait3A_333 : memref<64xi32, #tpu.memory_space<vmem>>)
        %dma_start3A_335 = arith.constant 0 : i32
        %dma_start3A_336 = arith.constant 0 : i32
        %dma_start3A_337 = tpu.memref_slice %arg4[%dma_start3A_335, %dma_start3A_336] : memref<100000x128xf32, #tpu.memory_space<hbm>> -> memref<100000x128xf32, #tpu.memory_space<hbm>>
        tpu.enqueue_indirect_dma source(%dma_start3A_337 : memref<100000x128xf32, #tpu.memory_space<hbm>>) target(%arg19 : memref<64x128xf32, #tpu.memory_space<vmem>>) offsets(%arg11 : memref<64xi32, #tpu.memory_space<vmem>>) semaphore(%arg27 : memref<!tpu.dma_semaphore, #tpu.memory_space<semaphore_mem>>)
      } else {
      }
      %dma_wait3A_70 = arith.constant 0 : i32
      %dma_wait3A_71 = arith.constant 0 : i32
      %dma_wait3A_72 = tpu.memref_slice %arg4[%dma_wait3A_70, %dma_wait3A_71] : memref<100000x128xf32, #tpu.memory_space<hbm>> -> memref<100000x128xf32, #tpu.memory_space<hbm>>
      tpu.wait_indirect_dma semaphore(%arg26 : memref<!tpu.dma_semaphore, #tpu.memory_space<semaphore_mem>>) src(%dma_wait3A_72 : memref<100000x128xf32, #tpu.memory_space<hbm>>) dst(%arg18 : memref<64x128xf32, #tpu.memory_space<vmem>>)
      %ge3A = arith.constant 4 : i32
      %ge3A_73 = arith.cmpi sge, %add3A_65, %ge3A : i32
      %convert_element_type3A_74 = arith.extui %ge3A_73 : i1 to i32
      %cond3A_75 = arith.constant 0 : i32
      %cond3A_76 = arith.cmpi ne, %convert_element_type3A_74, %cond3A_75 : i32
      scf.if %cond3A_76 {
        %sub3A_322 = arith.constant 4 : i32
        %sub3A_323 = arith.subi %add3A_65, %sub3A_322 : i32
        %mul3A_324 = arith.constant 64 : i32
        %mul3A_325 = arith.muli %sub3A_323, %mul3A_324 : i32
        %add3A_326 = arith.addi %mul3A_2, %mul3A_325 : i32
        %dma_wait3A_327 = arith.constant 0 : i32
        %dma_wait3A_328 = tpu.memref_slice %arg9[%add3A_326, %dma_wait3A_327] : memref<524288x128xf32, #tpu.memory_space<hbm>> -> memref<128x128xf32, #tpu.memory_space<hbm>>
        %dma_wait3A_329 = arith.constant 0 : i32
        %dma_wait3A_330 = tpu.memref_slice %arg9[%add3A_326, %dma_wait3A_329] : memref<524288x128xf32, #tpu.memory_space<hbm>> -> memref<128x128xf32, #tpu.memory_space<hbm>>
        tpu.wait_dma2 semaphore(%arg32 : memref<!tpu.dma_semaphore, #tpu.memory_space<semaphore_mem>>) src(%arg20 : memref<128x128xf32, #tpu.memory_space<vmem>>) dst(%dma_wait3A_330 : memref<128x128xf32, #tpu.memory_space<hbm>>)
      } else {
      }
      %mul3A_77 = arith.constant 64 : i32
      %mul3A_78 = arith.muli %add3A_65, %mul3A_77 : i32
      %rem3A = arith.constant 512 : i32
      %rem3A_79 = arith.remsi %mul3A_78, %rem3A : i32
      %get3A = arith.constant 0 : index
      %get3A_80 = tpu.vector_load %arg24[%get3A] {strides = array<i32>} : memref<128xf32, #tpu.memory_space<vmem>>, vector<16xf32>,
      %get3A_81 = arith.constant 16 : index
      %get3A_82 = tpu.vector_load %arg24[%get3A_81] {strides = array<i32>} : memref<128xf32, #tpu.memory_space<vmem>>, vector<16xf32>,
      %get3A_83 = arith.constant 32 : index
      %get3A_84 = tpu.vector_load %arg24[%get3A_83] {strides = array<i32>} : memref<128xf32, #tpu.memory_space<vmem>>, vector<16xf32>,
      %get3A_85 = arith.constant 48 : index
      %get3A_86 = tpu.vector_load %arg24[%get3A_85] {strides = array<i32>} : memref<128xf32, #tpu.memory_space<vmem>>, vector<16xf32>,
      %get3A_87 = arith.constant 64 : index
      %get3A_88 = tpu.vector_load %arg24[%get3A_87] {strides = array<i32>} : memref<128xf32, #tpu.memory_space<vmem>>, vector<16xf32>,
      %get3A_89 = arith.constant 80 : index
      %get3A_90 = tpu.vector_load %arg24[%get3A_89] {strides = array<i32>} : memref<128xf32, #tpu.memory_space<vmem>>, vector<16xf32>,
      %get3A_91 = arith.constant 96 : index
      %get3A_92 = tpu.vector_load %arg24[%get3A_91] {strides = array<i32>} : memref<128xf32, #tpu.memory_space<vmem>>, vector<16xf32>,
      %get3A_93 = arith.constant 112 : index
      %get3A_94 = tpu.vector_load %arg24[%get3A_93] {strides = array<i32>} : memref<128xf32, #tpu.memory_space<vmem>>, vector<16xf32>,
      %get3A_95 = arith.constant 0 : index
      %get3A_96 = tpu.vector_load %arg25[%get3A_95] {strides = array<i32>} : memref<128xf32, #tpu.memory_space<vmem>>, vector<16xf32>,
      %get3A_97 = arith.constant 16 : index
      %get3A_98 = tpu.vector_load %arg25[%get3A_97] {strides = array<i32>} : memref<128xf32, #tpu.memory_space<vmem>>, vector<16xf32>,
      %get3A_99 = arith.constant 32 : index
      %get3A_100 = tpu.vector_load %arg25[%get3A_99] {strides = array<i32>} : memref<128xf32, #tpu.memory_space<vmem>>, vector<16xf32>,
      %get3A_101 = arith.constant 48 : index
      %get3A_102 = tpu.vector_load %arg25[%get3A_101] {strides = array<i32>} : memref<128xf32, #tpu.memory_space<vmem>>, vector<16xf32>,
      %get3A_103 = arith.constant 64 : index
      %get3A_104 = tpu.vector_load %arg25[%get3A_103] {strides = array<i32>} : memref<128xf32, #tpu.memory_space<vmem>>, vector<16xf32>,
      %get3A_105 = arith.constant 80 : index
      %get3A_106 = tpu.vector_load %arg25[%get3A_105] {strides = array<i32>} : memref<128xf32, #tpu.memory_space<vmem>>, vector<16xf32>,
      %get3A_107 = arith.constant 96 : index
      %get3A_108 = tpu.vector_load %arg25[%get3A_107] {strides = array<i32>} : memref<128xf32, #tpu.memory_space<vmem>>, vector<16xf32>,
      %get3A_109 = arith.constant 112 : index
      %get3A_110 = tpu.vector_load %arg25[%get3A_109] {strides = array<i32>} : memref<128xf32, #tpu.memory_space<vmem>>, vector<16xf32>,
      %parallel_loop3A = arith.constant 0 : i32
      %parallel_loop3A_111 = arith.constant 64 : i32
      %parallel_loop3A_112 = arith.constant 2 : i32
      scf.for %parallel_loop3A_322 = %parallel_loop3A to %parallel_loop3A_111 step %parallel_loop3A_112  : i32 {
        %parallel_loop3A_323 = arith.index_cast %parallel_loop3A_322 : i32 to index
        %parallel_loop3A_324 = tpu.vector_load %arg14[%parallel_loop3A_323] {strides = array<i32>} : memref<80xi32, #tpu.memory_space<vmem>>, vector<16xi32>,
        %parallel_loop3A_325 = arith.constant 0 : i32
        %parallel_loop3A_326 = arith.addi %parallel_loop3A_322, %parallel_loop3A_325 : i32
        %parallel_loop3A_327 = vector.extract_strided_slice %parallel_loop3A_324 {offsets = [0], sizes = [1], strides = [1]} : vector<16xi32> to vector<1xi32>
        %parallel_loop3A_328 = vector.extract %parallel_loop3A_327[0] : i32 from vector<1xi32>
        %parallel_loop3A_329 = arith.addi %rem3A_79, %parallel_loop3A_326 : i32
        %parallel_loop3A_330 = arith.index_cast %parallel_loop3A_326 : i32 to index
        %parallel_loop3A_331 = arith.constant 0 : index
        %parallel_loop3A_332 = tpu.vector_load %arg18[%parallel_loop3A_330, %parallel_loop3A_331] {strides = array<i32>} : memref<64x128xf32, #tpu.memory_space<vmem>>, vector<16xf32>,
        %parallel_loop3A_333 = arith.index_cast %parallel_loop3A_329 : i32 to index
        %parallel_loop3A_334 = arith.constant 0 : index
        %parallel_loop3A_335 = tpu.vector_load %arg22[%parallel_loop3A_333, %parallel_loop3A_334] {strides = array<i32>} : memref<512x128xf32, #tpu.memory_space<vmem>>, vector<16xf32>,
        %parallel_loop3A_336 = arith.addf %parallel_loop3A_332, %parallel_loop3A_335 : vector<16xf32>
        %parallel_loop3A_337 = arith.index_cast %parallel_loop3A_328 : i32 to index
        %parallel_loop3A_338 = arith.constant 0 : index
        %parallel_loop3A_339 = tpu.vector_load %arg23[%parallel_loop3A_337, %parallel_loop3A_338] {strides = array<i32>} : memref<2x128xf32, #tpu.memory_space<vmem>>, vector<16xf32>,
        %parallel_loop3A_340 = arith.addf %parallel_loop3A_336, %parallel_loop3A_339 : vector<16xf32>
        %parallel_loop3A_341 = arith.index_cast %parallel_loop3A_326 : i32 to index
        %parallel_loop3A_342 = arith.constant 16 : index
        %parallel_loop3A_343 = tpu.vector_load %arg18[%parallel_loop3A_341, %parallel_loop3A_342] {strides = array<i32>} : memref<64x128xf32, #tpu.memory_space<vmem>>, vector<16xf32>,
        %parallel_loop3A_344 = arith.index_cast %parallel_loop3A_329 : i32 to index
        %parallel_loop3A_345 = arith.constant 16 : index
        %parallel_loop3A_346 = tpu.vector_load %arg22[%parallel_loop3A_344, %parallel_loop3A_345] {strides = array<i32>} : memref<512x128xf32, #tpu.memory_space<vmem>>, vector<16xf32>,
        %parallel_loop3A_347 = arith.addf %parallel_loop3A_343, %parallel_loop3A_346 : vector<16xf32>
        %parallel_loop3A_348 = arith.index_cast %parallel_loop3A_328 : i32 to index
        %parallel_loop3A_349 = arith.constant 16 : index
        %parallel_loop3A_350 = tpu.vector_load %arg23[%parallel_loop3A_348, %parallel_loop3A_349] {strides = array<i32>} : memref<2x128xf32, #tpu.memory_space<vmem>>, vector<16xf32>,
        %parallel_loop3A_351 = arith.addf %parallel_loop3A_347, %parallel_loop3A_350 : vector<16xf32>
        %parallel_loop3A_352 = arith.index_cast %parallel_loop3A_326 : i32 to index
        %parallel_loop3A_353 = arith.constant 32 : index
        %parallel_loop3A_354 = tpu.vector_load %arg18[%parallel_loop3A_352, %parallel_loop3A_353] {strides = array<i32>} : memref<64x128xf32, #tpu.memory_space<vmem>>, vector<16xf32>,
        %parallel_loop3A_355 = arith.index_cast %parallel_loop3A_329 : i32 to index
        %parallel_loop3A_356 = arith.constant 32 : index
        %parallel_loop3A_357 = tpu.vector_load %arg22[%parallel_loop3A_355, %parallel_loop3A_356] {strides = array<i32>} : memref<512x128xf32, #tpu.memory_space<vmem>>, vector<16xf32>,
        %parallel_loop3A_358 = arith.addf %parallel_loop3A_354, %parallel_loop3A_357 : vector<16xf32>
        %parallel_loop3A_359 = arith.index_cast %parallel_loop3A_328 : i32 to index
        %parallel_loop3A_360 = arith.constant 32 : index
        %parallel_loop3A_361 = tpu.vector_load %arg23[%parallel_loop3A_359, %parallel_loop3A_360] {strides = array<i32>} : memref<2x128xf32, #tpu.memory_space<vmem>>, vector<16xf32>,
        %parallel_loop3A_362 = arith.addf %parallel_loop3A_358, %parallel_loop3A_361 : vector<16xf32>
        %parallel_loop3A_363 = arith.index_cast %parallel_loop3A_326 : i32 to index
        %parallel_loop3A_364 = arith.constant 48 : index
        %parallel_loop3A_365 = tpu.vector_load %arg18[%parallel_loop3A_363, %parallel_loop3A_364] {strides = array<i32>} : memref<64x128xf32, #tpu.memory_space<vmem>>, vector<16xf32>,
        %parallel_loop3A_366 = arith.index_cast %parallel_loop3A_329 : i32 to index
        %parallel_loop3A_367 = arith.constant 48 : index
        %parallel_loop3A_368 = tpu.vector_load %arg22[%parallel_loop3A_366, %parallel_loop3A_367] {strides = array<i32>} : memref<512x128xf32, #tpu.memory_space<vmem>>, vector<16xf32>,
        %parallel_loop3A_369 = arith.addf %parallel_loop3A_365, %parallel_loop3A_368 : vector<16xf32>
        %parallel_loop3A_370 = arith.index_cast %parallel_loop3A_328 : i32 to index
        %parallel_loop3A_371 = arith.constant 48 : index
        %parallel_loop3A_372 = tpu.vector_load %arg23[%parallel_loop3A_370, %parallel_loop3A_371] {strides = array<i32>} : memref<2x128xf32, #tpu.memory_space<vmem>>, vector<16xf32>,
        %parallel_loop3A_373 = arith.addf %parallel_loop3A_369, %parallel_loop3A_372 : vector<16xf32>
        %parallel_loop3A_374 = arith.index_cast %parallel_loop3A_326 : i32 to index
        %parallel_loop3A_375 = arith.constant 64 : index
        %parallel_loop3A_376 = tpu.vector_load %arg18[%parallel_loop3A_374, %parallel_loop3A_375] {strides = array<i32>} : memref<64x128xf32, #tpu.memory_space<vmem>>, vector<16xf32>,
        %parallel_loop3A_377 = arith.index_cast %parallel_loop3A_329 : i32 to index
        %parallel_loop3A_378 = arith.constant 64 : index
        %parallel_loop3A_379 = tpu.vector_load %arg22[%parallel_loop3A_377, %parallel_loop3A_378] {strides = array<i32>} : memref<512x128xf32, #tpu.memory_space<vmem>>, vector<16xf32>,
        %parallel_loop3A_380 = arith.addf %parallel_loop3A_376, %parallel_loop3A_379 : vector<16xf32>
        %parallel_loop3A_381 = arith.index_cast %parallel_loop3A_328 : i32 to index
        %parallel_loop3A_382 = arith.constant 64 : index
        %parallel_loop3A_383 = tpu.vector_load %arg23[%parallel_loop3A_381, %parallel_loop3A_382] {strides = array<i32>} : memref<2x128xf32, #tpu.memory_space<vmem>>, vector<16xf32>,
        %parallel_loop3A_384 = arith.addf %parallel_loop3A_380, %parallel_loop3A_383 : vector<16xf32>
        %parallel_loop3A_385 = arith.index_cast %parallel_loop3A_326 : i32 to index
        %parallel_loop3A_386 = arith.constant 80 : index
        %parallel_loop3A_387 = tpu.vector_load %arg18[%parallel_loop3A_385, %parallel_loop3A_386] {strides = array<i32>} : memref<64x128xf32, #tpu.memory_space<vmem>>, vector<16xf32>,
        %parallel_loop3A_388 = arith.index_cast %parallel_loop3A_329 : i32 to index
        %parallel_loop3A_389 = arith.constant 80 : index
        %parallel_loop3A_390 = tpu.vector_load %arg22[%parallel_loop3A_388, %parallel_loop3A_389] {strides = array<i32>} : memref<512x128xf32, #tpu.memory_space<vmem>>, vector<16xf32>,
        %parallel_loop3A_391 = arith.addf %parallel_loop3A_387, %parallel_loop3A_390 : vector<16xf32>
        %parallel_loop3A_392 = arith.index_cast %parallel_loop3A_328 : i32 to index
        %parallel_loop3A_393 = arith.constant 80 : index
        %parallel_loop3A_394 = tpu.vector_load %arg23[%parallel_loop3A_392, %parallel_loop3A_393] {strides = array<i32>} : memref<2x128xf32, #tpu.memory_space<vmem>>, vector<16xf32>,
        %parallel_loop3A_395 = arith.addf %parallel_loop3A_391, %parallel_loop3A_394 : vector<16xf32>
        %parallel_loop3A_396 = arith.index_cast %parallel_loop3A_326 : i32 to index
        %parallel_loop3A_397 = arith.constant 96 : index
        %parallel_loop3A_398 = tpu.vector_load %arg18[%parallel_loop3A_396, %parallel_loop3A_397] {strides = array<i32>} : memref<64x128xf32, #tpu.memory_space<vmem>>, vector<16xf32>,
        %parallel_loop3A_399 = arith.index_cast %parallel_loop3A_329 : i32 to index
        %parallel_loop3A_400 = arith.constant 96 : index
        %parallel_loop3A_401 = tpu.vector_load %arg22[%parallel_loop3A_399, %parallel_loop3A_400] {strides = array<i32>} : memref<512x128xf32, #tpu.memory_space<vmem>>, vector<16xf32>,
        %parallel_loop3A_402 = arith.addf %parallel_loop3A_398, %parallel_loop3A_401 : vector<16xf32>
        %parallel_loop3A_403 = arith.index_cast %parallel_loop3A_328 : i32 to index
        %parallel_loop3A_404 = arith.constant 96 : index
        %parallel_loop3A_405 = tpu.vector_load %arg23[%parallel_loop3A_403, %parallel_loop3A_404] {strides = array<i32>} : memref<2x128xf32, #tpu.memory_space<vmem>>, vector<16xf32>,
        %parallel_loop3A_406 = arith.addf %parallel_loop3A_402, %parallel_loop3A_405 : vector<16xf32>
        %parallel_loop3A_407 = arith.index_cast %parallel_loop3A_326 : i32 to index
        %parallel_loop3A_408 = arith.constant 112 : index
        %parallel_loop3A_409 = tpu.vector_load %arg18[%parallel_loop3A_407, %parallel_loop3A_408] {strides = array<i32>} : memref<64x128xf32, #tpu.memory_space<vmem>>, vector<16xf32>,
        %parallel_loop3A_410 = arith.index_cast %parallel_loop3A_329 : i32 to index
        %parallel_loop3A_411 = arith.constant 112 : index
        %parallel_loop3A_412 = tpu.vector_load %arg22[%parallel_loop3A_410, %parallel_loop3A_411] {strides = array<i32>} : memref<512x128xf32, #tpu.memory_space<vmem>>, vector<16xf32>,
        %parallel_loop3A_413 = arith.addf %parallel_loop3A_409, %parallel_loop3A_412 : vector<16xf32>
        %parallel_loop3A_414 = arith.index_cast %parallel_loop3A_328 : i32 to index
        %parallel_loop3A_415 = arith.constant 112 : index
        %parallel_loop3A_416 = tpu.vector_load %arg23[%parallel_loop3A_414, %parallel_loop3A_415] {strides = array<i32>} : memref<2x128xf32, #tpu.memory_space<vmem>>, vector<16xf32>,
        %parallel_loop3A_417 = arith.addf %parallel_loop3A_413, %parallel_loop3A_416 : vector<16xf32>
        %parallel_loop3A_418 = arith.addf %parallel_loop3A_340, %parallel_loop3A_351 : vector<16xf32>
        %parallel_loop3A_419 = arith.addf %parallel_loop3A_362, %parallel_loop3A_373 : vector<16xf32>
        %parallel_loop3A_420 = arith.addf %parallel_loop3A_384, %parallel_loop3A_395 : vector<16xf32>
        %parallel_loop3A_421 = arith.addf %parallel_loop3A_406, %parallel_loop3A_417 : vector<16xf32>
        %parallel_loop3A_422 = arith.addf %parallel_loop3A_418, %parallel_loop3A_419 : vector<16xf32>
        %parallel_loop3A_423 = arith.addf %parallel_loop3A_420, %parallel_loop3A_421 : vector<16xf32>
        %parallel_loop3A_424 = arith.addf %parallel_loop3A_422, %parallel_loop3A_423 : vector<16xf32>
        %parallel_loop3A_425 = arith.constant true
        %parallel_loop3A_426 = vector.broadcast %parallel_loop3A_425 : i1 to vector<16xi1>
        %parallel_loop3A_427 = tpu.scan <sum>, %parallel_loop3A_424 masked %parallel_loop3A_426 : vector<16xf32>, vector<16xi1> -> vector<16xf32>
        %parallel_loop3A_428 = vector.extract %parallel_loop3A_427[15] : f32 from vector<16xf32>
        %parallel_loop3A_429 = arith.mulf %parallel_loop3A_340, %parallel_loop3A_340 : vector<16xf32>
        %parallel_loop3A_430 = arith.mulf %parallel_loop3A_351, %parallel_loop3A_351 : vector<16xf32>
        %parallel_loop3A_431 = arith.mulf %parallel_loop3A_362, %parallel_loop3A_362 : vector<16xf32>
        %parallel_loop3A_432 = arith.mulf %parallel_loop3A_373, %parallel_loop3A_373 : vector<16xf32>
        %parallel_loop3A_433 = arith.mulf %parallel_loop3A_384, %parallel_loop3A_384 : vector<16xf32>
        %parallel_loop3A_434 = arith.mulf %parallel_loop3A_395, %parallel_loop3A_395 : vector<16xf32>
        %parallel_loop3A_435 = arith.mulf %parallel_loop3A_406, %parallel_loop3A_406 : vector<16xf32>
        %parallel_loop3A_436 = arith.mulf %parallel_loop3A_417, %parallel_loop3A_417 : vector<16xf32>
        %parallel_loop3A_437 = arith.addf %parallel_loop3A_429, %parallel_loop3A_430 : vector<16xf32>
        %parallel_loop3A_438 = arith.addf %parallel_loop3A_431, %parallel_loop3A_432 : vector<16xf32>
        %parallel_loop3A_439 = arith.addf %parallel_loop3A_433, %parallel_loop3A_434 : vector<16xf32>
        %parallel_loop3A_440 = arith.addf %parallel_loop3A_435, %parallel_loop3A_436 : vector<16xf32>
        %parallel_loop3A_441 = arith.addf %parallel_loop3A_437, %parallel_loop3A_438 : vector<16xf32>
        %parallel_loop3A_442 = arith.addf %parallel_loop3A_439, %parallel_loop3A_440 : vector<16xf32>
        %parallel_loop3A_443 = arith.addf %parallel_loop3A_441, %parallel_loop3A_442 : vector<16xf32>
        %parallel_loop3A_444 = arith.constant true
        %parallel_loop3A_445 = vector.broadcast %parallel_loop3A_444 : i1 to vector<16xi1>
        %parallel_loop3A_446 = tpu.scan <sum>, %parallel_loop3A_443 masked %parallel_loop3A_445 : vector<16xf32>, vector<16xi1> -> vector<16xf32>
        %parallel_loop3A_447 = vector.extract %parallel_loop3A_446[15] : f32 from vector<16xf32>
        %parallel_loop3A_448 = arith.constant 7.812500e-03 : f32
        %parallel_loop3A_449 = arith.mulf %parallel_loop3A_428, %parallel_loop3A_448 : f32
        %parallel_loop3A_450 = arith.constant 7.812500e-03 : f32
        %parallel_loop3A_451 = arith.mulf %parallel_loop3A_447, %parallel_loop3A_450 : f32
        %parallel_loop3A_452 = arith.mulf %parallel_loop3A_449, %parallel_loop3A_449 : f32
        %parallel_loop3A_453 = arith.subf %parallel_loop3A_451, %parallel_loop3A_452 : f32
        %parallel_loop3A_454 = arith.constant 9.99999974E-6 : f32
        %parallel_loop3A_455 = arith.addf %parallel_loop3A_453, %parallel_loop3A_454 : f32
        %parallel_loop3A_456 = vector.broadcast %parallel_loop3A_455 : f32 to vector<16xf32>
        %parallel_loop3A_457 = tpu.bitcast %parallel_loop3A_456 : vector<16xf32> -> vector<16xi32>
        %parallel_loop3A_458 = arith.constant 1 : i32
        %parallel_loop3A_459 = vector.broadcast %parallel_loop3A_458 : i32 to vector<16xi32>
        %parallel_loop3A_460 = arith.shrsi %parallel_loop3A_457, %parallel_loop3A_459 : vector<16xi32>
        %parallel_loop3A_461 = arith.constant 1597463007 : i32
        %parallel_loop3A_462 = vector.broadcast %parallel_loop3A_461 : i32 to vector<16xi32>
        %parallel_loop3A_463 = arith.subi %parallel_loop3A_462, %parallel_loop3A_460 : vector<16xi32>
        %parallel_loop3A_464 = tpu.bitcast %parallel_loop3A_463 : vector<16xi32> -> vector<16xf32>
        %parallel_loop3A_465 = arith.constant 5.000000e-01 : f32
        %parallel_loop3A_466 = vector.broadcast %parallel_loop3A_465 : f32 to vector<16xf32>
        %parallel_loop3A_467 = arith.mulf %parallel_loop3A_466, %parallel_loop3A_456 : vector<16xf32>
        %parallel_loop3A_468 = arith.mulf %parallel_loop3A_467, %parallel_loop3A_464 : vector<16xf32>
        %parallel_loop3A_469 = arith.mulf %parallel_loop3A_468, %parallel_loop3A_464 : vector<16xf32>
        %parallel_loop3A_470 = arith.constant 1.500000e+00 : f32
        %parallel_loop3A_471 = vector.broadcast %parallel_loop3A_470 : f32 to vector<16xf32>
        %parallel_loop3A_472 = arith.subf %parallel_loop3A_471, %parallel_loop3A_469 : vector<16xf32>
        %parallel_loop3A_473 = arith.mulf %parallel_loop3A_464, %parallel_loop3A_472 : vector<16xf32>
        %parallel_loop3A_474 = arith.constant 5.000000e-01 : f32
        %parallel_loop3A_475 = vector.broadcast %parallel_loop3A_474 : f32 to vector<16xf32>
        %parallel_loop3A_476 = arith.mulf %parallel_loop3A_475, %parallel_loop3A_456 : vector<16xf32>
        %parallel_loop3A_477 = arith.mulf %parallel_loop3A_476, %parallel_loop3A_473 : vector<16xf32>
        %parallel_loop3A_478 = arith.mulf %parallel_loop3A_477, %parallel_loop3A_473 : vector<16xf32>
        %parallel_loop3A_479 = arith.constant 1.500000e+00 : f32
        %parallel_loop3A_480 = vector.broadcast %parallel_loop3A_479 : f32 to vector<16xf32>
        %parallel_loop3A_481 = arith.subf %parallel_loop3A_480, %parallel_loop3A_478 : vector<16xf32>
        %parallel_loop3A_482 = arith.mulf %parallel_loop3A_473, %parallel_loop3A_481 : vector<16xf32>
        %parallel_loop3A_483 = arith.constant 5.000000e-01 : f32
        %parallel_loop3A_484 = vector.broadcast %parallel_loop3A_483 : f32 to vector<16xf32>
        %parallel_loop3A_485 = arith.mulf %parallel_loop3A_484, %parallel_loop3A_456 : vector<16xf32>
        %parallel_loop3A_486 = arith.mulf %parallel_loop3A_485, %parallel_loop3A_482 : vector<16xf32>
        %parallel_loop3A_487 = arith.mulf %parallel_loop3A_486, %parallel_loop3A_482 : vector<16xf32>
        %parallel_loop3A_488 = arith.constant 1.500000e+00 : f32
        %parallel_loop3A_489 = vector.broadcast %parallel_loop3A_488 : f32 to vector<16xf32>
        %parallel_loop3A_490 = arith.subf %parallel_loop3A_489, %parallel_loop3A_487 : vector<16xf32>
        %parallel_loop3A_491 = arith.mulf %parallel_loop3A_482, %parallel_loop3A_490 : vector<16xf32>
        %parallel_loop3A_492 = arith.constant 0.000000e+00 : f32
        %parallel_loop3A_493 = arith.subf %parallel_loop3A_492, %parallel_loop3A_449 : f32
        %parallel_loop3A_494 = vector.broadcast %parallel_loop3A_493 : f32 to vector<16xf32>
        %parallel_loop3A_495 = arith.mulf %parallel_loop3A_494, %parallel_loop3A_491 : vector<16xf32>
        %parallel_loop3A_496 = arith.mulf %parallel_loop3A_340, %parallel_loop3A_491 : vector<16xf32>
        %parallel_loop3A_497 = arith.addf %parallel_loop3A_496, %parallel_loop3A_495 : vector<16xf32>
        %parallel_loop3A_498 = arith.mulf %parallel_loop3A_497, %get3A_80 : vector<16xf32>
        %parallel_loop3A_499 = arith.addf %parallel_loop3A_498, %get3A_96 : vector<16xf32>
        %parallel_loop3A_500 = arith.constant 0 : i32
        %parallel_loop3A_501 = arith.addi %parallel_loop3A_500, %parallel_loop3A_326 : i32
        %parallel_loop3A_502 = arith.index_cast %parallel_loop3A_501 : i32 to index
        %parallel_loop3A_503 = arith.constant 0 : index
        %parallel_loop3A_504 = tpu.vector_load %arg20[%parallel_loop3A_502, %parallel_loop3A_503] {strides = array<i32>} : memref<128x128xf32, #tpu.memory_space<vmem>>, vector<16xf32>,
        tpu.vector_store %arg20[%parallel_loop3A_502, %parallel_loop3A_503], %parallel_loop3A_499 {strides = array<i32>} : memref<128x128xf32, #tpu.memory_space<vmem>>, vector<16xf32>,
        %parallel_loop3A_505 = arith.mulf %parallel_loop3A_351, %parallel_loop3A_491 : vector<16xf32>
        %parallel_loop3A_506 = arith.addf %parallel_loop3A_505, %parallel_loop3A_495 : vector<16xf32>
        %parallel_loop3A_507 = arith.mulf %parallel_loop3A_506, %get3A_82 : vector<16xf32>
        %parallel_loop3A_508 = arith.addf %parallel_loop3A_507, %get3A_98 : vector<16xf32>
        %parallel_loop3A_509 = arith.constant 0 : i32
        %parallel_loop3A_510 = arith.addi %parallel_loop3A_509, %parallel_loop3A_326 : i32
        %parallel_loop3A_511 = arith.index_cast %parallel_loop3A_510 : i32 to index
        %parallel_loop3A_512 = arith.constant 16 : index
        %parallel_loop3A_513 = tpu.vector_load %arg20[%parallel_loop3A_511, %parallel_loop3A_512] {strides = array<i32>} : memref<128x128xf32, #tpu.memory_space<vmem>>, vector<16xf32>,
        tpu.vector_store %arg20[%parallel_loop3A_511, %parallel_loop3A_512], %parallel_loop3A_508 {strides = array<i32>} : memref<128x128xf32, #tpu.memory_space<vmem>>, vector<16xf32>,
        %parallel_loop3A_514 = arith.mulf %parallel_loop3A_362, %parallel_loop3A_491 : vector<16xf32>
        %parallel_loop3A_515 = arith.addf %parallel_loop3A_514, %parallel_loop3A_495 : vector<16xf32>
        %parallel_loop3A_516 = arith.mulf %parallel_loop3A_515, %get3A_84 : vector<16xf32>
        %parallel_loop3A_517 = arith.addf %parallel_loop3A_516, %get3A_100 : vector<16xf32>
        %parallel_loop3A_518 = arith.constant 0 : i32
        %parallel_loop3A_519 = arith.addi %parallel_loop3A_518, %parallel_loop3A_326 : i32
        %parallel_loop3A_520 = arith.index_cast %parallel_loop3A_519 : i32 to index
        %parallel_loop3A_521 = arith.constant 32 : index
        %parallel_loop3A_522 = tpu.vector_load %arg20[%parallel_loop3A_520, %parallel_loop3A_521] {strides = array<i32>} : memref<128x128xf32, #tpu.memory_space<vmem>>, vector<16xf32>,
        tpu.vector_store %arg20[%parallel_loop3A_520, %parallel_loop3A_521], %parallel_loop3A_517 {strides = array<i32>} : memref<128x128xf32, #tpu.memory_space<vmem>>, vector<16xf32>,
        %parallel_loop3A_523 = arith.mulf %parallel_loop3A_373, %parallel_loop3A_491 : vector<16xf32>
        %parallel_loop3A_524 = arith.addf %parallel_loop3A_523, %parallel_loop3A_495 : vector<16xf32>
        %parallel_loop3A_525 = arith.mulf %parallel_loop3A_524, %get3A_86 : vector<16xf32>
        %parallel_loop3A_526 = arith.addf %parallel_loop3A_525, %get3A_102 : vector<16xf32>
        %parallel_loop3A_527 = arith.constant 0 : i32
        %parallel_loop3A_528 = arith.addi %parallel_loop3A_527, %parallel_loop3A_326 : i32
        %parallel_loop3A_529 = arith.index_cast %parallel_loop3A_528 : i32 to index
        %parallel_loop3A_530 = arith.constant 48 : index
        %parallel_loop3A_531 = tpu.vector_load %arg20[%parallel_loop3A_529, %parallel_loop3A_530] {strides = array<i32>} : memref<128x128xf32, #tpu.memory_space<vmem>>, vector<16xf32>,
        tpu.vector_store %arg20[%parallel_loop3A_529, %parallel_loop3A_530], %parallel_loop3A_526 {strides = array<i32>} : memref<128x128xf32, #tpu.memory_space<vmem>>, vector<16xf32>,
        %parallel_loop3A_532 = arith.mulf %parallel_loop3A_384, %parallel_loop3A_491 : vector<16xf32>
        %parallel_loop3A_533 = arith.addf %parallel_loop3A_532, %parallel_loop3A_495 : vector<16xf32>
        %parallel_loop3A_534 = arith.mulf %parallel_loop3A_533, %get3A_88 : vector<16xf32>
        %parallel_loop3A_535 = arith.addf %parallel_loop3A_534, %get3A_104 : vector<16xf32>
        %parallel_loop3A_536 = arith.constant 0 : i32
        %parallel_loop3A_537 = arith.addi %parallel_loop3A_536, %parallel_loop3A_326 : i32
        %parallel_loop3A_538 = arith.index_cast %parallel_loop3A_537 : i32 to index
        %parallel_loop3A_539 = arith.constant 64 : index
        %parallel_loop3A_540 = tpu.vector_load %arg20[%parallel_loop3A_538, %parallel_loop3A_539] {strides = array<i32>} : memref<128x128xf32, #tpu.memory_space<vmem>>, vector<16xf32>,
        tpu.vector_store %arg20[%parallel_loop3A_538, %parallel_loop3A_539], %parallel_loop3A_535 {strides = array<i32>} : memref<128x128xf32, #tpu.memory_space<vmem>>, vector<16xf32>,
        %parallel_loop3A_541 = arith.mulf %parallel_loop3A_395, %parallel_loop3A_491 : vector<16xf32>
        %parallel_loop3A_542 = arith.addf %parallel_loop3A_541, %parallel_loop3A_495 : vector<16xf32>
        %parallel_loop3A_543 = arith.mulf %parallel_loop3A_542, %get3A_90 : vector<16xf32>
        %parallel_loop3A_544 = arith.addf %parallel_loop3A_543, %get3A_106 : vector<16xf32>
        %parallel_loop3A_545 = arith.constant 0 : i32
        %parallel_loop3A_546 = arith.addi %parallel_loop3A_545, %parallel_loop3A_326 : i32
        %parallel_loop3A_547 = arith.index_cast %parallel_loop3A_546 : i32 to index
        %parallel_loop3A_548 = arith.constant 80 : index
        %parallel_loop3A_549 = tpu.vector_load %arg20[%parallel_loop3A_547, %parallel_loop3A_548] {strides = array<i32>} : memref<128x128xf32, #tpu.memory_space<vmem>>, vector<16xf32>,
        tpu.vector_store %arg20[%parallel_loop3A_547, %parallel_loop3A_548], %parallel_loop3A_544 {strides = array<i32>} : memref<128x128xf32, #tpu.memory_space<vmem>>, vector<16xf32>,
        %parallel_loop3A_550 = arith.mulf %parallel_loop3A_406, %parallel_loop3A_491 : vector<16xf32>
        %parallel_loop3A_551 = arith.addf %parallel_loop3A_550, %parallel_loop3A_495 : vector<16xf32>
        %parallel_loop3A_552 = arith.mulf %parallel_loop3A_551, %get3A_92 : vector<16xf32>
        %parallel_loop3A_553 = arith.addf %parallel_loop3A_552, %get3A_108 : vector<16xf32>
        %parallel_loop3A_554 = arith.constant 0 : i32
        %parallel_loop3A_555 = arith.addi %parallel_loop3A_554, %parallel_loop3A_326 : i32
        %parallel_loop3A_556 = arith.index_cast %parallel_loop3A_555 : i32 to index
        %parallel_loop3A_557 = arith.constant 96 : index
        %parallel_loop3A_558 = tpu.vector_load %arg20[%parallel_loop3A_556, %parallel_loop3A_557] {strides = array<i32>} : memref<128x128xf32, #tpu.memory_space<vmem>>, vector<16xf32>,
        tpu.vector_store %arg20[%parallel_loop3A_556, %parallel_loop3A_557], %parallel_loop3A_553 {strides = array<i32>} : memref<128x128xf32, #tpu.memory_space<vmem>>, vector<16xf32>,
        %parallel_loop3A_559 = arith.mulf %parallel_loop3A_417, %parallel_loop3A_491 : vector<16xf32>
        %parallel_loop3A_560 = arith.addf %parallel_loop3A_559, %parallel_loop3A_495 : vector<16xf32>
        %parallel_loop3A_561 = arith.mulf %parallel_loop3A_560, %get3A_94 : vector<16xf32>
        %parallel_loop3A_562 = arith.addf %parallel_loop3A_561, %get3A_110 : vector<16xf32>
        %parallel_loop3A_563 = arith.constant 0 : i32
        %parallel_loop3A_564 = arith.addi %parallel_loop3A_563, %parallel_loop3A_326 : i32
        %parallel_loop3A_565 = arith.index_cast %parallel_loop3A_564 : i32 to index
        %parallel_loop3A_566 = arith.constant 112 : index
        %parallel_loop3A_567 = tpu.vector_load %arg20[%parallel_loop3A_565, %parallel_loop3A_566] {strides = array<i32>} : memref<128x128xf32, #tpu.memory_space<vmem>>, vector<16xf32>,
        tpu.vector_store %arg20[%parallel_loop3A_565, %parallel_loop3A_566], %parallel_loop3A_562 {strides = array<i32>} : memref<128x128xf32, #tpu.memory_space<vmem>>, vector<16xf32>,
        %parallel_loop3A_568 = arith.constant 1 : i32
        %parallel_loop3A_569 = arith.addi %parallel_loop3A_322, %parallel_loop3A_568 : i32
        %parallel_loop3A_570 = vector.extract_strided_slice %parallel_loop3A_324 {offsets = [1], sizes = [1], strides = [1]} : vector<16xi32> to vector<1xi32>
        %parallel_loop3A_571 = vector.extract %parallel_loop3A_570[0] : i32 from vector<1xi32>
        %parallel_loop3A_572 = arith.addi %rem3A_79, %parallel_loop3A_569 : i32
        %parallel_loop3A_573 = arith.index_cast %parallel_loop3A_569 : i32 to index
        %parallel_loop3A_574 = arith.constant 0 : index
        %parallel_loop3A_575 = tpu.vector_load %arg18[%parallel_loop3A_573, %parallel_loop3A_574] {strides = array<i32>} : memref<64x128xf32, #tpu.memory_space<vmem>>, vector<16xf32>,
        %parallel_loop3A_576 = arith.index_cast %parallel_loop3A_572 : i32 to index
        %parallel_loop3A_577 = arith.constant 0 : index
        %parallel_loop3A_578 = tpu.vector_load %arg22[%parallel_loop3A_576, %parallel_loop3A_577] {strides = array<i32>} : memref<512x128xf32, #tpu.memory_space<vmem>>, vector<16xf32>,
        %parallel_loop3A_579 = arith.addf %parallel_loop3A_575, %parallel_loop3A_578 : vector<16xf32>
        %parallel_loop3A_580 = arith.index_cast %parallel_loop3A_571 : i32 to index
        %parallel_loop3A_581 = arith.constant 0 : index
        %parallel_loop3A_582 = tpu.vector_load %arg23[%parallel_loop3A_580, %parallel_loop3A_581] {strides = array<i32>} : memref<2x128xf32, #tpu.memory_space<vmem>>, vector<16xf32>,
        %parallel_loop3A_583 = arith.addf %parallel_loop3A_579, %parallel_loop3A_582 : vector<16xf32>
        %parallel_loop3A_584 = arith.index_cast %parallel_loop3A_569 : i32 to index
        %parallel_loop3A_585 = arith.constant 16 : index
        %parallel_loop3A_586 = tpu.vector_load %arg18[%parallel_loop3A_584, %parallel_loop3A_585] {strides = array<i32>} : memref<64x128xf32, #tpu.memory_space<vmem>>, vector<16xf32>,
        %parallel_loop3A_587 = arith.index_cast %parallel_loop3A_572 : i32 to index
        %parallel_loop3A_588 = arith.constant 16 : index
        %parallel_loop3A_589 = tpu.vector_load %arg22[%parallel_loop3A_587, %parallel_loop3A_588] {strides = array<i32>} : memref<512x128xf32, #tpu.memory_space<vmem>>, vector<16xf32>,
        %parallel_loop3A_590 = arith.addf %parallel_loop3A_586, %parallel_loop3A_589 : vector<16xf32>
        %parallel_loop3A_591 = arith.index_cast %parallel_loop3A_571 : i32 to index
        %parallel_loop3A_592 = arith.constant 16 : index
        %parallel_loop3A_593 = tpu.vector_load %arg23[%parallel_loop3A_591, %parallel_loop3A_592] {strides = array<i32>} : memref<2x128xf32, #tpu.memory_space<vmem>>, vector<16xf32>,
        %parallel_loop3A_594 = arith.addf %parallel_loop3A_590, %parallel_loop3A_593 : vector<16xf32>
        %parallel_loop3A_595 = arith.index_cast %parallel_loop3A_569 : i32 to index
        %parallel_loop3A_596 = arith.constant 32 : index
        %parallel_loop3A_597 = tpu.vector_load %arg18[%parallel_loop3A_595, %parallel_loop3A_596] {strides = array<i32>} : memref<64x128xf32, #tpu.memory_space<vmem>>, vector<16xf32>,
        %parallel_loop3A_598 = arith.index_cast %parallel_loop3A_572 : i32 to index
        %parallel_loop3A_599 = arith.constant 32 : index
        %parallel_loop3A_600 = tpu.vector_load %arg22[%parallel_loop3A_598, %parallel_loop3A_599] {strides = array<i32>} : memref<512x128xf32, #tpu.memory_space<vmem>>, vector<16xf32>,
        %parallel_loop3A_601 = arith.addf %parallel_loop3A_597, %parallel_loop3A_600 : vector<16xf32>
        %parallel_loop3A_602 = arith.index_cast %parallel_loop3A_571 : i32 to index
        %parallel_loop3A_603 = arith.constant 32 : index
        %parallel_loop3A_604 = tpu.vector_load %arg23[%parallel_loop3A_602, %parallel_loop3A_603] {strides = array<i32>} : memref<2x128xf32, #tpu.memory_space<vmem>>, vector<16xf32>,
        %parallel_loop3A_605 = arith.addf %parallel_loop3A_601, %parallel_loop3A_604 : vector<16xf32>
        %parallel_loop3A_606 = arith.index_cast %parallel_loop3A_569 : i32 to index
        %parallel_loop3A_607 = arith.constant 48 : index
        %parallel_loop3A_608 = tpu.vector_load %arg18[%parallel_loop3A_606, %parallel_loop3A_607] {strides = array<i32>} : memref<64x128xf32, #tpu.memory_space<vmem>>, vector<16xf32>,
        %parallel_loop3A_609 = arith.index_cast %parallel_loop3A_572 : i32 to index
        %parallel_loop3A_610 = arith.constant 48 : index
        %parallel_loop3A_611 = tpu.vector_load %arg22[%parallel_loop3A_609, %parallel_loop3A_610] {strides = array<i32>} : memref<512x128xf32, #tpu.memory_space<vmem>>, vector<16xf32>,
        %parallel_loop3A_612 = arith.addf %parallel_loop3A_608, %parallel_loop3A_611 : vector<16xf32>
        %parallel_loop3A_613 = arith.index_cast %parallel_loop3A_571 : i32 to index
        %parallel_loop3A_614 = arith.constant 48 : index
        %parallel_loop3A_615 = tpu.vector_load %arg23[%parallel_loop3A_613, %parallel_loop3A_614] {strides = array<i32>} : memref<2x128xf32, #tpu.memory_space<vmem>>, vector<16xf32>,
        %parallel_loop3A_616 = arith.addf %parallel_loop3A_612, %parallel_loop3A_615 : vector<16xf32>
        %parallel_loop3A_617 = arith.index_cast %parallel_loop3A_569 : i32 to index
        %parallel_loop3A_618 = arith.constant 64 : index
        %parallel_loop3A_619 = tpu.vector_load %arg18[%parallel_loop3A_617, %parallel_loop3A_618] {strides = array<i32>} : memref<64x128xf32, #tpu.memory_space<vmem>>, vector<16xf32>,
        %parallel_loop3A_620 = arith.index_cast %parallel_loop3A_572 : i32 to index
        %parallel_loop3A_621 = arith.constant 64 : index
        %parallel_loop3A_622 = tpu.vector_load %arg22[%parallel_loop3A_620, %parallel_loop3A_621] {strides = array<i32>} : memref<512x128xf32, #tpu.memory_space<vmem>>, vector<16xf32>,
        %parallel_loop3A_623 = arith.addf %parallel_loop3A_619, %parallel_loop3A_622 : vector<16xf32>
        %parallel_loop3A_624 = arith.index_cast %parallel_loop3A_571 : i32 to index
        %parallel_loop3A_625 = arith.constant 64 : index
        %parallel_loop3A_626 = tpu.vector_load %arg23[%parallel_loop3A_624, %parallel_loop3A_625] {strides = array<i32>} : memref<2x128xf32, #tpu.memory_space<vmem>>, vector<16xf32>,
        %parallel_loop3A_627 = arith.addf %parallel_loop3A_623, %parallel_loop3A_626 : vector<16xf32>
        %parallel_loop3A_628 = arith.index_cast %parallel_loop3A_569 : i32 to index
        %parallel_loop3A_629 = arith.constant 80 : index
        %parallel_loop3A_630 = tpu.vector_load %arg18[%parallel_loop3A_628, %parallel_loop3A_629] {strides = array<i32>} : memref<64x128xf32, #tpu.memory_space<vmem>>, vector<16xf32>,
        %parallel_loop3A_631 = arith.index_cast %parallel_loop3A_572 : i32 to index
        %parallel_loop3A_632 = arith.constant 80 : index
        %parallel_loop3A_633 = tpu.vector_load %arg22[%parallel_loop3A_631, %parallel_loop3A_632] {strides = array<i32>} : memref<512x128xf32, #tpu.memory_space<vmem>>, vector<16xf32>,
        %parallel_loop3A_634 = arith.addf %parallel_loop3A_630, %parallel_loop3A_633 : vector<16xf32>
        %parallel_loop3A_635 = arith.index_cast %parallel_loop3A_571 : i32 to index
        %parallel_loop3A_636 = arith.constant 80 : index
        %parallel_loop3A_637 = tpu.vector_load %arg23[%parallel_loop3A_635, %parallel_loop3A_636] {strides = array<i32>} : memref<2x128xf32, #tpu.memory_space<vmem>>, vector<16xf32>,
        %parallel_loop3A_638 = arith.addf %parallel_loop3A_634, %parallel_loop3A_637 : vector<16xf32>
        %parallel_loop3A_639 = arith.index_cast %parallel_loop3A_569 : i32 to index
        %parallel_loop3A_640 = arith.constant 96 : index
        %parallel_loop3A_641 = tpu.vector_load %arg18[%parallel_loop3A_639, %parallel_loop3A_640] {strides = array<i32>} : memref<64x128xf32, #tpu.memory_space<vmem>>, vector<16xf32>,
        %parallel_loop3A_642 = arith.index_cast %parallel_loop3A_572 : i32 to index
        %parallel_loop3A_643 = arith.constant 96 : index
        %parallel_loop3A_644 = tpu.vector_load %arg22[%parallel_loop3A_642, %parallel_loop3A_643] {strides = array<i32>} : memref<512x128xf32, #tpu.memory_space<vmem>>, vector<16xf32>,
        %parallel_loop3A_645 = arith.addf %parallel_loop3A_641, %parallel_loop3A_644 : vector<16xf32>
        %parallel_loop3A_646 = arith.index_cast %parallel_loop3A_571 : i32 to index
        %parallel_loop3A_647 = arith.constant 96 : index
        %parallel_loop3A_648 = tpu.vector_load %arg23[%parallel_loop3A_646, %parallel_loop3A_647] {strides = array<i32>} : memref<2x128xf32, #tpu.memory_space<vmem>>, vector<16xf32>,
        %parallel_loop3A_649 = arith.addf %parallel_loop3A_645, %parallel_loop3A_648 : vector<16xf32>
        %parallel_loop3A_650 = arith.index_cast %parallel_loop3A_569 : i32 to index
        %parallel_loop3A_651 = arith.constant 112 : index
        %parallel_loop3A_652 = tpu.vector_load %arg18[%parallel_loop3A_650, %parallel_loop3A_651] {strides = array<i32>} : memref<64x128xf32, #tpu.memory_space<vmem>>, vector<16xf32>,
        %parallel_loop3A_653 = arith.index_cast %parallel_loop3A_572 : i32 to index
        %parallel_loop3A_654 = arith.constant 112 : index
        %parallel_loop3A_655 = tpu.vector_load %arg22[%parallel_loop3A_653, %parallel_loop3A_654] {strides = array<i32>} : memref<512x128xf32, #tpu.memory_space<vmem>>, vector<16xf32>,
        %parallel_loop3A_656 = arith.addf %parallel_loop3A_652, %parallel_loop3A_655 : vector<16xf32>
        %parallel_loop3A_657 = arith.index_cast %parallel_loop3A_571 : i32 to index
        %parallel_loop3A_658 = arith.constant 112 : index
        %parallel_loop3A_659 = tpu.vector_load %arg23[%parallel_loop3A_657, %parallel_loop3A_658] {strides = array<i32>} : memref<2x128xf32, #tpu.memory_space<vmem>>, vector<16xf32>,
        %parallel_loop3A_660 = arith.addf %parallel_loop3A_656, %parallel_loop3A_659 : vector<16xf32>
        %parallel_loop3A_661 = arith.addf %parallel_loop3A_583, %parallel_loop3A_594 : vector<16xf32>
        %parallel_loop3A_662 = arith.addf %parallel_loop3A_605, %parallel_loop3A_616 : vector<16xf32>
        %parallel_loop3A_663 = arith.addf %parallel_loop3A_627, %parallel_loop3A_638 : vector<16xf32>
        %parallel_loop3A_664 = arith.addf %parallel_loop3A_649, %parallel_loop3A_660 : vector<16xf32>
        %parallel_loop3A_665 = arith.addf %parallel_loop3A_661, %parallel_loop3A_662 : vector<16xf32>
        %parallel_loop3A_666 = arith.addf %parallel_loop3A_663, %parallel_loop3A_664 : vector<16xf32>
        %parallel_loop3A_667 = arith.addf %parallel_loop3A_665, %parallel_loop3A_666 : vector<16xf32>
        %parallel_loop3A_668 = arith.constant true
        %parallel_loop3A_669 = vector.broadcast %parallel_loop3A_668 : i1 to vector<16xi1>
        %parallel_loop3A_670 = tpu.scan <sum>, %parallel_loop3A_667 masked %parallel_loop3A_669 : vector<16xf32>, vector<16xi1> -> vector<16xf32>
        %parallel_loop3A_671 = vector.extract %parallel_loop3A_670[15] : f32 from vector<16xf32>
        %parallel_loop3A_672 = arith.mulf %parallel_loop3A_583, %parallel_loop3A_583 : vector<16xf32>
        %parallel_loop3A_673 = arith.mulf %parallel_loop3A_594, %parallel_loop3A_594 : vector<16xf32>
        %parallel_loop3A_674 = arith.mulf %parallel_loop3A_605, %parallel_loop3A_605 : vector<16xf32>
        %parallel_loop3A_675 = arith.mulf %parallel_loop3A_616, %parallel_loop3A_616 : vector<16xf32>
        %parallel_loop3A_676 = arith.mulf %parallel_loop3A_627, %parallel_loop3A_627 : vector<16xf32>
        %parallel_loop3A_677 = arith.mulf %parallel_loop3A_638, %parallel_loop3A_638 : vector<16xf32>
        %parallel_loop3A_678 = arith.mulf %parallel_loop3A_649, %parallel_loop3A_649 : vector<16xf32>
        %parallel_loop3A_679 = arith.mulf %parallel_loop3A_660, %parallel_loop3A_660 : vector<16xf32>
        %parallel_loop3A_680 = arith.addf %parallel_loop3A_672, %parallel_loop3A_673 : vector<16xf32>
        %parallel_loop3A_681 = arith.addf %parallel_loop3A_674, %parallel_loop3A_675 : vector<16xf32>
        %parallel_loop3A_682 = arith.addf %parallel_loop3A_676, %parallel_loop3A_677 : vector<16xf32>
        %parallel_loop3A_683 = arith.addf %parallel_loop3A_678, %parallel_loop3A_679 : vector<16xf32>
        %parallel_loop3A_684 = arith.addf %parallel_loop3A_680, %parallel_loop3A_681 : vector<16xf32>
        %parallel_loop3A_685 = arith.addf %parallel_loop3A_682, %parallel_loop3A_683 : vector<16xf32>
        %parallel_loop3A_686 = arith.addf %parallel_loop3A_684, %parallel_loop3A_685 : vector<16xf32>
        %parallel_loop3A_687 = arith.constant true
        %parallel_loop3A_688 = vector.broadcast %parallel_loop3A_687 : i1 to vector<16xi1>
        %parallel_loop3A_689 = tpu.scan <sum>, %parallel_loop3A_686 masked %parallel_loop3A_688 : vector<16xf32>, vector<16xi1> -> vector<16xf32>
        %parallel_loop3A_690 = vector.extract %parallel_loop3A_689[15] : f32 from vector<16xf32>
        %parallel_loop3A_691 = arith.constant 7.812500e-03 : f32
        %parallel_loop3A_692 = arith.mulf %parallel_loop3A_671, %parallel_loop3A_691 : f32
        %parallel_loop3A_693 = arith.constant 7.812500e-03 : f32
        %parallel_loop3A_694 = arith.mulf %parallel_loop3A_690, %parallel_loop3A_693 : f32
        %parallel_loop3A_695 = arith.mulf %parallel_loop3A_692, %parallel_loop3A_692 : f32
        %parallel_loop3A_696 = arith.subf %parallel_loop3A_694, %parallel_loop3A_695 : f32
        %parallel_loop3A_697 = arith.constant 9.99999974E-6 : f32
        %parallel_loop3A_698 = arith.addf %parallel_loop3A_696, %parallel_loop3A_697 : f32
        %parallel_loop3A_699 = vector.broadcast %parallel_loop3A_698 : f32 to vector<16xf32>
        %parallel_loop3A_700 = tpu.bitcast %parallel_loop3A_699 : vector<16xf32> -> vector<16xi32>
        %parallel_loop3A_701 = arith.constant 1 : i32
        %parallel_loop3A_702 = vector.broadcast %parallel_loop3A_701 : i32 to vector<16xi32>
        %parallel_loop3A_703 = arith.shrsi %parallel_loop3A_700, %parallel_loop3A_702 : vector<16xi32>
        %parallel_loop3A_704 = arith.constant 1597463007 : i32
        %parallel_loop3A_705 = vector.broadcast %parallel_loop3A_704 : i32 to vector<16xi32>
        %parallel_loop3A_706 = arith.subi %parallel_loop3A_705, %parallel_loop3A_703 : vector<16xi32>
        %parallel_loop3A_707 = tpu.bitcast %parallel_loop3A_706 : vector<16xi32> -> vector<16xf32>
        %parallel_loop3A_708 = arith.constant 5.000000e-01 : f32
        %parallel_loop3A_709 = vector.broadcast %parallel_loop3A_708 : f32 to vector<16xf32>
        %parallel_loop3A_710 = arith.mulf %parallel_loop3A_709, %parallel_loop3A_699 : vector<16xf32>
        %parallel_loop3A_711 = arith.mulf %parallel_loop3A_710, %parallel_loop3A_707 : vector<16xf32>
        %parallel_loop3A_712 = arith.mulf %parallel_loop3A_711, %parallel_loop3A_707 : vector<16xf32>
        %parallel_loop3A_713 = arith.constant 1.500000e+00 : f32
        %parallel_loop3A_714 = vector.broadcast %parallel_loop3A_713 : f32 to vector<16xf32>
        %parallel_loop3A_715 = arith.subf %parallel_loop3A_714, %parallel_loop3A_712 : vector<16xf32>
        %parallel_loop3A_716 = arith.mulf %parallel_loop3A_707, %parallel_loop3A_715 : vector<16xf32>
        %parallel_loop3A_717 = arith.constant 5.000000e-01 : f32
        %parallel_loop3A_718 = vector.broadcast %parallel_loop3A_717 : f32 to vector<16xf32>
        %parallel_loop3A_719 = arith.mulf %parallel_loop3A_718, %parallel_loop3A_699 : vector<16xf32>
        %parallel_loop3A_720 = arith.mulf %parallel_loop3A_719, %parallel_loop3A_716 : vector<16xf32>
        %parallel_loop3A_721 = arith.mulf %parallel_loop3A_720, %parallel_loop3A_716 : vector<16xf32>
        %parallel_loop3A_722 = arith.constant 1.500000e+00 : f32
        %parallel_loop3A_723 = vector.broadcast %parallel_loop3A_722 : f32 to vector<16xf32>
        %parallel_loop3A_724 = arith.subf %parallel_loop3A_723, %parallel_loop3A_721 : vector<16xf32>
        %parallel_loop3A_725 = arith.mulf %parallel_loop3A_716, %parallel_loop3A_724 : vector<16xf32>
        %parallel_loop3A_726 = arith.constant 5.000000e-01 : f32
        %parallel_loop3A_727 = vector.broadcast %parallel_loop3A_726 : f32 to vector<16xf32>
        %parallel_loop3A_728 = arith.mulf %parallel_loop3A_727, %parallel_loop3A_699 : vector<16xf32>
        %parallel_loop3A_729 = arith.mulf %parallel_loop3A_728, %parallel_loop3A_725 : vector<16xf32>
        %parallel_loop3A_730 = arith.mulf %parallel_loop3A_729, %parallel_loop3A_725 : vector<16xf32>
        %parallel_loop3A_731 = arith.constant 1.500000e+00 : f32
        %parallel_loop3A_732 = vector.broadcast %parallel_loop3A_731 : f32 to vector<16xf32>
        %parallel_loop3A_733 = arith.subf %parallel_loop3A_732, %parallel_loop3A_730 : vector<16xf32>
        %parallel_loop3A_734 = arith.mulf %parallel_loop3A_725, %parallel_loop3A_733 : vector<16xf32>
        %parallel_loop3A_735 = arith.constant 0.000000e+00 : f32
        %parallel_loop3A_736 = arith.subf %parallel_loop3A_735, %parallel_loop3A_692 : f32
        %parallel_loop3A_737 = vector.broadcast %parallel_loop3A_736 : f32 to vector<16xf32>
        %parallel_loop3A_738 = arith.mulf %parallel_loop3A_737, %parallel_loop3A_734 : vector<16xf32>
        %parallel_loop3A_739 = arith.mulf %parallel_loop3A_583, %parallel_loop3A_734 : vector<16xf32>
        %parallel_loop3A_740 = arith.addf %parallel_loop3A_739, %parallel_loop3A_738 : vector<16xf32>
        %parallel_loop3A_741 = arith.mulf %parallel_loop3A_740, %get3A_80 : vector<16xf32>
        %parallel_loop3A_742 = arith.addf %parallel_loop3A_741, %get3A_96 : vector<16xf32>
        %parallel_loop3A_743 = arith.constant 0 : i32
        %parallel_loop3A_744 = arith.addi %parallel_loop3A_743, %parallel_loop3A_569 : i32
        %parallel_loop3A_745 = arith.index_cast %parallel_loop3A_744 : i32 to index
        %parallel_loop3A_746 = arith.constant 0 : index
        %parallel_loop3A_747 = tpu.vector_load %arg20[%parallel_loop3A_745, %parallel_loop3A_746] {strides = array<i32>} : memref<128x128xf32, #tpu.memory_space<vmem>>, vector<16xf32>,
        tpu.vector_store %arg20[%parallel_loop3A_745, %parallel_loop3A_746], %parallel_loop3A_742 {strides = array<i32>} : memref<128x128xf32, #tpu.memory_space<vmem>>, vector<16xf32>,
        %parallel_loop3A_748 = arith.mulf %parallel_loop3A_594, %parallel_loop3A_734 : vector<16xf32>
        %parallel_loop3A_749 = arith.addf %parallel_loop3A_748, %parallel_loop3A_738 : vector<16xf32>
        %parallel_loop3A_750 = arith.mulf %parallel_loop3A_749, %get3A_82 : vector<16xf32>
        %parallel_loop3A_751 = arith.addf %parallel_loop3A_750, %get3A_98 : vector<16xf32>
        %parallel_loop3A_752 = arith.constant 0 : i32
        %parallel_loop3A_753 = arith.addi %parallel_loop3A_752, %parallel_loop3A_569 : i32
        %parallel_loop3A_754 = arith.index_cast %parallel_loop3A_753 : i32 to index
        %parallel_loop3A_755 = arith.constant 16 : index
        %parallel_loop3A_756 = tpu.vector_load %arg20[%parallel_loop3A_754, %parallel_loop3A_755] {strides = array<i32>} : memref<128x128xf32, #tpu.memory_space<vmem>>, vector<16xf32>,
        tpu.vector_store %arg20[%parallel_loop3A_754, %parallel_loop3A_755], %parallel_loop3A_751 {strides = array<i32>} : memref<128x128xf32, #tpu.memory_space<vmem>>, vector<16xf32>,
        %parallel_loop3A_757 = arith.mulf %parallel_loop3A_605, %parallel_loop3A_734 : vector<16xf32>
        %parallel_loop3A_758 = arith.addf %parallel_loop3A_757, %parallel_loop3A_738 : vector<16xf32>
        %parallel_loop3A_759 = arith.mulf %parallel_loop3A_758, %get3A_84 : vector<16xf32>
        %parallel_loop3A_760 = arith.addf %parallel_loop3A_759, %get3A_100 : vector<16xf32>
        %parallel_loop3A_761 = arith.constant 0 : i32
        %parallel_loop3A_762 = arith.addi %parallel_loop3A_761, %parallel_loop3A_569 : i32
        %parallel_loop3A_763 = arith.index_cast %parallel_loop3A_762 : i32 to index
        %parallel_loop3A_764 = arith.constant 32 : index
        %parallel_loop3A_765 = tpu.vector_load %arg20[%parallel_loop3A_763, %parallel_loop3A_764] {strides = array<i32>} : memref<128x128xf32, #tpu.memory_space<vmem>>, vector<16xf32>,
        tpu.vector_store %arg20[%parallel_loop3A_763, %parallel_loop3A_764], %parallel_loop3A_760 {strides = array<i32>} : memref<128x128xf32, #tpu.memory_space<vmem>>, vector<16xf32>,
        %parallel_loop3A_766 = arith.mulf %parallel_loop3A_616, %parallel_loop3A_734 : vector<16xf32>
        %parallel_loop3A_767 = arith.addf %parallel_loop3A_766, %parallel_loop3A_738 : vector<16xf32>
        %parallel_loop3A_768 = arith.mulf %parallel_loop3A_767, %get3A_86 : vector<16xf32>
        %parallel_loop3A_769 = arith.addf %parallel_loop3A_768, %get3A_102 : vector<16xf32>
        %parallel_loop3A_770 = arith.constant 0 : i32
        %parallel_loop3A_771 = arith.addi %parallel_loop3A_770, %parallel_loop3A_569 : i32
        %parallel_loop3A_772 = arith.index_cast %parallel_loop3A_771 : i32 to index
        %parallel_loop3A_773 = arith.constant 48 : index
        %parallel_loop3A_774 = tpu.vector_load %arg20[%parallel_loop3A_772, %parallel_loop3A_773] {strides = array<i32>} : memref<128x128xf32, #tpu.memory_space<vmem>>, vector<16xf32>,
        tpu.vector_store %arg20[%parallel_loop3A_772, %parallel_loop3A_773], %parallel_loop3A_769 {strides = array<i32>} : memref<128x128xf32, #tpu.memory_space<vmem>>, vector<16xf32>,
        %parallel_loop3A_775 = arith.mulf %parallel_loop3A_627, %parallel_loop3A_734 : vector<16xf32>
        %parallel_loop3A_776 = arith.addf %parallel_loop3A_775, %parallel_loop3A_738 : vector<16xf32>
        %parallel_loop3A_777 = arith.mulf %parallel_loop3A_776, %get3A_88 : vector<16xf32>
        %parallel_loop3A_778 = arith.addf %parallel_loop3A_777, %get3A_104 : vector<16xf32>
        %parallel_loop3A_779 = arith.constant 0 : i32
        %parallel_loop3A_780 = arith.addi %parallel_loop3A_779, %parallel_loop3A_569 : i32
        %parallel_loop3A_781 = arith.index_cast %parallel_loop3A_780 : i32 to index
        %parallel_loop3A_782 = arith.constant 64 : index
        %parallel_loop3A_783 = tpu.vector_load %arg20[%parallel_loop3A_781, %parallel_loop3A_782] {strides = array<i32>} : memref<128x128xf32, #tpu.memory_space<vmem>>, vector<16xf32>,
        tpu.vector_store %arg20[%parallel_loop3A_781, %parallel_loop3A_782], %parallel_loop3A_778 {strides = array<i32>} : memref<128x128xf32, #tpu.memory_space<vmem>>, vector<16xf32>,
        %parallel_loop3A_784 = arith.mulf %parallel_loop3A_638, %parallel_loop3A_734 : vector<16xf32>
        %parallel_loop3A_785 = arith.addf %parallel_loop3A_784, %parallel_loop3A_738 : vector<16xf32>
        %parallel_loop3A_786 = arith.mulf %parallel_loop3A_785, %get3A_90 : vector<16xf32>
        %parallel_loop3A_787 = arith.addf %parallel_loop3A_786, %get3A_106 : vector<16xf32>
        %parallel_loop3A_788 = arith.constant 0 : i32
        %parallel_loop3A_789 = arith.addi %parallel_loop3A_788, %parallel_loop3A_569 : i32
        %parallel_loop3A_790 = arith.index_cast %parallel_loop3A_789 : i32 to index
        %parallel_loop3A_791 = arith.constant 80 : index
        %parallel_loop3A_792 = tpu.vector_load %arg20[%parallel_loop3A_790, %parallel_loop3A_791] {strides = array<i32>} : memref<128x128xf32, #tpu.memory_space<vmem>>, vector<16xf32>,
        tpu.vector_store %arg20[%parallel_loop3A_790, %parallel_loop3A_791], %parallel_loop3A_787 {strides = array<i32>} : memref<128x128xf32, #tpu.memory_space<vmem>>, vector<16xf32>,
        %parallel_loop3A_793 = arith.mulf %parallel_loop3A_649, %parallel_loop3A_734 : vector<16xf32>
        %parallel_loop3A_794 = arith.addf %parallel_loop3A_793, %parallel_loop3A_738 : vector<16xf32>
        %parallel_loop3A_795 = arith.mulf %parallel_loop3A_794, %get3A_92 : vector<16xf32>
        %parallel_loop3A_796 = arith.addf %parallel_loop3A_795, %get3A_108 : vector<16xf32>
        %parallel_loop3A_797 = arith.constant 0 : i32
        %parallel_loop3A_798 = arith.addi %parallel_loop3A_797, %parallel_loop3A_569 : i32
        %parallel_loop3A_799 = arith.index_cast %parallel_loop3A_798 : i32 to index
        %parallel_loop3A_800 = arith.constant 96 : index
        %parallel_loop3A_801 = tpu.vector_load %arg20[%parallel_loop3A_799, %parallel_loop3A_800] {strides = array<i32>} : memref<128x128xf32, #tpu.memory_space<vmem>>, vector<16xf32>,
        tpu.vector_store %arg20[%parallel_loop3A_799, %parallel_loop3A_800], %parallel_loop3A_796 {strides = array<i32>} : memref<128x128xf32, #tpu.memory_space<vmem>>, vector<16xf32>,
        %parallel_loop3A_802 = arith.mulf %parallel_loop3A_660, %parallel_loop3A_734 : vector<16xf32>
        %parallel_loop3A_803 = arith.addf %parallel_loop3A_802, %parallel_loop3A_738 : vector<16xf32>
        %parallel_loop3A_804 = arith.mulf %parallel_loop3A_803, %get3A_94 : vector<16xf32>
        %parallel_loop3A_805 = arith.addf %parallel_loop3A_804, %get3A_110 : vector<16xf32>
        %parallel_loop3A_806 = arith.constant 0 : i32
        %parallel_loop3A_807 = arith.addi %parallel_loop3A_806, %parallel_loop3A_569 : i32
        %parallel_loop3A_808 = arith.index_cast %parallel_loop3A_807 : i32 to index
        %parallel_loop3A_809 = arith.constant 112 : index
        %parallel_loop3A_810 = tpu.vector_load %arg20[%parallel_loop3A_808, %parallel_loop3A_809] {strides = array<i32>} : memref<128x128xf32, #tpu.memory_space<vmem>>, vector<16xf32>,
        tpu.vector_store %arg20[%parallel_loop3A_808, %parallel_loop3A_809], %parallel_loop3A_805 {strides = array<i32>} : memref<128x128xf32, #tpu.memory_space<vmem>>, vector<16xf32>,
      } {sc.loop_unroll_factor = 1 : i64, sc.parallel_access}
      %add3A_113 = arith.constant 3 : i32
      %add3A_114 = arith.addi %add3A_65, %add3A_113 : i32
      %lt3A_115 = arith.constant 256 : i32
      %lt3A_116 = arith.cmpi slt, %add3A_114, %lt3A_115 : i32
      %convert_element_type3A_117 = arith.extui %lt3A_116 : i1 to i32
      %cond3A_118 = arith.constant 0 : i32
      %cond3A_119 = arith.cmpi ne, %convert_element_type3A_117, %cond3A_118 : i32
      scf.if %cond3A_119 {
        %add3A_322 = arith.constant 3 : i32
        %add3A_323 = arith.addi %add3A_65, %add3A_322 : i32
        %mul3A_324 = arith.constant 64 : i32
        %mul3A_325 = arith.muli %add3A_323, %mul3A_324 : i32
        %add3A_326 = arith.addi %mul3A_2, %mul3A_325 : i32
        %dma_start3A_327 = tpu.memref_slice %arg2[%add3A_326] : memref<524288xi32, #tpu.memory_space<hbm>> -> memref<64xi32, #tpu.memory_space<hbm>>
        %dma_start3A_328 = tpu.memref_slice %arg2[%add3A_326] : memref<524288xi32, #tpu.memory_space<hbm>> -> memref<64xi32, #tpu.memory_space<hbm>>
        tpu.enqueue_dma source(%dma_start3A_328 : memref<64xi32, #tpu.memory_space<hbm>>) target(%arg13 : memref<64xi32, #tpu.memory_space<vmem>>) target_semaphore(%arg31 : memref<!tpu.dma_semaphore, #tpu.memory_space<semaphore_mem>>)
        %dma_start3A_329 = arith.constant 0 : i32
        %dma_start3A_330 = tpu.memref_slice %arg17[%dma_start3A_329] : memref<80xi32, #tpu.memory_space<vmem>> -> memref<64xi32, #tpu.memory_space<vmem>>
        %dma_start3A_331 = tpu.memref_slice %arg3[%add3A_326] : memref<524288xi32, #tpu.memory_space<hbm>> -> memref<64xi32, #tpu.memory_space<hbm>>
        %dma_start3A_332 = arith.constant 0 : i32
        %dma_start3A_333 = tpu.memref_slice %arg17[%dma_start3A_332] : memref<80xi32, #tpu.memory_space<vmem>> -> memref<64xi32, #tpu.memory_space<vmem>>
        %dma_start3A_334 = tpu.memref_slice %arg3[%add3A_326] : memref<524288xi32, #tpu.memory_space<hbm>> -> memref<64xi32, #tpu.memory_space<hbm>>
        tpu.enqueue_dma source(%dma_start3A_334 : memref<64xi32, #tpu.memory_space<hbm>>) target(%dma_start3A_333 : memref<64xi32, #tpu.memory_space<vmem>>) target_semaphore(%arg31 : memref<!tpu.dma_semaphore, #tpu.memory_space<semaphore_mem>>)
      } else {
      }
      %mul3A_120 = arith.constant 4 : i32
      %mul3A_121 = arith.muli %mul3A_120, %scan3A_61 : i32
      %add3A_122 = arith.constant 1 : i32
      %add3A_123 = arith.addi %mul3A_121, %add3A_122 : i32
      %add3A_124 = arith.constant 1 : i32
      %add3A_125 = arith.addi %add3A_123, %add3A_124 : i32
      %lt3A_126 = arith.constant 256 : i32
      %lt3A_127 = arith.cmpi slt, %add3A_125, %lt3A_126 : i32
      %convert_element_type3A_128 = arith.extui %lt3A_127 : i1 to i32
      %cond3A_129 = arith.constant 0 : i32
      %cond3A_130 = arith.cmpi ne, %convert_element_type3A_128, %cond3A_129 : i32
      scf.if %cond3A_130 {
        %add3A_322 = arith.constant 1 : i32
        %add3A_323 = arith.addi %add3A_123, %add3A_322 : i32
        %mul3A_324 = arith.constant 64 : i32
        %mul3A_325 = arith.muli %add3A_323, %mul3A_324 : i32
        %add3A_326 = arith.addi %mul3A_2, %mul3A_325 : i32
        %dma_wait3A_327 = tpu.memref_slice %arg2[%add3A_326] : memref<524288xi32, #tpu.memory_space<hbm>> -> memref<64xi32, #tpu.memory_space<hbm>>
        %dma_wait3A_328 = tpu.memref_slice %arg2[%add3A_326] : memref<524288xi32, #tpu.memory_space<hbm>> -> memref<64xi32, #tpu.memory_space<hbm>>
        tpu.wait_dma2 semaphore(%arg30 : memref<!tpu.dma_semaphore, #tpu.memory_space<semaphore_mem>>) src(%dma_wait3A_328 : memref<64xi32, #tpu.memory_space<hbm>>) dst(%arg12 : memref<64xi32, #tpu.memory_space<vmem>>)
        %dma_wait3A_329 = arith.constant 0 : i32
        %dma_wait3A_330 = tpu.memref_slice %arg16[%dma_wait3A_329] : memref<80xi32, #tpu.memory_space<vmem>> -> memref<64xi32, #tpu.memory_space<vmem>>
        %dma_wait3A_331 = tpu.memref_slice %arg3[%add3A_326] : memref<524288xi32, #tpu.memory_space<hbm>> -> memref<64xi32, #tpu.memory_space<hbm>>
        %dma_wait3A_332 = arith.constant 0 : i32
        %dma_wait3A_333 = tpu.memref_slice %arg16[%dma_wait3A_332] : memref<80xi32, #tpu.memory_space<vmem>> -> memref<64xi32, #tpu.memory_space<vmem>>
        %dma_wait3A_334 = tpu.memref_slice %arg3[%add3A_326] : memref<524288xi32, #tpu.memory_space<hbm>> -> memref<64xi32, #tpu.memory_space<hbm>>
        tpu.wait_dma2 semaphore(%arg30 : memref<!tpu.dma_semaphore, #tpu.memory_space<semaphore_mem>>) src(%dma_wait3A_334 : memref<64xi32, #tpu.memory_space<hbm>>) dst(%dma_wait3A_333 : memref<64xi32, #tpu.memory_space<vmem>>)
        %dma_start3A_335 = arith.constant 0 : i32
        %dma_start3A_336 = arith.constant 0 : i32
        %dma_start3A_337 = tpu.memref_slice %arg4[%dma_start3A_335, %dma_start3A_336] : memref<100000x128xf32, #tpu.memory_space<hbm>> -> memref<100000x128xf32, #tpu.memory_space<hbm>>
        tpu.enqueue_indirect_dma source(%dma_start3A_337 : memref<100000x128xf32, #tpu.memory_space<hbm>>) target(%arg18 : memref<64x128xf32, #tpu.memory_space<vmem>>) offsets(%arg12 : memref<64xi32, #tpu.memory_space<vmem>>) semaphore(%arg26 : memref<!tpu.dma_semaphore, #tpu.memory_space<semaphore_mem>>)
      } else {
      }
      %dma_wait3A_131 = arith.constant 0 : i32
      %dma_wait3A_132 = arith.constant 0 : i32
      %dma_wait3A_133 = tpu.memref_slice %arg4[%dma_wait3A_131, %dma_wait3A_132] : memref<100000x128xf32, #tpu.memory_space<hbm>> -> memref<100000x128xf32, #tpu.memory_space<hbm>>
      tpu.wait_indirect_dma semaphore(%arg27 : memref<!tpu.dma_semaphore, #tpu.memory_space<semaphore_mem>>) src(%dma_wait3A_133 : memref<100000x128xf32, #tpu.memory_space<hbm>>) dst(%arg19 : memref<64x128xf32, #tpu.memory_space<vmem>>)
      %mul3A_134 = arith.constant 64 : i32
      %mul3A_135 = arith.muli %add3A_123, %mul3A_134 : i32
      %rem3A_136 = arith.constant 512 : i32
      %rem3A_137 = arith.remsi %mul3A_135, %rem3A_136 : i32
      %get3A_138 = arith.constant 0 : index
      %get3A_139 = tpu.vector_load %arg24[%get3A_138] {strides = array<i32>} : memref<128xf32, #tpu.memory_space<vmem>>, vector<16xf32>,
      %get3A_140 = arith.constant 16 : index
      %get3A_141 = tpu.vector_load %arg24[%get3A_140] {strides = array<i32>} : memref<128xf32, #tpu.memory_space<vmem>>, vector<16xf32>,
      %get3A_142 = arith.constant 32 : index
      %get3A_143 = tpu.vector_load %arg24[%get3A_142] {strides = array<i32>} : memref<128xf32, #tpu.memory_space<vmem>>, vector<16xf32>,
      %get3A_144 = arith.constant 48 : index
      %get3A_145 = tpu.vector_load %arg24[%get3A_144] {strides = array<i32>} : memref<128xf32, #tpu.memory_space<vmem>>, vector<16xf32>,
      %get3A_146 = arith.constant 64 : index
      %get3A_147 = tpu.vector_load %arg24[%get3A_146] {strides = array<i32>} : memref<128xf32, #tpu.memory_space<vmem>>, vector<16xf32>,
      %get3A_148 = arith.constant 80 : index
      %get3A_149 = tpu.vector_load %arg24[%get3A_148] {strides = array<i32>} : memref<128xf32, #tpu.memory_space<vmem>>, vector<16xf32>,
      %get3A_150 = arith.constant 96 : index
      %get3A_151 = tpu.vector_load %arg24[%get3A_150] {strides = array<i32>} : memref<128xf32, #tpu.memory_space<vmem>>, vector<16xf32>,
      %get3A_152 = arith.constant 112 : index
      %get3A_153 = tpu.vector_load %arg24[%get3A_152] {strides = array<i32>} : memref<128xf32, #tpu.memory_space<vmem>>, vector<16xf32>,
      %get3A_154 = arith.constant 0 : index
      %get3A_155 = tpu.vector_load %arg25[%get3A_154] {strides = array<i32>} : memref<128xf32, #tpu.memory_space<vmem>>, vector<16xf32>,
      %get3A_156 = arith.constant 16 : index
      %get3A_157 = tpu.vector_load %arg25[%get3A_156] {strides = array<i32>} : memref<128xf32, #tpu.memory_space<vmem>>, vector<16xf32>,
      %get3A_158 = arith.constant 32 : index
      %get3A_159 = tpu.vector_load %arg25[%get3A_158] {strides = array<i32>} : memref<128xf32, #tpu.memory_space<vmem>>, vector<16xf32>,
      %get3A_160 = arith.constant 48 : index
      %get3A_161 = tpu.vector_load %arg25[%get3A_160] {strides = array<i32>} : memref<128xf32, #tpu.memory_space<vmem>>, vector<16xf32>,
      %get3A_162 = arith.constant 64 : index
      %get3A_163 = tpu.vector_load %arg25[%get3A_162] {strides = array<i32>} : memref<128xf32, #tpu.memory_space<vmem>>, vector<16xf32>,
      %get3A_164 = arith.constant 80 : index
      %get3A_165 = tpu.vector_load %arg25[%get3A_164] {strides = array<i32>} : memref<128xf32, #tpu.memory_space<vmem>>, vector<16xf32>,
      %get3A_166 = arith.constant 96 : index
      %get3A_167 = tpu.vector_load %arg25[%get3A_166] {strides = array<i32>} : memref<128xf32, #tpu.memory_space<vmem>>, vector<16xf32>,
      %get3A_168 = arith.constant 112 : index
      %get3A_169 = tpu.vector_load %arg25[%get3A_168] {strides = array<i32>} : memref<128xf32, #tpu.memory_space<vmem>>, vector<16xf32>,
      %parallel_loop3A_170 = arith.constant 0 : i32
      %parallel_loop3A_171 = arith.constant 64 : i32
      %parallel_loop3A_172 = arith.constant 2 : i32
      scf.for %parallel_loop3A_322 = %parallel_loop3A_170 to %parallel_loop3A_171 step %parallel_loop3A_172  : i32 {
        %parallel_loop3A_323 = arith.index_cast %parallel_loop3A_322 : i32 to index
        %parallel_loop3A_324 = tpu.vector_load %arg15[%parallel_loop3A_323] {strides = array<i32>} : memref<80xi32, #tpu.memory_space<vmem>>, vector<16xi32>,
        %parallel_loop3A_325 = arith.constant 0 : i32
        %parallel_loop3A_326 = arith.addi %parallel_loop3A_322, %parallel_loop3A_325 : i32
        %parallel_loop3A_327 = vector.extract_strided_slice %parallel_loop3A_324 {offsets = [0], sizes = [1], strides = [1]} : vector<16xi32> to vector<1xi32>
        %parallel_loop3A_328 = vector.extract %parallel_loop3A_327[0] : i32 from vector<1xi32>
        %parallel_loop3A_329 = arith.addi %rem3A_137, %parallel_loop3A_326 : i32
        %parallel_loop3A_330 = arith.index_cast %parallel_loop3A_326 : i32 to index
        %parallel_loop3A_331 = arith.constant 0 : index
        %parallel_loop3A_332 = tpu.vector_load %arg19[%parallel_loop3A_330, %parallel_loop3A_331] {strides = array<i32>} : memref<64x128xf32, #tpu.memory_space<vmem>>, vector<16xf32>,
        %parallel_loop3A_333 = arith.index_cast %parallel_loop3A_329 : i32 to index
        %parallel_loop3A_334 = arith.constant 0 : index
        %parallel_loop3A_335 = tpu.vector_load %arg22[%parallel_loop3A_333, %parallel_loop3A_334] {strides = array<i32>} : memref<512x128xf32, #tpu.memory_space<vmem>>, vector<16xf32>,
        %parallel_loop3A_336 = arith.addf %parallel_loop3A_332, %parallel_loop3A_335 : vector<16xf32>
        %parallel_loop3A_337 = arith.index_cast %parallel_loop3A_328 : i32 to index
        %parallel_loop3A_338 = arith.constant 0 : index
        %parallel_loop3A_339 = tpu.vector_load %arg23[%parallel_loop3A_337, %parallel_loop3A_338] {strides = array<i32>} : memref<2x128xf32, #tpu.memory_space<vmem>>, vector<16xf32>,
        %parallel_loop3A_340 = arith.addf %parallel_loop3A_336, %parallel_loop3A_339 : vector<16xf32>
        %parallel_loop3A_341 = arith.index_cast %parallel_loop3A_326 : i32 to index
        %parallel_loop3A_342 = arith.constant 16 : index
        %parallel_loop3A_343 = tpu.vector_load %arg19[%parallel_loop3A_341, %parallel_loop3A_342] {strides = array<i32>} : memref<64x128xf32, #tpu.memory_space<vmem>>, vector<16xf32>,
        %parallel_loop3A_344 = arith.index_cast %parallel_loop3A_329 : i32 to index
        %parallel_loop3A_345 = arith.constant 16 : index
        %parallel_loop3A_346 = tpu.vector_load %arg22[%parallel_loop3A_344, %parallel_loop3A_345] {strides = array<i32>} : memref<512x128xf32, #tpu.memory_space<vmem>>, vector<16xf32>,
        %parallel_loop3A_347 = arith.addf %parallel_loop3A_343, %parallel_loop3A_346 : vector<16xf32>
        %parallel_loop3A_348 = arith.index_cast %parallel_loop3A_328 : i32 to index
        %parallel_loop3A_349 = arith.constant 16 : index
        %parallel_loop3A_350 = tpu.vector_load %arg23[%parallel_loop3A_348, %parallel_loop3A_349] {strides = array<i32>} : memref<2x128xf32, #tpu.memory_space<vmem>>, vector<16xf32>,
        %parallel_loop3A_351 = arith.addf %parallel_loop3A_347, %parallel_loop3A_350 : vector<16xf32>
        %parallel_loop3A_352 = arith.index_cast %parallel_loop3A_326 : i32 to index
        %parallel_loop3A_353 = arith.constant 32 : index
        %parallel_loop3A_354 = tpu.vector_load %arg19[%parallel_loop3A_352, %parallel_loop3A_353] {strides = array<i32>} : memref<64x128xf32, #tpu.memory_space<vmem>>, vector<16xf32>,
        %parallel_loop3A_355 = arith.index_cast %parallel_loop3A_329 : i32 to index
        %parallel_loop3A_356 = arith.constant 32 : index
        %parallel_loop3A_357 = tpu.vector_load %arg22[%parallel_loop3A_355, %parallel_loop3A_356] {strides = array<i32>} : memref<512x128xf32, #tpu.memory_space<vmem>>, vector<16xf32>,
        %parallel_loop3A_358 = arith.addf %parallel_loop3A_354, %parallel_loop3A_357 : vector<16xf32>
        %parallel_loop3A_359 = arith.index_cast %parallel_loop3A_328 : i32 to index
        %parallel_loop3A_360 = arith.constant 32 : index
        %parallel_loop3A_361 = tpu.vector_load %arg23[%parallel_loop3A_359, %parallel_loop3A_360] {strides = array<i32>} : memref<2x128xf32, #tpu.memory_space<vmem>>, vector<16xf32>,
        %parallel_loop3A_362 = arith.addf %parallel_loop3A_358, %parallel_loop3A_361 : vector<16xf32>
        %parallel_loop3A_363 = arith.index_cast %parallel_loop3A_326 : i32 to index
        %parallel_loop3A_364 = arith.constant 48 : index
        %parallel_loop3A_365 = tpu.vector_load %arg19[%parallel_loop3A_363, %parallel_loop3A_364] {strides = array<i32>} : memref<64x128xf32, #tpu.memory_space<vmem>>, vector<16xf32>,
        %parallel_loop3A_366 = arith.index_cast %parallel_loop3A_329 : i32 to index
        %parallel_loop3A_367 = arith.constant 48 : index
        %parallel_loop3A_368 = tpu.vector_load %arg22[%parallel_loop3A_366, %parallel_loop3A_367] {strides = array<i32>} : memref<512x128xf32, #tpu.memory_space<vmem>>, vector<16xf32>,
        %parallel_loop3A_369 = arith.addf %parallel_loop3A_365, %parallel_loop3A_368 : vector<16xf32>
        %parallel_loop3A_370 = arith.index_cast %parallel_loop3A_328 : i32 to index
        %parallel_loop3A_371 = arith.constant 48 : index
        %parallel_loop3A_372 = tpu.vector_load %arg23[%parallel_loop3A_370, %parallel_loop3A_371] {strides = array<i32>} : memref<2x128xf32, #tpu.memory_space<vmem>>, vector<16xf32>,
        %parallel_loop3A_373 = arith.addf %parallel_loop3A_369, %parallel_loop3A_372 : vector<16xf32>
        %parallel_loop3A_374 = arith.index_cast %parallel_loop3A_326 : i32 to index
        %parallel_loop3A_375 = arith.constant 64 : index
        %parallel_loop3A_376 = tpu.vector_load %arg19[%parallel_loop3A_374, %parallel_loop3A_375] {strides = array<i32>} : memref<64x128xf32, #tpu.memory_space<vmem>>, vector<16xf32>,
        %parallel_loop3A_377 = arith.index_cast %parallel_loop3A_329 : i32 to index
        %parallel_loop3A_378 = arith.constant 64 : index
        %parallel_loop3A_379 = tpu.vector_load %arg22[%parallel_loop3A_377, %parallel_loop3A_378] {strides = array<i32>} : memref<512x128xf32, #tpu.memory_space<vmem>>, vector<16xf32>,
        %parallel_loop3A_380 = arith.addf %parallel_loop3A_376, %parallel_loop3A_379 : vector<16xf32>
        %parallel_loop3A_381 = arith.index_cast %parallel_loop3A_328 : i32 to index
        %parallel_loop3A_382 = arith.constant 64 : index
        %parallel_loop3A_383 = tpu.vector_load %arg23[%parallel_loop3A_381, %parallel_loop3A_382] {strides = array<i32>} : memref<2x128xf32, #tpu.memory_space<vmem>>, vector<16xf32>,
        %parallel_loop3A_384 = arith.addf %parallel_loop3A_380, %parallel_loop3A_383 : vector<16xf32>
        %parallel_loop3A_385 = arith.index_cast %parallel_loop3A_326 : i32 to index
        %parallel_loop3A_386 = arith.constant 80 : index
        %parallel_loop3A_387 = tpu.vector_load %arg19[%parallel_loop3A_385, %parallel_loop3A_386] {strides = array<i32>} : memref<64x128xf32, #tpu.memory_space<vmem>>, vector<16xf32>,
        %parallel_loop3A_388 = arith.index_cast %parallel_loop3A_329 : i32 to index
        %parallel_loop3A_389 = arith.constant 80 : index
        %parallel_loop3A_390 = tpu.vector_load %arg22[%parallel_loop3A_388, %parallel_loop3A_389] {strides = array<i32>} : memref<512x128xf32, #tpu.memory_space<vmem>>, vector<16xf32>,
        %parallel_loop3A_391 = arith.addf %parallel_loop3A_387, %parallel_loop3A_390 : vector<16xf32>
        %parallel_loop3A_392 = arith.index_cast %parallel_loop3A_328 : i32 to index
        %parallel_loop3A_393 = arith.constant 80 : index
        %parallel_loop3A_394 = tpu.vector_load %arg23[%parallel_loop3A_392, %parallel_loop3A_393] {strides = array<i32>} : memref<2x128xf32, #tpu.memory_space<vmem>>, vector<16xf32>,
        %parallel_loop3A_395 = arith.addf %parallel_loop3A_391, %parallel_loop3A_394 : vector<16xf32>
        %parallel_loop3A_396 = arith.index_cast %parallel_loop3A_326 : i32 to index
        %parallel_loop3A_397 = arith.constant 96 : index
        %parallel_loop3A_398 = tpu.vector_load %arg19[%parallel_loop3A_396, %parallel_loop3A_397] {strides = array<i32>} : memref<64x128xf32, #tpu.memory_space<vmem>>, vector<16xf32>,
        %parallel_loop3A_399 = arith.index_cast %parallel_loop3A_329 : i32 to index
        %parallel_loop3A_400 = arith.constant 96 : index
        %parallel_loop3A_401 = tpu.vector_load %arg22[%parallel_loop3A_399, %parallel_loop3A_400] {strides = array<i32>} : memref<512x128xf32, #tpu.memory_space<vmem>>, vector<16xf32>,
        %parallel_loop3A_402 = arith.addf %parallel_loop3A_398, %parallel_loop3A_401 : vector<16xf32>
        %parallel_loop3A_403 = arith.index_cast %parallel_loop3A_328 : i32 to index
        %parallel_loop3A_404 = arith.constant 96 : index
        %parallel_loop3A_405 = tpu.vector_load %arg23[%parallel_loop3A_403, %parallel_loop3A_404] {strides = array<i32>} : memref<2x128xf32, #tpu.memory_space<vmem>>, vector<16xf32>,
        %parallel_loop3A_406 = arith.addf %parallel_loop3A_402, %parallel_loop3A_405 : vector<16xf32>
        %parallel_loop3A_407 = arith.index_cast %parallel_loop3A_326 : i32 to index
        %parallel_loop3A_408 = arith.constant 112 : index
        %parallel_loop3A_409 = tpu.vector_load %arg19[%parallel_loop3A_407, %parallel_loop3A_408] {strides = array<i32>} : memref<64x128xf32, #tpu.memory_space<vmem>>, vector<16xf32>,
        %parallel_loop3A_410 = arith.index_cast %parallel_loop3A_329 : i32 to index
        %parallel_loop3A_411 = arith.constant 112 : index
        %parallel_loop3A_412 = tpu.vector_load %arg22[%parallel_loop3A_410, %parallel_loop3A_411] {strides = array<i32>} : memref<512x128xf32, #tpu.memory_space<vmem>>, vector<16xf32>,
        %parallel_loop3A_413 = arith.addf %parallel_loop3A_409, %parallel_loop3A_412 : vector<16xf32>
        %parallel_loop3A_414 = arith.index_cast %parallel_loop3A_328 : i32 to index
        %parallel_loop3A_415 = arith.constant 112 : index
        %parallel_loop3A_416 = tpu.vector_load %arg23[%parallel_loop3A_414, %parallel_loop3A_415] {strides = array<i32>} : memref<2x128xf32, #tpu.memory_space<vmem>>, vector<16xf32>,
        %parallel_loop3A_417 = arith.addf %parallel_loop3A_413, %parallel_loop3A_416 : vector<16xf32>
        %parallel_loop3A_418 = arith.addf %parallel_loop3A_340, %parallel_loop3A_351 : vector<16xf32>
        %parallel_loop3A_419 = arith.addf %parallel_loop3A_362, %parallel_loop3A_373 : vector<16xf32>
        %parallel_loop3A_420 = arith.addf %parallel_loop3A_384, %parallel_loop3A_395 : vector<16xf32>
        %parallel_loop3A_421 = arith.addf %parallel_loop3A_406, %parallel_loop3A_417 : vector<16xf32>
        %parallel_loop3A_422 = arith.addf %parallel_loop3A_418, %parallel_loop3A_419 : vector<16xf32>
        %parallel_loop3A_423 = arith.addf %parallel_loop3A_420, %parallel_loop3A_421 : vector<16xf32>
        %parallel_loop3A_424 = arith.addf %parallel_loop3A_422, %parallel_loop3A_423 : vector<16xf32>
        %parallel_loop3A_425 = arith.constant true
        %parallel_loop3A_426 = vector.broadcast %parallel_loop3A_425 : i1 to vector<16xi1>
        %parallel_loop3A_427 = tpu.scan <sum>, %parallel_loop3A_424 masked %parallel_loop3A_426 : vector<16xf32>, vector<16xi1> -> vector<16xf32>
        %parallel_loop3A_428 = vector.extract %parallel_loop3A_427[15] : f32 from vector<16xf32>
        %parallel_loop3A_429 = arith.mulf %parallel_loop3A_340, %parallel_loop3A_340 : vector<16xf32>
        %parallel_loop3A_430 = arith.mulf %parallel_loop3A_351, %parallel_loop3A_351 : vector<16xf32>
        %parallel_loop3A_431 = arith.mulf %parallel_loop3A_362, %parallel_loop3A_362 : vector<16xf32>
        %parallel_loop3A_432 = arith.mulf %parallel_loop3A_373, %parallel_loop3A_373 : vector<16xf32>
        %parallel_loop3A_433 = arith.mulf %parallel_loop3A_384, %parallel_loop3A_384 : vector<16xf32>
        %parallel_loop3A_434 = arith.mulf %parallel_loop3A_395, %parallel_loop3A_395 : vector<16xf32>
        %parallel_loop3A_435 = arith.mulf %parallel_loop3A_406, %parallel_loop3A_406 : vector<16xf32>
        %parallel_loop3A_436 = arith.mulf %parallel_loop3A_417, %parallel_loop3A_417 : vector<16xf32>
        %parallel_loop3A_437 = arith.addf %parallel_loop3A_429, %parallel_loop3A_430 : vector<16xf32>
        %parallel_loop3A_438 = arith.addf %parallel_loop3A_431, %parallel_loop3A_432 : vector<16xf32>
        %parallel_loop3A_439 = arith.addf %parallel_loop3A_433, %parallel_loop3A_434 : vector<16xf32>
        %parallel_loop3A_440 = arith.addf %parallel_loop3A_435, %parallel_loop3A_436 : vector<16xf32>
        %parallel_loop3A_441 = arith.addf %parallel_loop3A_437, %parallel_loop3A_438 : vector<16xf32>
        %parallel_loop3A_442 = arith.addf %parallel_loop3A_439, %parallel_loop3A_440 : vector<16xf32>
        %parallel_loop3A_443 = arith.addf %parallel_loop3A_441, %parallel_loop3A_442 : vector<16xf32>
        %parallel_loop3A_444 = arith.constant true
        %parallel_loop3A_445 = vector.broadcast %parallel_loop3A_444 : i1 to vector<16xi1>
        %parallel_loop3A_446 = tpu.scan <sum>, %parallel_loop3A_443 masked %parallel_loop3A_445 : vector<16xf32>, vector<16xi1> -> vector<16xf32>
        %parallel_loop3A_447 = vector.extract %parallel_loop3A_446[15] : f32 from vector<16xf32>
        %parallel_loop3A_448 = arith.constant 7.812500e-03 : f32
        %parallel_loop3A_449 = arith.mulf %parallel_loop3A_428, %parallel_loop3A_448 : f32
        %parallel_loop3A_450 = arith.constant 7.812500e-03 : f32
        %parallel_loop3A_451 = arith.mulf %parallel_loop3A_447, %parallel_loop3A_450 : f32
        %parallel_loop3A_452 = arith.mulf %parallel_loop3A_449, %parallel_loop3A_449 : f32
        %parallel_loop3A_453 = arith.subf %parallel_loop3A_451, %parallel_loop3A_452 : f32
        %parallel_loop3A_454 = arith.constant 9.99999974E-6 : f32
        %parallel_loop3A_455 = arith.addf %parallel_loop3A_453, %parallel_loop3A_454 : f32
        %parallel_loop3A_456 = vector.broadcast %parallel_loop3A_455 : f32 to vector<16xf32>
        %parallel_loop3A_457 = tpu.bitcast %parallel_loop3A_456 : vector<16xf32> -> vector<16xi32>
        %parallel_loop3A_458 = arith.constant 1 : i32
        %parallel_loop3A_459 = vector.broadcast %parallel_loop3A_458 : i32 to vector<16xi32>
        %parallel_loop3A_460 = arith.shrsi %parallel_loop3A_457, %parallel_loop3A_459 : vector<16xi32>
        %parallel_loop3A_461 = arith.constant 1597463007 : i32
        %parallel_loop3A_462 = vector.broadcast %parallel_loop3A_461 : i32 to vector<16xi32>
        %parallel_loop3A_463 = arith.subi %parallel_loop3A_462, %parallel_loop3A_460 : vector<16xi32>
        %parallel_loop3A_464 = tpu.bitcast %parallel_loop3A_463 : vector<16xi32> -> vector<16xf32>
        %parallel_loop3A_465 = arith.constant 5.000000e-01 : f32
        %parallel_loop3A_466 = vector.broadcast %parallel_loop3A_465 : f32 to vector<16xf32>
        %parallel_loop3A_467 = arith.mulf %parallel_loop3A_466, %parallel_loop3A_456 : vector<16xf32>
        %parallel_loop3A_468 = arith.mulf %parallel_loop3A_467, %parallel_loop3A_464 : vector<16xf32>
        %parallel_loop3A_469 = arith.mulf %parallel_loop3A_468, %parallel_loop3A_464 : vector<16xf32>
        %parallel_loop3A_470 = arith.constant 1.500000e+00 : f32
        %parallel_loop3A_471 = vector.broadcast %parallel_loop3A_470 : f32 to vector<16xf32>
        %parallel_loop3A_472 = arith.subf %parallel_loop3A_471, %parallel_loop3A_469 : vector<16xf32>
        %parallel_loop3A_473 = arith.mulf %parallel_loop3A_464, %parallel_loop3A_472 : vector<16xf32>
        %parallel_loop3A_474 = arith.constant 5.000000e-01 : f32
        %parallel_loop3A_475 = vector.broadcast %parallel_loop3A_474 : f32 to vector<16xf32>
        %parallel_loop3A_476 = arith.mulf %parallel_loop3A_475, %parallel_loop3A_456 : vector<16xf32>
        %parallel_loop3A_477 = arith.mulf %parallel_loop3A_476, %parallel_loop3A_473 : vector<16xf32>
        %parallel_loop3A_478 = arith.mulf %parallel_loop3A_477, %parallel_loop3A_473 : vector<16xf32>
        %parallel_loop3A_479 = arith.constant 1.500000e+00 : f32
        %parallel_loop3A_480 = vector.broadcast %parallel_loop3A_479 : f32 to vector<16xf32>
        %parallel_loop3A_481 = arith.subf %parallel_loop3A_480, %parallel_loop3A_478 : vector<16xf32>
        %parallel_loop3A_482 = arith.mulf %parallel_loop3A_473, %parallel_loop3A_481 : vector<16xf32>
        %parallel_loop3A_483 = arith.constant 5.000000e-01 : f32
        %parallel_loop3A_484 = vector.broadcast %parallel_loop3A_483 : f32 to vector<16xf32>
        %parallel_loop3A_485 = arith.mulf %parallel_loop3A_484, %parallel_loop3A_456 : vector<16xf32>
        %parallel_loop3A_486 = arith.mulf %parallel_loop3A_485, %parallel_loop3A_482 : vector<16xf32>
        %parallel_loop3A_487 = arith.mulf %parallel_loop3A_486, %parallel_loop3A_482 : vector<16xf32>
        %parallel_loop3A_488 = arith.constant 1.500000e+00 : f32
        %parallel_loop3A_489 = vector.broadcast %parallel_loop3A_488 : f32 to vector<16xf32>
        %parallel_loop3A_490 = arith.subf %parallel_loop3A_489, %parallel_loop3A_487 : vector<16xf32>
        %parallel_loop3A_491 = arith.mulf %parallel_loop3A_482, %parallel_loop3A_490 : vector<16xf32>
        %parallel_loop3A_492 = arith.constant 0.000000e+00 : f32
        %parallel_loop3A_493 = arith.subf %parallel_loop3A_492, %parallel_loop3A_449 : f32
        %parallel_loop3A_494 = vector.broadcast %parallel_loop3A_493 : f32 to vector<16xf32>
        %parallel_loop3A_495 = arith.mulf %parallel_loop3A_494, %parallel_loop3A_491 : vector<16xf32>
        %parallel_loop3A_496 = arith.mulf %parallel_loop3A_340, %parallel_loop3A_491 : vector<16xf32>
        %parallel_loop3A_497 = arith.addf %parallel_loop3A_496, %parallel_loop3A_495 : vector<16xf32>
        %parallel_loop3A_498 = arith.mulf %parallel_loop3A_497, %get3A_139 : vector<16xf32>
        %parallel_loop3A_499 = arith.addf %parallel_loop3A_498, %get3A_155 : vector<16xf32>
        %parallel_loop3A_500 = arith.constant 64 : i32
        %parallel_loop3A_501 = arith.addi %parallel_loop3A_500, %parallel_loop3A_326 : i32
        %parallel_loop3A_502 = arith.index_cast %parallel_loop3A_501 : i32 to index
        %parallel_loop3A_503 = arith.constant 0 : index
        %parallel_loop3A_504 = tpu.vector_load %arg20[%parallel_loop3A_502, %parallel_loop3A_503] {strides = array<i32>} : memref<128x128xf32, #tpu.memory_space<vmem>>, vector<16xf32>,
        tpu.vector_store %arg20[%parallel_loop3A_502, %parallel_loop3A_503], %parallel_loop3A_499 {strides = array<i32>} : memref<128x128xf32, #tpu.memory_space<vmem>>, vector<16xf32>,
        %parallel_loop3A_505 = arith.mulf %parallel_loop3A_351, %parallel_loop3A_491 : vector<16xf32>
        %parallel_loop3A_506 = arith.addf %parallel_loop3A_505, %parallel_loop3A_495 : vector<16xf32>
        %parallel_loop3A_507 = arith.mulf %parallel_loop3A_506, %get3A_141 : vector<16xf32>
        %parallel_loop3A_508 = arith.addf %parallel_loop3A_507, %get3A_157 : vector<16xf32>
        %parallel_loop3A_509 = arith.constant 64 : i32
        %parallel_loop3A_510 = arith.addi %parallel_loop3A_509, %parallel_loop3A_326 : i32
        %parallel_loop3A_511 = arith.index_cast %parallel_loop3A_510 : i32 to index
        %parallel_loop3A_512 = arith.constant 16 : index
        %parallel_loop3A_513 = tpu.vector_load %arg20[%parallel_loop3A_511, %parallel_loop3A_512] {strides = array<i32>} : memref<128x128xf32, #tpu.memory_space<vmem>>, vector<16xf32>,
        tpu.vector_store %arg20[%parallel_loop3A_511, %parallel_loop3A_512], %parallel_loop3A_508 {strides = array<i32>} : memref<128x128xf32, #tpu.memory_space<vmem>>, vector<16xf32>,
        %parallel_loop3A_514 = arith.mulf %parallel_loop3A_362, %parallel_loop3A_491 : vector<16xf32>
        %parallel_loop3A_515 = arith.addf %parallel_loop3A_514, %parallel_loop3A_495 : vector<16xf32>
        %parallel_loop3A_516 = arith.mulf %parallel_loop3A_515, %get3A_143 : vector<16xf32>
        %parallel_loop3A_517 = arith.addf %parallel_loop3A_516, %get3A_159 : vector<16xf32>
        %parallel_loop3A_518 = arith.constant 64 : i32
        %parallel_loop3A_519 = arith.addi %parallel_loop3A_518, %parallel_loop3A_326 : i32
        %parallel_loop3A_520 = arith.index_cast %parallel_loop3A_519 : i32 to index
        %parallel_loop3A_521 = arith.constant 32 : index
        %parallel_loop3A_522 = tpu.vector_load %arg20[%parallel_loop3A_520, %parallel_loop3A_521] {strides = array<i32>} : memref<128x128xf32, #tpu.memory_space<vmem>>, vector<16xf32>,
        tpu.vector_store %arg20[%parallel_loop3A_520, %parallel_loop3A_521], %parallel_loop3A_517 {strides = array<i32>} : memref<128x128xf32, #tpu.memory_space<vmem>>, vector<16xf32>,
        %parallel_loop3A_523 = arith.mulf %parallel_loop3A_373, %parallel_loop3A_491 : vector<16xf32>
        %parallel_loop3A_524 = arith.addf %parallel_loop3A_523, %parallel_loop3A_495 : vector<16xf32>
        %parallel_loop3A_525 = arith.mulf %parallel_loop3A_524, %get3A_145 : vector<16xf32>
        %parallel_loop3A_526 = arith.addf %parallel_loop3A_525, %get3A_161 : vector<16xf32>
        %parallel_loop3A_527 = arith.constant 64 : i32
        %parallel_loop3A_528 = arith.addi %parallel_loop3A_527, %parallel_loop3A_326 : i32
        %parallel_loop3A_529 = arith.index_cast %parallel_loop3A_528 : i32 to index
        %parallel_loop3A_530 = arith.constant 48 : index
        %parallel_loop3A_531 = tpu.vector_load %arg20[%parallel_loop3A_529, %parallel_loop3A_530] {strides = array<i32>} : memref<128x128xf32, #tpu.memory_space<vmem>>, vector<16xf32>,
        tpu.vector_store %arg20[%parallel_loop3A_529, %parallel_loop3A_530], %parallel_loop3A_526 {strides = array<i32>} : memref<128x128xf32, #tpu.memory_space<vmem>>, vector<16xf32>,
        %parallel_loop3A_532 = arith.mulf %parallel_loop3A_384, %parallel_loop3A_491 : vector<16xf32>
        %parallel_loop3A_533 = arith.addf %parallel_loop3A_532, %parallel_loop3A_495 : vector<16xf32>
        %parallel_loop3A_534 = arith.mulf %parallel_loop3A_533, %get3A_147 : vector<16xf32>
        %parallel_loop3A_535 = arith.addf %parallel_loop3A_534, %get3A_163 : vector<16xf32>
        %parallel_loop3A_536 = arith.constant 64 : i32
        %parallel_loop3A_537 = arith.addi %parallel_loop3A_536, %parallel_loop3A_326 : i32
        %parallel_loop3A_538 = arith.index_cast %parallel_loop3A_537 : i32 to index
        %parallel_loop3A_539 = arith.constant 64 : index
        %parallel_loop3A_540 = tpu.vector_load %arg20[%parallel_loop3A_538, %parallel_loop3A_539] {strides = array<i32>} : memref<128x128xf32, #tpu.memory_space<vmem>>, vector<16xf32>,
        tpu.vector_store %arg20[%parallel_loop3A_538, %parallel_loop3A_539], %parallel_loop3A_535 {strides = array<i32>} : memref<128x128xf32, #tpu.memory_space<vmem>>, vector<16xf32>,
        %parallel_loop3A_541 = arith.mulf %parallel_loop3A_395, %parallel_loop3A_491 : vector<16xf32>
        %parallel_loop3A_542 = arith.addf %parallel_loop3A_541, %parallel_loop3A_495 : vector<16xf32>
        %parallel_loop3A_543 = arith.mulf %parallel_loop3A_542, %get3A_149 : vector<16xf32>
        %parallel_loop3A_544 = arith.addf %parallel_loop3A_543, %get3A_165 : vector<16xf32>
        %parallel_loop3A_545 = arith.constant 64 : i32
        %parallel_loop3A_546 = arith.addi %parallel_loop3A_545, %parallel_loop3A_326 : i32
        %parallel_loop3A_547 = arith.index_cast %parallel_loop3A_546 : i32 to index
        %parallel_loop3A_548 = arith.constant 80 : index
        %parallel_loop3A_549 = tpu.vector_load %arg20[%parallel_loop3A_547, %parallel_loop3A_548] {strides = array<i32>} : memref<128x128xf32, #tpu.memory_space<vmem>>, vector<16xf32>,
        tpu.vector_store %arg20[%parallel_loop3A_547, %parallel_loop3A_548], %parallel_loop3A_544 {strides = array<i32>} : memref<128x128xf32, #tpu.memory_space<vmem>>, vector<16xf32>,
        %parallel_loop3A_550 = arith.mulf %parallel_loop3A_406, %parallel_loop3A_491 : vector<16xf32>
        %parallel_loop3A_551 = arith.addf %parallel_loop3A_550, %parallel_loop3A_495 : vector<16xf32>
        %parallel_loop3A_552 = arith.mulf %parallel_loop3A_551, %get3A_151 : vector<16xf32>
        %parallel_loop3A_553 = arith.addf %parallel_loop3A_552, %get3A_167 : vector<16xf32>
        %parallel_loop3A_554 = arith.constant 64 : i32
        %parallel_loop3A_555 = arith.addi %parallel_loop3A_554, %parallel_loop3A_326 : i32
        %parallel_loop3A_556 = arith.index_cast %parallel_loop3A_555 : i32 to index
        %parallel_loop3A_557 = arith.constant 96 : index
        %parallel_loop3A_558 = tpu.vector_load %arg20[%parallel_loop3A_556, %parallel_loop3A_557] {strides = array<i32>} : memref<128x128xf32, #tpu.memory_space<vmem>>, vector<16xf32>,
        tpu.vector_store %arg20[%parallel_loop3A_556, %parallel_loop3A_557], %parallel_loop3A_553 {strides = array<i32>} : memref<128x128xf32, #tpu.memory_space<vmem>>, vector<16xf32>,
        %parallel_loop3A_559 = arith.mulf %parallel_loop3A_417, %parallel_loop3A_491 : vector<16xf32>
        %parallel_loop3A_560 = arith.addf %parallel_loop3A_559, %parallel_loop3A_495 : vector<16xf32>
        %parallel_loop3A_561 = arith.mulf %parallel_loop3A_560, %get3A_153 : vector<16xf32>
        %parallel_loop3A_562 = arith.addf %parallel_loop3A_561, %get3A_169 : vector<16xf32>
        %parallel_loop3A_563 = arith.constant 64 : i32
        %parallel_loop3A_564 = arith.addi %parallel_loop3A_563, %parallel_loop3A_326 : i32
        %parallel_loop3A_565 = arith.index_cast %parallel_loop3A_564 : i32 to index
        %parallel_loop3A_566 = arith.constant 112 : index
        %parallel_loop3A_567 = tpu.vector_load %arg20[%parallel_loop3A_565, %parallel_loop3A_566] {strides = array<i32>} : memref<128x128xf32, #tpu.memory_space<vmem>>, vector<16xf32>,
        tpu.vector_store %arg20[%parallel_loop3A_565, %parallel_loop3A_566], %parallel_loop3A_562 {strides = array<i32>} : memref<128x128xf32, #tpu.memory_space<vmem>>, vector<16xf32>,
        %parallel_loop3A_568 = arith.constant 1 : i32
        %parallel_loop3A_569 = arith.addi %parallel_loop3A_322, %parallel_loop3A_568 : i32
        %parallel_loop3A_570 = vector.extract_strided_slice %parallel_loop3A_324 {offsets = [1], sizes = [1], strides = [1]} : vector<16xi32> to vector<1xi32>
        %parallel_loop3A_571 = vector.extract %parallel_loop3A_570[0] : i32 from vector<1xi32>
        %parallel_loop3A_572 = arith.addi %rem3A_137, %parallel_loop3A_569 : i32
        %parallel_loop3A_573 = arith.index_cast %parallel_loop3A_569 : i32 to index
        %parallel_loop3A_574 = arith.constant 0 : index
        %parallel_loop3A_575 = tpu.vector_load %arg19[%parallel_loop3A_573, %parallel_loop3A_574] {strides = array<i32>} : memref<64x128xf32, #tpu.memory_space<vmem>>, vector<16xf32>,
        %parallel_loop3A_576 = arith.index_cast %parallel_loop3A_572 : i32 to index
        %parallel_loop3A_577 = arith.constant 0 : index
        %parallel_loop3A_578 = tpu.vector_load %arg22[%parallel_loop3A_576, %parallel_loop3A_577] {strides = array<i32>} : memref<512x128xf32, #tpu.memory_space<vmem>>, vector<16xf32>,
        %parallel_loop3A_579 = arith.addf %parallel_loop3A_575, %parallel_loop3A_578 : vector<16xf32>
        %parallel_loop3A_580 = arith.index_cast %parallel_loop3A_571 : i32 to index
        %parallel_loop3A_581 = arith.constant 0 : index
        %parallel_loop3A_582 = tpu.vector_load %arg23[%parallel_loop3A_580, %parallel_loop3A_581] {strides = array<i32>} : memref<2x128xf32, #tpu.memory_space<vmem>>, vector<16xf32>,
        %parallel_loop3A_583 = arith.addf %parallel_loop3A_579, %parallel_loop3A_582 : vector<16xf32>
        %parallel_loop3A_584 = arith.index_cast %parallel_loop3A_569 : i32 to index
        %parallel_loop3A_585 = arith.constant 16 : index
        %parallel_loop3A_586 = tpu.vector_load %arg19[%parallel_loop3A_584, %parallel_loop3A_585] {strides = array<i32>} : memref<64x128xf32, #tpu.memory_space<vmem>>, vector<16xf32>,
        %parallel_loop3A_587 = arith.index_cast %parallel_loop3A_572 : i32 to index
        %parallel_loop3A_588 = arith.constant 16 : index
        %parallel_loop3A_589 = tpu.vector_load %arg22[%parallel_loop3A_587, %parallel_loop3A_588] {strides = array<i32>} : memref<512x128xf32, #tpu.memory_space<vmem>>, vector<16xf32>,
        %parallel_loop3A_590 = arith.addf %parallel_loop3A_586, %parallel_loop3A_589 : vector<16xf32>
        %parallel_loop3A_591 = arith.index_cast %parallel_loop3A_571 : i32 to index
        %parallel_loop3A_592 = arith.constant 16 : index
        %parallel_loop3A_593 = tpu.vector_load %arg23[%parallel_loop3A_591, %parallel_loop3A_592] {strides = array<i32>} : memref<2x128xf32, #tpu.memory_space<vmem>>, vector<16xf32>,
        %parallel_loop3A_594 = arith.addf %parallel_loop3A_590, %parallel_loop3A_593 : vector<16xf32>
        %parallel_loop3A_595 = arith.index_cast %parallel_loop3A_569 : i32 to index
        %parallel_loop3A_596 = arith.constant 32 : index
        %parallel_loop3A_597 = tpu.vector_load %arg19[%parallel_loop3A_595, %parallel_loop3A_596] {strides = array<i32>} : memref<64x128xf32, #tpu.memory_space<vmem>>, vector<16xf32>,
        %parallel_loop3A_598 = arith.index_cast %parallel_loop3A_572 : i32 to index
        %parallel_loop3A_599 = arith.constant 32 : index
        %parallel_loop3A_600 = tpu.vector_load %arg22[%parallel_loop3A_598, %parallel_loop3A_599] {strides = array<i32>} : memref<512x128xf32, #tpu.memory_space<vmem>>, vector<16xf32>,
        %parallel_loop3A_601 = arith.addf %parallel_loop3A_597, %parallel_loop3A_600 : vector<16xf32>
        %parallel_loop3A_602 = arith.index_cast %parallel_loop3A_571 : i32 to index
        %parallel_loop3A_603 = arith.constant 32 : index
        %parallel_loop3A_604 = tpu.vector_load %arg23[%parallel_loop3A_602, %parallel_loop3A_603] {strides = array<i32>} : memref<2x128xf32, #tpu.memory_space<vmem>>, vector<16xf32>,
        %parallel_loop3A_605 = arith.addf %parallel_loop3A_601, %parallel_loop3A_604 : vector<16xf32>
        %parallel_loop3A_606 = arith.index_cast %parallel_loop3A_569 : i32 to index
        %parallel_loop3A_607 = arith.constant 48 : index
        %parallel_loop3A_608 = tpu.vector_load %arg19[%parallel_loop3A_606, %parallel_loop3A_607] {strides = array<i32>} : memref<64x128xf32, #tpu.memory_space<vmem>>, vector<16xf32>,
        %parallel_loop3A_609 = arith.index_cast %parallel_loop3A_572 : i32 to index
        %parallel_loop3A_610 = arith.constant 48 : index
        %parallel_loop3A_611 = tpu.vector_load %arg22[%parallel_loop3A_609, %parallel_loop3A_610] {strides = array<i32>} : memref<512x128xf32, #tpu.memory_space<vmem>>, vector<16xf32>,
        %parallel_loop3A_612 = arith.addf %parallel_loop3A_608, %parallel_loop3A_611 : vector<16xf32>
        %parallel_loop3A_613 = arith.index_cast %parallel_loop3A_571 : i32 to index
        %parallel_loop3A_614 = arith.constant 48 : index
        %parallel_loop3A_615 = tpu.vector_load %arg23[%parallel_loop3A_613, %parallel_loop3A_614] {strides = array<i32>} : memref<2x128xf32, #tpu.memory_space<vmem>>, vector<16xf32>,
        %parallel_loop3A_616 = arith.addf %parallel_loop3A_612, %parallel_loop3A_615 : vector<16xf32>
        %parallel_loop3A_617 = arith.index_cast %parallel_loop3A_569 : i32 to index
        %parallel_loop3A_618 = arith.constant 64 : index
        %parallel_loop3A_619 = tpu.vector_load %arg19[%parallel_loop3A_617, %parallel_loop3A_618] {strides = array<i32>} : memref<64x128xf32, #tpu.memory_space<vmem>>, vector<16xf32>,
        %parallel_loop3A_620 = arith.index_cast %parallel_loop3A_572 : i32 to index
        %parallel_loop3A_621 = arith.constant 64 : index
        %parallel_loop3A_622 = tpu.vector_load %arg22[%parallel_loop3A_620, %parallel_loop3A_621] {strides = array<i32>} : memref<512x128xf32, #tpu.memory_space<vmem>>, vector<16xf32>,
        %parallel_loop3A_623 = arith.addf %parallel_loop3A_619, %parallel_loop3A_622 : vector<16xf32>
        %parallel_loop3A_624 = arith.index_cast %parallel_loop3A_571 : i32 to index
        %parallel_loop3A_625 = arith.constant 64 : index
        %parallel_loop3A_626 = tpu.vector_load %arg23[%parallel_loop3A_624, %parallel_loop3A_625] {strides = array<i32>} : memref<2x128xf32, #tpu.memory_space<vmem>>, vector<16xf32>,
        %parallel_loop3A_627 = arith.addf %parallel_loop3A_623, %parallel_loop3A_626 : vector<16xf32>
        %parallel_loop3A_628 = arith.index_cast %parallel_loop3A_569 : i32 to index
        %parallel_loop3A_629 = arith.constant 80 : index
        %parallel_loop3A_630 = tpu.vector_load %arg19[%parallel_loop3A_628, %parallel_loop3A_629] {strides = array<i32>} : memref<64x128xf32, #tpu.memory_space<vmem>>, vector<16xf32>,
        %parallel_loop3A_631 = arith.index_cast %parallel_loop3A_572 : i32 to index
        %parallel_loop3A_632 = arith.constant 80 : index
        %parallel_loop3A_633 = tpu.vector_load %arg22[%parallel_loop3A_631, %parallel_loop3A_632] {strides = array<i32>} : memref<512x128xf32, #tpu.memory_space<vmem>>, vector<16xf32>,
        %parallel_loop3A_634 = arith.addf %parallel_loop3A_630, %parallel_loop3A_633 : vector<16xf32>
        %parallel_loop3A_635 = arith.index_cast %parallel_loop3A_571 : i32 to index
        %parallel_loop3A_636 = arith.constant 80 : index
        %parallel_loop3A_637 = tpu.vector_load %arg23[%parallel_loop3A_635, %parallel_loop3A_636] {strides = array<i32>} : memref<2x128xf32, #tpu.memory_space<vmem>>, vector<16xf32>,
        %parallel_loop3A_638 = arith.addf %parallel_loop3A_634, %parallel_loop3A_637 : vector<16xf32>
        %parallel_loop3A_639 = arith.index_cast %parallel_loop3A_569 : i32 to index
        %parallel_loop3A_640 = arith.constant 96 : index
        %parallel_loop3A_641 = tpu.vector_load %arg19[%parallel_loop3A_639, %parallel_loop3A_640] {strides = array<i32>} : memref<64x128xf32, #tpu.memory_space<vmem>>, vector<16xf32>,
        %parallel_loop3A_642 = arith.index_cast %parallel_loop3A_572 : i32 to index
        %parallel_loop3A_643 = arith.constant 96 : index
        %parallel_loop3A_644 = tpu.vector_load %arg22[%parallel_loop3A_642, %parallel_loop3A_643] {strides = array<i32>} : memref<512x128xf32, #tpu.memory_space<vmem>>, vector<16xf32>,
        %parallel_loop3A_645 = arith.addf %parallel_loop3A_641, %parallel_loop3A_644 : vector<16xf32>
        %parallel_loop3A_646 = arith.index_cast %parallel_loop3A_571 : i32 to index
        %parallel_loop3A_647 = arith.constant 96 : index
        %parallel_loop3A_648 = tpu.vector_load %arg23[%parallel_loop3A_646, %parallel_loop3A_647] {strides = array<i32>} : memref<2x128xf32, #tpu.memory_space<vmem>>, vector<16xf32>,
        %parallel_loop3A_649 = arith.addf %parallel_loop3A_645, %parallel_loop3A_648 : vector<16xf32>
        %parallel_loop3A_650 = arith.index_cast %parallel_loop3A_569 : i32 to index
        %parallel_loop3A_651 = arith.constant 112 : index
        %parallel_loop3A_652 = tpu.vector_load %arg19[%parallel_loop3A_650, %parallel_loop3A_651] {strides = array<i32>} : memref<64x128xf32, #tpu.memory_space<vmem>>, vector<16xf32>,
        %parallel_loop3A_653 = arith.index_cast %parallel_loop3A_572 : i32 to index
        %parallel_loop3A_654 = arith.constant 112 : index
        %parallel_loop3A_655 = tpu.vector_load %arg22[%parallel_loop3A_653, %parallel_loop3A_654] {strides = array<i32>} : memref<512x128xf32, #tpu.memory_space<vmem>>, vector<16xf32>,
        %parallel_loop3A_656 = arith.addf %parallel_loop3A_652, %parallel_loop3A_655 : vector<16xf32>
        %parallel_loop3A_657 = arith.index_cast %parallel_loop3A_571 : i32 to index
        %parallel_loop3A_658 = arith.constant 112 : index
        %parallel_loop3A_659 = tpu.vector_load %arg23[%parallel_loop3A_657, %parallel_loop3A_658] {strides = array<i32>} : memref<2x128xf32, #tpu.memory_space<vmem>>, vector<16xf32>,
        %parallel_loop3A_660 = arith.addf %parallel_loop3A_656, %parallel_loop3A_659 : vector<16xf32>
        %parallel_loop3A_661 = arith.addf %parallel_loop3A_583, %parallel_loop3A_594 : vector<16xf32>
        %parallel_loop3A_662 = arith.addf %parallel_loop3A_605, %parallel_loop3A_616 : vector<16xf32>
        %parallel_loop3A_663 = arith.addf %parallel_loop3A_627, %parallel_loop3A_638 : vector<16xf32>
        %parallel_loop3A_664 = arith.addf %parallel_loop3A_649, %parallel_loop3A_660 : vector<16xf32>
        %parallel_loop3A_665 = arith.addf %parallel_loop3A_661, %parallel_loop3A_662 : vector<16xf32>
        %parallel_loop3A_666 = arith.addf %parallel_loop3A_663, %parallel_loop3A_664 : vector<16xf32>
        %parallel_loop3A_667 = arith.addf %parallel_loop3A_665, %parallel_loop3A_666 : vector<16xf32>
        %parallel_loop3A_668 = arith.constant true
        %parallel_loop3A_669 = vector.broadcast %parallel_loop3A_668 : i1 to vector<16xi1>
        %parallel_loop3A_670 = tpu.scan <sum>, %parallel_loop3A_667 masked %parallel_loop3A_669 : vector<16xf32>, vector<16xi1> -> vector<16xf32>
        %parallel_loop3A_671 = vector.extract %parallel_loop3A_670[15] : f32 from vector<16xf32>
        %parallel_loop3A_672 = arith.mulf %parallel_loop3A_583, %parallel_loop3A_583 : vector<16xf32>
        %parallel_loop3A_673 = arith.mulf %parallel_loop3A_594, %parallel_loop3A_594 : vector<16xf32>
        %parallel_loop3A_674 = arith.mulf %parallel_loop3A_605, %parallel_loop3A_605 : vector<16xf32>
        %parallel_loop3A_675 = arith.mulf %parallel_loop3A_616, %parallel_loop3A_616 : vector<16xf32>
        %parallel_loop3A_676 = arith.mulf %parallel_loop3A_627, %parallel_loop3A_627 : vector<16xf32>
        %parallel_loop3A_677 = arith.mulf %parallel_loop3A_638, %parallel_loop3A_638 : vector<16xf32>
        %parallel_loop3A_678 = arith.mulf %parallel_loop3A_649, %parallel_loop3A_649 : vector<16xf32>
        %parallel_loop3A_679 = arith.mulf %parallel_loop3A_660, %parallel_loop3A_660 : vector<16xf32>
        %parallel_loop3A_680 = arith.addf %parallel_loop3A_672, %parallel_loop3A_673 : vector<16xf32>
        %parallel_loop3A_681 = arith.addf %parallel_loop3A_674, %parallel_loop3A_675 : vector<16xf32>
        %parallel_loop3A_682 = arith.addf %parallel_loop3A_676, %parallel_loop3A_677 : vector<16xf32>
        %parallel_loop3A_683 = arith.addf %parallel_loop3A_678, %parallel_loop3A_679 : vector<16xf32>
        %parallel_loop3A_684 = arith.addf %parallel_loop3A_680, %parallel_loop3A_681 : vector<16xf32>
        %parallel_loop3A_685 = arith.addf %parallel_loop3A_682, %parallel_loop3A_683 : vector<16xf32>
        %parallel_loop3A_686 = arith.addf %parallel_loop3A_684, %parallel_loop3A_685 : vector<16xf32>
        %parallel_loop3A_687 = arith.constant true
        %parallel_loop3A_688 = vector.broadcast %parallel_loop3A_687 : i1 to vector<16xi1>
        %parallel_loop3A_689 = tpu.scan <sum>, %parallel_loop3A_686 masked %parallel_loop3A_688 : vector<16xf32>, vector<16xi1> -> vector<16xf32>
        %parallel_loop3A_690 = vector.extract %parallel_loop3A_689[15] : f32 from vector<16xf32>
        %parallel_loop3A_691 = arith.constant 7.812500e-03 : f32
        %parallel_loop3A_692 = arith.mulf %parallel_loop3A_671, %parallel_loop3A_691 : f32
        %parallel_loop3A_693 = arith.constant 7.812500e-03 : f32
        %parallel_loop3A_694 = arith.mulf %parallel_loop3A_690, %parallel_loop3A_693 : f32
        %parallel_loop3A_695 = arith.mulf %parallel_loop3A_692, %parallel_loop3A_692 : f32
        %parallel_loop3A_696 = arith.subf %parallel_loop3A_694, %parallel_loop3A_695 : f32
        %parallel_loop3A_697 = arith.constant 9.99999974E-6 : f32
        %parallel_loop3A_698 = arith.addf %parallel_loop3A_696, %parallel_loop3A_697 : f32
        %parallel_loop3A_699 = vector.broadcast %parallel_loop3A_698 : f32 to vector<16xf32>
        %parallel_loop3A_700 = tpu.bitcast %parallel_loop3A_699 : vector<16xf32> -> vector<16xi32>
        %parallel_loop3A_701 = arith.constant 1 : i32
        %parallel_loop3A_702 = vector.broadcast %parallel_loop3A_701 : i32 to vector<16xi32>
        %parallel_loop3A_703 = arith.shrsi %parallel_loop3A_700, %parallel_loop3A_702 : vector<16xi32>
        %parallel_loop3A_704 = arith.constant 1597463007 : i32
        %parallel_loop3A_705 = vector.broadcast %parallel_loop3A_704 : i32 to vector<16xi32>
        %parallel_loop3A_706 = arith.subi %parallel_loop3A_705, %parallel_loop3A_703 : vector<16xi32>
        %parallel_loop3A_707 = tpu.bitcast %parallel_loop3A_706 : vector<16xi32> -> vector<16xf32>
        %parallel_loop3A_708 = arith.constant 5.000000e-01 : f32
        %parallel_loop3A_709 = vector.broadcast %parallel_loop3A_708 : f32 to vector<16xf32>
        %parallel_loop3A_710 = arith.mulf %parallel_loop3A_709, %parallel_loop3A_699 : vector<16xf32>
        %parallel_loop3A_711 = arith.mulf %parallel_loop3A_710, %parallel_loop3A_707 : vector<16xf32>
        %parallel_loop3A_712 = arith.mulf %parallel_loop3A_711, %parallel_loop3A_707 : vector<16xf32>
        %parallel_loop3A_713 = arith.constant 1.500000e+00 : f32
        %parallel_loop3A_714 = vector.broadcast %parallel_loop3A_713 : f32 to vector<16xf32>
        %parallel_loop3A_715 = arith.subf %parallel_loop3A_714, %parallel_loop3A_712 : vector<16xf32>
        %parallel_loop3A_716 = arith.mulf %parallel_loop3A_707, %parallel_loop3A_715 : vector<16xf32>
        %parallel_loop3A_717 = arith.constant 5.000000e-01 : f32
        %parallel_loop3A_718 = vector.broadcast %parallel_loop3A_717 : f32 to vector<16xf32>
        %parallel_loop3A_719 = arith.mulf %parallel_loop3A_718, %parallel_loop3A_699 : vector<16xf32>
        %parallel_loop3A_720 = arith.mulf %parallel_loop3A_719, %parallel_loop3A_716 : vector<16xf32>
        %parallel_loop3A_721 = arith.mulf %parallel_loop3A_720, %parallel_loop3A_716 : vector<16xf32>
        %parallel_loop3A_722 = arith.constant 1.500000e+00 : f32
        %parallel_loop3A_723 = vector.broadcast %parallel_loop3A_722 : f32 to vector<16xf32>
        %parallel_loop3A_724 = arith.subf %parallel_loop3A_723, %parallel_loop3A_721 : vector<16xf32>
        %parallel_loop3A_725 = arith.mulf %parallel_loop3A_716, %parallel_loop3A_724 : vector<16xf32>
        %parallel_loop3A_726 = arith.constant 5.000000e-01 : f32
        %parallel_loop3A_727 = vector.broadcast %parallel_loop3A_726 : f32 to vector<16xf32>
        %parallel_loop3A_728 = arith.mulf %parallel_loop3A_727, %parallel_loop3A_699 : vector<16xf32>
        %parallel_loop3A_729 = arith.mulf %parallel_loop3A_728, %parallel_loop3A_725 : vector<16xf32>
        %parallel_loop3A_730 = arith.mulf %parallel_loop3A_729, %parallel_loop3A_725 : vector<16xf32>
        %parallel_loop3A_731 = arith.constant 1.500000e+00 : f32
        %parallel_loop3A_732 = vector.broadcast %parallel_loop3A_731 : f32 to vector<16xf32>
        %parallel_loop3A_733 = arith.subf %parallel_loop3A_732, %parallel_loop3A_730 : vector<16xf32>
        %parallel_loop3A_734 = arith.mulf %parallel_loop3A_725, %parallel_loop3A_733 : vector<16xf32>
        %parallel_loop3A_735 = arith.constant 0.000000e+00 : f32
        %parallel_loop3A_736 = arith.subf %parallel_loop3A_735, %parallel_loop3A_692 : f32
        %parallel_loop3A_737 = vector.broadcast %parallel_loop3A_736 : f32 to vector<16xf32>
        %parallel_loop3A_738 = arith.mulf %parallel_loop3A_737, %parallel_loop3A_734 : vector<16xf32>
        %parallel_loop3A_739 = arith.mulf %parallel_loop3A_583, %parallel_loop3A_734 : vector<16xf32>
        %parallel_loop3A_740 = arith.addf %parallel_loop3A_739, %parallel_loop3A_738 : vector<16xf32>
        %parallel_loop3A_741 = arith.mulf %parallel_loop3A_740, %get3A_139 : vector<16xf32>
        %parallel_loop3A_742 = arith.addf %parallel_loop3A_741, %get3A_155 : vector<16xf32>
        %parallel_loop3A_743 = arith.constant 64 : i32
        %parallel_loop3A_744 = arith.addi %parallel_loop3A_743, %parallel_loop3A_569 : i32
        %parallel_loop3A_745 = arith.index_cast %parallel_loop3A_744 : i32 to index
        %parallel_loop3A_746 = arith.constant 0 : index
        %parallel_loop3A_747 = tpu.vector_load %arg20[%parallel_loop3A_745, %parallel_loop3A_746] {strides = array<i32>} : memref<128x128xf32, #tpu.memory_space<vmem>>, vector<16xf32>,
        tpu.vector_store %arg20[%parallel_loop3A_745, %parallel_loop3A_746], %parallel_loop3A_742 {strides = array<i32>} : memref<128x128xf32, #tpu.memory_space<vmem>>, vector<16xf32>,
        %parallel_loop3A_748 = arith.mulf %parallel_loop3A_594, %parallel_loop3A_734 : vector<16xf32>
        %parallel_loop3A_749 = arith.addf %parallel_loop3A_748, %parallel_loop3A_738 : vector<16xf32>
        %parallel_loop3A_750 = arith.mulf %parallel_loop3A_749, %get3A_141 : vector<16xf32>
        %parallel_loop3A_751 = arith.addf %parallel_loop3A_750, %get3A_157 : vector<16xf32>
        %parallel_loop3A_752 = arith.constant 64 : i32
        %parallel_loop3A_753 = arith.addi %parallel_loop3A_752, %parallel_loop3A_569 : i32
        %parallel_loop3A_754 = arith.index_cast %parallel_loop3A_753 : i32 to index
        %parallel_loop3A_755 = arith.constant 16 : index
        %parallel_loop3A_756 = tpu.vector_load %arg20[%parallel_loop3A_754, %parallel_loop3A_755] {strides = array<i32>} : memref<128x128xf32, #tpu.memory_space<vmem>>, vector<16xf32>,
        tpu.vector_store %arg20[%parallel_loop3A_754, %parallel_loop3A_755], %parallel_loop3A_751 {strides = array<i32>} : memref<128x128xf32, #tpu.memory_space<vmem>>, vector<16xf32>,
        %parallel_loop3A_757 = arith.mulf %parallel_loop3A_605, %parallel_loop3A_734 : vector<16xf32>
        %parallel_loop3A_758 = arith.addf %parallel_loop3A_757, %parallel_loop3A_738 : vector<16xf32>
        %parallel_loop3A_759 = arith.mulf %parallel_loop3A_758, %get3A_143 : vector<16xf32>
        %parallel_loop3A_760 = arith.addf %parallel_loop3A_759, %get3A_159 : vector<16xf32>
        %parallel_loop3A_761 = arith.constant 64 : i32
        %parallel_loop3A_762 = arith.addi %parallel_loop3A_761, %parallel_loop3A_569 : i32
        %parallel_loop3A_763 = arith.index_cast %parallel_loop3A_762 : i32 to index
        %parallel_loop3A_764 = arith.constant 32 : index
        %parallel_loop3A_765 = tpu.vector_load %arg20[%parallel_loop3A_763, %parallel_loop3A_764] {strides = array<i32>} : memref<128x128xf32, #tpu.memory_space<vmem>>, vector<16xf32>,
        tpu.vector_store %arg20[%parallel_loop3A_763, %parallel_loop3A_764], %parallel_loop3A_760 {strides = array<i32>} : memref<128x128xf32, #tpu.memory_space<vmem>>, vector<16xf32>,
        %parallel_loop3A_766 = arith.mulf %parallel_loop3A_616, %parallel_loop3A_734 : vector<16xf32>
        %parallel_loop3A_767 = arith.addf %parallel_loop3A_766, %parallel_loop3A_738 : vector<16xf32>
        %parallel_loop3A_768 = arith.mulf %parallel_loop3A_767, %get3A_145 : vector<16xf32>
        %parallel_loop3A_769 = arith.addf %parallel_loop3A_768, %get3A_161 : vector<16xf32>
        %parallel_loop3A_770 = arith.constant 64 : i32
        %parallel_loop3A_771 = arith.addi %parallel_loop3A_770, %parallel_loop3A_569 : i32
        %parallel_loop3A_772 = arith.index_cast %parallel_loop3A_771 : i32 to index
        %parallel_loop3A_773 = arith.constant 48 : index
        %parallel_loop3A_774 = tpu.vector_load %arg20[%parallel_loop3A_772, %parallel_loop3A_773] {strides = array<i32>} : memref<128x128xf32, #tpu.memory_space<vmem>>, vector<16xf32>,
        tpu.vector_store %arg20[%parallel_loop3A_772, %parallel_loop3A_773], %parallel_loop3A_769 {strides = array<i32>} : memref<128x128xf32, #tpu.memory_space<vmem>>, vector<16xf32>,
        %parallel_loop3A_775 = arith.mulf %parallel_loop3A_627, %parallel_loop3A_734 : vector<16xf32>
        %parallel_loop3A_776 = arith.addf %parallel_loop3A_775, %parallel_loop3A_738 : vector<16xf32>
        %parallel_loop3A_777 = arith.mulf %parallel_loop3A_776, %get3A_147 : vector<16xf32>
        %parallel_loop3A_778 = arith.addf %parallel_loop3A_777, %get3A_163 : vector<16xf32>
        %parallel_loop3A_779 = arith.constant 64 : i32
        %parallel_loop3A_780 = arith.addi %parallel_loop3A_779, %parallel_loop3A_569 : i32
        %parallel_loop3A_781 = arith.index_cast %parallel_loop3A_780 : i32 to index
        %parallel_loop3A_782 = arith.constant 64 : index
        %parallel_loop3A_783 = tpu.vector_load %arg20[%parallel_loop3A_781, %parallel_loop3A_782] {strides = array<i32>} : memref<128x128xf32, #tpu.memory_space<vmem>>, vector<16xf32>,
        tpu.vector_store %arg20[%parallel_loop3A_781, %parallel_loop3A_782], %parallel_loop3A_778 {strides = array<i32>} : memref<128x128xf32, #tpu.memory_space<vmem>>, vector<16xf32>,
        %parallel_loop3A_784 = arith.mulf %parallel_loop3A_638, %parallel_loop3A_734 : vector<16xf32>
        %parallel_loop3A_785 = arith.addf %parallel_loop3A_784, %parallel_loop3A_738 : vector<16xf32>
        %parallel_loop3A_786 = arith.mulf %parallel_loop3A_785, %get3A_149 : vector<16xf32>
        %parallel_loop3A_787 = arith.addf %parallel_loop3A_786, %get3A_165 : vector<16xf32>
        %parallel_loop3A_788 = arith.constant 64 : i32
        %parallel_loop3A_789 = arith.addi %parallel_loop3A_788, %parallel_loop3A_569 : i32
        %parallel_loop3A_790 = arith.index_cast %parallel_loop3A_789 : i32 to index
        %parallel_loop3A_791 = arith.constant 80 : index
        %parallel_loop3A_792 = tpu.vector_load %arg20[%parallel_loop3A_790, %parallel_loop3A_791] {strides = array<i32>} : memref<128x128xf32, #tpu.memory_space<vmem>>, vector<16xf32>,
        tpu.vector_store %arg20[%parallel_loop3A_790, %parallel_loop3A_791], %parallel_loop3A_787 {strides = array<i32>} : memref<128x128xf32, #tpu.memory_space<vmem>>, vector<16xf32>,
        %parallel_loop3A_793 = arith.mulf %parallel_loop3A_649, %parallel_loop3A_734 : vector<16xf32>
        %parallel_loop3A_794 = arith.addf %parallel_loop3A_793, %parallel_loop3A_738 : vector<16xf32>
        %parallel_loop3A_795 = arith.mulf %parallel_loop3A_794, %get3A_151 : vector<16xf32>
        %parallel_loop3A_796 = arith.addf %parallel_loop3A_795, %get3A_167 : vector<16xf32>
        %parallel_loop3A_797 = arith.constant 64 : i32
        %parallel_loop3A_798 = arith.addi %parallel_loop3A_797, %parallel_loop3A_569 : i32
        %parallel_loop3A_799 = arith.index_cast %parallel_loop3A_798 : i32 to index
        %parallel_loop3A_800 = arith.constant 96 : index
        %parallel_loop3A_801 = tpu.vector_load %arg20[%parallel_loop3A_799, %parallel_loop3A_800] {strides = array<i32>} : memref<128x128xf32, #tpu.memory_space<vmem>>, vector<16xf32>,
        tpu.vector_store %arg20[%parallel_loop3A_799, %parallel_loop3A_800], %parallel_loop3A_796 {strides = array<i32>} : memref<128x128xf32, #tpu.memory_space<vmem>>, vector<16xf32>,
        %parallel_loop3A_802 = arith.mulf %parallel_loop3A_660, %parallel_loop3A_734 : vector<16xf32>
        %parallel_loop3A_803 = arith.addf %parallel_loop3A_802, %parallel_loop3A_738 : vector<16xf32>
        %parallel_loop3A_804 = arith.mulf %parallel_loop3A_803, %get3A_153 : vector<16xf32>
        %parallel_loop3A_805 = arith.addf %parallel_loop3A_804, %get3A_169 : vector<16xf32>
        %parallel_loop3A_806 = arith.constant 64 : i32
        %parallel_loop3A_807 = arith.addi %parallel_loop3A_806, %parallel_loop3A_569 : i32
        %parallel_loop3A_808 = arith.index_cast %parallel_loop3A_807 : i32 to index
        %parallel_loop3A_809 = arith.constant 112 : index
        %parallel_loop3A_810 = tpu.vector_load %arg20[%parallel_loop3A_808, %parallel_loop3A_809] {strides = array<i32>} : memref<128x128xf32, #tpu.memory_space<vmem>>, vector<16xf32>,
        tpu.vector_store %arg20[%parallel_loop3A_808, %parallel_loop3A_809], %parallel_loop3A_805 {strides = array<i32>} : memref<128x128xf32, #tpu.memory_space<vmem>>, vector<16xf32>,
      } {sc.loop_unroll_factor = 1 : i64, sc.parallel_access}
      %add3A_173 = arith.constant 3 : i32
      %add3A_174 = arith.addi %add3A_123, %add3A_173 : i32
      %lt3A_175 = arith.constant 256 : i32
      %lt3A_176 = arith.cmpi slt, %add3A_174, %lt3A_175 : i32
      %convert_element_type3A_177 = arith.extui %lt3A_176 : i1 to i32
      %cond3A_178 = arith.constant 0 : i32
      %cond3A_179 = arith.cmpi ne, %convert_element_type3A_177, %cond3A_178 : i32
      scf.if %cond3A_179 {
        %add3A_322 = arith.constant 3 : i32
        %add3A_323 = arith.addi %add3A_123, %add3A_322 : i32
        %mul3A_324 = arith.constant 64 : i32
        %mul3A_325 = arith.muli %add3A_323, %mul3A_324 : i32
        %add3A_326 = arith.addi %mul3A_2, %mul3A_325 : i32
        %dma_start3A_327 = tpu.memref_slice %arg2[%add3A_326] : memref<524288xi32, #tpu.memory_space<hbm>> -> memref<64xi32, #tpu.memory_space<hbm>>
        %dma_start3A_328 = tpu.memref_slice %arg2[%add3A_326] : memref<524288xi32, #tpu.memory_space<hbm>> -> memref<64xi32, #tpu.memory_space<hbm>>
        tpu.enqueue_dma source(%dma_start3A_328 : memref<64xi32, #tpu.memory_space<hbm>>) target(%arg10 : memref<64xi32, #tpu.memory_space<vmem>>) target_semaphore(%arg28 : memref<!tpu.dma_semaphore, #tpu.memory_space<semaphore_mem>>)
        %dma_start3A_329 = arith.constant 0 : i32
        %dma_start3A_330 = tpu.memref_slice %arg14[%dma_start3A_329] : memref<80xi32, #tpu.memory_space<vmem>> -> memref<64xi32, #tpu.memory_space<vmem>>
        %dma_start3A_331 = tpu.memref_slice %arg3[%add3A_326] : memref<524288xi32, #tpu.memory_space<hbm>> -> memref<64xi32, #tpu.memory_space<hbm>>
        %dma_start3A_332 = arith.constant 0 : i32
        %dma_start3A_333 = tpu.memref_slice %arg14[%dma_start3A_332] : memref<80xi32, #tpu.memory_space<vmem>> -> memref<64xi32, #tpu.memory_space<vmem>>
        %dma_start3A_334 = tpu.memref_slice %arg3[%add3A_326] : memref<524288xi32, #tpu.memory_space<hbm>> -> memref<64xi32, #tpu.memory_space<hbm>>
        tpu.enqueue_dma source(%dma_start3A_334 : memref<64xi32, #tpu.memory_space<hbm>>) target(%dma_start3A_333 : memref<64xi32, #tpu.memory_space<vmem>>) target_semaphore(%arg28 : memref<!tpu.dma_semaphore, #tpu.memory_space<semaphore_mem>>)
      } else {
      }
      %sub3A = arith.constant 1 : i32
      %sub3A_180 = arith.subi %add3A_123, %sub3A : i32
      %mul3A_181 = arith.constant 64 : i32
      %mul3A_182 = arith.muli %sub3A_180, %mul3A_181 : i32
      %add3A_183 = arith.addi %mul3A_2, %mul3A_182 : i32
      %dma_start3A_184 = arith.constant 0 : i32
      %dma_start3A_185 = tpu.memref_slice %arg9[%add3A_183, %dma_start3A_184] : memref<524288x128xf32, #tpu.memory_space<hbm>> -> memref<128x128xf32, #tpu.memory_space<hbm>>
      %dma_start3A_186 = arith.constant 0 : i32
      %dma_start3A_187 = tpu.memref_slice %arg9[%add3A_183, %dma_start3A_186] : memref<524288x128xf32, #tpu.memory_space<hbm>> -> memref<128x128xf32, #tpu.memory_space<hbm>>
      tpu.enqueue_dma source(%arg20 : memref<128x128xf32, #tpu.memory_space<vmem>>) target(%dma_start3A_187 : memref<128x128xf32, #tpu.memory_space<hbm>>) target_semaphore(%arg32 : memref<!tpu.dma_semaphore, #tpu.memory_space<semaphore_mem>>)
      %mul3A_188 = arith.constant 4 : i32
      %mul3A_189 = arith.muli %mul3A_188, %scan3A_61 : i32
      %add3A_190 = arith.constant 2 : i32
      %add3A_191 = arith.addi %mul3A_189, %add3A_190 : i32
      %add3A_192 = arith.constant 1 : i32
      %add3A_193 = arith.addi %add3A_191, %add3A_192 : i32
      %lt3A_194 = arith.constant 256 : i32
      %lt3A_195 = arith.cmpi slt, %add3A_193, %lt3A_194 : i32
      %convert_element_type3A_196 = arith.extui %lt3A_195 : i1 to i32
      %cond3A_197 = arith.constant 0 : i32
      %cond3A_198 = arith.cmpi ne, %convert_element_type3A_196, %cond3A_197 : i32
      scf.if %cond3A_198 {
        %add3A_322 = arith.constant 1 : i32
        %add3A_323 = arith.addi %add3A_191, %add3A_322 : i32
        %mul3A_324 = arith.constant 64 : i32
        %mul3A_325 = arith.muli %add3A_323, %mul3A_324 : i32
        %add3A_326 = arith.addi %mul3A_2, %mul3A_325 : i32
        %dma_wait3A_327 = tpu.memref_slice %arg2[%add3A_326] : memref<524288xi32, #tpu.memory_space<hbm>> -> memref<64xi32, #tpu.memory_space<hbm>>
        %dma_wait3A_328 = tpu.memref_slice %arg2[%add3A_326] : memref<524288xi32, #tpu.memory_space<hbm>> -> memref<64xi32, #tpu.memory_space<hbm>>
        tpu.wait_dma2 semaphore(%arg31 : memref<!tpu.dma_semaphore, #tpu.memory_space<semaphore_mem>>) src(%dma_wait3A_328 : memref<64xi32, #tpu.memory_space<hbm>>) dst(%arg13 : memref<64xi32, #tpu.memory_space<vmem>>)
        %dma_wait3A_329 = arith.constant 0 : i32
        %dma_wait3A_330 = tpu.memref_slice %arg17[%dma_wait3A_329] : memref<80xi32, #tpu.memory_space<vmem>> -> memref<64xi32, #tpu.memory_space<vmem>>
        %dma_wait3A_331 = tpu.memref_slice %arg3[%add3A_326] : memref<524288xi32, #tpu.memory_space<hbm>> -> memref<64xi32, #tpu.memory_space<hbm>>
        %dma_wait3A_332 = arith.constant 0 : i32
        %dma_wait3A_333 = tpu.memref_slice %arg17[%dma_wait3A_332] : memref<80xi32, #tpu.memory_space<vmem>> -> memref<64xi32, #tpu.memory_space<vmem>>
        %dma_wait3A_334 = tpu.memref_slice %arg3[%add3A_326] : memref<524288xi32, #tpu.memory_space<hbm>> -> memref<64xi32, #tpu.memory_space<hbm>>
        tpu.wait_dma2 semaphore(%arg31 : memref<!tpu.dma_semaphore, #tpu.memory_space<semaphore_mem>>) src(%dma_wait3A_334 : memref<64xi32, #tpu.memory_space<hbm>>) dst(%dma_wait3A_333 : memref<64xi32, #tpu.memory_space<vmem>>)
        %dma_start3A_335 = arith.constant 0 : i32
        %dma_start3A_336 = arith.constant 0 : i32
        %dma_start3A_337 = tpu.memref_slice %arg4[%dma_start3A_335, %dma_start3A_336] : memref<100000x128xf32, #tpu.memory_space<hbm>> -> memref<100000x128xf32, #tpu.memory_space<hbm>>
        tpu.enqueue_indirect_dma source(%dma_start3A_337 : memref<100000x128xf32, #tpu.memory_space<hbm>>) target(%arg19 : memref<64x128xf32, #tpu.memory_space<vmem>>) offsets(%arg13 : memref<64xi32, #tpu.memory_space<vmem>>) semaphore(%arg27 : memref<!tpu.dma_semaphore, #tpu.memory_space<semaphore_mem>>)
      } else {
      }
      %dma_wait3A_199 = arith.constant 0 : i32
      %dma_wait3A_200 = arith.constant 0 : i32
      %dma_wait3A_201 = tpu.memref_slice %arg4[%dma_wait3A_199, %dma_wait3A_200] : memref<100000x128xf32, #tpu.memory_space<hbm>> -> memref<100000x128xf32, #tpu.memory_space<hbm>>
      tpu.wait_indirect_dma semaphore(%arg26 : memref<!tpu.dma_semaphore, #tpu.memory_space<semaphore_mem>>) src(%dma_wait3A_201 : memref<100000x128xf32, #tpu.memory_space<hbm>>) dst(%arg18 : memref<64x128xf32, #tpu.memory_space<vmem>>)
      %ge3A_202 = arith.constant 4 : i32
      %ge3A_203 = arith.cmpi sge, %add3A_191, %ge3A_202 : i32
      %convert_element_type3A_204 = arith.extui %ge3A_203 : i1 to i32
      %cond3A_205 = arith.constant 0 : i32
      %cond3A_206 = arith.cmpi ne, %convert_element_type3A_204, %cond3A_205 : i32
      scf.if %cond3A_206 {
        %sub3A_322 = arith.constant 4 : i32
        %sub3A_323 = arith.subi %add3A_191, %sub3A_322 : i32
        %mul3A_324 = arith.constant 64 : i32
        %mul3A_325 = arith.muli %sub3A_323, %mul3A_324 : i32
        %add3A_326 = arith.addi %mul3A_2, %mul3A_325 : i32
        %dma_wait3A_327 = arith.constant 0 : i32
        %dma_wait3A_328 = tpu.memref_slice %arg9[%add3A_326, %dma_wait3A_327] : memref<524288x128xf32, #tpu.memory_space<hbm>> -> memref<128x128xf32, #tpu.memory_space<hbm>>
        %dma_wait3A_329 = arith.constant 0 : i32
        %dma_wait3A_330 = tpu.memref_slice %arg9[%add3A_326, %dma_wait3A_329] : memref<524288x128xf32, #tpu.memory_space<hbm>> -> memref<128x128xf32, #tpu.memory_space<hbm>>
        tpu.wait_dma2 semaphore(%arg33 : memref<!tpu.dma_semaphore, #tpu.memory_space<semaphore_mem>>) src(%arg21 : memref<128x128xf32, #tpu.memory_space<vmem>>) dst(%dma_wait3A_330 : memref<128x128xf32, #tpu.memory_space<hbm>>)
      } else {
      }
      %mul3A_207 = arith.constant 64 : i32
      %mul3A_208 = arith.muli %add3A_191, %mul3A_207 : i32
      %rem3A_209 = arith.constant 512 : i32
      %rem3A_210 = arith.remsi %mul3A_208, %rem3A_209 : i32
      %get3A_211 = arith.constant 0 : index
      %get3A_212 = tpu.vector_load %arg24[%get3A_211] {strides = array<i32>} : memref<128xf32, #tpu.memory_space<vmem>>, vector<16xf32>,
      %get3A_213 = arith.constant 16 : index
      %get3A_214 = tpu.vector_load %arg24[%get3A_213] {strides = array<i32>} : memref<128xf32, #tpu.memory_space<vmem>>, vector<16xf32>,
      %get3A_215 = arith.constant 32 : index
      %get3A_216 = tpu.vector_load %arg24[%get3A_215] {strides = array<i32>} : memref<128xf32, #tpu.memory_space<vmem>>, vector<16xf32>,
      %get3A_217 = arith.constant 48 : index
      %get3A_218 = tpu.vector_load %arg24[%get3A_217] {strides = array<i32>} : memref<128xf32, #tpu.memory_space<vmem>>, vector<16xf32>,
      %get3A_219 = arith.constant 64 : index
      %get3A_220 = tpu.vector_load %arg24[%get3A_219] {strides = array<i32>} : memref<128xf32, #tpu.memory_space<vmem>>, vector<16xf32>,
      %get3A_221 = arith.constant 80 : index
      %get3A_222 = tpu.vector_load %arg24[%get3A_221] {strides = array<i32>} : memref<128xf32, #tpu.memory_space<vmem>>, vector<16xf32>,
      %get3A_223 = arith.constant 96 : index
      %get3A_224 = tpu.vector_load %arg24[%get3A_223] {strides = array<i32>} : memref<128xf32, #tpu.memory_space<vmem>>, vector<16xf32>,
      %get3A_225 = arith.constant 112 : index
      %get3A_226 = tpu.vector_load %arg24[%get3A_225] {strides = array<i32>} : memref<128xf32, #tpu.memory_space<vmem>>, vector<16xf32>,
      %get3A_227 = arith.constant 0 : index
      %get3A_228 = tpu.vector_load %arg25[%get3A_227] {strides = array<i32>} : memref<128xf32, #tpu.memory_space<vmem>>, vector<16xf32>,
      %get3A_229 = arith.constant 16 : index
      %get3A_230 = tpu.vector_load %arg25[%get3A_229] {strides = array<i32>} : memref<128xf32, #tpu.memory_space<vmem>>, vector<16xf32>,
      %get3A_231 = arith.constant 32 : index
      %get3A_232 = tpu.vector_load %arg25[%get3A_231] {strides = array<i32>} : memref<128xf32, #tpu.memory_space<vmem>>, vector<16xf32>,
      %get3A_233 = arith.constant 48 : index
      %get3A_234 = tpu.vector_load %arg25[%get3A_233] {strides = array<i32>} : memref<128xf32, #tpu.memory_space<vmem>>, vector<16xf32>,
      %get3A_235 = arith.constant 64 : index
      %get3A_236 = tpu.vector_load %arg25[%get3A_235] {strides = array<i32>} : memref<128xf32, #tpu.memory_space<vmem>>, vector<16xf32>,
      %get3A_237 = arith.constant 80 : index
      %get3A_238 = tpu.vector_load %arg25[%get3A_237] {strides = array<i32>} : memref<128xf32, #tpu.memory_space<vmem>>, vector<16xf32>,
      %get3A_239 = arith.constant 96 : index
      %get3A_240 = tpu.vector_load %arg25[%get3A_239] {strides = array<i32>} : memref<128xf32, #tpu.memory_space<vmem>>, vector<16xf32>,
      %get3A_241 = arith.constant 112 : index
      %get3A_242 = tpu.vector_load %arg25[%get3A_241] {strides = array<i32>} : memref<128xf32, #tpu.memory_space<vmem>>, vector<16xf32>,
      %parallel_loop3A_243 = arith.constant 0 : i32
      %parallel_loop3A_244 = arith.constant 64 : i32
      %parallel_loop3A_245 = arith.constant 2 : i32
      scf.for %parallel_loop3A_322 = %parallel_loop3A_243 to %parallel_loop3A_244 step %parallel_loop3A_245  : i32 {
        %parallel_loop3A_323 = arith.index_cast %parallel_loop3A_322 : i32 to index
        %parallel_loop3A_324 = tpu.vector_load %arg16[%parallel_loop3A_323] {strides = array<i32>} : memref<80xi32, #tpu.memory_space<vmem>>, vector<16xi32>,
        %parallel_loop3A_325 = arith.constant 0 : i32
        %parallel_loop3A_326 = arith.addi %parallel_loop3A_322, %parallel_loop3A_325 : i32
        %parallel_loop3A_327 = vector.extract_strided_slice %parallel_loop3A_324 {offsets = [0], sizes = [1], strides = [1]} : vector<16xi32> to vector<1xi32>
        %parallel_loop3A_328 = vector.extract %parallel_loop3A_327[0] : i32 from vector<1xi32>
        %parallel_loop3A_329 = arith.addi %rem3A_210, %parallel_loop3A_326 : i32
        %parallel_loop3A_330 = arith.index_cast %parallel_loop3A_326 : i32 to index
        %parallel_loop3A_331 = arith.constant 0 : index
        %parallel_loop3A_332 = tpu.vector_load %arg18[%parallel_loop3A_330, %parallel_loop3A_331] {strides = array<i32>} : memref<64x128xf32, #tpu.memory_space<vmem>>, vector<16xf32>,
        %parallel_loop3A_333 = arith.index_cast %parallel_loop3A_329 : i32 to index
        %parallel_loop3A_334 = arith.constant 0 : index
        %parallel_loop3A_335 = tpu.vector_load %arg22[%parallel_loop3A_333, %parallel_loop3A_334] {strides = array<i32>} : memref<512x128xf32, #tpu.memory_space<vmem>>, vector<16xf32>,
        %parallel_loop3A_336 = arith.addf %parallel_loop3A_332, %parallel_loop3A_335 : vector<16xf32>
        %parallel_loop3A_337 = arith.index_cast %parallel_loop3A_328 : i32 to index
        %parallel_loop3A_338 = arith.constant 0 : index
        %parallel_loop3A_339 = tpu.vector_load %arg23[%parallel_loop3A_337, %parallel_loop3A_338] {strides = array<i32>} : memref<2x128xf32, #tpu.memory_space<vmem>>, vector<16xf32>,
        %parallel_loop3A_340 = arith.addf %parallel_loop3A_336, %parallel_loop3A_339 : vector<16xf32>
        %parallel_loop3A_341 = arith.index_cast %parallel_loop3A_326 : i32 to index
        %parallel_loop3A_342 = arith.constant 16 : index
        %parallel_loop3A_343 = tpu.vector_load %arg18[%parallel_loop3A_341, %parallel_loop3A_342] {strides = array<i32>} : memref<64x128xf32, #tpu.memory_space<vmem>>, vector<16xf32>,
        %parallel_loop3A_344 = arith.index_cast %parallel_loop3A_329 : i32 to index
        %parallel_loop3A_345 = arith.constant 16 : index
        %parallel_loop3A_346 = tpu.vector_load %arg22[%parallel_loop3A_344, %parallel_loop3A_345] {strides = array<i32>} : memref<512x128xf32, #tpu.memory_space<vmem>>, vector<16xf32>,
        %parallel_loop3A_347 = arith.addf %parallel_loop3A_343, %parallel_loop3A_346 : vector<16xf32>
        %parallel_loop3A_348 = arith.index_cast %parallel_loop3A_328 : i32 to index
        %parallel_loop3A_349 = arith.constant 16 : index
        %parallel_loop3A_350 = tpu.vector_load %arg23[%parallel_loop3A_348, %parallel_loop3A_349] {strides = array<i32>} : memref<2x128xf32, #tpu.memory_space<vmem>>, vector<16xf32>,
        %parallel_loop3A_351 = arith.addf %parallel_loop3A_347, %parallel_loop3A_350 : vector<16xf32>
        %parallel_loop3A_352 = arith.index_cast %parallel_loop3A_326 : i32 to index
        %parallel_loop3A_353 = arith.constant 32 : index
        %parallel_loop3A_354 = tpu.vector_load %arg18[%parallel_loop3A_352, %parallel_loop3A_353] {strides = array<i32>} : memref<64x128xf32, #tpu.memory_space<vmem>>, vector<16xf32>,
        %parallel_loop3A_355 = arith.index_cast %parallel_loop3A_329 : i32 to index
        %parallel_loop3A_356 = arith.constant 32 : index
        %parallel_loop3A_357 = tpu.vector_load %arg22[%parallel_loop3A_355, %parallel_loop3A_356] {strides = array<i32>} : memref<512x128xf32, #tpu.memory_space<vmem>>, vector<16xf32>,
        %parallel_loop3A_358 = arith.addf %parallel_loop3A_354, %parallel_loop3A_357 : vector<16xf32>
        %parallel_loop3A_359 = arith.index_cast %parallel_loop3A_328 : i32 to index
        %parallel_loop3A_360 = arith.constant 32 : index
        %parallel_loop3A_361 = tpu.vector_load %arg23[%parallel_loop3A_359, %parallel_loop3A_360] {strides = array<i32>} : memref<2x128xf32, #tpu.memory_space<vmem>>, vector<16xf32>,
        %parallel_loop3A_362 = arith.addf %parallel_loop3A_358, %parallel_loop3A_361 : vector<16xf32>
        %parallel_loop3A_363 = arith.index_cast %parallel_loop3A_326 : i32 to index
        %parallel_loop3A_364 = arith.constant 48 : index
        %parallel_loop3A_365 = tpu.vector_load %arg18[%parallel_loop3A_363, %parallel_loop3A_364] {strides = array<i32>} : memref<64x128xf32, #tpu.memory_space<vmem>>, vector<16xf32>,
        %parallel_loop3A_366 = arith.index_cast %parallel_loop3A_329 : i32 to index
        %parallel_loop3A_367 = arith.constant 48 : index
        %parallel_loop3A_368 = tpu.vector_load %arg22[%parallel_loop3A_366, %parallel_loop3A_367] {strides = array<i32>} : memref<512x128xf32, #tpu.memory_space<vmem>>, vector<16xf32>,
        %parallel_loop3A_369 = arith.addf %parallel_loop3A_365, %parallel_loop3A_368 : vector<16xf32>
        %parallel_loop3A_370 = arith.index_cast %parallel_loop3A_328 : i32 to index
        %parallel_loop3A_371 = arith.constant 48 : index
        %parallel_loop3A_372 = tpu.vector_load %arg23[%parallel_loop3A_370, %parallel_loop3A_371] {strides = array<i32>} : memref<2x128xf32, #tpu.memory_space<vmem>>, vector<16xf32>,
        %parallel_loop3A_373 = arith.addf %parallel_loop3A_369, %parallel_loop3A_372 : vector<16xf32>
        %parallel_loop3A_374 = arith.index_cast %parallel_loop3A_326 : i32 to index
        %parallel_loop3A_375 = arith.constant 64 : index
        %parallel_loop3A_376 = tpu.vector_load %arg18[%parallel_loop3A_374, %parallel_loop3A_375] {strides = array<i32>} : memref<64x128xf32, #tpu.memory_space<vmem>>, vector<16xf32>,
        %parallel_loop3A_377 = arith.index_cast %parallel_loop3A_329 : i32 to index
        %parallel_loop3A_378 = arith.constant 64 : index
        %parallel_loop3A_379 = tpu.vector_load %arg22[%parallel_loop3A_377, %parallel_loop3A_378] {strides = array<i32>} : memref<512x128xf32, #tpu.memory_space<vmem>>, vector<16xf32>,
        %parallel_loop3A_380 = arith.addf %parallel_loop3A_376, %parallel_loop3A_379 : vector<16xf32>
        %parallel_loop3A_381 = arith.index_cast %parallel_loop3A_328 : i32 to index
        %parallel_loop3A_382 = arith.constant 64 : index
        %parallel_loop3A_383 = tpu.vector_load %arg23[%parallel_loop3A_381, %parallel_loop3A_382] {strides = array<i32>} : memref<2x128xf32, #tpu.memory_space<vmem>>, vector<16xf32>,
        %parallel_loop3A_384 = arith.addf %parallel_loop3A_380, %parallel_loop3A_383 : vector<16xf32>
        %parallel_loop3A_385 = arith.index_cast %parallel_loop3A_326 : i32 to index
        %parallel_loop3A_386 = arith.constant 80 : index
        %parallel_loop3A_387 = tpu.vector_load %arg18[%parallel_loop3A_385, %parallel_loop3A_386] {strides = array<i32>} : memref<64x128xf32, #tpu.memory_space<vmem>>, vector<16xf32>,
        %parallel_loop3A_388 = arith.index_cast %parallel_loop3A_329 : i32 to index
        %parallel_loop3A_389 = arith.constant 80 : index
        %parallel_loop3A_390 = tpu.vector_load %arg22[%parallel_loop3A_388, %parallel_loop3A_389] {strides = array<i32>} : memref<512x128xf32, #tpu.memory_space<vmem>>, vector<16xf32>,
        %parallel_loop3A_391 = arith.addf %parallel_loop3A_387, %parallel_loop3A_390 : vector<16xf32>
        %parallel_loop3A_392 = arith.index_cast %parallel_loop3A_328 : i32 to index
        %parallel_loop3A_393 = arith.constant 80 : index
        %parallel_loop3A_394 = tpu.vector_load %arg23[%parallel_loop3A_392, %parallel_loop3A_393] {strides = array<i32>} : memref<2x128xf32, #tpu.memory_space<vmem>>, vector<16xf32>,
        %parallel_loop3A_395 = arith.addf %parallel_loop3A_391, %parallel_loop3A_394 : vector<16xf32>
        %parallel_loop3A_396 = arith.index_cast %parallel_loop3A_326 : i32 to index
        %parallel_loop3A_397 = arith.constant 96 : index
        %parallel_loop3A_398 = tpu.vector_load %arg18[%parallel_loop3A_396, %parallel_loop3A_397] {strides = array<i32>} : memref<64x128xf32, #tpu.memory_space<vmem>>, vector<16xf32>,
        %parallel_loop3A_399 = arith.index_cast %parallel_loop3A_329 : i32 to index
        %parallel_loop3A_400 = arith.constant 96 : index
        %parallel_loop3A_401 = tpu.vector_load %arg22[%parallel_loop3A_399, %parallel_loop3A_400] {strides = array<i32>} : memref<512x128xf32, #tpu.memory_space<vmem>>, vector<16xf32>,
        %parallel_loop3A_402 = arith.addf %parallel_loop3A_398, %parallel_loop3A_401 : vector<16xf32>
        %parallel_loop3A_403 = arith.index_cast %parallel_loop3A_328 : i32 to index
        %parallel_loop3A_404 = arith.constant 96 : index
        %parallel_loop3A_405 = tpu.vector_load %arg23[%parallel_loop3A_403, %parallel_loop3A_404] {strides = array<i32>} : memref<2x128xf32, #tpu.memory_space<vmem>>, vector<16xf32>,
        %parallel_loop3A_406 = arith.addf %parallel_loop3A_402, %parallel_loop3A_405 : vector<16xf32>
        %parallel_loop3A_407 = arith.index_cast %parallel_loop3A_326 : i32 to index
        %parallel_loop3A_408 = arith.constant 112 : index
        %parallel_loop3A_409 = tpu.vector_load %arg18[%parallel_loop3A_407, %parallel_loop3A_408] {strides = array<i32>} : memref<64x128xf32, #tpu.memory_space<vmem>>, vector<16xf32>,
        %parallel_loop3A_410 = arith.index_cast %parallel_loop3A_329 : i32 to index
        %parallel_loop3A_411 = arith.constant 112 : index
        %parallel_loop3A_412 = tpu.vector_load %arg22[%parallel_loop3A_410, %parallel_loop3A_411] {strides = array<i32>} : memref<512x128xf32, #tpu.memory_space<vmem>>, vector<16xf32>,
        %parallel_loop3A_413 = arith.addf %parallel_loop3A_409, %parallel_loop3A_412 : vector<16xf32>
        %parallel_loop3A_414 = arith.index_cast %parallel_loop3A_328 : i32 to index
        %parallel_loop3A_415 = arith.constant 112 : index
        %parallel_loop3A_416 = tpu.vector_load %arg23[%parallel_loop3A_414, %parallel_loop3A_415] {strides = array<i32>} : memref<2x128xf32, #tpu.memory_space<vmem>>, vector<16xf32>,
        %parallel_loop3A_417 = arith.addf %parallel_loop3A_413, %parallel_loop3A_416 : vector<16xf32>
        %parallel_loop3A_418 = arith.addf %parallel_loop3A_340, %parallel_loop3A_351 : vector<16xf32>
        %parallel_loop3A_419 = arith.addf %parallel_loop3A_362, %parallel_loop3A_373 : vector<16xf32>
        %parallel_loop3A_420 = arith.addf %parallel_loop3A_384, %parallel_loop3A_395 : vector<16xf32>
        %parallel_loop3A_421 = arith.addf %parallel_loop3A_406, %parallel_loop3A_417 : vector<16xf32>
        %parallel_loop3A_422 = arith.addf %parallel_loop3A_418, %parallel_loop3A_419 : vector<16xf32>
        %parallel_loop3A_423 = arith.addf %parallel_loop3A_420, %parallel_loop3A_421 : vector<16xf32>
        %parallel_loop3A_424 = arith.addf %parallel_loop3A_422, %parallel_loop3A_423 : vector<16xf32>
        %parallel_loop3A_425 = arith.constant true
        %parallel_loop3A_426 = vector.broadcast %parallel_loop3A_425 : i1 to vector<16xi1>
        %parallel_loop3A_427 = tpu.scan <sum>, %parallel_loop3A_424 masked %parallel_loop3A_426 : vector<16xf32>, vector<16xi1> -> vector<16xf32>
        %parallel_loop3A_428 = vector.extract %parallel_loop3A_427[15] : f32 from vector<16xf32>
        %parallel_loop3A_429 = arith.mulf %parallel_loop3A_340, %parallel_loop3A_340 : vector<16xf32>
        %parallel_loop3A_430 = arith.mulf %parallel_loop3A_351, %parallel_loop3A_351 : vector<16xf32>
        %parallel_loop3A_431 = arith.mulf %parallel_loop3A_362, %parallel_loop3A_362 : vector<16xf32>
        %parallel_loop3A_432 = arith.mulf %parallel_loop3A_373, %parallel_loop3A_373 : vector<16xf32>
        %parallel_loop3A_433 = arith.mulf %parallel_loop3A_384, %parallel_loop3A_384 : vector<16xf32>
        %parallel_loop3A_434 = arith.mulf %parallel_loop3A_395, %parallel_loop3A_395 : vector<16xf32>
        %parallel_loop3A_435 = arith.mulf %parallel_loop3A_406, %parallel_loop3A_406 : vector<16xf32>
        %parallel_loop3A_436 = arith.mulf %parallel_loop3A_417, %parallel_loop3A_417 : vector<16xf32>
        %parallel_loop3A_437 = arith.addf %parallel_loop3A_429, %parallel_loop3A_430 : vector<16xf32>
        %parallel_loop3A_438 = arith.addf %parallel_loop3A_431, %parallel_loop3A_432 : vector<16xf32>
        %parallel_loop3A_439 = arith.addf %parallel_loop3A_433, %parallel_loop3A_434 : vector<16xf32>
        %parallel_loop3A_440 = arith.addf %parallel_loop3A_435, %parallel_loop3A_436 : vector<16xf32>
        %parallel_loop3A_441 = arith.addf %parallel_loop3A_437, %parallel_loop3A_438 : vector<16xf32>
        %parallel_loop3A_442 = arith.addf %parallel_loop3A_439, %parallel_loop3A_440 : vector<16xf32>
        %parallel_loop3A_443 = arith.addf %parallel_loop3A_441, %parallel_loop3A_442 : vector<16xf32>
        %parallel_loop3A_444 = arith.constant true
        %parallel_loop3A_445 = vector.broadcast %parallel_loop3A_444 : i1 to vector<16xi1>
        %parallel_loop3A_446 = tpu.scan <sum>, %parallel_loop3A_443 masked %parallel_loop3A_445 : vector<16xf32>, vector<16xi1> -> vector<16xf32>
        %parallel_loop3A_447 = vector.extract %parallel_loop3A_446[15] : f32 from vector<16xf32>
        %parallel_loop3A_448 = arith.constant 7.812500e-03 : f32
        %parallel_loop3A_449 = arith.mulf %parallel_loop3A_428, %parallel_loop3A_448 : f32
        %parallel_loop3A_450 = arith.constant 7.812500e-03 : f32
        %parallel_loop3A_451 = arith.mulf %parallel_loop3A_447, %parallel_loop3A_450 : f32
        %parallel_loop3A_452 = arith.mulf %parallel_loop3A_449, %parallel_loop3A_449 : f32
        %parallel_loop3A_453 = arith.subf %parallel_loop3A_451, %parallel_loop3A_452 : f32
        %parallel_loop3A_454 = arith.constant 9.99999974E-6 : f32
        %parallel_loop3A_455 = arith.addf %parallel_loop3A_453, %parallel_loop3A_454 : f32
        %parallel_loop3A_456 = vector.broadcast %parallel_loop3A_455 : f32 to vector<16xf32>
        %parallel_loop3A_457 = tpu.bitcast %parallel_loop3A_456 : vector<16xf32> -> vector<16xi32>
        %parallel_loop3A_458 = arith.constant 1 : i32
        %parallel_loop3A_459 = vector.broadcast %parallel_loop3A_458 : i32 to vector<16xi32>
        %parallel_loop3A_460 = arith.shrsi %parallel_loop3A_457, %parallel_loop3A_459 : vector<16xi32>
        %parallel_loop3A_461 = arith.constant 1597463007 : i32
        %parallel_loop3A_462 = vector.broadcast %parallel_loop3A_461 : i32 to vector<16xi32>
        %parallel_loop3A_463 = arith.subi %parallel_loop3A_462, %parallel_loop3A_460 : vector<16xi32>
        %parallel_loop3A_464 = tpu.bitcast %parallel_loop3A_463 : vector<16xi32> -> vector<16xf32>
        %parallel_loop3A_465 = arith.constant 5.000000e-01 : f32
        %parallel_loop3A_466 = vector.broadcast %parallel_loop3A_465 : f32 to vector<16xf32>
        %parallel_loop3A_467 = arith.mulf %parallel_loop3A_466, %parallel_loop3A_456 : vector<16xf32>
        %parallel_loop3A_468 = arith.mulf %parallel_loop3A_467, %parallel_loop3A_464 : vector<16xf32>
        %parallel_loop3A_469 = arith.mulf %parallel_loop3A_468, %parallel_loop3A_464 : vector<16xf32>
        %parallel_loop3A_470 = arith.constant 1.500000e+00 : f32
        %parallel_loop3A_471 = vector.broadcast %parallel_loop3A_470 : f32 to vector<16xf32>
        %parallel_loop3A_472 = arith.subf %parallel_loop3A_471, %parallel_loop3A_469 : vector<16xf32>
        %parallel_loop3A_473 = arith.mulf %parallel_loop3A_464, %parallel_loop3A_472 : vector<16xf32>
        %parallel_loop3A_474 = arith.constant 5.000000e-01 : f32
        %parallel_loop3A_475 = vector.broadcast %parallel_loop3A_474 : f32 to vector<16xf32>
        %parallel_loop3A_476 = arith.mulf %parallel_loop3A_475, %parallel_loop3A_456 : vector<16xf32>
        %parallel_loop3A_477 = arith.mulf %parallel_loop3A_476, %parallel_loop3A_473 : vector<16xf32>
        %parallel_loop3A_478 = arith.mulf %parallel_loop3A_477, %parallel_loop3A_473 : vector<16xf32>
        %parallel_loop3A_479 = arith.constant 1.500000e+00 : f32
        %parallel_loop3A_480 = vector.broadcast %parallel_loop3A_479 : f32 to vector<16xf32>
        %parallel_loop3A_481 = arith.subf %parallel_loop3A_480, %parallel_loop3A_478 : vector<16xf32>
        %parallel_loop3A_482 = arith.mulf %parallel_loop3A_473, %parallel_loop3A_481 : vector<16xf32>
        %parallel_loop3A_483 = arith.constant 5.000000e-01 : f32
        %parallel_loop3A_484 = vector.broadcast %parallel_loop3A_483 : f32 to vector<16xf32>
        %parallel_loop3A_485 = arith.mulf %parallel_loop3A_484, %parallel_loop3A_456 : vector<16xf32>
        %parallel_loop3A_486 = arith.mulf %parallel_loop3A_485, %parallel_loop3A_482 : vector<16xf32>
        %parallel_loop3A_487 = arith.mulf %parallel_loop3A_486, %parallel_loop3A_482 : vector<16xf32>
        %parallel_loop3A_488 = arith.constant 1.500000e+00 : f32
        %parallel_loop3A_489 = vector.broadcast %parallel_loop3A_488 : f32 to vector<16xf32>
        %parallel_loop3A_490 = arith.subf %parallel_loop3A_489, %parallel_loop3A_487 : vector<16xf32>
        %parallel_loop3A_491 = arith.mulf %parallel_loop3A_482, %parallel_loop3A_490 : vector<16xf32>
        %parallel_loop3A_492 = arith.constant 0.000000e+00 : f32
        %parallel_loop3A_493 = arith.subf %parallel_loop3A_492, %parallel_loop3A_449 : f32
        %parallel_loop3A_494 = vector.broadcast %parallel_loop3A_493 : f32 to vector<16xf32>
        %parallel_loop3A_495 = arith.mulf %parallel_loop3A_494, %parallel_loop3A_491 : vector<16xf32>
        %parallel_loop3A_496 = arith.mulf %parallel_loop3A_340, %parallel_loop3A_491 : vector<16xf32>
        %parallel_loop3A_497 = arith.addf %parallel_loop3A_496, %parallel_loop3A_495 : vector<16xf32>
        %parallel_loop3A_498 = arith.mulf %parallel_loop3A_497, %get3A_212 : vector<16xf32>
        %parallel_loop3A_499 = arith.addf %parallel_loop3A_498, %get3A_228 : vector<16xf32>
        %parallel_loop3A_500 = arith.constant 0 : i32
        %parallel_loop3A_501 = arith.addi %parallel_loop3A_500, %parallel_loop3A_326 : i32
        %parallel_loop3A_502 = arith.index_cast %parallel_loop3A_501 : i32 to index
        %parallel_loop3A_503 = arith.constant 0 : index
        %parallel_loop3A_504 = tpu.vector_load %arg21[%parallel_loop3A_502, %parallel_loop3A_503] {strides = array<i32>} : memref<128x128xf32, #tpu.memory_space<vmem>>, vector<16xf32>,
        tpu.vector_store %arg21[%parallel_loop3A_502, %parallel_loop3A_503], %parallel_loop3A_499 {strides = array<i32>} : memref<128x128xf32, #tpu.memory_space<vmem>>, vector<16xf32>,
        %parallel_loop3A_505 = arith.mulf %parallel_loop3A_351, %parallel_loop3A_491 : vector<16xf32>
        %parallel_loop3A_506 = arith.addf %parallel_loop3A_505, %parallel_loop3A_495 : vector<16xf32>
        %parallel_loop3A_507 = arith.mulf %parallel_loop3A_506, %get3A_214 : vector<16xf32>
        %parallel_loop3A_508 = arith.addf %parallel_loop3A_507, %get3A_230 : vector<16xf32>
        %parallel_loop3A_509 = arith.constant 0 : i32
        %parallel_loop3A_510 = arith.addi %parallel_loop3A_509, %parallel_loop3A_326 : i32
        %parallel_loop3A_511 = arith.index_cast %parallel_loop3A_510 : i32 to index
        %parallel_loop3A_512 = arith.constant 16 : index
        %parallel_loop3A_513 = tpu.vector_load %arg21[%parallel_loop3A_511, %parallel_loop3A_512] {strides = array<i32>} : memref<128x128xf32, #tpu.memory_space<vmem>>, vector<16xf32>,
        tpu.vector_store %arg21[%parallel_loop3A_511, %parallel_loop3A_512], %parallel_loop3A_508 {strides = array<i32>} : memref<128x128xf32, #tpu.memory_space<vmem>>, vector<16xf32>,
        %parallel_loop3A_514 = arith.mulf %parallel_loop3A_362, %parallel_loop3A_491 : vector<16xf32>
        %parallel_loop3A_515 = arith.addf %parallel_loop3A_514, %parallel_loop3A_495 : vector<16xf32>
        %parallel_loop3A_516 = arith.mulf %parallel_loop3A_515, %get3A_216 : vector<16xf32>
        %parallel_loop3A_517 = arith.addf %parallel_loop3A_516, %get3A_232 : vector<16xf32>
        %parallel_loop3A_518 = arith.constant 0 : i32
        %parallel_loop3A_519 = arith.addi %parallel_loop3A_518, %parallel_loop3A_326 : i32
        %parallel_loop3A_520 = arith.index_cast %parallel_loop3A_519 : i32 to index
        %parallel_loop3A_521 = arith.constant 32 : index
        %parallel_loop3A_522 = tpu.vector_load %arg21[%parallel_loop3A_520, %parallel_loop3A_521] {strides = array<i32>} : memref<128x128xf32, #tpu.memory_space<vmem>>, vector<16xf32>,
        tpu.vector_store %arg21[%parallel_loop3A_520, %parallel_loop3A_521], %parallel_loop3A_517 {strides = array<i32>} : memref<128x128xf32, #tpu.memory_space<vmem>>, vector<16xf32>,
        %parallel_loop3A_523 = arith.mulf %parallel_loop3A_373, %parallel_loop3A_491 : vector<16xf32>
        %parallel_loop3A_524 = arith.addf %parallel_loop3A_523, %parallel_loop3A_495 : vector<16xf32>
        %parallel_loop3A_525 = arith.mulf %parallel_loop3A_524, %get3A_218 : vector<16xf32>
        %parallel_loop3A_526 = arith.addf %parallel_loop3A_525, %get3A_234 : vector<16xf32>
        %parallel_loop3A_527 = arith.constant 0 : i32
        %parallel_loop3A_528 = arith.addi %parallel_loop3A_527, %parallel_loop3A_326 : i32
        %parallel_loop3A_529 = arith.index_cast %parallel_loop3A_528 : i32 to index
        %parallel_loop3A_530 = arith.constant 48 : index
        %parallel_loop3A_531 = tpu.vector_load %arg21[%parallel_loop3A_529, %parallel_loop3A_530] {strides = array<i32>} : memref<128x128xf32, #tpu.memory_space<vmem>>, vector<16xf32>,
        tpu.vector_store %arg21[%parallel_loop3A_529, %parallel_loop3A_530], %parallel_loop3A_526 {strides = array<i32>} : memref<128x128xf32, #tpu.memory_space<vmem>>, vector<16xf32>,
        %parallel_loop3A_532 = arith.mulf %parallel_loop3A_384, %parallel_loop3A_491 : vector<16xf32>
        %parallel_loop3A_533 = arith.addf %parallel_loop3A_532, %parallel_loop3A_495 : vector<16xf32>
        %parallel_loop3A_534 = arith.mulf %parallel_loop3A_533, %get3A_220 : vector<16xf32>
        %parallel_loop3A_535 = arith.addf %parallel_loop3A_534, %get3A_236 : vector<16xf32>
        %parallel_loop3A_536 = arith.constant 0 : i32
        %parallel_loop3A_537 = arith.addi %parallel_loop3A_536, %parallel_loop3A_326 : i32
        %parallel_loop3A_538 = arith.index_cast %parallel_loop3A_537 : i32 to index
        %parallel_loop3A_539 = arith.constant 64 : index
        %parallel_loop3A_540 = tpu.vector_load %arg21[%parallel_loop3A_538, %parallel_loop3A_539] {strides = array<i32>} : memref<128x128xf32, #tpu.memory_space<vmem>>, vector<16xf32>,
        tpu.vector_store %arg21[%parallel_loop3A_538, %parallel_loop3A_539], %parallel_loop3A_535 {strides = array<i32>} : memref<128x128xf32, #tpu.memory_space<vmem>>, vector<16xf32>,
        %parallel_loop3A_541 = arith.mulf %parallel_loop3A_395, %parallel_loop3A_491 : vector<16xf32>
        %parallel_loop3A_542 = arith.addf %parallel_loop3A_541, %parallel_loop3A_495 : vector<16xf32>
        %parallel_loop3A_543 = arith.mulf %parallel_loop3A_542, %get3A_222 : vector<16xf32>
        %parallel_loop3A_544 = arith.addf %parallel_loop3A_543, %get3A_238 : vector<16xf32>
        %parallel_loop3A_545 = arith.constant 0 : i32
        %parallel_loop3A_546 = arith.addi %parallel_loop3A_545, %parallel_loop3A_326 : i32
        %parallel_loop3A_547 = arith.index_cast %parallel_loop3A_546 : i32 to index
        %parallel_loop3A_548 = arith.constant 80 : index
        %parallel_loop3A_549 = tpu.vector_load %arg21[%parallel_loop3A_547, %parallel_loop3A_548] {strides = array<i32>} : memref<128x128xf32, #tpu.memory_space<vmem>>, vector<16xf32>,
        tpu.vector_store %arg21[%parallel_loop3A_547, %parallel_loop3A_548], %parallel_loop3A_544 {strides = array<i32>} : memref<128x128xf32, #tpu.memory_space<vmem>>, vector<16xf32>,
        %parallel_loop3A_550 = arith.mulf %parallel_loop3A_406, %parallel_loop3A_491 : vector<16xf32>
        %parallel_loop3A_551 = arith.addf %parallel_loop3A_550, %parallel_loop3A_495 : vector<16xf32>
        %parallel_loop3A_552 = arith.mulf %parallel_loop3A_551, %get3A_224 : vector<16xf32>
        %parallel_loop3A_553 = arith.addf %parallel_loop3A_552, %get3A_240 : vector<16xf32>
        %parallel_loop3A_554 = arith.constant 0 : i32
        %parallel_loop3A_555 = arith.addi %parallel_loop3A_554, %parallel_loop3A_326 : i32
        %parallel_loop3A_556 = arith.index_cast %parallel_loop3A_555 : i32 to index
        %parallel_loop3A_557 = arith.constant 96 : index
        %parallel_loop3A_558 = tpu.vector_load %arg21[%parallel_loop3A_556, %parallel_loop3A_557] {strides = array<i32>} : memref<128x128xf32, #tpu.memory_space<vmem>>, vector<16xf32>,
        tpu.vector_store %arg21[%parallel_loop3A_556, %parallel_loop3A_557], %parallel_loop3A_553 {strides = array<i32>} : memref<128x128xf32, #tpu.memory_space<vmem>>, vector<16xf32>,
        %parallel_loop3A_559 = arith.mulf %parallel_loop3A_417, %parallel_loop3A_491 : vector<16xf32>
        %parallel_loop3A_560 = arith.addf %parallel_loop3A_559, %parallel_loop3A_495 : vector<16xf32>
        %parallel_loop3A_561 = arith.mulf %parallel_loop3A_560, %get3A_226 : vector<16xf32>
        %parallel_loop3A_562 = arith.addf %parallel_loop3A_561, %get3A_242 : vector<16xf32>
        %parallel_loop3A_563 = arith.constant 0 : i32
        %parallel_loop3A_564 = arith.addi %parallel_loop3A_563, %parallel_loop3A_326 : i32
        %parallel_loop3A_565 = arith.index_cast %parallel_loop3A_564 : i32 to index
        %parallel_loop3A_566 = arith.constant 112 : index
        %parallel_loop3A_567 = tpu.vector_load %arg21[%parallel_loop3A_565, %parallel_loop3A_566] {strides = array<i32>} : memref<128x128xf32, #tpu.memory_space<vmem>>, vector<16xf32>,
        tpu.vector_store %arg21[%parallel_loop3A_565, %parallel_loop3A_566], %parallel_loop3A_562 {strides = array<i32>} : memref<128x128xf32, #tpu.memory_space<vmem>>, vector<16xf32>,
        %parallel_loop3A_568 = arith.constant 1 : i32
        %parallel_loop3A_569 = arith.addi %parallel_loop3A_322, %parallel_loop3A_568 : i32
        %parallel_loop3A_570 = vector.extract_strided_slice %parallel_loop3A_324 {offsets = [1], sizes = [1], strides = [1]} : vector<16xi32> to vector<1xi32>
        %parallel_loop3A_571 = vector.extract %parallel_loop3A_570[0] : i32 from vector<1xi32>
        %parallel_loop3A_572 = arith.addi %rem3A_210, %parallel_loop3A_569 : i32
        %parallel_loop3A_573 = arith.index_cast %parallel_loop3A_569 : i32 to index
        %parallel_loop3A_574 = arith.constant 0 : index
        %parallel_loop3A_575 = tpu.vector_load %arg18[%parallel_loop3A_573, %parallel_loop3A_574] {strides = array<i32>} : memref<64x128xf32, #tpu.memory_space<vmem>>, vector<16xf32>,
        %parallel_loop3A_576 = arith.index_cast %parallel_loop3A_572 : i32 to index
        %parallel_loop3A_577 = arith.constant 0 : index
        %parallel_loop3A_578 = tpu.vector_load %arg22[%parallel_loop3A_576, %parallel_loop3A_577] {strides = array<i32>} : memref<512x128xf32, #tpu.memory_space<vmem>>, vector<16xf32>,
        %parallel_loop3A_579 = arith.addf %parallel_loop3A_575, %parallel_loop3A_578 : vector<16xf32>
        %parallel_loop3A_580 = arith.index_cast %parallel_loop3A_571 : i32 to index
        %parallel_loop3A_581 = arith.constant 0 : index
        %parallel_loop3A_582 = tpu.vector_load %arg23[%parallel_loop3A_580, %parallel_loop3A_581] {strides = array<i32>} : memref<2x128xf32, #tpu.memory_space<vmem>>, vector<16xf32>,
        %parallel_loop3A_583 = arith.addf %parallel_loop3A_579, %parallel_loop3A_582 : vector<16xf32>
        %parallel_loop3A_584 = arith.index_cast %parallel_loop3A_569 : i32 to index
        %parallel_loop3A_585 = arith.constant 16 : index
        %parallel_loop3A_586 = tpu.vector_load %arg18[%parallel_loop3A_584, %parallel_loop3A_585] {strides = array<i32>} : memref<64x128xf32, #tpu.memory_space<vmem>>, vector<16xf32>,
        %parallel_loop3A_587 = arith.index_cast %parallel_loop3A_572 : i32 to index
        %parallel_loop3A_588 = arith.constant 16 : index
        %parallel_loop3A_589 = tpu.vector_load %arg22[%parallel_loop3A_587, %parallel_loop3A_588] {strides = array<i32>} : memref<512x128xf32, #tpu.memory_space<vmem>>, vector<16xf32>,
        %parallel_loop3A_590 = arith.addf %parallel_loop3A_586, %parallel_loop3A_589 : vector<16xf32>
        %parallel_loop3A_591 = arith.index_cast %parallel_loop3A_571 : i32 to index
        %parallel_loop3A_592 = arith.constant 16 : index
        %parallel_loop3A_593 = tpu.vector_load %arg23[%parallel_loop3A_591, %parallel_loop3A_592] {strides = array<i32>} : memref<2x128xf32, #tpu.memory_space<vmem>>, vector<16xf32>,
        %parallel_loop3A_594 = arith.addf %parallel_loop3A_590, %parallel_loop3A_593 : vector<16xf32>
        %parallel_loop3A_595 = arith.index_cast %parallel_loop3A_569 : i32 to index
        %parallel_loop3A_596 = arith.constant 32 : index
        %parallel_loop3A_597 = tpu.vector_load %arg18[%parallel_loop3A_595, %parallel_loop3A_596] {strides = array<i32>} : memref<64x128xf32, #tpu.memory_space<vmem>>, vector<16xf32>,
        %parallel_loop3A_598 = arith.index_cast %parallel_loop3A_572 : i32 to index
        %parallel_loop3A_599 = arith.constant 32 : index
        %parallel_loop3A_600 = tpu.vector_load %arg22[%parallel_loop3A_598, %parallel_loop3A_599] {strides = array<i32>} : memref<512x128xf32, #tpu.memory_space<vmem>>, vector<16xf32>,
        %parallel_loop3A_601 = arith.addf %parallel_loop3A_597, %parallel_loop3A_600 : vector<16xf32>
        %parallel_loop3A_602 = arith.index_cast %parallel_loop3A_571 : i32 to index
        %parallel_loop3A_603 = arith.constant 32 : index
        %parallel_loop3A_604 = tpu.vector_load %arg23[%parallel_loop3A_602, %parallel_loop3A_603] {strides = array<i32>} : memref<2x128xf32, #tpu.memory_space<vmem>>, vector<16xf32>,
        %parallel_loop3A_605 = arith.addf %parallel_loop3A_601, %parallel_loop3A_604 : vector<16xf32>
        %parallel_loop3A_606 = arith.index_cast %parallel_loop3A_569 : i32 to index
        %parallel_loop3A_607 = arith.constant 48 : index
        %parallel_loop3A_608 = tpu.vector_load %arg18[%parallel_loop3A_606, %parallel_loop3A_607] {strides = array<i32>} : memref<64x128xf32, #tpu.memory_space<vmem>>, vector<16xf32>,
        %parallel_loop3A_609 = arith.index_cast %parallel_loop3A_572 : i32 to index
        %parallel_loop3A_610 = arith.constant 48 : index
        %parallel_loop3A_611 = tpu.vector_load %arg22[%parallel_loop3A_609, %parallel_loop3A_610] {strides = array<i32>} : memref<512x128xf32, #tpu.memory_space<vmem>>, vector<16xf32>,
        %parallel_loop3A_612 = arith.addf %parallel_loop3A_608, %parallel_loop3A_611 : vector<16xf32>
        %parallel_loop3A_613 = arith.index_cast %parallel_loop3A_571 : i32 to index
        %parallel_loop3A_614 = arith.constant 48 : index
        %parallel_loop3A_615 = tpu.vector_load %arg23[%parallel_loop3A_613, %parallel_loop3A_614] {strides = array<i32>} : memref<2x128xf32, #tpu.memory_space<vmem>>, vector<16xf32>,
        %parallel_loop3A_616 = arith.addf %parallel_loop3A_612, %parallel_loop3A_615 : vector<16xf32>
        %parallel_loop3A_617 = arith.index_cast %parallel_loop3A_569 : i32 to index
        %parallel_loop3A_618 = arith.constant 64 : index
        %parallel_loop3A_619 = tpu.vector_load %arg18[%parallel_loop3A_617, %parallel_loop3A_618] {strides = array<i32>} : memref<64x128xf32, #tpu.memory_space<vmem>>, vector<16xf32>,
        %parallel_loop3A_620 = arith.index_cast %parallel_loop3A_572 : i32 to index
        %parallel_loop3A_621 = arith.constant 64 : index
        %parallel_loop3A_622 = tpu.vector_load %arg22[%parallel_loop3A_620, %parallel_loop3A_621] {strides = array<i32>} : memref<512x128xf32, #tpu.memory_space<vmem>>, vector<16xf32>,
        %parallel_loop3A_623 = arith.addf %parallel_loop3A_619, %parallel_loop3A_622 : vector<16xf32>
        %parallel_loop3A_624 = arith.index_cast %parallel_loop3A_571 : i32 to index
        %parallel_loop3A_625 = arith.constant 64 : index
        %parallel_loop3A_626 = tpu.vector_load %arg23[%parallel_loop3A_624, %parallel_loop3A_625] {strides = array<i32>} : memref<2x128xf32, #tpu.memory_space<vmem>>, vector<16xf32>,
        %parallel_loop3A_627 = arith.addf %parallel_loop3A_623, %parallel_loop3A_626 : vector<16xf32>
        %parallel_loop3A_628 = arith.index_cast %parallel_loop3A_569 : i32 to index
        %parallel_loop3A_629 = arith.constant 80 : index
        %parallel_loop3A_630 = tpu.vector_load %arg18[%parallel_loop3A_628, %parallel_loop3A_629] {strides = array<i32>} : memref<64x128xf32, #tpu.memory_space<vmem>>, vector<16xf32>,
        %parallel_loop3A_631 = arith.index_cast %parallel_loop3A_572 : i32 to index
        %parallel_loop3A_632 = arith.constant 80 : index
        %parallel_loop3A_633 = tpu.vector_load %arg22[%parallel_loop3A_631, %parallel_loop3A_632] {strides = array<i32>} : memref<512x128xf32, #tpu.memory_space<vmem>>, vector<16xf32>,
        %parallel_loop3A_634 = arith.addf %parallel_loop3A_630, %parallel_loop3A_633 : vector<16xf32>
        %parallel_loop3A_635 = arith.index_cast %parallel_loop3A_571 : i32 to index
        %parallel_loop3A_636 = arith.constant 80 : index
        %parallel_loop3A_637 = tpu.vector_load %arg23[%parallel_loop3A_635, %parallel_loop3A_636] {strides = array<i32>} : memref<2x128xf32, #tpu.memory_space<vmem>>, vector<16xf32>,
        %parallel_loop3A_638 = arith.addf %parallel_loop3A_634, %parallel_loop3A_637 : vector<16xf32>
        %parallel_loop3A_639 = arith.index_cast %parallel_loop3A_569 : i32 to index
        %parallel_loop3A_640 = arith.constant 96 : index
        %parallel_loop3A_641 = tpu.vector_load %arg18[%parallel_loop3A_639, %parallel_loop3A_640] {strides = array<i32>} : memref<64x128xf32, #tpu.memory_space<vmem>>, vector<16xf32>,
        %parallel_loop3A_642 = arith.index_cast %parallel_loop3A_572 : i32 to index
        %parallel_loop3A_643 = arith.constant 96 : index
        %parallel_loop3A_644 = tpu.vector_load %arg22[%parallel_loop3A_642, %parallel_loop3A_643] {strides = array<i32>} : memref<512x128xf32, #tpu.memory_space<vmem>>, vector<16xf32>,
        %parallel_loop3A_645 = arith.addf %parallel_loop3A_641, %parallel_loop3A_644 : vector<16xf32>
        %parallel_loop3A_646 = arith.index_cast %parallel_loop3A_571 : i32 to index
        %parallel_loop3A_647 = arith.constant 96 : index
        %parallel_loop3A_648 = tpu.vector_load %arg23[%parallel_loop3A_646, %parallel_loop3A_647] {strides = array<i32>} : memref<2x128xf32, #tpu.memory_space<vmem>>, vector<16xf32>,
        %parallel_loop3A_649 = arith.addf %parallel_loop3A_645, %parallel_loop3A_648 : vector<16xf32>
        %parallel_loop3A_650 = arith.index_cast %parallel_loop3A_569 : i32 to index
        %parallel_loop3A_651 = arith.constant 112 : index
        %parallel_loop3A_652 = tpu.vector_load %arg18[%parallel_loop3A_650, %parallel_loop3A_651] {strides = array<i32>} : memref<64x128xf32, #tpu.memory_space<vmem>>, vector<16xf32>,
        %parallel_loop3A_653 = arith.index_cast %parallel_loop3A_572 : i32 to index
        %parallel_loop3A_654 = arith.constant 112 : index
        %parallel_loop3A_655 = tpu.vector_load %arg22[%parallel_loop3A_653, %parallel_loop3A_654] {strides = array<i32>} : memref<512x128xf32, #tpu.memory_space<vmem>>, vector<16xf32>,
        %parallel_loop3A_656 = arith.addf %parallel_loop3A_652, %parallel_loop3A_655 : vector<16xf32>
        %parallel_loop3A_657 = arith.index_cast %parallel_loop3A_571 : i32 to index
        %parallel_loop3A_658 = arith.constant 112 : index
        %parallel_loop3A_659 = tpu.vector_load %arg23[%parallel_loop3A_657, %parallel_loop3A_658] {strides = array<i32>} : memref<2x128xf32, #tpu.memory_space<vmem>>, vector<16xf32>,
        %parallel_loop3A_660 = arith.addf %parallel_loop3A_656, %parallel_loop3A_659 : vector<16xf32>
        %parallel_loop3A_661 = arith.addf %parallel_loop3A_583, %parallel_loop3A_594 : vector<16xf32>
        %parallel_loop3A_662 = arith.addf %parallel_loop3A_605, %parallel_loop3A_616 : vector<16xf32>
        %parallel_loop3A_663 = arith.addf %parallel_loop3A_627, %parallel_loop3A_638 : vector<16xf32>
        %parallel_loop3A_664 = arith.addf %parallel_loop3A_649, %parallel_loop3A_660 : vector<16xf32>
        %parallel_loop3A_665 = arith.addf %parallel_loop3A_661, %parallel_loop3A_662 : vector<16xf32>
        %parallel_loop3A_666 = arith.addf %parallel_loop3A_663, %parallel_loop3A_664 : vector<16xf32>
        %parallel_loop3A_667 = arith.addf %parallel_loop3A_665, %parallel_loop3A_666 : vector<16xf32>
        %parallel_loop3A_668 = arith.constant true
        %parallel_loop3A_669 = vector.broadcast %parallel_loop3A_668 : i1 to vector<16xi1>
        %parallel_loop3A_670 = tpu.scan <sum>, %parallel_loop3A_667 masked %parallel_loop3A_669 : vector<16xf32>, vector<16xi1> -> vector<16xf32>
        %parallel_loop3A_671 = vector.extract %parallel_loop3A_670[15] : f32 from vector<16xf32>
        %parallel_loop3A_672 = arith.mulf %parallel_loop3A_583, %parallel_loop3A_583 : vector<16xf32>
        %parallel_loop3A_673 = arith.mulf %parallel_loop3A_594, %parallel_loop3A_594 : vector<16xf32>
        %parallel_loop3A_674 = arith.mulf %parallel_loop3A_605, %parallel_loop3A_605 : vector<16xf32>
        %parallel_loop3A_675 = arith.mulf %parallel_loop3A_616, %parallel_loop3A_616 : vector<16xf32>
        %parallel_loop3A_676 = arith.mulf %parallel_loop3A_627, %parallel_loop3A_627 : vector<16xf32>
        %parallel_loop3A_677 = arith.mulf %parallel_loop3A_638, %parallel_loop3A_638 : vector<16xf32>
        %parallel_loop3A_678 = arith.mulf %parallel_loop3A_649, %parallel_loop3A_649 : vector<16xf32>
        %parallel_loop3A_679 = arith.mulf %parallel_loop3A_660, %parallel_loop3A_660 : vector<16xf32>
        %parallel_loop3A_680 = arith.addf %parallel_loop3A_672, %parallel_loop3A_673 : vector<16xf32>
        %parallel_loop3A_681 = arith.addf %parallel_loop3A_674, %parallel_loop3A_675 : vector<16xf32>
        %parallel_loop3A_682 = arith.addf %parallel_loop3A_676, %parallel_loop3A_677 : vector<16xf32>
        %parallel_loop3A_683 = arith.addf %parallel_loop3A_678, %parallel_loop3A_679 : vector<16xf32>
        %parallel_loop3A_684 = arith.addf %parallel_loop3A_680, %parallel_loop3A_681 : vector<16xf32>
        %parallel_loop3A_685 = arith.addf %parallel_loop3A_682, %parallel_loop3A_683 : vector<16xf32>
        %parallel_loop3A_686 = arith.addf %parallel_loop3A_684, %parallel_loop3A_685 : vector<16xf32>
        %parallel_loop3A_687 = arith.constant true
        %parallel_loop3A_688 = vector.broadcast %parallel_loop3A_687 : i1 to vector<16xi1>
        %parallel_loop3A_689 = tpu.scan <sum>, %parallel_loop3A_686 masked %parallel_loop3A_688 : vector<16xf32>, vector<16xi1> -> vector<16xf32>
        %parallel_loop3A_690 = vector.extract %parallel_loop3A_689[15] : f32 from vector<16xf32>
        %parallel_loop3A_691 = arith.constant 7.812500e-03 : f32
        %parallel_loop3A_692 = arith.mulf %parallel_loop3A_671, %parallel_loop3A_691 : f32
        %parallel_loop3A_693 = arith.constant 7.812500e-03 : f32
        %parallel_loop3A_694 = arith.mulf %parallel_loop3A_690, %parallel_loop3A_693 : f32
        %parallel_loop3A_695 = arith.mulf %parallel_loop3A_692, %parallel_loop3A_692 : f32
        %parallel_loop3A_696 = arith.subf %parallel_loop3A_694, %parallel_loop3A_695 : f32
        %parallel_loop3A_697 = arith.constant 9.99999974E-6 : f32
        %parallel_loop3A_698 = arith.addf %parallel_loop3A_696, %parallel_loop3A_697 : f32
        %parallel_loop3A_699 = vector.broadcast %parallel_loop3A_698 : f32 to vector<16xf32>
        %parallel_loop3A_700 = tpu.bitcast %parallel_loop3A_699 : vector<16xf32> -> vector<16xi32>
        %parallel_loop3A_701 = arith.constant 1 : i32
        %parallel_loop3A_702 = vector.broadcast %parallel_loop3A_701 : i32 to vector<16xi32>
        %parallel_loop3A_703 = arith.shrsi %parallel_loop3A_700, %parallel_loop3A_702 : vector<16xi32>
        %parallel_loop3A_704 = arith.constant 1597463007 : i32
        %parallel_loop3A_705 = vector.broadcast %parallel_loop3A_704 : i32 to vector<16xi32>
        %parallel_loop3A_706 = arith.subi %parallel_loop3A_705, %parallel_loop3A_703 : vector<16xi32>
        %parallel_loop3A_707 = tpu.bitcast %parallel_loop3A_706 : vector<16xi32> -> vector<16xf32>
        %parallel_loop3A_708 = arith.constant 5.000000e-01 : f32
        %parallel_loop3A_709 = vector.broadcast %parallel_loop3A_708 : f32 to vector<16xf32>
        %parallel_loop3A_710 = arith.mulf %parallel_loop3A_709, %parallel_loop3A_699 : vector<16xf32>
        %parallel_loop3A_711 = arith.mulf %parallel_loop3A_710, %parallel_loop3A_707 : vector<16xf32>
        %parallel_loop3A_712 = arith.mulf %parallel_loop3A_711, %parallel_loop3A_707 : vector<16xf32>
        %parallel_loop3A_713 = arith.constant 1.500000e+00 : f32
        %parallel_loop3A_714 = vector.broadcast %parallel_loop3A_713 : f32 to vector<16xf32>
        %parallel_loop3A_715 = arith.subf %parallel_loop3A_714, %parallel_loop3A_712 : vector<16xf32>
        %parallel_loop3A_716 = arith.mulf %parallel_loop3A_707, %parallel_loop3A_715 : vector<16xf32>
        %parallel_loop3A_717 = arith.constant 5.000000e-01 : f32
        %parallel_loop3A_718 = vector.broadcast %parallel_loop3A_717 : f32 to vector<16xf32>
        %parallel_loop3A_719 = arith.mulf %parallel_loop3A_718, %parallel_loop3A_699 : vector<16xf32>
        %parallel_loop3A_720 = arith.mulf %parallel_loop3A_719, %parallel_loop3A_716 : vector<16xf32>
        %parallel_loop3A_721 = arith.mulf %parallel_loop3A_720, %parallel_loop3A_716 : vector<16xf32>
        %parallel_loop3A_722 = arith.constant 1.500000e+00 : f32
        %parallel_loop3A_723 = vector.broadcast %parallel_loop3A_722 : f32 to vector<16xf32>
        %parallel_loop3A_724 = arith.subf %parallel_loop3A_723, %parallel_loop3A_721 : vector<16xf32>
        %parallel_loop3A_725 = arith.mulf %parallel_loop3A_716, %parallel_loop3A_724 : vector<16xf32>
        %parallel_loop3A_726 = arith.constant 5.000000e-01 : f32
        %parallel_loop3A_727 = vector.broadcast %parallel_loop3A_726 : f32 to vector<16xf32>
        %parallel_loop3A_728 = arith.mulf %parallel_loop3A_727, %parallel_loop3A_699 : vector<16xf32>
        %parallel_loop3A_729 = arith.mulf %parallel_loop3A_728, %parallel_loop3A_725 : vector<16xf32>
        %parallel_loop3A_730 = arith.mulf %parallel_loop3A_729, %parallel_loop3A_725 : vector<16xf32>
        %parallel_loop3A_731 = arith.constant 1.500000e+00 : f32
        %parallel_loop3A_732 = vector.broadcast %parallel_loop3A_731 : f32 to vector<16xf32>
        %parallel_loop3A_733 = arith.subf %parallel_loop3A_732, %parallel_loop3A_730 : vector<16xf32>
        %parallel_loop3A_734 = arith.mulf %parallel_loop3A_725, %parallel_loop3A_733 : vector<16xf32>
        %parallel_loop3A_735 = arith.constant 0.000000e+00 : f32
        %parallel_loop3A_736 = arith.subf %parallel_loop3A_735, %parallel_loop3A_692 : f32
        %parallel_loop3A_737 = vector.broadcast %parallel_loop3A_736 : f32 to vector<16xf32>
        %parallel_loop3A_738 = arith.mulf %parallel_loop3A_737, %parallel_loop3A_734 : vector<16xf32>
        %parallel_loop3A_739 = arith.mulf %parallel_loop3A_583, %parallel_loop3A_734 : vector<16xf32>
        %parallel_loop3A_740 = arith.addf %parallel_loop3A_739, %parallel_loop3A_738 : vector<16xf32>
        %parallel_loop3A_741 = arith.mulf %parallel_loop3A_740, %get3A_212 : vector<16xf32>
        %parallel_loop3A_742 = arith.addf %parallel_loop3A_741, %get3A_228 : vector<16xf32>
        %parallel_loop3A_743 = arith.constant 0 : i32
        %parallel_loop3A_744 = arith.addi %parallel_loop3A_743, %parallel_loop3A_569 : i32
        %parallel_loop3A_745 = arith.index_cast %parallel_loop3A_744 : i32 to index
        %parallel_loop3A_746 = arith.constant 0 : index
        %parallel_loop3A_747 = tpu.vector_load %arg21[%parallel_loop3A_745, %parallel_loop3A_746] {strides = array<i32>} : memref<128x128xf32, #tpu.memory_space<vmem>>, vector<16xf32>,
        tpu.vector_store %arg21[%parallel_loop3A_745, %parallel_loop3A_746], %parallel_loop3A_742 {strides = array<i32>} : memref<128x128xf32, #tpu.memory_space<vmem>>, vector<16xf32>,
        %parallel_loop3A_748 = arith.mulf %parallel_loop3A_594, %parallel_loop3A_734 : vector<16xf32>
        %parallel_loop3A_749 = arith.addf %parallel_loop3A_748, %parallel_loop3A_738 : vector<16xf32>
        %parallel_loop3A_750 = arith.mulf %parallel_loop3A_749, %get3A_214 : vector<16xf32>
        %parallel_loop3A_751 = arith.addf %parallel_loop3A_750, %get3A_230 : vector<16xf32>
        %parallel_loop3A_752 = arith.constant 0 : i32
        %parallel_loop3A_753 = arith.addi %parallel_loop3A_752, %parallel_loop3A_569 : i32
        %parallel_loop3A_754 = arith.index_cast %parallel_loop3A_753 : i32 to index
        %parallel_loop3A_755 = arith.constant 16 : index
        %parallel_loop3A_756 = tpu.vector_load %arg21[%parallel_loop3A_754, %parallel_loop3A_755] {strides = array<i32>} : memref<128x128xf32, #tpu.memory_space<vmem>>, vector<16xf32>,
        tpu.vector_store %arg21[%parallel_loop3A_754, %parallel_loop3A_755], %parallel_loop3A_751 {strides = array<i32>} : memref<128x128xf32, #tpu.memory_space<vmem>>, vector<16xf32>,
        %parallel_loop3A_757 = arith.mulf %parallel_loop3A_605, %parallel_loop3A_734 : vector<16xf32>
        %parallel_loop3A_758 = arith.addf %parallel_loop3A_757, %parallel_loop3A_738 : vector<16xf32>
        %parallel_loop3A_759 = arith.mulf %parallel_loop3A_758, %get3A_216 : vector<16xf32>
        %parallel_loop3A_760 = arith.addf %parallel_loop3A_759, %get3A_232 : vector<16xf32>
        %parallel_loop3A_761 = arith.constant 0 : i32
        %parallel_loop3A_762 = arith.addi %parallel_loop3A_761, %parallel_loop3A_569 : i32
        %parallel_loop3A_763 = arith.index_cast %parallel_loop3A_762 : i32 to index
        %parallel_loop3A_764 = arith.constant 32 : index
        %parallel_loop3A_765 = tpu.vector_load %arg21[%parallel_loop3A_763, %parallel_loop3A_764] {strides = array<i32>} : memref<128x128xf32, #tpu.memory_space<vmem>>, vector<16xf32>,
        tpu.vector_store %arg21[%parallel_loop3A_763, %parallel_loop3A_764], %parallel_loop3A_760 {strides = array<i32>} : memref<128x128xf32, #tpu.memory_space<vmem>>, vector<16xf32>,
        %parallel_loop3A_766 = arith.mulf %parallel_loop3A_616, %parallel_loop3A_734 : vector<16xf32>
        %parallel_loop3A_767 = arith.addf %parallel_loop3A_766, %parallel_loop3A_738 : vector<16xf32>
        %parallel_loop3A_768 = arith.mulf %parallel_loop3A_767, %get3A_218 : vector<16xf32>
        %parallel_loop3A_769 = arith.addf %parallel_loop3A_768, %get3A_234 : vector<16xf32>
        %parallel_loop3A_770 = arith.constant 0 : i32
        %parallel_loop3A_771 = arith.addi %parallel_loop3A_770, %parallel_loop3A_569 : i32
        %parallel_loop3A_772 = arith.index_cast %parallel_loop3A_771 : i32 to index
        %parallel_loop3A_773 = arith.constant 48 : index
        %parallel_loop3A_774 = tpu.vector_load %arg21[%parallel_loop3A_772, %parallel_loop3A_773] {strides = array<i32>} : memref<128x128xf32, #tpu.memory_space<vmem>>, vector<16xf32>,
        tpu.vector_store %arg21[%parallel_loop3A_772, %parallel_loop3A_773], %parallel_loop3A_769 {strides = array<i32>} : memref<128x128xf32, #tpu.memory_space<vmem>>, vector<16xf32>,
        %parallel_loop3A_775 = arith.mulf %parallel_loop3A_627, %parallel_loop3A_734 : vector<16xf32>
        %parallel_loop3A_776 = arith.addf %parallel_loop3A_775, %parallel_loop3A_738 : vector<16xf32>
        %parallel_loop3A_777 = arith.mulf %parallel_loop3A_776, %get3A_220 : vector<16xf32>
        %parallel_loop3A_778 = arith.addf %parallel_loop3A_777, %get3A_236 : vector<16xf32>
        %parallel_loop3A_779 = arith.constant 0 : i32
        %parallel_loop3A_780 = arith.addi %parallel_loop3A_779, %parallel_loop3A_569 : i32
        %parallel_loop3A_781 = arith.index_cast %parallel_loop3A_780 : i32 to index
        %parallel_loop3A_782 = arith.constant 64 : index
        %parallel_loop3A_783 = tpu.vector_load %arg21[%parallel_loop3A_781, %parallel_loop3A_782] {strides = array<i32>} : memref<128x128xf32, #tpu.memory_space<vmem>>, vector<16xf32>,
        tpu.vector_store %arg21[%parallel_loop3A_781, %parallel_loop3A_782], %parallel_loop3A_778 {strides = array<i32>} : memref<128x128xf32, #tpu.memory_space<vmem>>, vector<16xf32>,
        %parallel_loop3A_784 = arith.mulf %parallel_loop3A_638, %parallel_loop3A_734 : vector<16xf32>
        %parallel_loop3A_785 = arith.addf %parallel_loop3A_784, %parallel_loop3A_738 : vector<16xf32>
        %parallel_loop3A_786 = arith.mulf %parallel_loop3A_785, %get3A_222 : vector<16xf32>
        %parallel_loop3A_787 = arith.addf %parallel_loop3A_786, %get3A_238 : vector<16xf32>
        %parallel_loop3A_788 = arith.constant 0 : i32
        %parallel_loop3A_789 = arith.addi %parallel_loop3A_788, %parallel_loop3A_569 : i32
        %parallel_loop3A_790 = arith.index_cast %parallel_loop3A_789 : i32 to index
        %parallel_loop3A_791 = arith.constant 80 : index
        %parallel_loop3A_792 = tpu.vector_load %arg21[%parallel_loop3A_790, %parallel_loop3A_791] {strides = array<i32>} : memref<128x128xf32, #tpu.memory_space<vmem>>, vector<16xf32>,
        tpu.vector_store %arg21[%parallel_loop3A_790, %parallel_loop3A_791], %parallel_loop3A_787 {strides = array<i32>} : memref<128x128xf32, #tpu.memory_space<vmem>>, vector<16xf32>,
        %parallel_loop3A_793 = arith.mulf %parallel_loop3A_649, %parallel_loop3A_734 : vector<16xf32>
        %parallel_loop3A_794 = arith.addf %parallel_loop3A_793, %parallel_loop3A_738 : vector<16xf32>
        %parallel_loop3A_795 = arith.mulf %parallel_loop3A_794, %get3A_224 : vector<16xf32>
        %parallel_loop3A_796 = arith.addf %parallel_loop3A_795, %get3A_240 : vector<16xf32>
        %parallel_loop3A_797 = arith.constant 0 : i32
        %parallel_loop3A_798 = arith.addi %parallel_loop3A_797, %parallel_loop3A_569 : i32
        %parallel_loop3A_799 = arith.index_cast %parallel_loop3A_798 : i32 to index
        %parallel_loop3A_800 = arith.constant 96 : index
        %parallel_loop3A_801 = tpu.vector_load %arg21[%parallel_loop3A_799, %parallel_loop3A_800] {strides = array<i32>} : memref<128x128xf32, #tpu.memory_space<vmem>>, vector<16xf32>,
        tpu.vector_store %arg21[%parallel_loop3A_799, %parallel_loop3A_800], %parallel_loop3A_796 {strides = array<i32>} : memref<128x128xf32, #tpu.memory_space<vmem>>, vector<16xf32>,
        %parallel_loop3A_802 = arith.mulf %parallel_loop3A_660, %parallel_loop3A_734 : vector<16xf32>
        %parallel_loop3A_803 = arith.addf %parallel_loop3A_802, %parallel_loop3A_738 : vector<16xf32>
        %parallel_loop3A_804 = arith.mulf %parallel_loop3A_803, %get3A_226 : vector<16xf32>
        %parallel_loop3A_805 = arith.addf %parallel_loop3A_804, %get3A_242 : vector<16xf32>
        %parallel_loop3A_806 = arith.constant 0 : i32
        %parallel_loop3A_807 = arith.addi %parallel_loop3A_806, %parallel_loop3A_569 : i32
        %parallel_loop3A_808 = arith.index_cast %parallel_loop3A_807 : i32 to index
        %parallel_loop3A_809 = arith.constant 112 : index
        %parallel_loop3A_810 = tpu.vector_load %arg21[%parallel_loop3A_808, %parallel_loop3A_809] {strides = array<i32>} : memref<128x128xf32, #tpu.memory_space<vmem>>, vector<16xf32>,
        tpu.vector_store %arg21[%parallel_loop3A_808, %parallel_loop3A_809], %parallel_loop3A_805 {strides = array<i32>} : memref<128x128xf32, #tpu.memory_space<vmem>>, vector<16xf32>,
      } {sc.loop_unroll_factor = 1 : i64, sc.parallel_access}
      %add3A_246 = arith.constant 3 : i32
      %add3A_247 = arith.addi %add3A_191, %add3A_246 : i32
      %lt3A_248 = arith.constant 256 : i32
      %lt3A_249 = arith.cmpi slt, %add3A_247, %lt3A_248 : i32
      %convert_element_type3A_250 = arith.extui %lt3A_249 : i1 to i32
      %cond3A_251 = arith.constant 0 : i32
      %cond3A_252 = arith.cmpi ne, %convert_element_type3A_250, %cond3A_251 : i32
      scf.if %cond3A_252 {
        %add3A_322 = arith.constant 3 : i32
        %add3A_323 = arith.addi %add3A_191, %add3A_322 : i32
        %mul3A_324 = arith.constant 64 : i32
        %mul3A_325 = arith.muli %add3A_323, %mul3A_324 : i32
        %add3A_326 = arith.addi %mul3A_2, %mul3A_325 : i32
        %dma_start3A_327 = tpu.memref_slice %arg2[%add3A_326] : memref<524288xi32, #tpu.memory_space<hbm>> -> memref<64xi32, #tpu.memory_space<hbm>>
        %dma_start3A_328 = tpu.memref_slice %arg2[%add3A_326] : memref<524288xi32, #tpu.memory_space<hbm>> -> memref<64xi32, #tpu.memory_space<hbm>>
        tpu.enqueue_dma source(%dma_start3A_328 : memref<64xi32, #tpu.memory_space<hbm>>) target(%arg11 : memref<64xi32, #tpu.memory_space<vmem>>) target_semaphore(%arg29 : memref<!tpu.dma_semaphore, #tpu.memory_space<semaphore_mem>>)
        %dma_start3A_329 = arith.constant 0 : i32
        %dma_start3A_330 = tpu.memref_slice %arg15[%dma_start3A_329] : memref<80xi32, #tpu.memory_space<vmem>> -> memref<64xi32, #tpu.memory_space<vmem>>
        %dma_start3A_331 = tpu.memref_slice %arg3[%add3A_326] : memref<524288xi32, #tpu.memory_space<hbm>> -> memref<64xi32, #tpu.memory_space<hbm>>
        %dma_start3A_332 = arith.constant 0 : i32
        %dma_start3A_333 = tpu.memref_slice %arg15[%dma_start3A_332] : memref<80xi32, #tpu.memory_space<vmem>> -> memref<64xi32, #tpu.memory_space<vmem>>
        %dma_start3A_334 = tpu.memref_slice %arg3[%add3A_326] : memref<524288xi32, #tpu.memory_space<hbm>> -> memref<64xi32, #tpu.memory_space<hbm>>
        tpu.enqueue_dma source(%dma_start3A_334 : memref<64xi32, #tpu.memory_space<hbm>>) target(%dma_start3A_333 : memref<64xi32, #tpu.memory_space<vmem>>) target_semaphore(%arg29 : memref<!tpu.dma_semaphore, #tpu.memory_space<semaphore_mem>>)
      } else {
      }
      %mul3A_253 = arith.constant 4 : i32
      %mul3A_254 = arith.muli %mul3A_253, %scan3A_61 : i32
      %add3A_255 = arith.constant 3 : i32
      %add3A_256 = arith.addi %mul3A_254, %add3A_255 : i32
      %add3A_257 = arith.constant 1 : i32
      %add3A_258 = arith.addi %add3A_256, %add3A_257 : i32
      %lt3A_259 = arith.constant 256 : i32
      %lt3A_260 = arith.cmpi slt, %add3A_258, %lt3A_259 : i32
      %convert_element_type3A_261 = arith.extui %lt3A_260 : i1 to i32
      %cond3A_262 = arith.constant 0 : i32
      %cond3A_263 = arith.cmpi ne, %convert_element_type3A_261, %cond3A_262 : i32
      scf.if %cond3A_263 {
        %add3A_322 = arith.constant 1 : i32
        %add3A_323 = arith.addi %add3A_256, %add3A_322 : i32
        %mul3A_324 = arith.constant 64 : i32
        %mul3A_325 = arith.muli %add3A_323, %mul3A_324 : i32
        %add3A_326 = arith.addi %mul3A_2, %mul3A_325 : i32
        %dma_wait3A_327 = tpu.memref_slice %arg2[%add3A_326] : memref<524288xi32, #tpu.memory_space<hbm>> -> memref<64xi32, #tpu.memory_space<hbm>>
        %dma_wait3A_328 = tpu.memref_slice %arg2[%add3A_326] : memref<524288xi32, #tpu.memory_space<hbm>> -> memref<64xi32, #tpu.memory_space<hbm>>
        tpu.wait_dma2 semaphore(%arg28 : memref<!tpu.dma_semaphore, #tpu.memory_space<semaphore_mem>>) src(%dma_wait3A_328 : memref<64xi32, #tpu.memory_space<hbm>>) dst(%arg10 : memref<64xi32, #tpu.memory_space<vmem>>)
        %dma_wait3A_329 = arith.constant 0 : i32
        %dma_wait3A_330 = tpu.memref_slice %arg14[%dma_wait3A_329] : memref<80xi32, #tpu.memory_space<vmem>> -> memref<64xi32, #tpu.memory_space<vmem>>
        %dma_wait3A_331 = tpu.memref_slice %arg3[%add3A_326] : memref<524288xi32, #tpu.memory_space<hbm>> -> memref<64xi32, #tpu.memory_space<hbm>>
        %dma_wait3A_332 = arith.constant 0 : i32
        %dma_wait3A_333 = tpu.memref_slice %arg14[%dma_wait3A_332] : memref<80xi32, #tpu.memory_space<vmem>> -> memref<64xi32, #tpu.memory_space<vmem>>
        %dma_wait3A_334 = tpu.memref_slice %arg3[%add3A_326] : memref<524288xi32, #tpu.memory_space<hbm>> -> memref<64xi32, #tpu.memory_space<hbm>>
        tpu.wait_dma2 semaphore(%arg28 : memref<!tpu.dma_semaphore, #tpu.memory_space<semaphore_mem>>) src(%dma_wait3A_334 : memref<64xi32, #tpu.memory_space<hbm>>) dst(%dma_wait3A_333 : memref<64xi32, #tpu.memory_space<vmem>>)
        %dma_start3A_335 = arith.constant 0 : i32
        %dma_start3A_336 = arith.constant 0 : i32
        %dma_start3A_337 = tpu.memref_slice %arg4[%dma_start3A_335, %dma_start3A_336] : memref<100000x128xf32, #tpu.memory_space<hbm>> -> memref<100000x128xf32, #tpu.memory_space<hbm>>
        tpu.enqueue_indirect_dma source(%dma_start3A_337 : memref<100000x128xf32, #tpu.memory_space<hbm>>) target(%arg18 : memref<64x128xf32, #tpu.memory_space<vmem>>) offsets(%arg10 : memref<64xi32, #tpu.memory_space<vmem>>) semaphore(%arg26 : memref<!tpu.dma_semaphore, #tpu.memory_space<semaphore_mem>>)
      } else {
      }
      %dma_wait3A_264 = arith.constant 0 : i32
      %dma_wait3A_265 = arith.constant 0 : i32
      %dma_wait3A_266 = tpu.memref_slice %arg4[%dma_wait3A_264, %dma_wait3A_265] : memref<100000x128xf32, #tpu.memory_space<hbm>> -> memref<100000x128xf32, #tpu.memory_space<hbm>>
      tpu.wait_indirect_dma semaphore(%arg27 : memref<!tpu.dma_semaphore, #tpu.memory_space<semaphore_mem>>) src(%dma_wait3A_266 : memref<100000x128xf32, #tpu.memory_space<hbm>>) dst(%arg19 : memref<64x128xf32, #tpu.memory_space<vmem>>)
      %mul3A_267 = arith.constant 64 : i32
      %mul3A_268 = arith.muli %add3A_256, %mul3A_267 : i32
      %rem3A_269 = arith.constant 512 : i32
      %rem3A_270 = arith.remsi %mul3A_268, %rem3A_269 : i32
      %get3A_271 = arith.constant 0 : index
      %get3A_272 = tpu.vector_load %arg24[%get3A_271] {strides = array<i32>} : memref<128xf32, #tpu.memory_space<vmem>>, vector<16xf32>,
      %get3A_273 = arith.constant 16 : index
      %get3A_274 = tpu.vector_load %arg24[%get3A_273] {strides = array<i32>} : memref<128xf32, #tpu.memory_space<vmem>>, vector<16xf32>,
      %get3A_275 = arith.constant 32 : index
      %get3A_276 = tpu.vector_load %arg24[%get3A_275] {strides = array<i32>} : memref<128xf32, #tpu.memory_space<vmem>>, vector<16xf32>,
      %get3A_277 = arith.constant 48 : index
      %get3A_278 = tpu.vector_load %arg24[%get3A_277] {strides = array<i32>} : memref<128xf32, #tpu.memory_space<vmem>>, vector<16xf32>,
      %get3A_279 = arith.constant 64 : index
      %get3A_280 = tpu.vector_load %arg24[%get3A_279] {strides = array<i32>} : memref<128xf32, #tpu.memory_space<vmem>>, vector<16xf32>,
      %get3A_281 = arith.constant 80 : index
      %get3A_282 = tpu.vector_load %arg24[%get3A_281] {strides = array<i32>} : memref<128xf32, #tpu.memory_space<vmem>>, vector<16xf32>,
      %get3A_283 = arith.constant 96 : index
      %get3A_284 = tpu.vector_load %arg24[%get3A_283] {strides = array<i32>} : memref<128xf32, #tpu.memory_space<vmem>>, vector<16xf32>,
      %get3A_285 = arith.constant 112 : index
      %get3A_286 = tpu.vector_load %arg24[%get3A_285] {strides = array<i32>} : memref<128xf32, #tpu.memory_space<vmem>>, vector<16xf32>,
      %get3A_287 = arith.constant 0 : index
      %get3A_288 = tpu.vector_load %arg25[%get3A_287] {strides = array<i32>} : memref<128xf32, #tpu.memory_space<vmem>>, vector<16xf32>,
      %get3A_289 = arith.constant 16 : index
      %get3A_290 = tpu.vector_load %arg25[%get3A_289] {strides = array<i32>} : memref<128xf32, #tpu.memory_space<vmem>>, vector<16xf32>,
      %get3A_291 = arith.constant 32 : index
      %get3A_292 = tpu.vector_load %arg25[%get3A_291] {strides = array<i32>} : memref<128xf32, #tpu.memory_space<vmem>>, vector<16xf32>,
      %get3A_293 = arith.constant 48 : index
      %get3A_294 = tpu.vector_load %arg25[%get3A_293] {strides = array<i32>} : memref<128xf32, #tpu.memory_space<vmem>>, vector<16xf32>,
      %get3A_295 = arith.constant 64 : index
      %get3A_296 = tpu.vector_load %arg25[%get3A_295] {strides = array<i32>} : memref<128xf32, #tpu.memory_space<vmem>>, vector<16xf32>,
      %get3A_297 = arith.constant 80 : index
      %get3A_298 = tpu.vector_load %arg25[%get3A_297] {strides = array<i32>} : memref<128xf32, #tpu.memory_space<vmem>>, vector<16xf32>,
      %get3A_299 = arith.constant 96 : index
      %get3A_300 = tpu.vector_load %arg25[%get3A_299] {strides = array<i32>} : memref<128xf32, #tpu.memory_space<vmem>>, vector<16xf32>,
      %get3A_301 = arith.constant 112 : index
      %get3A_302 = tpu.vector_load %arg25[%get3A_301] {strides = array<i32>} : memref<128xf32, #tpu.memory_space<vmem>>, vector<16xf32>,
      %parallel_loop3A_303 = arith.constant 0 : i32
      %parallel_loop3A_304 = arith.constant 64 : i32
      %parallel_loop3A_305 = arith.constant 2 : i32
      scf.for %parallel_loop3A_322 = %parallel_loop3A_303 to %parallel_loop3A_304 step %parallel_loop3A_305  : i32 {
        %parallel_loop3A_323 = arith.index_cast %parallel_loop3A_322 : i32 to index
        %parallel_loop3A_324 = tpu.vector_load %arg17[%parallel_loop3A_323] {strides = array<i32>} : memref<80xi32, #tpu.memory_space<vmem>>, vector<16xi32>,
        %parallel_loop3A_325 = arith.constant 0 : i32
        %parallel_loop3A_326 = arith.addi %parallel_loop3A_322, %parallel_loop3A_325 : i32
        %parallel_loop3A_327 = vector.extract_strided_slice %parallel_loop3A_324 {offsets = [0], sizes = [1], strides = [1]} : vector<16xi32> to vector<1xi32>
        %parallel_loop3A_328 = vector.extract %parallel_loop3A_327[0] : i32 from vector<1xi32>
        %parallel_loop3A_329 = arith.addi %rem3A_270, %parallel_loop3A_326 : i32
        %parallel_loop3A_330 = arith.index_cast %parallel_loop3A_326 : i32 to index
        %parallel_loop3A_331 = arith.constant 0 : index
        %parallel_loop3A_332 = tpu.vector_load %arg19[%parallel_loop3A_330, %parallel_loop3A_331] {strides = array<i32>} : memref<64x128xf32, #tpu.memory_space<vmem>>, vector<16xf32>,
        %parallel_loop3A_333 = arith.index_cast %parallel_loop3A_329 : i32 to index
        %parallel_loop3A_334 = arith.constant 0 : index
        %parallel_loop3A_335 = tpu.vector_load %arg22[%parallel_loop3A_333, %parallel_loop3A_334] {strides = array<i32>} : memref<512x128xf32, #tpu.memory_space<vmem>>, vector<16xf32>,
        %parallel_loop3A_336 = arith.addf %parallel_loop3A_332, %parallel_loop3A_335 : vector<16xf32>
        %parallel_loop3A_337 = arith.index_cast %parallel_loop3A_328 : i32 to index
        %parallel_loop3A_338 = arith.constant 0 : index
        %parallel_loop3A_339 = tpu.vector_load %arg23[%parallel_loop3A_337, %parallel_loop3A_338] {strides = array<i32>} : memref<2x128xf32, #tpu.memory_space<vmem>>, vector<16xf32>,
        %parallel_loop3A_340 = arith.addf %parallel_loop3A_336, %parallel_loop3A_339 : vector<16xf32>
        %parallel_loop3A_341 = arith.index_cast %parallel_loop3A_326 : i32 to index
        %parallel_loop3A_342 = arith.constant 16 : index
        %parallel_loop3A_343 = tpu.vector_load %arg19[%parallel_loop3A_341, %parallel_loop3A_342] {strides = array<i32>} : memref<64x128xf32, #tpu.memory_space<vmem>>, vector<16xf32>,
        %parallel_loop3A_344 = arith.index_cast %parallel_loop3A_329 : i32 to index
        %parallel_loop3A_345 = arith.constant 16 : index
        %parallel_loop3A_346 = tpu.vector_load %arg22[%parallel_loop3A_344, %parallel_loop3A_345] {strides = array<i32>} : memref<512x128xf32, #tpu.memory_space<vmem>>, vector<16xf32>,
        %parallel_loop3A_347 = arith.addf %parallel_loop3A_343, %parallel_loop3A_346 : vector<16xf32>
        %parallel_loop3A_348 = arith.index_cast %parallel_loop3A_328 : i32 to index
        %parallel_loop3A_349 = arith.constant 16 : index
        %parallel_loop3A_350 = tpu.vector_load %arg23[%parallel_loop3A_348, %parallel_loop3A_349] {strides = array<i32>} : memref<2x128xf32, #tpu.memory_space<vmem>>, vector<16xf32>,
        %parallel_loop3A_351 = arith.addf %parallel_loop3A_347, %parallel_loop3A_350 : vector<16xf32>
        %parallel_loop3A_352 = arith.index_cast %parallel_loop3A_326 : i32 to index
        %parallel_loop3A_353 = arith.constant 32 : index
        %parallel_loop3A_354 = tpu.vector_load %arg19[%parallel_loop3A_352, %parallel_loop3A_353] {strides = array<i32>} : memref<64x128xf32, #tpu.memory_space<vmem>>, vector<16xf32>,
        %parallel_loop3A_355 = arith.index_cast %parallel_loop3A_329 : i32 to index
        %parallel_loop3A_356 = arith.constant 32 : index
        %parallel_loop3A_357 = tpu.vector_load %arg22[%parallel_loop3A_355, %parallel_loop3A_356] {strides = array<i32>} : memref<512x128xf32, #tpu.memory_space<vmem>>, vector<16xf32>,
        %parallel_loop3A_358 = arith.addf %parallel_loop3A_354, %parallel_loop3A_357 : vector<16xf32>
        %parallel_loop3A_359 = arith.index_cast %parallel_loop3A_328 : i32 to index
        %parallel_loop3A_360 = arith.constant 32 : index
        %parallel_loop3A_361 = tpu.vector_load %arg23[%parallel_loop3A_359, %parallel_loop3A_360] {strides = array<i32>} : memref<2x128xf32, #tpu.memory_space<vmem>>, vector<16xf32>,
        %parallel_loop3A_362 = arith.addf %parallel_loop3A_358, %parallel_loop3A_361 : vector<16xf32>
        %parallel_loop3A_363 = arith.index_cast %parallel_loop3A_326 : i32 to index
        %parallel_loop3A_364 = arith.constant 48 : index
        %parallel_loop3A_365 = tpu.vector_load %arg19[%parallel_loop3A_363, %parallel_loop3A_364] {strides = array<i32>} : memref<64x128xf32, #tpu.memory_space<vmem>>, vector<16xf32>,
        %parallel_loop3A_366 = arith.index_cast %parallel_loop3A_329 : i32 to index
        %parallel_loop3A_367 = arith.constant 48 : index
        %parallel_loop3A_368 = tpu.vector_load %arg22[%parallel_loop3A_366, %parallel_loop3A_367] {strides = array<i32>} : memref<512x128xf32, #tpu.memory_space<vmem>>, vector<16xf32>,
        %parallel_loop3A_369 = arith.addf %parallel_loop3A_365, %parallel_loop3A_368 : vector<16xf32>
        %parallel_loop3A_370 = arith.index_cast %parallel_loop3A_328 : i32 to index
        %parallel_loop3A_371 = arith.constant 48 : index
        %parallel_loop3A_372 = tpu.vector_load %arg23[%parallel_loop3A_370, %parallel_loop3A_371] {strides = array<i32>} : memref<2x128xf32, #tpu.memory_space<vmem>>, vector<16xf32>,
        %parallel_loop3A_373 = arith.addf %parallel_loop3A_369, %parallel_loop3A_372 : vector<16xf32>
        %parallel_loop3A_374 = arith.index_cast %parallel_loop3A_326 : i32 to index
        %parallel_loop3A_375 = arith.constant 64 : index
        %parallel_loop3A_376 = tpu.vector_load %arg19[%parallel_loop3A_374, %parallel_loop3A_375] {strides = array<i32>} : memref<64x128xf32, #tpu.memory_space<vmem>>, vector<16xf32>,
        %parallel_loop3A_377 = arith.index_cast %parallel_loop3A_329 : i32 to index
        %parallel_loop3A_378 = arith.constant 64 : index
        %parallel_loop3A_379 = tpu.vector_load %arg22[%parallel_loop3A_377, %parallel_loop3A_378] {strides = array<i32>} : memref<512x128xf32, #tpu.memory_space<vmem>>, vector<16xf32>,
        %parallel_loop3A_380 = arith.addf %parallel_loop3A_376, %parallel_loop3A_379 : vector<16xf32>
        %parallel_loop3A_381 = arith.index_cast %parallel_loop3A_328 : i32 to index
        %parallel_loop3A_382 = arith.constant 64 : index
        %parallel_loop3A_383 = tpu.vector_load %arg23[%parallel_loop3A_381, %parallel_loop3A_382] {strides = array<i32>} : memref<2x128xf32, #tpu.memory_space<vmem>>, vector<16xf32>,
        %parallel_loop3A_384 = arith.addf %parallel_loop3A_380, %parallel_loop3A_383 : vector<16xf32>
        %parallel_loop3A_385 = arith.index_cast %parallel_loop3A_326 : i32 to index
        %parallel_loop3A_386 = arith.constant 80 : index
        %parallel_loop3A_387 = tpu.vector_load %arg19[%parallel_loop3A_385, %parallel_loop3A_386] {strides = array<i32>} : memref<64x128xf32, #tpu.memory_space<vmem>>, vector<16xf32>,
        %parallel_loop3A_388 = arith.index_cast %parallel_loop3A_329 : i32 to index
        %parallel_loop3A_389 = arith.constant 80 : index
        %parallel_loop3A_390 = tpu.vector_load %arg22[%parallel_loop3A_388, %parallel_loop3A_389] {strides = array<i32>} : memref<512x128xf32, #tpu.memory_space<vmem>>, vector<16xf32>,
        %parallel_loop3A_391 = arith.addf %parallel_loop3A_387, %parallel_loop3A_390 : vector<16xf32>
        %parallel_loop3A_392 = arith.index_cast %parallel_loop3A_328 : i32 to index
        %parallel_loop3A_393 = arith.constant 80 : index
        %parallel_loop3A_394 = tpu.vector_load %arg23[%parallel_loop3A_392, %parallel_loop3A_393] {strides = array<i32>} : memref<2x128xf32, #tpu.memory_space<vmem>>, vector<16xf32>,
        %parallel_loop3A_395 = arith.addf %parallel_loop3A_391, %parallel_loop3A_394 : vector<16xf32>
        %parallel_loop3A_396 = arith.index_cast %parallel_loop3A_326 : i32 to index
        %parallel_loop3A_397 = arith.constant 96 : index
        %parallel_loop3A_398 = tpu.vector_load %arg19[%parallel_loop3A_396, %parallel_loop3A_397] {strides = array<i32>} : memref<64x128xf32, #tpu.memory_space<vmem>>, vector<16xf32>,
        %parallel_loop3A_399 = arith.index_cast %parallel_loop3A_329 : i32 to index
        %parallel_loop3A_400 = arith.constant 96 : index
        %parallel_loop3A_401 = tpu.vector_load %arg22[%parallel_loop3A_399, %parallel_loop3A_400] {strides = array<i32>} : memref<512x128xf32, #tpu.memory_space<vmem>>, vector<16xf32>,
        %parallel_loop3A_402 = arith.addf %parallel_loop3A_398, %parallel_loop3A_401 : vector<16xf32>
        %parallel_loop3A_403 = arith.index_cast %parallel_loop3A_328 : i32 to index
        %parallel_loop3A_404 = arith.constant 96 : index
        %parallel_loop3A_405 = tpu.vector_load %arg23[%parallel_loop3A_403, %parallel_loop3A_404] {strides = array<i32>} : memref<2x128xf32, #tpu.memory_space<vmem>>, vector<16xf32>,
        %parallel_loop3A_406 = arith.addf %parallel_loop3A_402, %parallel_loop3A_405 : vector<16xf32>
        %parallel_loop3A_407 = arith.index_cast %parallel_loop3A_326 : i32 to index
        %parallel_loop3A_408 = arith.constant 112 : index
        %parallel_loop3A_409 = tpu.vector_load %arg19[%parallel_loop3A_407, %parallel_loop3A_408] {strides = array<i32>} : memref<64x128xf32, #tpu.memory_space<vmem>>, vector<16xf32>,
        %parallel_loop3A_410 = arith.index_cast %parallel_loop3A_329 : i32 to index
        %parallel_loop3A_411 = arith.constant 112 : index
        %parallel_loop3A_412 = tpu.vector_load %arg22[%parallel_loop3A_410, %parallel_loop3A_411] {strides = array<i32>} : memref<512x128xf32, #tpu.memory_space<vmem>>, vector<16xf32>,
        %parallel_loop3A_413 = arith.addf %parallel_loop3A_409, %parallel_loop3A_412 : vector<16xf32>
        %parallel_loop3A_414 = arith.index_cast %parallel_loop3A_328 : i32 to index
        %parallel_loop3A_415 = arith.constant 112 : index
        %parallel_loop3A_416 = tpu.vector_load %arg23[%parallel_loop3A_414, %parallel_loop3A_415] {strides = array<i32>} : memref<2x128xf32, #tpu.memory_space<vmem>>, vector<16xf32>,
        %parallel_loop3A_417 = arith.addf %parallel_loop3A_413, %parallel_loop3A_416 : vector<16xf32>
        %parallel_loop3A_418 = arith.addf %parallel_loop3A_340, %parallel_loop3A_351 : vector<16xf32>
        %parallel_loop3A_419 = arith.addf %parallel_loop3A_362, %parallel_loop3A_373 : vector<16xf32>
        %parallel_loop3A_420 = arith.addf %parallel_loop3A_384, %parallel_loop3A_395 : vector<16xf32>
        %parallel_loop3A_421 = arith.addf %parallel_loop3A_406, %parallel_loop3A_417 : vector<16xf32>
        %parallel_loop3A_422 = arith.addf %parallel_loop3A_418, %parallel_loop3A_419 : vector<16xf32>
        %parallel_loop3A_423 = arith.addf %parallel_loop3A_420, %parallel_loop3A_421 : vector<16xf32>
        %parallel_loop3A_424 = arith.addf %parallel_loop3A_422, %parallel_loop3A_423 : vector<16xf32>
        %parallel_loop3A_425 = arith.constant true
        %parallel_loop3A_426 = vector.broadcast %parallel_loop3A_425 : i1 to vector<16xi1>
        %parallel_loop3A_427 = tpu.scan <sum>, %parallel_loop3A_424 masked %parallel_loop3A_426 : vector<16xf32>, vector<16xi1> -> vector<16xf32>
        %parallel_loop3A_428 = vector.extract %parallel_loop3A_427[15] : f32 from vector<16xf32>
        %parallel_loop3A_429 = arith.mulf %parallel_loop3A_340, %parallel_loop3A_340 : vector<16xf32>
        %parallel_loop3A_430 = arith.mulf %parallel_loop3A_351, %parallel_loop3A_351 : vector<16xf32>
        %parallel_loop3A_431 = arith.mulf %parallel_loop3A_362, %parallel_loop3A_362 : vector<16xf32>
        %parallel_loop3A_432 = arith.mulf %parallel_loop3A_373, %parallel_loop3A_373 : vector<16xf32>
        %parallel_loop3A_433 = arith.mulf %parallel_loop3A_384, %parallel_loop3A_384 : vector<16xf32>
        %parallel_loop3A_434 = arith.mulf %parallel_loop3A_395, %parallel_loop3A_395 : vector<16xf32>
        %parallel_loop3A_435 = arith.mulf %parallel_loop3A_406, %parallel_loop3A_406 : vector<16xf32>
        %parallel_loop3A_436 = arith.mulf %parallel_loop3A_417, %parallel_loop3A_417 : vector<16xf32>
        %parallel_loop3A_437 = arith.addf %parallel_loop3A_429, %parallel_loop3A_430 : vector<16xf32>
        %parallel_loop3A_438 = arith.addf %parallel_loop3A_431, %parallel_loop3A_432 : vector<16xf32>
        %parallel_loop3A_439 = arith.addf %parallel_loop3A_433, %parallel_loop3A_434 : vector<16xf32>
        %parallel_loop3A_440 = arith.addf %parallel_loop3A_435, %parallel_loop3A_436 : vector<16xf32>
        %parallel_loop3A_441 = arith.addf %parallel_loop3A_437, %parallel_loop3A_438 : vector<16xf32>
        %parallel_loop3A_442 = arith.addf %parallel_loop3A_439, %parallel_loop3A_440 : vector<16xf32>
        %parallel_loop3A_443 = arith.addf %parallel_loop3A_441, %parallel_loop3A_442 : vector<16xf32>
        %parallel_loop3A_444 = arith.constant true
        %parallel_loop3A_445 = vector.broadcast %parallel_loop3A_444 : i1 to vector<16xi1>
        %parallel_loop3A_446 = tpu.scan <sum>, %parallel_loop3A_443 masked %parallel_loop3A_445 : vector<16xf32>, vector<16xi1> -> vector<16xf32>
        %parallel_loop3A_447 = vector.extract %parallel_loop3A_446[15] : f32 from vector<16xf32>
        %parallel_loop3A_448 = arith.constant 7.812500e-03 : f32
        %parallel_loop3A_449 = arith.mulf %parallel_loop3A_428, %parallel_loop3A_448 : f32
        %parallel_loop3A_450 = arith.constant 7.812500e-03 : f32
        %parallel_loop3A_451 = arith.mulf %parallel_loop3A_447, %parallel_loop3A_450 : f32
        %parallel_loop3A_452 = arith.mulf %parallel_loop3A_449, %parallel_loop3A_449 : f32
        %parallel_loop3A_453 = arith.subf %parallel_loop3A_451, %parallel_loop3A_452 : f32
        %parallel_loop3A_454 = arith.constant 9.99999974E-6 : f32
        %parallel_loop3A_455 = arith.addf %parallel_loop3A_453, %parallel_loop3A_454 : f32
        %parallel_loop3A_456 = vector.broadcast %parallel_loop3A_455 : f32 to vector<16xf32>
        %parallel_loop3A_457 = tpu.bitcast %parallel_loop3A_456 : vector<16xf32> -> vector<16xi32>
        %parallel_loop3A_458 = arith.constant 1 : i32
        %parallel_loop3A_459 = vector.broadcast %parallel_loop3A_458 : i32 to vector<16xi32>
        %parallel_loop3A_460 = arith.shrsi %parallel_loop3A_457, %parallel_loop3A_459 : vector<16xi32>
        %parallel_loop3A_461 = arith.constant 1597463007 : i32
        %parallel_loop3A_462 = vector.broadcast %parallel_loop3A_461 : i32 to vector<16xi32>
        %parallel_loop3A_463 = arith.subi %parallel_loop3A_462, %parallel_loop3A_460 : vector<16xi32>
        %parallel_loop3A_464 = tpu.bitcast %parallel_loop3A_463 : vector<16xi32> -> vector<16xf32>
        %parallel_loop3A_465 = arith.constant 5.000000e-01 : f32
        %parallel_loop3A_466 = vector.broadcast %parallel_loop3A_465 : f32 to vector<16xf32>
        %parallel_loop3A_467 = arith.mulf %parallel_loop3A_466, %parallel_loop3A_456 : vector<16xf32>
        %parallel_loop3A_468 = arith.mulf %parallel_loop3A_467, %parallel_loop3A_464 : vector<16xf32>
        %parallel_loop3A_469 = arith.mulf %parallel_loop3A_468, %parallel_loop3A_464 : vector<16xf32>
        %parallel_loop3A_470 = arith.constant 1.500000e+00 : f32
        %parallel_loop3A_471 = vector.broadcast %parallel_loop3A_470 : f32 to vector<16xf32>
        %parallel_loop3A_472 = arith.subf %parallel_loop3A_471, %parallel_loop3A_469 : vector<16xf32>
        %parallel_loop3A_473 = arith.mulf %parallel_loop3A_464, %parallel_loop3A_472 : vector<16xf32>
        %parallel_loop3A_474 = arith.constant 5.000000e-01 : f32
        %parallel_loop3A_475 = vector.broadcast %parallel_loop3A_474 : f32 to vector<16xf32>
        %parallel_loop3A_476 = arith.mulf %parallel_loop3A_475, %parallel_loop3A_456 : vector<16xf32>
        %parallel_loop3A_477 = arith.mulf %parallel_loop3A_476, %parallel_loop3A_473 : vector<16xf32>
        %parallel_loop3A_478 = arith.mulf %parallel_loop3A_477, %parallel_loop3A_473 : vector<16xf32>
        %parallel_loop3A_479 = arith.constant 1.500000e+00 : f32
        %parallel_loop3A_480 = vector.broadcast %parallel_loop3A_479 : f32 to vector<16xf32>
        %parallel_loop3A_481 = arith.subf %parallel_loop3A_480, %parallel_loop3A_478 : vector<16xf32>
        %parallel_loop3A_482 = arith.mulf %parallel_loop3A_473, %parallel_loop3A_481 : vector<16xf32>
        %parallel_loop3A_483 = arith.constant 5.000000e-01 : f32
        %parallel_loop3A_484 = vector.broadcast %parallel_loop3A_483 : f32 to vector<16xf32>
        %parallel_loop3A_485 = arith.mulf %parallel_loop3A_484, %parallel_loop3A_456 : vector<16xf32>
        %parallel_loop3A_486 = arith.mulf %parallel_loop3A_485, %parallel_loop3A_482 : vector<16xf32>
        %parallel_loop3A_487 = arith.mulf %parallel_loop3A_486, %parallel_loop3A_482 : vector<16xf32>
        %parallel_loop3A_488 = arith.constant 1.500000e+00 : f32
        %parallel_loop3A_489 = vector.broadcast %parallel_loop3A_488 : f32 to vector<16xf32>
        %parallel_loop3A_490 = arith.subf %parallel_loop3A_489, %parallel_loop3A_487 : vector<16xf32>
        %parallel_loop3A_491 = arith.mulf %parallel_loop3A_482, %parallel_loop3A_490 : vector<16xf32>
        %parallel_loop3A_492 = arith.constant 0.000000e+00 : f32
        %parallel_loop3A_493 = arith.subf %parallel_loop3A_492, %parallel_loop3A_449 : f32
        %parallel_loop3A_494 = vector.broadcast %parallel_loop3A_493 : f32 to vector<16xf32>
        %parallel_loop3A_495 = arith.mulf %parallel_loop3A_494, %parallel_loop3A_491 : vector<16xf32>
        %parallel_loop3A_496 = arith.mulf %parallel_loop3A_340, %parallel_loop3A_491 : vector<16xf32>
        %parallel_loop3A_497 = arith.addf %parallel_loop3A_496, %parallel_loop3A_495 : vector<16xf32>
        %parallel_loop3A_498 = arith.mulf %parallel_loop3A_497, %get3A_272 : vector<16xf32>
        %parallel_loop3A_499 = arith.addf %parallel_loop3A_498, %get3A_288 : vector<16xf32>
        %parallel_loop3A_500 = arith.constant 64 : i32
        %parallel_loop3A_501 = arith.addi %parallel_loop3A_500, %parallel_loop3A_326 : i32
        %parallel_loop3A_502 = arith.index_cast %parallel_loop3A_501 : i32 to index
        %parallel_loop3A_503 = arith.constant 0 : index
        %parallel_loop3A_504 = tpu.vector_load %arg21[%parallel_loop3A_502, %parallel_loop3A_503] {strides = array<i32>} : memref<128x128xf32, #tpu.memory_space<vmem>>, vector<16xf32>,
        tpu.vector_store %arg21[%parallel_loop3A_502, %parallel_loop3A_503], %parallel_loop3A_499 {strides = array<i32>} : memref<128x128xf32, #tpu.memory_space<vmem>>, vector<16xf32>,
        %parallel_loop3A_505 = arith.mulf %parallel_loop3A_351, %parallel_loop3A_491 : vector<16xf32>
        %parallel_loop3A_506 = arith.addf %parallel_loop3A_505, %parallel_loop3A_495 : vector<16xf32>
        %parallel_loop3A_507 = arith.mulf %parallel_loop3A_506, %get3A_274 : vector<16xf32>
        %parallel_loop3A_508 = arith.addf %parallel_loop3A_507, %get3A_290 : vector<16xf32>
        %parallel_loop3A_509 = arith.constant 64 : i32
        %parallel_loop3A_510 = arith.addi %parallel_loop3A_509, %parallel_loop3A_326 : i32
        %parallel_loop3A_511 = arith.index_cast %parallel_loop3A_510 : i32 to index
        %parallel_loop3A_512 = arith.constant 16 : index
        %parallel_loop3A_513 = tpu.vector_load %arg21[%parallel_loop3A_511, %parallel_loop3A_512] {strides = array<i32>} : memref<128x128xf32, #tpu.memory_space<vmem>>, vector<16xf32>,
        tpu.vector_store %arg21[%parallel_loop3A_511, %parallel_loop3A_512], %parallel_loop3A_508 {strides = array<i32>} : memref<128x128xf32, #tpu.memory_space<vmem>>, vector<16xf32>,
        %parallel_loop3A_514 = arith.mulf %parallel_loop3A_362, %parallel_loop3A_491 : vector<16xf32>
        %parallel_loop3A_515 = arith.addf %parallel_loop3A_514, %parallel_loop3A_495 : vector<16xf32>
        %parallel_loop3A_516 = arith.mulf %parallel_loop3A_515, %get3A_276 : vector<16xf32>
        %parallel_loop3A_517 = arith.addf %parallel_loop3A_516, %get3A_292 : vector<16xf32>
        %parallel_loop3A_518 = arith.constant 64 : i32
        %parallel_loop3A_519 = arith.addi %parallel_loop3A_518, %parallel_loop3A_326 : i32
        %parallel_loop3A_520 = arith.index_cast %parallel_loop3A_519 : i32 to index
        %parallel_loop3A_521 = arith.constant 32 : index
        %parallel_loop3A_522 = tpu.vector_load %arg21[%parallel_loop3A_520, %parallel_loop3A_521] {strides = array<i32>} : memref<128x128xf32, #tpu.memory_space<vmem>>, vector<16xf32>,
        tpu.vector_store %arg21[%parallel_loop3A_520, %parallel_loop3A_521], %parallel_loop3A_517 {strides = array<i32>} : memref<128x128xf32, #tpu.memory_space<vmem>>, vector<16xf32>,
        %parallel_loop3A_523 = arith.mulf %parallel_loop3A_373, %parallel_loop3A_491 : vector<16xf32>
        %parallel_loop3A_524 = arith.addf %parallel_loop3A_523, %parallel_loop3A_495 : vector<16xf32>
        %parallel_loop3A_525 = arith.mulf %parallel_loop3A_524, %get3A_278 : vector<16xf32>
        %parallel_loop3A_526 = arith.addf %parallel_loop3A_525, %get3A_294 : vector<16xf32>
        %parallel_loop3A_527 = arith.constant 64 : i32
        %parallel_loop3A_528 = arith.addi %parallel_loop3A_527, %parallel_loop3A_326 : i32
        %parallel_loop3A_529 = arith.index_cast %parallel_loop3A_528 : i32 to index
        %parallel_loop3A_530 = arith.constant 48 : index
        %parallel_loop3A_531 = tpu.vector_load %arg21[%parallel_loop3A_529, %parallel_loop3A_530] {strides = array<i32>} : memref<128x128xf32, #tpu.memory_space<vmem>>, vector<16xf32>,
        tpu.vector_store %arg21[%parallel_loop3A_529, %parallel_loop3A_530], %parallel_loop3A_526 {strides = array<i32>} : memref<128x128xf32, #tpu.memory_space<vmem>>, vector<16xf32>,
        %parallel_loop3A_532 = arith.mulf %parallel_loop3A_384, %parallel_loop3A_491 : vector<16xf32>
        %parallel_loop3A_533 = arith.addf %parallel_loop3A_532, %parallel_loop3A_495 : vector<16xf32>
        %parallel_loop3A_534 = arith.mulf %parallel_loop3A_533, %get3A_280 : vector<16xf32>
        %parallel_loop3A_535 = arith.addf %parallel_loop3A_534, %get3A_296 : vector<16xf32>
        %parallel_loop3A_536 = arith.constant 64 : i32
        %parallel_loop3A_537 = arith.addi %parallel_loop3A_536, %parallel_loop3A_326 : i32
        %parallel_loop3A_538 = arith.index_cast %parallel_loop3A_537 : i32 to index
        %parallel_loop3A_539 = arith.constant 64 : index
        %parallel_loop3A_540 = tpu.vector_load %arg21[%parallel_loop3A_538, %parallel_loop3A_539] {strides = array<i32>} : memref<128x128xf32, #tpu.memory_space<vmem>>, vector<16xf32>,
        tpu.vector_store %arg21[%parallel_loop3A_538, %parallel_loop3A_539], %parallel_loop3A_535 {strides = array<i32>} : memref<128x128xf32, #tpu.memory_space<vmem>>, vector<16xf32>,
        %parallel_loop3A_541 = arith.mulf %parallel_loop3A_395, %parallel_loop3A_491 : vector<16xf32>
        %parallel_loop3A_542 = arith.addf %parallel_loop3A_541, %parallel_loop3A_495 : vector<16xf32>
        %parallel_loop3A_543 = arith.mulf %parallel_loop3A_542, %get3A_282 : vector<16xf32>
        %parallel_loop3A_544 = arith.addf %parallel_loop3A_543, %get3A_298 : vector<16xf32>
        %parallel_loop3A_545 = arith.constant 64 : i32
        %parallel_loop3A_546 = arith.addi %parallel_loop3A_545, %parallel_loop3A_326 : i32
        %parallel_loop3A_547 = arith.index_cast %parallel_loop3A_546 : i32 to index
        %parallel_loop3A_548 = arith.constant 80 : index
        %parallel_loop3A_549 = tpu.vector_load %arg21[%parallel_loop3A_547, %parallel_loop3A_548] {strides = array<i32>} : memref<128x128xf32, #tpu.memory_space<vmem>>, vector<16xf32>,
        tpu.vector_store %arg21[%parallel_loop3A_547, %parallel_loop3A_548], %parallel_loop3A_544 {strides = array<i32>} : memref<128x128xf32, #tpu.memory_space<vmem>>, vector<16xf32>,
        %parallel_loop3A_550 = arith.mulf %parallel_loop3A_406, %parallel_loop3A_491 : vector<16xf32>
        %parallel_loop3A_551 = arith.addf %parallel_loop3A_550, %parallel_loop3A_495 : vector<16xf32>
        %parallel_loop3A_552 = arith.mulf %parallel_loop3A_551, %get3A_284 : vector<16xf32>
        %parallel_loop3A_553 = arith.addf %parallel_loop3A_552, %get3A_300 : vector<16xf32>
        %parallel_loop3A_554 = arith.constant 64 : i32
        %parallel_loop3A_555 = arith.addi %parallel_loop3A_554, %parallel_loop3A_326 : i32
        %parallel_loop3A_556 = arith.index_cast %parallel_loop3A_555 : i32 to index
        %parallel_loop3A_557 = arith.constant 96 : index
        %parallel_loop3A_558 = tpu.vector_load %arg21[%parallel_loop3A_556, %parallel_loop3A_557] {strides = array<i32>} : memref<128x128xf32, #tpu.memory_space<vmem>>, vector<16xf32>,
        tpu.vector_store %arg21[%parallel_loop3A_556, %parallel_loop3A_557], %parallel_loop3A_553 {strides = array<i32>} : memref<128x128xf32, #tpu.memory_space<vmem>>, vector<16xf32>,
        %parallel_loop3A_559 = arith.mulf %parallel_loop3A_417, %parallel_loop3A_491 : vector<16xf32>
        %parallel_loop3A_560 = arith.addf %parallel_loop3A_559, %parallel_loop3A_495 : vector<16xf32>
        %parallel_loop3A_561 = arith.mulf %parallel_loop3A_560, %get3A_286 : vector<16xf32>
        %parallel_loop3A_562 = arith.addf %parallel_loop3A_561, %get3A_302 : vector<16xf32>
        %parallel_loop3A_563 = arith.constant 64 : i32
        %parallel_loop3A_564 = arith.addi %parallel_loop3A_563, %parallel_loop3A_326 : i32
        %parallel_loop3A_565 = arith.index_cast %parallel_loop3A_564 : i32 to index
        %parallel_loop3A_566 = arith.constant 112 : index
        %parallel_loop3A_567 = tpu.vector_load %arg21[%parallel_loop3A_565, %parallel_loop3A_566] {strides = array<i32>} : memref<128x128xf32, #tpu.memory_space<vmem>>, vector<16xf32>,
        tpu.vector_store %arg21[%parallel_loop3A_565, %parallel_loop3A_566], %parallel_loop3A_562 {strides = array<i32>} : memref<128x128xf32, #tpu.memory_space<vmem>>, vector<16xf32>,
        %parallel_loop3A_568 = arith.constant 1 : i32
        %parallel_loop3A_569 = arith.addi %parallel_loop3A_322, %parallel_loop3A_568 : i32
        %parallel_loop3A_570 = vector.extract_strided_slice %parallel_loop3A_324 {offsets = [1], sizes = [1], strides = [1]} : vector<16xi32> to vector<1xi32>
        %parallel_loop3A_571 = vector.extract %parallel_loop3A_570[0] : i32 from vector<1xi32>
        %parallel_loop3A_572 = arith.addi %rem3A_270, %parallel_loop3A_569 : i32
        %parallel_loop3A_573 = arith.index_cast %parallel_loop3A_569 : i32 to index
        %parallel_loop3A_574 = arith.constant 0 : index
        %parallel_loop3A_575 = tpu.vector_load %arg19[%parallel_loop3A_573, %parallel_loop3A_574] {strides = array<i32>} : memref<64x128xf32, #tpu.memory_space<vmem>>, vector<16xf32>,
        %parallel_loop3A_576 = arith.index_cast %parallel_loop3A_572 : i32 to index
        %parallel_loop3A_577 = arith.constant 0 : index
        %parallel_loop3A_578 = tpu.vector_load %arg22[%parallel_loop3A_576, %parallel_loop3A_577] {strides = array<i32>} : memref<512x128xf32, #tpu.memory_space<vmem>>, vector<16xf32>,
        %parallel_loop3A_579 = arith.addf %parallel_loop3A_575, %parallel_loop3A_578 : vector<16xf32>
        %parallel_loop3A_580 = arith.index_cast %parallel_loop3A_571 : i32 to index
        %parallel_loop3A_581 = arith.constant 0 : index
        %parallel_loop3A_582 = tpu.vector_load %arg23[%parallel_loop3A_580, %parallel_loop3A_581] {strides = array<i32>} : memref<2x128xf32, #tpu.memory_space<vmem>>, vector<16xf32>,
        %parallel_loop3A_583 = arith.addf %parallel_loop3A_579, %parallel_loop3A_582 : vector<16xf32>
        %parallel_loop3A_584 = arith.index_cast %parallel_loop3A_569 : i32 to index
        %parallel_loop3A_585 = arith.constant 16 : index
        %parallel_loop3A_586 = tpu.vector_load %arg19[%parallel_loop3A_584, %parallel_loop3A_585] {strides = array<i32>} : memref<64x128xf32, #tpu.memory_space<vmem>>, vector<16xf32>,
        %parallel_loop3A_587 = arith.index_cast %parallel_loop3A_572 : i32 to index
        %parallel_loop3A_588 = arith.constant 16 : index
        %parallel_loop3A_589 = tpu.vector_load %arg22[%parallel_loop3A_587, %parallel_loop3A_588] {strides = array<i32>} : memref<512x128xf32, #tpu.memory_space<vmem>>, vector<16xf32>,
        %parallel_loop3A_590 = arith.addf %parallel_loop3A_586, %parallel_loop3A_589 : vector<16xf32>
        %parallel_loop3A_591 = arith.index_cast %parallel_loop3A_571 : i32 to index
        %parallel_loop3A_592 = arith.constant 16 : index
        %parallel_loop3A_593 = tpu.vector_load %arg23[%parallel_loop3A_591, %parallel_loop3A_592] {strides = array<i32>} : memref<2x128xf32, #tpu.memory_space<vmem>>, vector<16xf32>,
        %parallel_loop3A_594 = arith.addf %parallel_loop3A_590, %parallel_loop3A_593 : vector<16xf32>
        %parallel_loop3A_595 = arith.index_cast %parallel_loop3A_569 : i32 to index
        %parallel_loop3A_596 = arith.constant 32 : index
        %parallel_loop3A_597 = tpu.vector_load %arg19[%parallel_loop3A_595, %parallel_loop3A_596] {strides = array<i32>} : memref<64x128xf32, #tpu.memory_space<vmem>>, vector<16xf32>,
        %parallel_loop3A_598 = arith.index_cast %parallel_loop3A_572 : i32 to index
        %parallel_loop3A_599 = arith.constant 32 : index
        %parallel_loop3A_600 = tpu.vector_load %arg22[%parallel_loop3A_598, %parallel_loop3A_599] {strides = array<i32>} : memref<512x128xf32, #tpu.memory_space<vmem>>, vector<16xf32>,
        %parallel_loop3A_601 = arith.addf %parallel_loop3A_597, %parallel_loop3A_600 : vector<16xf32>
        %parallel_loop3A_602 = arith.index_cast %parallel_loop3A_571 : i32 to index
        %parallel_loop3A_603 = arith.constant 32 : index
        %parallel_loop3A_604 = tpu.vector_load %arg23[%parallel_loop3A_602, %parallel_loop3A_603] {strides = array<i32>} : memref<2x128xf32, #tpu.memory_space<vmem>>, vector<16xf32>,
        %parallel_loop3A_605 = arith.addf %parallel_loop3A_601, %parallel_loop3A_604 : vector<16xf32>
        %parallel_loop3A_606 = arith.index_cast %parallel_loop3A_569 : i32 to index
        %parallel_loop3A_607 = arith.constant 48 : index
        %parallel_loop3A_608 = tpu.vector_load %arg19[%parallel_loop3A_606, %parallel_loop3A_607] {strides = array<i32>} : memref<64x128xf32, #tpu.memory_space<vmem>>, vector<16xf32>,
        %parallel_loop3A_609 = arith.index_cast %parallel_loop3A_572 : i32 to index
        %parallel_loop3A_610 = arith.constant 48 : index
        %parallel_loop3A_611 = tpu.vector_load %arg22[%parallel_loop3A_609, %parallel_loop3A_610] {strides = array<i32>} : memref<512x128xf32, #tpu.memory_space<vmem>>, vector<16xf32>,
        %parallel_loop3A_612 = arith.addf %parallel_loop3A_608, %parallel_loop3A_611 : vector<16xf32>
        %parallel_loop3A_613 = arith.index_cast %parallel_loop3A_571 : i32 to index
        %parallel_loop3A_614 = arith.constant 48 : index
        %parallel_loop3A_615 = tpu.vector_load %arg23[%parallel_loop3A_613, %parallel_loop3A_614] {strides = array<i32>} : memref<2x128xf32, #tpu.memory_space<vmem>>, vector<16xf32>,
        %parallel_loop3A_616 = arith.addf %parallel_loop3A_612, %parallel_loop3A_615 : vector<16xf32>
        %parallel_loop3A_617 = arith.index_cast %parallel_loop3A_569 : i32 to index
        %parallel_loop3A_618 = arith.constant 64 : index
        %parallel_loop3A_619 = tpu.vector_load %arg19[%parallel_loop3A_617, %parallel_loop3A_618] {strides = array<i32>} : memref<64x128xf32, #tpu.memory_space<vmem>>, vector<16xf32>,
        %parallel_loop3A_620 = arith.index_cast %parallel_loop3A_572 : i32 to index
        %parallel_loop3A_621 = arith.constant 64 : index
        %parallel_loop3A_622 = tpu.vector_load %arg22[%parallel_loop3A_620, %parallel_loop3A_621] {strides = array<i32>} : memref<512x128xf32, #tpu.memory_space<vmem>>, vector<16xf32>,
        %parallel_loop3A_623 = arith.addf %parallel_loop3A_619, %parallel_loop3A_622 : vector<16xf32>
        %parallel_loop3A_624 = arith.index_cast %parallel_loop3A_571 : i32 to index
        %parallel_loop3A_625 = arith.constant 64 : index
        %parallel_loop3A_626 = tpu.vector_load %arg23[%parallel_loop3A_624, %parallel_loop3A_625] {strides = array<i32>} : memref<2x128xf32, #tpu.memory_space<vmem>>, vector<16xf32>,
        %parallel_loop3A_627 = arith.addf %parallel_loop3A_623, %parallel_loop3A_626 : vector<16xf32>
        %parallel_loop3A_628 = arith.index_cast %parallel_loop3A_569 : i32 to index
        %parallel_loop3A_629 = arith.constant 80 : index
        %parallel_loop3A_630 = tpu.vector_load %arg19[%parallel_loop3A_628, %parallel_loop3A_629] {strides = array<i32>} : memref<64x128xf32, #tpu.memory_space<vmem>>, vector<16xf32>,
        %parallel_loop3A_631 = arith.index_cast %parallel_loop3A_572 : i32 to index
        %parallel_loop3A_632 = arith.constant 80 : index
        %parallel_loop3A_633 = tpu.vector_load %arg22[%parallel_loop3A_631, %parallel_loop3A_632] {strides = array<i32>} : memref<512x128xf32, #tpu.memory_space<vmem>>, vector<16xf32>,
        %parallel_loop3A_634 = arith.addf %parallel_loop3A_630, %parallel_loop3A_633 : vector<16xf32>
        %parallel_loop3A_635 = arith.index_cast %parallel_loop3A_571 : i32 to index
        %parallel_loop3A_636 = arith.constant 80 : index
        %parallel_loop3A_637 = tpu.vector_load %arg23[%parallel_loop3A_635, %parallel_loop3A_636] {strides = array<i32>} : memref<2x128xf32, #tpu.memory_space<vmem>>, vector<16xf32>,
        %parallel_loop3A_638 = arith.addf %parallel_loop3A_634, %parallel_loop3A_637 : vector<16xf32>
        %parallel_loop3A_639 = arith.index_cast %parallel_loop3A_569 : i32 to index
        %parallel_loop3A_640 = arith.constant 96 : index
        %parallel_loop3A_641 = tpu.vector_load %arg19[%parallel_loop3A_639, %parallel_loop3A_640] {strides = array<i32>} : memref<64x128xf32, #tpu.memory_space<vmem>>, vector<16xf32>,
        %parallel_loop3A_642 = arith.index_cast %parallel_loop3A_572 : i32 to index
        %parallel_loop3A_643 = arith.constant 96 : index
        %parallel_loop3A_644 = tpu.vector_load %arg22[%parallel_loop3A_642, %parallel_loop3A_643] {strides = array<i32>} : memref<512x128xf32, #tpu.memory_space<vmem>>, vector<16xf32>,
        %parallel_loop3A_645 = arith.addf %parallel_loop3A_641, %parallel_loop3A_644 : vector<16xf32>
        %parallel_loop3A_646 = arith.index_cast %parallel_loop3A_571 : i32 to index
        %parallel_loop3A_647 = arith.constant 96 : index
        %parallel_loop3A_648 = tpu.vector_load %arg23[%parallel_loop3A_646, %parallel_loop3A_647] {strides = array<i32>} : memref<2x128xf32, #tpu.memory_space<vmem>>, vector<16xf32>,
        %parallel_loop3A_649 = arith.addf %parallel_loop3A_645, %parallel_loop3A_648 : vector<16xf32>
        %parallel_loop3A_650 = arith.index_cast %parallel_loop3A_569 : i32 to index
        %parallel_loop3A_651 = arith.constant 112 : index
        %parallel_loop3A_652 = tpu.vector_load %arg19[%parallel_loop3A_650, %parallel_loop3A_651] {strides = array<i32>} : memref<64x128xf32, #tpu.memory_space<vmem>>, vector<16xf32>,
        %parallel_loop3A_653 = arith.index_cast %parallel_loop3A_572 : i32 to index
        %parallel_loop3A_654 = arith.constant 112 : index
        %parallel_loop3A_655 = tpu.vector_load %arg22[%parallel_loop3A_653, %parallel_loop3A_654] {strides = array<i32>} : memref<512x128xf32, #tpu.memory_space<vmem>>, vector<16xf32>,
        %parallel_loop3A_656 = arith.addf %parallel_loop3A_652, %parallel_loop3A_655 : vector<16xf32>
        %parallel_loop3A_657 = arith.index_cast %parallel_loop3A_571 : i32 to index
        %parallel_loop3A_658 = arith.constant 112 : index
        %parallel_loop3A_659 = tpu.vector_load %arg23[%parallel_loop3A_657, %parallel_loop3A_658] {strides = array<i32>} : memref<2x128xf32, #tpu.memory_space<vmem>>, vector<16xf32>,
        %parallel_loop3A_660 = arith.addf %parallel_loop3A_656, %parallel_loop3A_659 : vector<16xf32>
        %parallel_loop3A_661 = arith.addf %parallel_loop3A_583, %parallel_loop3A_594 : vector<16xf32>
        %parallel_loop3A_662 = arith.addf %parallel_loop3A_605, %parallel_loop3A_616 : vector<16xf32>
        %parallel_loop3A_663 = arith.addf %parallel_loop3A_627, %parallel_loop3A_638 : vector<16xf32>
        %parallel_loop3A_664 = arith.addf %parallel_loop3A_649, %parallel_loop3A_660 : vector<16xf32>
        %parallel_loop3A_665 = arith.addf %parallel_loop3A_661, %parallel_loop3A_662 : vector<16xf32>
        %parallel_loop3A_666 = arith.addf %parallel_loop3A_663, %parallel_loop3A_664 : vector<16xf32>
        %parallel_loop3A_667 = arith.addf %parallel_loop3A_665, %parallel_loop3A_666 : vector<16xf32>
        %parallel_loop3A_668 = arith.constant true
        %parallel_loop3A_669 = vector.broadcast %parallel_loop3A_668 : i1 to vector<16xi1>
        %parallel_loop3A_670 = tpu.scan <sum>, %parallel_loop3A_667 masked %parallel_loop3A_669 : vector<16xf32>, vector<16xi1> -> vector<16xf32>
        %parallel_loop3A_671 = vector.extract %parallel_loop3A_670[15] : f32 from vector<16xf32>
        %parallel_loop3A_672 = arith.mulf %parallel_loop3A_583, %parallel_loop3A_583 : vector<16xf32>
        %parallel_loop3A_673 = arith.mulf %parallel_loop3A_594, %parallel_loop3A_594 : vector<16xf32>
        %parallel_loop3A_674 = arith.mulf %parallel_loop3A_605, %parallel_loop3A_605 : vector<16xf32>
        %parallel_loop3A_675 = arith.mulf %parallel_loop3A_616, %parallel_loop3A_616 : vector<16xf32>
        %parallel_loop3A_676 = arith.mulf %parallel_loop3A_627, %parallel_loop3A_627 : vector<16xf32>
        %parallel_loop3A_677 = arith.mulf %parallel_loop3A_638, %parallel_loop3A_638 : vector<16xf32>
        %parallel_loop3A_678 = arith.mulf %parallel_loop3A_649, %parallel_loop3A_649 : vector<16xf32>
        %parallel_loop3A_679 = arith.mulf %parallel_loop3A_660, %parallel_loop3A_660 : vector<16xf32>
        %parallel_loop3A_680 = arith.addf %parallel_loop3A_672, %parallel_loop3A_673 : vector<16xf32>
        %parallel_loop3A_681 = arith.addf %parallel_loop3A_674, %parallel_loop3A_675 : vector<16xf32>
        %parallel_loop3A_682 = arith.addf %parallel_loop3A_676, %parallel_loop3A_677 : vector<16xf32>
        %parallel_loop3A_683 = arith.addf %parallel_loop3A_678, %parallel_loop3A_679 : vector<16xf32>
        %parallel_loop3A_684 = arith.addf %parallel_loop3A_680, %parallel_loop3A_681 : vector<16xf32>
        %parallel_loop3A_685 = arith.addf %parallel_loop3A_682, %parallel_loop3A_683 : vector<16xf32>
        %parallel_loop3A_686 = arith.addf %parallel_loop3A_684, %parallel_loop3A_685 : vector<16xf32>
        %parallel_loop3A_687 = arith.constant true
        %parallel_loop3A_688 = vector.broadcast %parallel_loop3A_687 : i1 to vector<16xi1>
        %parallel_loop3A_689 = tpu.scan <sum>, %parallel_loop3A_686 masked %parallel_loop3A_688 : vector<16xf32>, vector<16xi1> -> vector<16xf32>
        %parallel_loop3A_690 = vector.extract %parallel_loop3A_689[15] : f32 from vector<16xf32>
        %parallel_loop3A_691 = arith.constant 7.812500e-03 : f32
        %parallel_loop3A_692 = arith.mulf %parallel_loop3A_671, %parallel_loop3A_691 : f32
        %parallel_loop3A_693 = arith.constant 7.812500e-03 : f32
        %parallel_loop3A_694 = arith.mulf %parallel_loop3A_690, %parallel_loop3A_693 : f32
        %parallel_loop3A_695 = arith.mulf %parallel_loop3A_692, %parallel_loop3A_692 : f32
        %parallel_loop3A_696 = arith.subf %parallel_loop3A_694, %parallel_loop3A_695 : f32
        %parallel_loop3A_697 = arith.constant 9.99999974E-6 : f32
        %parallel_loop3A_698 = arith.addf %parallel_loop3A_696, %parallel_loop3A_697 : f32
        %parallel_loop3A_699 = vector.broadcast %parallel_loop3A_698 : f32 to vector<16xf32>
        %parallel_loop3A_700 = tpu.bitcast %parallel_loop3A_699 : vector<16xf32> -> vector<16xi32>
        %parallel_loop3A_701 = arith.constant 1 : i32
        %parallel_loop3A_702 = vector.broadcast %parallel_loop3A_701 : i32 to vector<16xi32>
        %parallel_loop3A_703 = arith.shrsi %parallel_loop3A_700, %parallel_loop3A_702 : vector<16xi32>
        %parallel_loop3A_704 = arith.constant 1597463007 : i32
        %parallel_loop3A_705 = vector.broadcast %parallel_loop3A_704 : i32 to vector<16xi32>
        %parallel_loop3A_706 = arith.subi %parallel_loop3A_705, %parallel_loop3A_703 : vector<16xi32>
        %parallel_loop3A_707 = tpu.bitcast %parallel_loop3A_706 : vector<16xi32> -> vector<16xf32>
        %parallel_loop3A_708 = arith.constant 5.000000e-01 : f32
        %parallel_loop3A_709 = vector.broadcast %parallel_loop3A_708 : f32 to vector<16xf32>
        %parallel_loop3A_710 = arith.mulf %parallel_loop3A_709, %parallel_loop3A_699 : vector<16xf32>
        %parallel_loop3A_711 = arith.mulf %parallel_loop3A_710, %parallel_loop3A_707 : vector<16xf32>
        %parallel_loop3A_712 = arith.mulf %parallel_loop3A_711, %parallel_loop3A_707 : vector<16xf32>
        %parallel_loop3A_713 = arith.constant 1.500000e+00 : f32
        %parallel_loop3A_714 = vector.broadcast %parallel_loop3A_713 : f32 to vector<16xf32>
        %parallel_loop3A_715 = arith.subf %parallel_loop3A_714, %parallel_loop3A_712 : vector<16xf32>
        %parallel_loop3A_716 = arith.mulf %parallel_loop3A_707, %parallel_loop3A_715 : vector<16xf32>
        %parallel_loop3A_717 = arith.constant 5.000000e-01 : f32
        %parallel_loop3A_718 = vector.broadcast %parallel_loop3A_717 : f32 to vector<16xf32>
        %parallel_loop3A_719 = arith.mulf %parallel_loop3A_718, %parallel_loop3A_699 : vector<16xf32>
        %parallel_loop3A_720 = arith.mulf %parallel_loop3A_719, %parallel_loop3A_716 : vector<16xf32>
        %parallel_loop3A_721 = arith.mulf %parallel_loop3A_720, %parallel_loop3A_716 : vector<16xf32>
        %parallel_loop3A_722 = arith.constant 1.500000e+00 : f32
        %parallel_loop3A_723 = vector.broadcast %parallel_loop3A_722 : f32 to vector<16xf32>
        %parallel_loop3A_724 = arith.subf %parallel_loop3A_723, %parallel_loop3A_721 : vector<16xf32>
        %parallel_loop3A_725 = arith.mulf %parallel_loop3A_716, %parallel_loop3A_724 : vector<16xf32>
        %parallel_loop3A_726 = arith.constant 5.000000e-01 : f32
        %parallel_loop3A_727 = vector.broadcast %parallel_loop3A_726 : f32 to vector<16xf32>
        %parallel_loop3A_728 = arith.mulf %parallel_loop3A_727, %parallel_loop3A_699 : vector<16xf32>
        %parallel_loop3A_729 = arith.mulf %parallel_loop3A_728, %parallel_loop3A_725 : vector<16xf32>
        %parallel_loop3A_730 = arith.mulf %parallel_loop3A_729, %parallel_loop3A_725 : vector<16xf32>
        %parallel_loop3A_731 = arith.constant 1.500000e+00 : f32
        %parallel_loop3A_732 = vector.broadcast %parallel_loop3A_731 : f32 to vector<16xf32>
        %parallel_loop3A_733 = arith.subf %parallel_loop3A_732, %parallel_loop3A_730 : vector<16xf32>
        %parallel_loop3A_734 = arith.mulf %parallel_loop3A_725, %parallel_loop3A_733 : vector<16xf32>
        %parallel_loop3A_735 = arith.constant 0.000000e+00 : f32
        %parallel_loop3A_736 = arith.subf %parallel_loop3A_735, %parallel_loop3A_692 : f32
        %parallel_loop3A_737 = vector.broadcast %parallel_loop3A_736 : f32 to vector<16xf32>
        %parallel_loop3A_738 = arith.mulf %parallel_loop3A_737, %parallel_loop3A_734 : vector<16xf32>
        %parallel_loop3A_739 = arith.mulf %parallel_loop3A_583, %parallel_loop3A_734 : vector<16xf32>
        %parallel_loop3A_740 = arith.addf %parallel_loop3A_739, %parallel_loop3A_738 : vector<16xf32>
        %parallel_loop3A_741 = arith.mulf %parallel_loop3A_740, %get3A_272 : vector<16xf32>
        %parallel_loop3A_742 = arith.addf %parallel_loop3A_741, %get3A_288 : vector<16xf32>
        %parallel_loop3A_743 = arith.constant 64 : i32
        %parallel_loop3A_744 = arith.addi %parallel_loop3A_743, %parallel_loop3A_569 : i32
        %parallel_loop3A_745 = arith.index_cast %parallel_loop3A_744 : i32 to index
        %parallel_loop3A_746 = arith.constant 0 : index
        %parallel_loop3A_747 = tpu.vector_load %arg21[%parallel_loop3A_745, %parallel_loop3A_746] {strides = array<i32>} : memref<128x128xf32, #tpu.memory_space<vmem>>, vector<16xf32>,
        tpu.vector_store %arg21[%parallel_loop3A_745, %parallel_loop3A_746], %parallel_loop3A_742 {strides = array<i32>} : memref<128x128xf32, #tpu.memory_space<vmem>>, vector<16xf32>,
        %parallel_loop3A_748 = arith.mulf %parallel_loop3A_594, %parallel_loop3A_734 : vector<16xf32>
        %parallel_loop3A_749 = arith.addf %parallel_loop3A_748, %parallel_loop3A_738 : vector<16xf32>
        %parallel_loop3A_750 = arith.mulf %parallel_loop3A_749, %get3A_274 : vector<16xf32>
        %parallel_loop3A_751 = arith.addf %parallel_loop3A_750, %get3A_290 : vector<16xf32>
        %parallel_loop3A_752 = arith.constant 64 : i32
        %parallel_loop3A_753 = arith.addi %parallel_loop3A_752, %parallel_loop3A_569 : i32
        %parallel_loop3A_754 = arith.index_cast %parallel_loop3A_753 : i32 to index
        %parallel_loop3A_755 = arith.constant 16 : index
        %parallel_loop3A_756 = tpu.vector_load %arg21[%parallel_loop3A_754, %parallel_loop3A_755] {strides = array<i32>} : memref<128x128xf32, #tpu.memory_space<vmem>>, vector<16xf32>,
        tpu.vector_store %arg21[%parallel_loop3A_754, %parallel_loop3A_755], %parallel_loop3A_751 {strides = array<i32>} : memref<128x128xf32, #tpu.memory_space<vmem>>, vector<16xf32>,
        %parallel_loop3A_757 = arith.mulf %parallel_loop3A_605, %parallel_loop3A_734 : vector<16xf32>
        %parallel_loop3A_758 = arith.addf %parallel_loop3A_757, %parallel_loop3A_738 : vector<16xf32>
        %parallel_loop3A_759 = arith.mulf %parallel_loop3A_758, %get3A_276 : vector<16xf32>
        %parallel_loop3A_760 = arith.addf %parallel_loop3A_759, %get3A_292 : vector<16xf32>
        %parallel_loop3A_761 = arith.constant 64 : i32
        %parallel_loop3A_762 = arith.addi %parallel_loop3A_761, %parallel_loop3A_569 : i32
        %parallel_loop3A_763 = arith.index_cast %parallel_loop3A_762 : i32 to index
        %parallel_loop3A_764 = arith.constant 32 : index
        %parallel_loop3A_765 = tpu.vector_load %arg21[%parallel_loop3A_763, %parallel_loop3A_764] {strides = array<i32>} : memref<128x128xf32, #tpu.memory_space<vmem>>, vector<16xf32>,
        tpu.vector_store %arg21[%parallel_loop3A_763, %parallel_loop3A_764], %parallel_loop3A_760 {strides = array<i32>} : memref<128x128xf32, #tpu.memory_space<vmem>>, vector<16xf32>,
        %parallel_loop3A_766 = arith.mulf %parallel_loop3A_616, %parallel_loop3A_734 : vector<16xf32>
        %parallel_loop3A_767 = arith.addf %parallel_loop3A_766, %parallel_loop3A_738 : vector<16xf32>
        %parallel_loop3A_768 = arith.mulf %parallel_loop3A_767, %get3A_278 : vector<16xf32>
        %parallel_loop3A_769 = arith.addf %parallel_loop3A_768, %get3A_294 : vector<16xf32>
        %parallel_loop3A_770 = arith.constant 64 : i32
        %parallel_loop3A_771 = arith.addi %parallel_loop3A_770, %parallel_loop3A_569 : i32
        %parallel_loop3A_772 = arith.index_cast %parallel_loop3A_771 : i32 to index
        %parallel_loop3A_773 = arith.constant 48 : index
        %parallel_loop3A_774 = tpu.vector_load %arg21[%parallel_loop3A_772, %parallel_loop3A_773] {strides = array<i32>} : memref<128x128xf32, #tpu.memory_space<vmem>>, vector<16xf32>,
        tpu.vector_store %arg21[%parallel_loop3A_772, %parallel_loop3A_773], %parallel_loop3A_769 {strides = array<i32>} : memref<128x128xf32, #tpu.memory_space<vmem>>, vector<16xf32>,
        %parallel_loop3A_775 = arith.mulf %parallel_loop3A_627, %parallel_loop3A_734 : vector<16xf32>
        %parallel_loop3A_776 = arith.addf %parallel_loop3A_775, %parallel_loop3A_738 : vector<16xf32>
        %parallel_loop3A_777 = arith.mulf %parallel_loop3A_776, %get3A_280 : vector<16xf32>
        %parallel_loop3A_778 = arith.addf %parallel_loop3A_777, %get3A_296 : vector<16xf32>
        %parallel_loop3A_779 = arith.constant 64 : i32
        %parallel_loop3A_780 = arith.addi %parallel_loop3A_779, %parallel_loop3A_569 : i32
        %parallel_loop3A_781 = arith.index_cast %parallel_loop3A_780 : i32 to index
        %parallel_loop3A_782 = arith.constant 64 : index
        %parallel_loop3A_783 = tpu.vector_load %arg21[%parallel_loop3A_781, %parallel_loop3A_782] {strides = array<i32>} : memref<128x128xf32, #tpu.memory_space<vmem>>, vector<16xf32>,
        tpu.vector_store %arg21[%parallel_loop3A_781, %parallel_loop3A_782], %parallel_loop3A_778 {strides = array<i32>} : memref<128x128xf32, #tpu.memory_space<vmem>>, vector<16xf32>,
        %parallel_loop3A_784 = arith.mulf %parallel_loop3A_638, %parallel_loop3A_734 : vector<16xf32>
        %parallel_loop3A_785 = arith.addf %parallel_loop3A_784, %parallel_loop3A_738 : vector<16xf32>
        %parallel_loop3A_786 = arith.mulf %parallel_loop3A_785, %get3A_282 : vector<16xf32>
        %parallel_loop3A_787 = arith.addf %parallel_loop3A_786, %get3A_298 : vector<16xf32>
        %parallel_loop3A_788 = arith.constant 64 : i32
        %parallel_loop3A_789 = arith.addi %parallel_loop3A_788, %parallel_loop3A_569 : i32
        %parallel_loop3A_790 = arith.index_cast %parallel_loop3A_789 : i32 to index
        %parallel_loop3A_791 = arith.constant 80 : index
        %parallel_loop3A_792 = tpu.vector_load %arg21[%parallel_loop3A_790, %parallel_loop3A_791] {strides = array<i32>} : memref<128x128xf32, #tpu.memory_space<vmem>>, vector<16xf32>,
        tpu.vector_store %arg21[%parallel_loop3A_790, %parallel_loop3A_791], %parallel_loop3A_787 {strides = array<i32>} : memref<128x128xf32, #tpu.memory_space<vmem>>, vector<16xf32>,
        %parallel_loop3A_793 = arith.mulf %parallel_loop3A_649, %parallel_loop3A_734 : vector<16xf32>
        %parallel_loop3A_794 = arith.addf %parallel_loop3A_793, %parallel_loop3A_738 : vector<16xf32>
        %parallel_loop3A_795 = arith.mulf %parallel_loop3A_794, %get3A_284 : vector<16xf32>
        %parallel_loop3A_796 = arith.addf %parallel_loop3A_795, %get3A_300 : vector<16xf32>
        %parallel_loop3A_797 = arith.constant 64 : i32
        %parallel_loop3A_798 = arith.addi %parallel_loop3A_797, %parallel_loop3A_569 : i32
        %parallel_loop3A_799 = arith.index_cast %parallel_loop3A_798 : i32 to index
        %parallel_loop3A_800 = arith.constant 96 : index
        %parallel_loop3A_801 = tpu.vector_load %arg21[%parallel_loop3A_799, %parallel_loop3A_800] {strides = array<i32>} : memref<128x128xf32, #tpu.memory_space<vmem>>, vector<16xf32>,
        tpu.vector_store %arg21[%parallel_loop3A_799, %parallel_loop3A_800], %parallel_loop3A_796 {strides = array<i32>} : memref<128x128xf32, #tpu.memory_space<vmem>>, vector<16xf32>,
        %parallel_loop3A_802 = arith.mulf %parallel_loop3A_660, %parallel_loop3A_734 : vector<16xf32>
        %parallel_loop3A_803 = arith.addf %parallel_loop3A_802, %parallel_loop3A_738 : vector<16xf32>
        %parallel_loop3A_804 = arith.mulf %parallel_loop3A_803, %get3A_286 : vector<16xf32>
        %parallel_loop3A_805 = arith.addf %parallel_loop3A_804, %get3A_302 : vector<16xf32>
        %parallel_loop3A_806 = arith.constant 64 : i32
        %parallel_loop3A_807 = arith.addi %parallel_loop3A_806, %parallel_loop3A_569 : i32
        %parallel_loop3A_808 = arith.index_cast %parallel_loop3A_807 : i32 to index
        %parallel_loop3A_809 = arith.constant 112 : index
        %parallel_loop3A_810 = tpu.vector_load %arg21[%parallel_loop3A_808, %parallel_loop3A_809] {strides = array<i32>} : memref<128x128xf32, #tpu.memory_space<vmem>>, vector<16xf32>,
        tpu.vector_store %arg21[%parallel_loop3A_808, %parallel_loop3A_809], %parallel_loop3A_805 {strides = array<i32>} : memref<128x128xf32, #tpu.memory_space<vmem>>, vector<16xf32>,
      } {sc.loop_unroll_factor = 1 : i64, sc.parallel_access}
      %add3A_306 = arith.constant 3 : i32
      %add3A_307 = arith.addi %add3A_256, %add3A_306 : i32
      %lt3A_308 = arith.constant 256 : i32
      %lt3A_309 = arith.cmpi slt, %add3A_307, %lt3A_308 : i32
      %convert_element_type3A_310 = arith.extui %lt3A_309 : i1 to i32
      %cond3A_311 = arith.constant 0 : i32
      %cond3A_312 = arith.cmpi ne, %convert_element_type3A_310, %cond3A_311 : i32
      scf.if %cond3A_312 {
        %add3A_322 = arith.constant 3 : i32
        %add3A_323 = arith.addi %add3A_256, %add3A_322 : i32
        %mul3A_324 = arith.constant 64 : i32
        %mul3A_325 = arith.muli %add3A_323, %mul3A_324 : i32
        %add3A_326 = arith.addi %mul3A_2, %mul3A_325 : i32
        %dma_start3A_327 = tpu.memref_slice %arg2[%add3A_326] : memref<524288xi32, #tpu.memory_space<hbm>> -> memref<64xi32, #tpu.memory_space<hbm>>
        %dma_start3A_328 = tpu.memref_slice %arg2[%add3A_326] : memref<524288xi32, #tpu.memory_space<hbm>> -> memref<64xi32, #tpu.memory_space<hbm>>
        tpu.enqueue_dma source(%dma_start3A_328 : memref<64xi32, #tpu.memory_space<hbm>>) target(%arg12 : memref<64xi32, #tpu.memory_space<vmem>>) target_semaphore(%arg30 : memref<!tpu.dma_semaphore, #tpu.memory_space<semaphore_mem>>)
        %dma_start3A_329 = arith.constant 0 : i32
        %dma_start3A_330 = tpu.memref_slice %arg16[%dma_start3A_329] : memref<80xi32, #tpu.memory_space<vmem>> -> memref<64xi32, #tpu.memory_space<vmem>>
        %dma_start3A_331 = tpu.memref_slice %arg3[%add3A_326] : memref<524288xi32, #tpu.memory_space<hbm>> -> memref<64xi32, #tpu.memory_space<hbm>>
        %dma_start3A_332 = arith.constant 0 : i32
        %dma_start3A_333 = tpu.memref_slice %arg16[%dma_start3A_332] : memref<80xi32, #tpu.memory_space<vmem>> -> memref<64xi32, #tpu.memory_space<vmem>>
        %dma_start3A_334 = tpu.memref_slice %arg3[%add3A_326] : memref<524288xi32, #tpu.memory_space<hbm>> -> memref<64xi32, #tpu.memory_space<hbm>>
        tpu.enqueue_dma source(%dma_start3A_334 : memref<64xi32, #tpu.memory_space<hbm>>) target(%dma_start3A_333 : memref<64xi32, #tpu.memory_space<vmem>>) target_semaphore(%arg30 : memref<!tpu.dma_semaphore, #tpu.memory_space<semaphore_mem>>)
      } else {
      }
      %sub3A_313 = arith.constant 1 : i32
      %sub3A_314 = arith.subi %add3A_256, %sub3A_313 : i32
      %mul3A_315 = arith.constant 64 : i32
      %mul3A_316 = arith.muli %sub3A_314, %mul3A_315 : i32
      %add3A_317 = arith.addi %mul3A_2, %mul3A_316 : i32
      %dma_start3A_318 = arith.constant 0 : i32
      %dma_start3A_319 = tpu.memref_slice %arg9[%add3A_317, %dma_start3A_318] : memref<524288x128xf32, #tpu.memory_space<hbm>> -> memref<128x128xf32, #tpu.memory_space<hbm>>
      %dma_start3A_320 = arith.constant 0 : i32
      %dma_start3A_321 = tpu.memref_slice %arg9[%add3A_317, %dma_start3A_320] : memref<524288x128xf32, #tpu.memory_space<hbm>> -> memref<128x128xf32, #tpu.memory_space<hbm>>
      tpu.enqueue_dma source(%arg21 : memref<128x128xf32, #tpu.memory_space<vmem>>) target(%dma_start3A_321 : memref<128x128xf32, #tpu.memory_space<hbm>>) target_semaphore(%arg33 : memref<!tpu.dma_semaphore, #tpu.memory_space<semaphore_mem>>)
    }
    %scan3A_48 = arith.constant 64 : i32
    %add3A_49 = arith.constant 16128 : i32
    %add3A_50 = arith.addi %mul3A_2, %add3A_49 : i32
    %dma_wait3A_51 = arith.constant 0 : i32
    %dma_wait3A_52 = tpu.memref_slice %arg9[%add3A_50, %dma_wait3A_51] : memref<524288x128xf32, #tpu.memory_space<hbm>> -> memref<128x128xf32, #tpu.memory_space<hbm>>
    %dma_wait3A_53 = arith.constant 0 : i32
    %dma_wait3A_54 = tpu.memref_slice %arg9[%add3A_50, %dma_wait3A_53] : memref<524288x128xf32, #tpu.memory_space<hbm>> -> memref<128x128xf32, #tpu.memory_space<hbm>>
    tpu.wait_dma2 semaphore(%arg32 : memref<!tpu.dma_semaphore, #tpu.memory_space<semaphore_mem>>) src(%arg20 : memref<128x128xf32, #tpu.memory_space<vmem>>) dst(%dma_wait3A_54 : memref<128x128xf32, #tpu.memory_space<hbm>>)
    %add3A_55 = arith.constant 16256 : i32
    %add3A_56 = arith.addi %mul3A_2, %add3A_55 : i32
    %dma_wait3A_57 = arith.constant 0 : i32
    %dma_wait3A_58 = tpu.memref_slice %arg9[%add3A_56, %dma_wait3A_57] : memref<524288x128xf32, #tpu.memory_space<hbm>> -> memref<128x128xf32, #tpu.memory_space<hbm>>
    %dma_wait3A_59 = arith.constant 0 : i32
    %dma_wait3A_60 = tpu.memref_slice %arg9[%add3A_56, %dma_wait3A_59] : memref<524288x128xf32, #tpu.memory_space<hbm>> -> memref<128x128xf32, #tpu.memory_space<hbm>>
    tpu.wait_dma2 semaphore(%arg33 : memref<!tpu.dma_semaphore, #tpu.memory_space<semaphore_mem>>) src(%arg21 : memref<128x128xf32, #tpu.memory_space<vmem>>) dst(%dma_wait3A_60 : memref<128x128xf32, #tpu.memory_space<hbm>>)
    return
  }
}

</mosaic_0001>

<sc_bundles>
// kernel: kernel.3.cloned.1.call-start
scs
__scs_entry_jumppad:
0x0: {  	(pc) =	sbr.rel $0x88, $3  }
0x1: {  	(tag) =	ssettag $0x0;
	lr =	simm.s32 $0x1  }
0x2: {  	[smem:$0x3F9A] =	sst lr;
	_ =	strace $0xD0000000  }
0x3: {  	_ = 	snop  }
0x4: {  	_ = 	snop  }
0x5: {  	_ = 	snop  }
0x6: {  	_ = 	snop  }
0x7: {  	_ = 	snop  }
__scs_overlays_trampoline_lowered:
0x8: {  	[smem:$0x3FA9] =	sst s0  }
0x9: {  	[smem:$0x3FAA] =	sst s1  }
0xa: {  	[smem:$0x3FAB] =	sst s2  }
0xb: {  	[smem:$0x3FAC] =	sst s3  }
0xc: {  	[smem:$0x3FAD] =	sst s4  }
0xd: {  	[smem:$0x3FAE] =	sst s5  }
0xe: {  	[smem:$0x3FAF] =	sst s6  }
0xf: {  	[smem:$0x3FB0] =	sst s7  }
0x10: {  	[smem:$0x3FB1] =	sst s8  }
0x11: {  	[smem:$0x3FB2] =	sst s9;
	s0 =	simm.s32 @!p0 $0x0  }
0x12: {  	s1 =	sld [smem:$0x3F98];
	s0 =	simm.s32 @p0 $0x1  }
0x13: {  	[smem:$0x3FB3] =	sst s0;
	s0 =	simm.s32 @!p1 $0x0  }
0x14: {  	s2 =	sld [smem:$0x3F97];
	s0 =	simm.s32 @p1 $0x1  }
0x15: {  	[smem:$0x3FB4] =	sst s0;
	s0 =	simm.s32 @!p2 $0x0  }
0x16: {  	s3 =	sld [smem:$0x3FDB];
	s0 =	simm.s32 @p2 $0x1  }
0x17: {  	s4 =	simm.s32 $0x1BF5;
	[smem:$0x3FB6] =	sst s0  }
0x18: {  	s0 =	sld [smem:$0x3F99];
	_ =	swait.ge [sflag:s4], $0x0  }
0x19: {  	s7 =	sld [smem:$0x3F9A]  }
0x1a: {  	s8 =	sadd.s32 $0xFFFFE003, lr  }
0x1b: {  	s9 =	sadd.s32 $0xFFFFFEF7, lr;
	s5 =	simm.s32 $0xFFFFFFFF;
	p2 =	slt.u32 s8, $0xFFFFF086  }
0x1c: {  	p1 =	slt.u32 s9, $0xF7A;
	s5 =	simm.s32 @!p2 $0x0  }
0x1d: {  	s5 =	simm.s32 @p1 $0x1;
	p0 =	seq.s32 s7, s2  }
0x1e: {  	s7 =	smul.u32 @!p0 $0xF7A, s2;
	p2 =	seq.s32 @!p0 s5, $0x0  }
0x1f: {  	s9 =	smul.u32 $0xF7A, s1;
	s8 =	simm.s32 @!p0 $0x1BF5;
	p2 =	por !p2, p0  }
0x20: {  	[sflag:s8] =	ssyncset.s32 @!p0 $0xFFFFF086;
	s6 =	sadd.s32 @!p0 s3, s7;
	s7 =	simm.s32 @!p0 $0x108  }
0x21: {  	s3 =	sadd.s32 s3, s9;
	s6 =	sadd.s32 @!p0 $0x88, s6;
	s7 =	simm.s32 @p2 $0x1082  }
0x22: {  	[simem:s7], [sflag:s8] =	dma.local @!p0 [hbm:s6], $0xF7A  }
0x23: {  	s9 =	sor.u32 $0xD0000000, s2;
	s6 =	simm.s32 $0x108;
	_ =	swait.ge @!p0 [sflag:s8], $0x0  }
0x24: {  	s3 =	sadd.s32 $0x88, s3;
	s6 =	simm.s32 @!p1 $0x1082;
	[sflag:s4] =	ssyncset.s32 $0xFFFFF086  }
0x25: {  	[simem:s6], [sflag:s4] =	dma.local [hbm:s3], $0xF7A  }
0x26: {  	[smem:$0x3F9A] =	sst s1;
	(tag) =	ssettag s2;
	_ =	strace s9  }
0x27: {  	s1 =	sld [smem:$0x3FAA]  }
0x28: {  	s2 =	sld [smem:$0x3FAB]  }
0x29: {  	s4 =	sld [smem:$0x3FAD]  }
0x2a: {  	p0 =	seq.s32 s5, $0x0;
	s5 =	sld [smem:$0x3FAE]  }
0x2b: {  	s6 =	sld [smem:$0x3FAF]  }
0x2c: {  	s7 =	sld [smem:$0x3FB0]  }
0x2d: {  	s3 =	simm.s32 $0x108;
	s8 =	sld [smem:$0x3FB1]  }
0x2e: {  	s3 =	simm.s32 @!p0 $0x1082;
	s9 =	sld [smem:$0x3FB2]  }
0x2f: {  	lr =	sadd.s32 s0, s3;
	s0 =	sld [smem:$0x3FA9]  }
0x30: {  	s3 =	sld [smem:$0x3FAC]  }
0x31: {  	[smem:$0x3FB5] =	sst s10  }
0x32: {  	s10 =	sld [smem:$0x3FB3];
	_ =	sdelay $0x3  }
0x33: {  	p0 =	seq.s32 s10, $0x1;
	s10 =	sld [smem:$0x3FB5];
	_ =	sdelay $0x3  }
0x34: {  	[smem:$0x3FB5] =	sst s10  }
0x35: {  	s10 =	sld [smem:$0x3FB4];
	_ =	sdelay $0x3  }
0x36: {  	p1 =	seq.s32 s10, $0x1;
	s10 =	sld [smem:$0x3FB5];
	_ =	sdelay $0x3  }
0x37: {  	[smem:$0x3FB5] =	sst s10  }
0x38: {  	s10 =	sld [smem:$0x3FB6]  }
0x39: {  	_ = 	snop;
	(pc) =	sbr.ind lr, $3  }
0x3a: {  	_ = 	snop  }
0x3b: {  	_ = 	snop  }
0x3c: {  	p2 =	seq.s32 s10, $0x1;
	s10 =	sld [smem:$0x3FB5]  }
0x3d: {  	_ =	shalt  }
0x3e: {  	_ =	shalt  }
0x3f: {  	_ =	shalt  }
0x40: {  	_ =	shalt  }
0x41: {  	_ =	shalt  }
0x42: {  	_ =	shalt  }
0x43: {  	_ =	shalt  }
0x44: {  	_ =	shalt  }
0x45: {  	_ =	shalt  }
0x46: {  	_ =	shalt  }
0x47: {  	_ =	shalt  }
0x48: {  	_ =	shalt  }
0x49: {  	_ =	shalt  }
0x4a: {  	_ =	shalt  }
0x4b: {  	_ =	shalt  }
0x4c: {  	_ =	shalt  }
0x4d: {  	_ =	shalt  }
0x4e: {  	_ =	shalt  }
0x4f: {  	_ =	shalt  }
0x50: {  	_ =	shalt  }
0x51: {  	_ =	shalt  }
0x52: {  	_ =	shalt  }
0x53: {  	_ =	shalt  }
0x54: {  	_ =	shalt  }
0x55: {  	_ =	shalt  }
0x56: {  	_ =	shalt  }
0x57: {  	_ =	shalt  }
0x58: {  	_ =	shalt  }
0x59: {  	_ =	shalt  }
0x5a: {  	_ =	shalt  }
0x5b: {  	_ =	shalt  }
0x5c: {  	_ =	shalt  }
0x5d: {  	_ =	shalt  }
0x5e: {  	_ =	shalt  }
0x5f: {  	_ =	shalt  }
0x60: {  	_ =	shalt  }
0x61: {  	_ =	shalt  }
0x62: {  	_ =	shalt  }
0x63: {  	_ =	shalt  }
0x64: {  	_ =	shalt  }
0x65: {  	_ =	shalt  }
0x66: {  	_ =	shalt  }
0x67: {  	_ =	shalt  }
0x68: {  	_ =	shalt  }
0x69: {  	_ =	shalt  }
0x6a: {  	_ =	shalt  }
0x6b: {  	_ =	shalt  }
0x6c: {  	_ =	shalt  }
0x6d: {  	_ =	shalt  }
0x6e: {  	_ =	shalt  }
0x6f: {  	_ =	shalt  }
0x70: {  	_ =	shalt  }
0x71: {  	_ =	shalt  }
0x72: {  	_ =	shalt  }
0x73: {  	_ =	shalt  }
0x74: {  	_ =	shalt  }
0x75: {  	_ =	shalt  }
0x76: {  	_ =	shalt  }
0x77: {  	_ =	shalt  }
0x78: {  	_ =	shalt  }
0x79: {  	_ =	shalt  }
0x7a: {  	_ =	shalt  }
0x7b: {  	_ =	shalt  }
0x7c: {  	_ =	shalt  }
0x7d: {  	_ =	shalt  }
0x7e: {  	_ =	shalt  }
0x7f: {  	_ =	shalt  }
0x80: {  	_ =	shalt  }
0x81: {  	_ =	shalt  }
0x82: {  	_ =	shalt  }
0x83: {  	_ =	shalt  }
0x84: {  	_ =	shalt  }
0x85: {  	_ =	shalt  }
0x86: {  	_ =	shalt  }
0x87: {  	_ =	shalt  }
.Lfunc_end0:
.L_simem_size_0:
called_computation_lowered:
.L_overlay_start_0:
0x88: {  	s2 =	sld [smem:$0x3FD9]  }
0x89: {  	s3 =	sld [smem:$0x3FFE];
	_ =	sdelay $0x1  }
0x8a: {  	s1 =	srdreg.scid  }
0x8b: {  	s0 =	sand.u32 $0x1, s1  }
0x8c: {  	s17 =	sshll.u32 s0, $0xA;
	s2 =	sadd.s32 s3, s2  }
0x8d: {  	s2 =	sadd.s32 s2, s17  }
0x8e: {  	[smem:$0x3FC1] =	sst s2  }
0x8f: {  	_ = 	snop  }
0x90: {  	s2 =	sld [smem:$0x3FC7]  }
0x91: {  	s18 =	sld [smem:$0x3FC6]  }
0x92: {  	s4 =	sld [smem:$0x3FC5]  }
0x93: {  	s5 =	sld [smem:$0x3FC4]  }
0x94: {  	s6 =	sld [smem:$0x3FC3]  }
0x95: {  	s7 =	sld [smem:$0x3FD0];
	(tm) =	ssettm $0x1  }
0x96: {  	s8 =	sld [smem:$0x3FFB];
	_ =	sdelay $0x3  }
0x97: {  	_ =	strace s8  }
0x98: {  	s8 =	sld [smem:$0x3FFC];
	_ =	sdelay $0x3  }
0x99: {  	_ =	strace s8  }
0x9a: {  	s8 =	sld [smem:$0x3FFD];
	_ =	sdelay $0x3  }
0x9b: {  	_ =	strace s8  }
0x9c: {  	_ =	strace $0x8FFFFFFF  }
0x9d: {  	s19 =	sld [smem:$0x3FDB];
	_ =	sdelay $0x1  }
0x9e: {  	s9 =	simm.s32 $_scs_section_size  }
0x9f: {  	s10 =	simm.s32 $_size__tile_overlayer_lowered;
	s11 =	simm.s32 $_tile_overlayer_lowered  }
0xa0: {  	s22 =	simm.s32 $0x1BFF;
	s21 =	sshll.u32 s11, $0x1;
	s8 =	sadd.s32 s9, s19  }
0xa1: {  	s12 =	simm.s32 $0x0;
	s20 =	sshll.u32 s10, $0x1;
	s10 =	sadd.s32 s21, s8  }
0xa2: {  	[timem:s12], [sflag:s22] =	dma.local [hbm:s10], s20  }
0xa3: {  	_ =	swait.ge [sflag:s22], s20  }
0xa4: {  	s9 =	ssub.s32 $0x0, s20;
	[sflag:s22] =	ssyncset.done $0x0  }
0xa5: {  	[sflag:s22] =	ssyncadd.s32 s9;
	_ =	sdelay $0x1  }
0xa6: {  	s23 =	simm.s32 $0x1B8B  }
0xa7: {  	_ =	swait.ge [sflag:s23], $0x1  }
0xa8: {  	[sflag:s23] =	ssyncset.done $0x0  }
0xa9: {  	s25 =	simm.s32 $0x1B8E;
	s24 =	sld [smem:$0x3FFE];
	[sflag:s23] =	ssyncadd.s32 $0xFFFFFFFF  }
0xaa: {  	s26 =	simm.s32 $execute0_lowered;
	[smem:$0x3FD2] =	sst s25  }
0xab: {  	s10 =	sshll.u32 s26, $0x1;
	_ =	strace $0x80000046;
	[dreg:$0x1] =	wrdreg $0xFFFFFFFF  }
0xac: {  	s28 =	simm.s32 $_size_execute0_lowered;
	s8 =	sadd.s32 s8, s10;
	[dreg:$0x0] =	wrdreg $0x0  }
0xad: {  	s10 =	sshll.u32 s28, $0x1;
	[dreg:$0x2] =	wrdreg s8  }
0xae: {  	[dreg:$0x3] =	wrdreg s10  }
0xaf: {  	[dreg:$0x4] =	wrdreg $0xC0  }
0xb0: {  	_ =	task [dreg:s12], $0x5FFFF  }
0xb1: {  	[dreg:$0x1] =	wrdreg $0xFFFFFFFF  }
0xb2: {  	[dreg:$0x0] =	wrdreg $0x60  }
0xb3: {  	[dreg:$0x2] =	wrdreg s24  }
0xb4: {  	[dreg:$0x3] =	wrdreg s2  }
0xb5: {  	[dreg:$0x4] =	wrdreg s18  }
0xb6: {  	[dreg:$0x5] =	wrdreg s4  }
0xb7: {  	[dreg:$0x6] =	wrdreg s5  }
0xb8: {  	[dreg:$0x7] =	wrdreg s6  }
0xb9: {  	[dreg:$0x8] =	wrdreg s7  }
0xba: {  	[dreg:$0x9] =	wrdreg $0x9  }
0xbb: {  	_ =	task.clear_ibuf [dreg:s12], $0xAFFFF;
	_ =	strace $0x90000046  }
0xbc: {  	s29 =	simm.s32 $0x9;
	_ =	strace $0x80000048  }
0xbd: {  	_ =	swait.ge [sflag:s29], $0x1  }
0xbe: {  	[sflag:s29] =	ssyncadd.s32 $0xFFFFFFFF  }
0xbf: {  	_ =	strace $0x90000048  }
0xc0: {  	_ =	sfence  }
0xc1: {  	s30 =	sld [smem:$0x0];
	_ =	sdelay $0x2  }
0xc2: {  	s31 =	sshll.u32 s1, $0xD;
	s1 =	sshrl.u32 s1, $0x2  }
0xc3: {  	s3 =	sand.u32 $0x4000, s31;
	s1 =	sadd.s32 s1, s30  }
0xc4: {  	s0 =	sor.u32 s3, s0;
	s1 =	sshll.u32 s1, $0x11  }
0xc5: {  	s0 =	sor.u32 s1, s0  }
0xc6: {  	s0 =	sadd.s32 $0x8F2B, s0  }
0xc7: {  	[sflag:s0] =	ssyncadd.remote.s32 $0x1  }
0xc8: {  	_ =	sfence.sel $0xFFFF  }
0xc9: {  	[dreg:$0x0] =	wrdreg $0xFFFFFFFF;
	(pc) =	sbr.abs _section_cstart, $3  }
0xca: {  	[dreg:$0x1] =	wrdreg $0xFFFFFFFF  }
0xcb: {  	_ =	task.clear_ibuf [dreg:s12], $0x2FFFF;
	_ =	strace $0x9FFFFFFF  }
0xcc: {  	(tm) =	ssettm $0x7FFFFFFF  }
0xcd: {  	_ =	shalt  }
tec
execute0_lowered:
.L_overlay_start_1:
0x0: {  	(tag) =	ssettag $0x1  }
0x1: {  	s0 =	rddreg [dreg:$0x0]  }
0x2: {  	s1 =	rddreg [dreg:$0x1]  }
0x3: {  	s24 =	rddreg [dreg:$0x6];
	s8 =	simm.s32 $0x0;
	s2 =	srdreg.scid  }
0x4: {  	s3 =	stileid.u32;
	s5 =	simm.s32 $0x4;
	s2 =	sand.u32 $0x1, s2  }
0x5: {  	s28 =	simm.s32 $0x2;
	s3 =	sshll.u32 s3, $0xF;
	s4 =	sshll.u32 s2, $0xE  }
0x6: {  	[smem:$0x7FF] =	sst s8;
	s9 =	sadd.s32 $0x600, s0;
	s10 =	sor.u32 s4, s3  }
0x7: {  	s11 =	sadd.s32 $0x10600, s0;
	_ =	strace $0x80000047;
	s29 =	sor.u32 $0x100, s10  }
0x8: {  	s2 =	ssub.s32 $0x2, s2;
	s30 =	sor.u32 $0x140, s10;
	[dreg:$0xe] =	wrdreg s29  }
0x9: {  	s3 =	sshrl.u32 s10, $0x3;
	s31 =	sor.u32 $0x180, s10;
	[dreg:$0xf] =	wrdreg s30  }
0xa: {  	s19 =	sshrl.u32 s2, $0x1;
	s20 =	sadd.s32 s9, s3;
	[dreg:$0x10] =	wrdreg s31  }
0xb: {  	s0 =	ssub.s32 s2, s19;
	s22 =	sadd.s32 s11, s3;
	[dreg:$0x8] =	wrdreg s20  }
0xc: {  	s21 =	sor.u32 $0x8, s3;
	s0 =	smax.u32 s0, $0x1;
	[dreg:$0x9] =	wrdreg s22  }
0xd: {  	s7 =	simm.s32 $0x0;
	s23 =	sadd.s32 s9, s21;
	[dreg:$0x11] =	wrdreg s0  }
0xe: {  	s3 =	sor.u32 $0x10, s3;
	s2 =	sadd.s32 s11, s21;
	[dreg:$0xa] =	wrdreg s23  }
0xf: {  	s4 =	simm.s32 $0x1;
	s25 =	sadd.s32 s9, s3;
	[dreg:$0xb] =	wrdreg s2  }
0x10: {  	s26 =	sadd.s32 s11, s3;
	s0 =	simm.s32 $0x6;
	[dreg:$0xc] =	wrdreg s25  }
0x11: {  	[dreg:$0xd] =	wrdreg s26;
	s2 =	simm.s32 $0x40;
	s26 =	simm.s32 $0x5  }
.LBB2_1:
0x12: {  	[dreg:$0x12] =	wrdreg s7  }
0x13: {  	s3 =	rddreg [dreg:$0x2];
	s6 =	simm.s32 $0xC400;
	s29 =	simm.s32 $0x9  }
0x14: {  	[tilespmem:s6], [sflag:$0x9] =	stream.linear.gather [hbm4b:s3+s8], $0x10000, $0x38;
	[tilespmem:$0x1C600] =	vst v63  }
0x15: {  	_ =	swait.ge [sflag:s29], $0x10000  }
0x16: {  	[sflag:s29] =	ssyncset.done $0x0  }
0x17: {  	[sflag:s29] =	ssyncadd.s32 $0xFFFF0000  }
0x18: {  	s31 =	simm.s32 $0x1C400;
	s30 =	rddreg [dreg:$0x3]  }
0x19: {  	[tilespmem:s31], [sflag:$0x9] =	stream.linear.gather [hbm4b:s30+s8], $0x100, $0x38;
	[tilespmem:$0x1C600] =	vst v63  }
0x1a: {  	_ =	swait.ge [sflag:s29], $0x100  }
0x1b: {  	[sflag:s29] =	ssyncset.done $0x0  }
0x1c: {  	[sflag:s29] =	ssyncadd.s32 $0xFFFFFF00  }
0x1d: {  	s12 =	simm.s32 $0x1C500;
	s7 =	rddreg [dreg:$0x4]  }
0x1e: {  	[tilespmem:s12], [sflag:$0x9] =	stream.linear.gather [hbm4b:s7+s8], $0x80, $0x38;
	[tilespmem:$0x1C600] =	vst v63  }
0x1f: {  	_ =	swait.ge [sflag:s29], $0x80  }
0x20: {  	[sflag:s29] =	ssyncset.done $0x0  }
0x21: {  	[sflag:s29] =	ssyncadd.s32 $0xFFFFFF80  }
0x22: {  	s14 =	simm.s32 $0x1C580;
	s13 =	rddreg [dreg:$0x5]  }
0x23: {  	[tilespmem:s14], [sflag:$0x9] =	stream.linear.gather [hbm4b:s13+s8], $0x80, $0x38;
	[tilespmem:$0x1C600] =	vst v63  }
0x24: {  	_ =	swait.ge [sflag:s29], $0x80  }
0x25: {  	[sflag:s29] =	ssyncset.done $0x0  }
0x26: {  	s15 =	rddreg [dreg:$0x8];
	[sflag:s29] =	ssyncadd.s32 $0xFFFFFF80  }
0x27: {  	[tilespmem:s8], [sflag:$0x3] =	stream.linear.gather [hbm4b:s15+s8], $0x40, $0x38;
	[tilespmem:$0x1C600] =	vst v63  }
0x28: {  	s17 =	simm.s32 $0x200;
	s16 =	rddreg [dreg:$0x9]  }
0x29: {  	[tilespmem:s17], [sflag:$0x3] =	stream.linear.gather [hbm4b:s16+s8], $0x40, $0x38;
	[tilespmem:$0x1C600] =	vst v63  }
0x2a: {  	s19 =	simm.s32 $0x80;
	s18 =	rddreg [dreg:$0xa]  }
0x2b: {  	[tilespmem:s19], [sflag:$0x4] =	stream.linear.gather [hbm4b:s18+s8], $0x40, $0x38;
	[tilespmem:$0x1C600] =	vst v63  }
0x2c: {  	s21 =	simm.s32 $0x280;
	s20 =	rddreg [dreg:$0xb]  }
0x2d: {  	[tilespmem:s21], [sflag:$0x4] =	stream.linear.gather [hbm4b:s20+s8], $0x40, $0x38;
	[tilespmem:$0x1C600] =	vst v63  }
0x2e: {  	s23 =	simm.s32 $0x100;
	s22 =	rddreg [dreg:$0xc]  }
0x2f: {  	[tilespmem:s23], [sflag:$0x5] =	stream.linear.gather [hbm4b:s22+s8], $0x40, $0x38;
	[tilespmem:$0x1C600] =	vst v63  }
0x30: {  	s30 =	simm.s32 $0x3;
	s25 =	rddreg [dreg:$0xd];
	s29 =	simm.s32 $0x300  }
0x31: {  	[tilespmem:s29], [sflag:$0x5] =	stream.linear.gather [hbm4b:s25+s8], $0x40, $0x38;
	[tilespmem:$0x1C600] =	vst v63  }
0x32: {  	_ =	swait.ge [sflag:s30], $0x40  }
0x33: {  	[sflag:s30] =	ssyncset.done $0x0  }
0x34: {  	[sflag:s30] =	ssyncadd.s32 $0xFFFFFFC0  }
0x35: {  	p0 =	por $0x0, $0x0;
	_ =	swait.ge [sflag:s30], $0x40  }
0x36: {  	s31 =	simm.s32 $0x400;
	s16 =	simm.s32 $0x0;
	[sflag:s30] =	ssyncset.done $0x0  }
0x37: {  	s17 =	simm.s32 $0x0;
	s21 =	simm.s32 $0x0;
	[sflag:s30] =	ssyncadd.s32 $0xFFFFFFC0  }
0x38: {  	[tilespmem:s31], [sflag:$0x1] =	stream.indirect.gather [hbm4b:s1+s2], $0x80, s8, s2, $0xb8;
	[tilespmem:$0x1C600] =	vst v63  }
.LBB2_2:
0x39: {  	_ =	swait.ge [sflag:s5], $0x40  }
0x3a: {  	[sflag:s5] =	ssyncset.done $0x0  }
0x3b: {  	[sflag:s5] =	ssyncadd.s32 $0xFFFFFFC0  }
0x3c: {  	_ =	swait.ge [sflag:s5], $0x40  }
0x3d: {  	[sflag:s5] =	ssyncset.done $0x0  }
0x3e: {  	s3 =	simm.s32 $0x80;
	s6 =	simm.s32 $0x2400;
	[sflag:s5] =	ssyncadd.s32 $0xFFFFFFC0  }
0x3f: {  	[tilespmem:s6], [sflag:$0x2] =	stream.indirect.gather [hbm4b:s1+s2], $0x80, s3, s2, $0xb8;
	[tilespmem:$0x1C600] =	vst v63  }
0x40: {  	_ =	swait.ge [sflag:s4], $0x2000  }
0x41: {  	p1 =	seq.s32 s21, $0x0;
	[sflag:s4] =	ssyncset.done $0x0  }
0x42: {  	s3 =	simm.s32 @!p1 $0x7;
	[sflag:s4] =	ssyncadd.s32 $0xFFFFE000  }
0x43: {  	_ =	swait.ge @!p1 [sflag:s3], $0x4000  }
0x44: {  	[sflag:s3] =	ssyncset.done @!p1 $0x0  }
0x45: {  	s19 =	simm.s32 $0x200;
	[sflag:s3] =	ssyncadd.s32 @!p1 $0xFFFFC000  }
0x46: {  	v0 =	vld [tilespmem:s19+$0x0];
	_ =	sdelay $0x4  }
0x47: {  	v0 =	vshll.u32 v0, $0x9  }
0x48: {  	s12 =	simm.s32 $0x480;
	v7 =	vshra.s32 v0, $0x2  }
0x49: {  	v2 =	vld [tilespmem:s12+$0xFFFFFF90];
	(v2sf) =	vpush v7, $0x0  }
0x4a: {  	v4 =	vld [tilespmem:s12+$0xFFFFFFA0]  }
0x4b: {  	v6 =	vld [tilespmem:s12+$0xFFFFFFB0]  }
0x4c: {  	s3 =	simm.s32 $0x1;
	v9 =	vld [tilespmem:s12+$0xFFFFFFC0]  }
0x4d: {  	s3 =	simm.s32 @!p0 $0x0;
	v11 =	vld [tilespmem:s12+$0xFFFFFFD0]  }
0x4e: {  	v13 =	vld [tilespmem:s12+$0xFFFFFFE0];
	s13 =	sshll.u32 s3, $0xF  }
0x4f: {  	v15 =	vld [tilespmem:s12+$0xFFFFFFF0];
	s7 =	sadd.s32 $0xC480, s13  }
0x50: {  	v1 =	vld [tilespmem:s7+$0xFFFFFF80]  }
0x51: {  	v3 =	vld [tilespmem:s7+$0xFFFFFF90]  }
0x52: {  	v5 =	vld [tilespmem:s7+$0xFFFFFFA0]  }
0x53: {  	v8 =	vld [tilespmem:s7+$0xFFFFFFB0]  }
0x54: {  	v10 =	vld [tilespmem:s7+$0xFFFFFFC0]  }
0x55: {  	v12 =	vld [tilespmem:s7+$0xFFFFFFD0]  }
0x56: {  	v14 =	vld [tilespmem:s7+$0xFFFFFFE0]  }
0x57: {  	v16 =	vld [tilespmem:s7+$0xFFFFFFF0]  }
0x58: {  	v0 =	vld [tilespmem:s12+$0xFFFFFF80];
	s20 =	spop (v2sf)  }
0x59: {  	v17 =	vld [tilespmem:s20+$0x1C400]  }
0x5a: {  	v18 =	vld [tilespmem:s20+$0x1C410]  }
0x5b: {  	v19 =	vld [tilespmem:s20+$0x1C420]  }
0x5c: {  	v20 =	vld [tilespmem:s20+$0x1C430]  }
0x5d: {  	v21 =	vld [tilespmem:s20+$0x1C440]  }
0x5e: {  	v0 =	vadd.f32 v1, v0;
	v1 =	vadd.f32 v3, v2;
	v2 =	vld [tilespmem:s20+$0x1C450]  }
0x5f: {  	v11 =	vadd.f32 v12, v11;
	v3 =	vadd.f32 v5, v4;
	v5 =	vld [tilespmem:s20+$0x1C460]  }
0x60: {  	v12 =	vadd.f32 v14, v13;
	v13 =	vadd.f32 v16, v15;
	v22 =	vld [tilespmem:s20+$0x1C470]  }
0x61: {  	v4 =	vadd.f32 v8, v6;
	v6 =	vadd.f32 v10, v9  }
0x62: {  	v9 =	vadd.f32 v17, v0;
	v25 =	vadd.f32 v18, v1  }
0x63: {  	v8 =	vadd.f32 v19, v3;
	v15 =	vadd.f32 v20, v4  }
0x64: {  	v10 =	vadd.f32 v21, v6;
	v11 =	vadd.f32 v2, v11  }
0x65: {  	v12 =	vadd.f32 v5, v12;
	v13 =	vadd.f32 v22, v13  }
0x66: {  	v0 =	vadd.f32 v25, v9;
	v1 =	vmul.f32 v9, v9;
	v2 =	vmul.f32 v25, v25  }
0x67: {  	v3 =	vadd.f32 v15, v8;
	v4 =	vmul.f32 v8, v8;
	v5 =	vmul.f32 v15, v15  }
0x68: {  	v6 =	vadd.f32 v11, v10;
	v14 =	vmul.f32 v10, v10;
	v16 =	vmul.f32 v11, v11  }
0x69: {  	v17 =	vadd.f32 v13, v12;
	v18 =	vmul.f32 v12, v12;
	v19 =	vmul.f32 v13, v13  }
0x6a: {  	v1 =	vadd.f32 v2, v1;
	v2 =	vadd.f32 v5, v4  }
0x6b: {  	v4 =	vadd.f32 v16, v14;
	v5 =	vadd.f32 v19, v18  }
0x6c: {  	v0 =	vadd.f32 v3, v0;
	v3 =	vadd.f32 v17, v6  }
0x6d: {  	v1 =	vadd.f32 v2, v1;
	v2 =	vadd.f32 v5, v4  }
0x6e: {  	v0 =	vadd.f32 v3, v0  }
0x6f: {  	v1 =	vadd.f32 v2, v1  }
0x70: {  	(xrf2) =	vadd.scan.msk.f32 $0xffff, v0  }
0x71: {  	(xrf2) =	vadd.scan.msk.f32 $0xffff, v1;
	_ =	sdelay $0x8  }
0x72: {  	v0, _, _ =	vpop (xrf2)  }
0x73: {  	(v2sf) =	vpush v0, $0xF;
	v0, _, _ =	vpop (xrf2)  }
0x74: {  	(v2sf) =	vpush v0, $0xF;
	_ =	sdelay $0x8  }
0x75: {  	s22 =	simm.s32 $0x202  }
0x76: {  	v0 =	vld [tilespmem:s22+$0x0];
	_ =	sdelay $0x3  }
0x77: {  	s23 =	spop (v2sf)  }
0x78: {  	v0 =	vshll.u32 v0, $0x9;
	s14 =	smul.f32 $7.812500000e-03, s23;
	s15 =	spop (v2sf)  }
0x79: {  	s3 =	simm.s32 $0x580;
	v16 =	vshra.s32 v0, $0x2;
	s15 =	smul.f32 $7.812500000e-03, s15  }
0x7a: {  	v24 =	vld [tilespmem:s3+$0xFFFFFFE0];
	(v2sf) =	vpush v16, $0x0;
	s18 =	smul.f32 s14, s14  }
0x7b: {  	v27 =	vld [tilespmem:s3+$0xFFFFFFF0];
	s6 =	sadd.s32 $0x100, s7  }
0x7c: {  	v23 =	vld [tilespmem:s6+$0xFFFFFFD0];
	s15 =	ssub.f32 s15, s18  }
0x7d: {  	v26 =	vld [tilespmem:s6+$0xFFFFFFE0]  }
0x7e: {  	v28 =	vld [tilespmem:s6+$0xFFFFFFF0];
	s15 =	sadd.f32 $9.999999740e-06, s15  }
0x7f: {  	v20 =	vld [tilespmem:s6+$0xFFFFFFC0]  }
0x80: {  	v21 =	vld [tilespmem:s3+$0xFFFFFFD0];
	v17 =	vmov s15  }
0x81: {  	v6 =	vld [tilespmem:s3+$0xFFFFFFB0];
	v19 =	vshra.s32 v17, $0x1;
	v17 =	vmul.f32 $5.000000000e-01, v17  }
0x82: {  	v14 =	vld [tilespmem:s6+$0xFFFFFFB0];
	v19 =	vsub.s32 $0x5F3759DF, v19  }
0x83: {  	v18 =	vld [tilespmem:s3+$0xFFFFFFC0];
	v22 =	vmul.f32 v19, v17  }
0x84: {  	v3 =	vld [tilespmem:s6+$0xFFFFFF90]  }
0x85: {  	v4 =	vld [tilespmem:s3+$0xFFFFFFA0];
	v22 =	vmul.f32 v19, v22  }
0x86: {  	v2 =	vld [tilespmem:s3+$0xFFFFFF90]  }
0x87: {  	v1 =	vld [tilespmem:s6+$0xFFFFFF80];
	v22 =	vsub.f32 $1.500000000e+00, v22  }
0x88: {  	v0 =	vld [tilespmem:s3+$0xFFFFFF80]  }
0x89: {  	v5 =	vld [tilespmem:s6+$0xFFFFFFA0];
	s25 =	spop (v2sf);
	v19 =	vmul.f32 v19, v22  }
0x8a: {  	v29 =	vld [tilespmem:s25+$0x1C400]  }
0x8b: {  	v22 =	vld [tilespmem:s25+$0x1C410];
	v31 =	vmul.f32 v19, v17  }
0x8c: {  	v30 =	vld [tilespmem:s25+$0x1C420]  }
0x8d: {  	v0 =	vadd.f32 v1, v0;
	v1 =	vadd.f32 v3, v2;
	v32 =	vld [tilespmem:s25+$0x1C430];
	v3 =	vmul.f32 v31, v19  }
0x8e: {  	v26 =	vadd.f32 v26, v24;
	v4 =	vadd.f32 v5, v4;
	v2 =	vld [tilespmem:s25+$0x1C440]  }
0x8f: {  	v5 =	vadd.f32 v14, v6;
	v6 =	vld [tilespmem:s25+$0x1C450];
	v3 =	vsub.f32 $1.500000000e+00, v3  }
0x90: {  	v27 =	vadd.f32 v28, v27;
	v23 =	vadd.f32 v23, v21  }
0x91: {  	v14 =	vadd.f32 v20, v18;
	(v2sf) =	vpush v7, $0x1;
	v31 =	vld [tilespmem:s25+$0x1C460];
	v28 =	vmul.f32 v3, v19  }
0x92: {  	v24 =	vadd.f32 v29, v0;
	v22 =	vadd.f32 v22, v1  }
0x93: {  	v33 =	vld [tilespmem:s25+$0x1C470];
	v20 =	vadd.f32 v30, v4;
	v21 =	vadd.f32 v32, v5;
	v1 =	vmul.f32 v28, v17  }
0x94: {  	v7 =	vld [tilespmem:$0x1C590];
	v18 =	vadd.f32 v2, v14;
	v23 =	vadd.f32 v6, v23;
	v29 =	vmul.f32 v22, v22  }
0x95: {  	v2 =	vld [tilespmem:$0x1C500];
	v14 =	vadd.f32 v22, v24;
	v30 =	vmul.f32 v20, v20;
	v4 =	vmul.f32 v1, v28  }
0x96: {  	v0 =	vld [tilespmem:$0x1C510];
	v54 =	vadd.f32 v23, v18;
	v55 =	vmul.f32 v18, v18;
	v19 =	vadd.f32 v31, v26  }
0x97: {  	v5 =	vld [tilespmem:$0x1C550];
	v34 =	vmul.f32 v23, v23;
	v26 =	vadd.f32 v21, v20;
	v6 =	vsub.f32 $1.500000000e+00, v4  }
0x98: {  	v3 =	vld [tilespmem:$0x1C530];
	v31 =	vmul.f32 v21, v21;
	v17 =	vadd.f32 v33, v27;
	v27 =	vmul.f32 v24, v24  }
0x99: {  	s14 =	ssub.f32 $0.0e+00, s14;
	v36 =	vmul.f32 v19, v19;
	v26 =	vadd.f32 v26, v14;
	v14 =	vld [tilespmem:$0x1C570];
	v28 =	vmul.f32 v6, v28  }
0x9a: {  	v1 =	vld [tilespmem:$0x1C520];
	v35 =	vadd.f32 v17, v19;
	v37 =	vmul.f32 v17, v17;
	v27 =	vadd.f32 v29, v27  }
0x9b: {  	v29 =	vadd.f32 v31, v30;
	v4 =	vld [tilespmem:$0x1C540];
	v56 =	vmul.f32 s14, v28;
	v38 =	vmul.f32 v28, v9  }
0x9c: {  	v30 =	vadd.f32 v34, v55;
	v32 =	vadd.f32 v35, v54;
	v9 =	vld [tilespmem:$0x1C580];
	v25 =	vmul.f32 v28, v25  }
0x9d: {  	v6 =	vld [tilespmem:$0x1C560];
	v57 =	vmul.f32 v28, v8;
	v15 =	vmul.f32 v28, v15;
	v31 =	vadd.f32 v56, v38  }
0x9e: {  	v8 =	vld [tilespmem:$0x1C5A0];
	v58 =	vmul.f32 v28, v10;
	v59 =	vmul.f32 v28, v11;
	v25 =	vadd.f32 v56, v25  }
0x9f: {  	v10 =	vld [tilespmem:$0x1C5B0];
	v39 =	vmul.f32 v28, v12;
	v33 =	vadd.f32 v56, v57;
	v31 =	vmul.f32 v31, v2  }
0xa0: {  	v11 =	vld [tilespmem:$0x1C5C0];
	v28 =	vmul.f32 v28, v13;
	v15 =	vadd.f32 v56, v15;
	v25 =	vmul.f32 v25, v0  }
0xa1: {  	v12 =	vld [tilespmem:$0x1C5D0];
	v34 =	vadd.f32 v56, v58;
	v33 =	vmul.f32 v33, v1;
	v31 =	vadd.f32 v31, v9  }
0xa2: {  	s15 =	simm.s32 $0x4480;
	v13 =	vld [tilespmem:$0x1C5E0];
	v38 =	vadd.f32 v56, v59;
	v40 =	vmul.f32 v15, v3;
	v25 =	vadd.f32 v25, v7  }
0xa3: {  	v15 =	vld [tilespmem:$0x1C5F0];
	v34 =	vmul.f32 v34, v4;
	v33 =	vadd.f32 v33, v8;
	[tilespmem:s15+$0xFFFFFF80] =	vst v31;
	v31 =	vadd.f32 v56, v39  }
0xa4: {  	v38 =	vmul.f32 v38, v5;
	v60 =	vadd.f32 v40, v10;
	[tilespmem:s15+$0xFFFFFF90] =	vst v25;
	v25 =	vadd.f32 v56, v28  }
0xa5: {  	v27 =	vadd.f32 v29, v27;
	v61 =	vadd.f32 v34, v11;
	[tilespmem:s15+$0xFFFFFFA0] =	vst v33;
	v31 =	vmul.f32 v31, v6  }
0xa6: {  	v62 =	vadd.f32 v38, v12;
	v28 =	vadd.f32 v37, v36;
	[tilespmem:s15+$0xFFFFFFB0] =	vst v60;
	v25 =	vmul.f32 v25, v14  }
0xa7: {  	v26 =	vadd.f32 v32, v26;
	[tilespmem:s15+$0xFFFFFFC0] =	vst v61;
	v29 =	vadd.f32 v31, v13  }
0xa8: {  	[tilespmem:s15+$0xFFFFFFD0] =	vst v62;
	v28 =	vadd.f32 v28, v30;
	v25 =	vadd.f32 v25, v15  }
0xa9: {  	s18 =	simm.s32 $0x204;
	[tilespmem:s15+$0xFFFFFFE0] =	vst v29  }
0xaa: {  	s19 =	spop (v2sf);
	(xrf2) =	vadd.scan.msk.f32 $0xffff, v26;
	v26 =	vld [tilespmem:s18+$0x0];
	v27 =	vadd.f32 v28, v27;
	[tilespmem:s15+$0xFFFFFFF0] =	vst v25  }
0xab: {  	v25 =	vld [tilespmem:s19+$0x1C400]  }
0xac: {  	(xrf2) =	vadd.scan.msk.f32 $0xffff, v27;
	v27 =	vld [tilespmem:s19+$0x1C410]  }
0xad: {  	v28 =	vld [tilespmem:s19+$0x1C420]  }
0xae: {  	v29 =	vld [tilespmem:s12+$0x0]  }
0xaf: {  	v30 =	vld [tilespmem:s7+$0x0]  }
0xb0: {  	v31 =	vld [tilespmem:s12+$0x10]  }
0xb1: {  	v63 =	vld [tilespmem:s7+$0x10]  }
0xb2: {  	v33 =	vld [tilespmem:s12+$0x20]  }
0xb3: {  	v49 =	vld [tilespmem:s7+$0x20]  }
0xb4: {  	v48, _, _ =	vpop (xrf2);
	v50 =	vld [tilespmem:s12+$0x30]  }
0xb5: {  	(v2sf) =	vpush v48, $0xF;
	v52 =	vld [tilespmem:s7+$0x30]  }
0xb6: {  	v53 =	vld [tilespmem:s12+$0x40]  }
0xb7: {  	v39 =	vld [tilespmem:s7+$0x40];
	v51, _, _ =	vpop (xrf2)  }
0xb8: {  	v54 =	vld [tilespmem:s12+$0x50];
	(v2sf) =	vpush v51, $0xF  }
0xb9: {  	v41 =	vld [tilespmem:s7+$0x50]  }
0xba: {  	v42 =	vld [tilespmem:s12+$0x60]  }
0xbb: {  	v26 =	vshll.u32 v26, $0x9;
	v43 =	vld [tilespmem:s7+$0x60]  }
0xbc: {  	v55 =	vshra.s32 v26, $0x2;
	v44 =	vld [tilespmem:s12+$0x70]  }
0xbd: {  	v45 =	vld [tilespmem:s7+$0x70];
	[tilespmem:$0x1FFF0] =	vst v55  }
0xbe: {  	v26 =	vld [tilespmem:s19+$0x1C430]  }
0xbf: {  	v46 =	vld [tilespmem:s19+$0x1C440]  }
0xc0: {  	v57 =	vld [tilespmem:s19+$0x1C450];
	v29 =	vadd.f32 v30, v29;
	v30 =	vadd.f32 v63, v31  }
0xc1: {  	v59 =	vld [tilespmem:s19+$0x1C460];
	v56 =	vadd.f32 v49, v33;
	v58 =	vadd.f32 v52, v50  }
0xc2: {  	v62 =	vld [tilespmem:s19+$0x1C470];
	v34 =	vadd.f32 v39, v53;
	v60 =	vadd.f32 v41, v54  }
0xc3: {  	v61 =	vadd.f32 v43, v42;
	v63 =	vadd.f32 v45, v44  }
0xc4: {  	v31 =	vadd.f32 v25, v29;
	v30 =	vadd.f32 v27, v30;
	s20 =	spop (v2sf)  }
0xc5: {  	v29 =	vadd.f32 v28, v56;
	v27 =	vadd.f32 v26, v58;
	s7 =	smul.f32 $7.812500000e-03, s20  }
0xc6: {  	v28 =	vadd.f32 v46, v34;
	v26 =	vadd.f32 v57, v60  }
0xc7: {  	v25 =	vadd.f32 v59, v61;
	v32 =	vadd.f32 v62, v63;
	s23 =	smul.f32 s7, s7;
	s22 =	spop (v2sf)  }
0xc8: {  	s30 =	simm.s32 $0x680;
	v36 =	vadd.f32 v30, v31;
	v35 =	vadd.f32 v27, v29;
	s14 =	smul.f32 $7.812500000e-03, s22  }
0xc9: {  	s12 =	sadd.s32 $0x100, s6;
	v37 =	vld [tilespmem:s30+$0xFFFFFF90];
	v56 =	vmul.f32 v31, v31;
	v57 =	vmul.f32 v30, v30;
	(v2sf) =	vpush v55, $0x0  }
0xca: {  	v40 =	vld [tilespmem:s12+$0xFFFFFF90];
	v58 =	vadd.f32 v26, v28;
	v59 =	vmul.f32 v29, v29;
	v60 =	vmul.f32 v27, v27;
	s14 =	ssub.f32 s14, s23  }
0xcb: {  	v48 =	vld [tilespmem:s12+$0xFFFFFFA0];
	v61 =	vadd.f32 v32, v25;
	v47 =	vmul.f32 v28, v28;
	v49 =	vmul.f32 v26, v26  }
0xcc: {  	v38 =	vld [tilespmem:s12+$0xFFFFFFD0];
	v50 =	vmul.f32 v25, v25;
	v52 =	vmul.f32 v32, v32;
	v39 =	vadd.f32 v57, v56;
	s14 =	sadd.f32 $9.999999740e-06, s14  }
0xcd: {  	v33 =	vld [tilespmem:s12+$0xFFFFFF80];
	v43 =	vadd.f32 v60, v59;
	v47 =	vadd.f32 v49, v47  }
0xce: {  	v44 =	vld [tilespmem:s30+$0xFFFFFFA0];
	v50 =	vadd.f32 v52, v50;
	v36 =	vadd.f32 v35, v36;
	v62 =	vmov s14  }
0xcf: {  	v41 =	vld [tilespmem:s12+$0xFFFFFFB0];
	v35 =	vadd.f32 v61, v58;
	v63 =	vshra.s32 v62, $0x1;
	v45 =	vmul.f32 $5.000000000e-01, v62  }
0xd0: {  	v42 =	vld [tilespmem:s12+$0xFFFFFFC0];
	v39 =	vadd.f32 v43, v39;
	v61 =	vadd.f32 v50, v47;
	v56 =	vsub.s32 $0x5F3759DF, v63  }
0xd1: {  	v34 =	vld [tilespmem:s30+$0xFFFFFF80];
	v36 =	vadd.f32 v35, v36;
	v62 =	vmul.f32 v56, v45  }
0xd2: {  	v51 =	vld [tilespmem:s30+$0xFFFFFFB0];
	v39 =	vadd.f32 v61, v39  }
0xd3: {  	v49 =	vld [tilespmem:s30+$0xFFFFFFC0];
	(xrf2) =	vadd.scan.msk.f32 $0xffff, v36;
	v57 =	vmul.f32 v56, v62  }
0xd4: {  	v52 =	vld [tilespmem:s30+$0xFFFFFFD0];
	(xrf2) =	vadd.scan.msk.f32 $0xffff, v39  }
0xd5: {  	v58 =	vld [tilespmem:s12+$0xFFFFFFE0];
	v60 =	vsub.f32 $1.500000000e+00, v57  }
0xd6: {  	v59 =	vld [tilespmem:s30+$0xFFFFFFF0]  }
0xd7: {  	v61 =	vld [tilespmem:s12+$0xFFFFFFF0];
	v46 =	vmul.f32 v56, v60  }
0xd8: {  	s25 =	spop (v2sf);
	v63 =	vld [tilespmem:s30+$0xFFFFFFE0]  }
0xd9: {  	v55 =	vld [tilespmem:s25+$0x1C420];
	v39 =	vmul.f32 v46, v45  }
0xda: {  	v33 =	vadd.f32 v33, v34;
	v34 =	vld [tilespmem:s25+$0x1C430]  }
0xdb: {  	v37 =	vadd.f32 v40, v37;
	v41 =	vadd.f32 v41, v51;
	v51 =	vld [tilespmem:s25+$0x1C450];
	v39 =	vmul.f32 v39, v46  }
0xdc: {  	v44 =	vadd.f32 v48, v44;
	v49 =	vadd.f32 v42, v49;
	v62 =	vld [tilespmem:s25+$0x1C440]  }
0xdd: {  	v54 =	vld [tilespmem:s25+$0x1C410];
	v36 =	vadd.f32 v58, v63;
	v60, _, _ =	vpop (xrf2);
	v63 =	vsub.f32 $1.500000000e+00, v39  }
0xde: {  	v47 =	vadd.f32 v61, v59;
	v53 =	vld [tilespmem:s25+$0x1C400];
	(v2sf) =	vpush v60, $0xF;
	v61, _, _ =	vpop (xrf2)  }
0xdf: {  	v52 =	vadd.f32 v38, v52;
	v50 =	vld [tilespmem:s25+$0x1C460];
	(v2sf) =	vpush v61, $0xF;
	v46 =	vmul.f32 v63, v46  }
0xe0: {  	v42 =	vadd.f32 v55, v44;
	v43 =	vadd.f32 v34, v41;
	v56 =	vld [tilespmem:s25+$0x1C470]  }
0xe1: {  	v41 =	vadd.f32 v51, v52;
	v38 =	vadd.f32 v62, v49;
	v62 =	vmul.f32 v46, v45  }
0xe2: {  	v40 =	vadd.f32 v54, v37;
	v44 =	vadd.f32 v43, v42  }
0xe3: {  	v52 =	vmul.f32 v41, v41;
	v39 =	vadd.f32 v53, v33;
	v33 =	vmul.f32 v62, v46  }
0xe4: {  	v57 =	vmul.f32 v42, v42;
	v37 =	vadd.f32 v50, v36;
	v59 =	vadd.f32 v41, v38  }
0xe5: {  	v58 =	vmul.f32 v43, v43;
	v36 =	vadd.f32 v56, v47;
	v33 =	vsub.f32 $1.500000000e+00, v33  }
0xe6: {  	v60 =	vmul.f32 v38, v38;
	v47 =	vmul.f32 v40, v40;
	v63 =	vadd.f32 v40, v39  }
0xe7: {  	s7 =	ssub.f32 $0.0e+00, s7;
	(v2sf) =	vpush v16, $0x1;
	v61 =	vadd.f32 v36, v37;
	v33 =	vmul.f32 v33, v46  }
0xe8: {  	v45 =	vmul.f32 v39, v39;
	v16 =	vadd.f32 v44, v63;
	v63 =	vmul.f32 v36, v36  }
0xe9: {  	v56 =	vadd.f32 v58, v57;
	v62 =	vmul.f32 v37, v37;
	v46 =	vmul.f32 s7, v33  }
0xea: {  	v55 =	vadd.f32 v61, v59;
	v24 =	vmul.f32 v33, v24;
	v22 =	vmul.f32 v33, v22  }
0xeb: {  	v45 =	vadd.f32 v47, v45;
	v20 =	vmul.f32 v33, v20;
	v21 =	vmul.f32 v33, v21  }
0xec: {  	v18 =	vmul.f32 v33, v18;
	v23 =	vmul.f32 v33, v23;
	v24 =	vadd.f32 v46, v24  }
0xed: {  	v19 =	vmul.f32 v33, v19;
	s18 =	spop (v2sf);
	v17 =	vmul.f32 v33, v17;
	v22 =	vadd.f32 v46, v22  }
0xee: {  	s7 =	smul.f32 $7.812500000e-03, s18;
	s19 =	spop (v2sf);
	v20 =	vadd.f32 v46, v20;
	v21 =	vadd.f32 v46, v21;
	v24 =	vmul.f32 v24, v2  }
0xef: {  	v18 =	vadd.f32 v46, v18;
	s14 =	smul.f32 $7.812500000e-03, s19;
	v19 =	vadd.f32 v46, v19;
	v22 =	vmul.f32 v22, v0  }
0xf0: {  	v17 =	vadd.f32 v46, v17;
	s20 =	smul.f32 s7, s7;
	v20 =	vmul.f32 v20, v1;
	v24 =	vadd.f32 v24, v9  }
0xf1: {  	s25 =	simm.s32 $0x4580;
	v21 =	vmul.f32 v21, v3;
	v18 =	vmul.f32 v18, v4;
	v22 =	vadd.f32 v22, v7  }
0xf2: {  	v23 =	vadd.f32 v46, v23;
	v19 =	vmul.f32 v19, v6;
	s14 =	ssub.f32 s14, s20;
	v20 =	vadd.f32 v20, v8;
	[tilespmem:s25+$0xFFFFFF80] =	vst v24  }
0xf3: {  	v17 =	vmul.f32 v17, v14;
	v21 =	vadd.f32 v21, v10;
	v18 =	vadd.f32 v18, v11;
	[tilespmem:s25+$0xFFFFFF90] =	vst v22  }
0xf4: {  	s14 =	sadd.f32 $9.999999740e-06, s14;
	v22 =	vmul.f32 v23, v5;
	v23 =	vadd.f32 v52, v60;
	[tilespmem:s25+$0xFFFFFFA0] =	vst v20;
	v20 =	vadd.f32 v63, v62  }
0xf5: {  	v16 =	vadd.f32 v55, v16;
	[tilespmem:s25+$0xFFFFFFC0] =	vst v18;
	v18 =	vadd.f32 v19, v13  }
0xf6: {  	v17 =	vadd.f32 v17, v15;
	[tilespmem:s25+$0xFFFFFFB0] =	vst v21;
	v19 =	vadd.f32 v20, v23;
	v20 =	vmov s14  }
0xf7: {  	v21 =	vadd.f32 v22, v12;
	[tilespmem:s25+$0xFFFFFFE0] =	vst v18;
	v18 =	vshra.s32 v20, $0x1;
	v20 =	vmul.f32 $5.000000000e-01, v20  }
0xf8: {  	s22 =	simm.s32 $0x206;
	(xrf2) =	vadd.scan.msk.f32 $0xffff, v16;
	[tilespmem:s25+$0xFFFFFFF0] =	vst v17;
	v22 =	vadd.f32 v56, v45;
	v16 =	vsub.s32 $0x5F3759DF, v18  }
0xf9: {  	s23 =	spop (v2sf);
	[tilespmem:s25+$0xFFFFFFD0] =	vst v21;
	v21 =	vld [tilespmem:s22+$0x0];
	v18 =	vmul.f32 v16, v20  }
0xfa: {  	v19 =	vadd.f32 v19, v22;
	v17 =	vld [tilespmem:s23+$0x1C400]  }
0xfb: {  	v23 =	vld [tilespmem:s3+$0x0];
	v18 =	vmul.f32 v16, v18  }
0xfc: {  	v33 =	vld [tilespmem:s6+$0x0];
	(xrf2) =	vadd.scan.msk.f32 $0xffff, v19  }
0xfd: {  	v34 =	vld [tilespmem:s3+$0x10];
	v18 =	vsub.f32 $1.500000000e+00, v18  }
0xfe: {  	v44 =	vld [tilespmem:s6+$0x10]  }
0xff: {  	v57 =	vld [tilespmem:s6+$0x20];
	v16 =	vmul.f32 v16, v18  }
0x100: {  	v46 =	vld [tilespmem:s3+$0x30]  }
0x101: {  	v48 =	vld [tilespmem:s6+$0x30];
	v24 =	vmul.f32 v16, v20  }
0x102: {  	v49 =	vld [tilespmem:s3+$0x40]  }
0x103: {  	v58, _, _ =	vpop (xrf2);
	v47 =	vld [tilespmem:s6+$0x40];
	v24 =	vmul.f32 v24, v16  }
0x104: {  	(v2sf) =	vpush v58, $0xF;
	v60 =	vld [tilespmem:s3+$0x50]  }
0x105: {  	v61 =	vld [tilespmem:s6+$0x50];
	v24 =	vsub.f32 $1.500000000e+00, v24  }
0x106: {  	v52 =	vld [tilespmem:s3+$0x60];
	v59, _, _ =	vpop (xrf2)  }
0x107: {  	v62 =	vld [tilespmem:s6+$0x60];
	(v2sf) =	vpush v59, $0xF;
	v16 =	vmul.f32 v24, v16  }
0x108: {  	v18 =	vld [tilespmem:s3+$0x20]  }
0x109: {  	v63 =	vld [tilespmem:s3+$0x70];
	v21 =	vshll.u32 v21, $0x9;
	v20 =	vmul.f32 v16, v20  }
0x10a: {  	v24 =	vshra.s32 v21, $0x2;
	v21 =	vld [tilespmem:s6+$0x70]  }
0x10b: {  	v19 =	vld [tilespmem:s23+$0x1C410];
	v23 =	vadd.f32 v33, v23;
	v34 =	vadd.f32 v44, v34;
	v20 =	vmul.f32 v20, v16  }
0x10c: {  	v22 =	vld [tilespmem:s23+$0x1C420];
	v47 =	vadd.f32 v47, v49;
	v60 =	vadd.f32 v61, v60  }
0x10d: {  	v56 =	vld [tilespmem:s23+$0x1C430];
	v57 =	vadd.f32 v57, v18;
	v18 =	vsub.f32 $1.500000000e+00, v20  }
0x10e: {  	v58 =	vld [tilespmem:s23+$0x1C440];
	v62 =	vadd.f32 v62, v52;
	(v2sf) =	vpush v24, $0x0  }
0x10f: {  	s14 =	ssub.f32 $0.0e+00, s7;
	v61 =	vld [tilespmem:s23+$0x1C460];
	v63 =	vadd.f32 v21, v63;
	v20 =	vadd.f32 v48, v46;
	v51 =	vmul.f32 v18, v16  }
0x110: {  	v18 =	vadd.f32 v17, v23;
	v16 =	vadd.f32 v19, v34  }
0x111: {  	v19 =	vadd.f32 v22, v57;
	v34 =	vmul.f32 s14, v51;
	v21 =	vmul.f32 v51, v32  }
0x112: {  	v59 =	vld [tilespmem:s23+$0x1C450];
	v17 =	vadd.f32 v56, v20;
	v31 =	vmul.f32 v51, v31;
	v30 =	vmul.f32 v51, v30  }
0x113: {  	s18 =	spop (v2sf);
	v20 =	vadd.f32 v58, v47;
	v49 =	vmul.f32 v18, v18;
	v52 =	vmul.f32 v16, v16  }
0x114: {  	s31 =	simm.s32 $0x780;
	s19 =	smul.f32 $7.812500000e-03, s18;
	v23 =	vld [tilespmem:s23+$0x1C470];
	v22 =	vadd.f32 v61, v62;
	v53 =	vmul.f32 v19, v19;
	v55 =	vmul.f32 v17, v17  }
0x115: {  	v33 =	vld [tilespmem:s31+$0xFFFFFF80];
	s3 =	sadd.s32 $0x100, s12;
	v45 =	vadd.f32 v16, v18;
	v57 =	vmul.f32 v20, v20;
	v29 =	vmul.f32 v51, v29  }
0x116: {  	v44 =	vld [tilespmem:s3+$0xFFFFFF80];
	s22 =	smul.f32 s19, s19;
	v47 =	vadd.f32 v17, v19;
	v27 =	vmul.f32 v51, v27;
	v28 =	vmul.f32 v51, v28;
	s20 =	spop (v2sf)  }
0x117: {  	v50 =	vld [tilespmem:s3+$0xFFFFFF90];
	v26 =	vmul.f32 v51, v26;
	v32 =	vadd.f32 v34, v21;
	v21 =	vadd.f32 v59, v60;
	s7 =	smul.f32 $7.812500000e-03, s20  }
0x118: {  	v46 =	vld [tilespmem:s31+$0xFFFFFF90];
	v25 =	vmul.f32 v51, v25;
	v45 =	vadd.f32 v47, v45;
	v49 =	vadd.f32 v52, v49  }
0x119: {  	v58 =	vld [tilespmem:s3+$0xFFFFFFA0];
	v60 =	vmul.f32 v22, v22;
	v53 =	vadd.f32 v55, v53;
	v23 =	vadd.f32 v23, v63;
	s7 =	ssub.f32 s7, s22  }
0x11a: {  	v61 =	vld [tilespmem:s31+$0xFFFFFFB0];
	v31 =	vadd.f32 v34, v31;
	v30 =	vadd.f32 v34, v30;
	v59 =	vmul.f32 v21, v21  }
0x11b: {  	v56 =	vld [tilespmem:s3+$0xFFFFFFC0];
	v48 =	vadd.f32 v21, v20;
	v35 =	vadd.f32 v23, v22;
	v63 =	vmul.f32 v23, v23;
	s7 =	sadd.f32 $9.999999740e-06, s7  }
0x11c: {  	v51 =	vld [tilespmem:s31+$0xFFFFFFF0];
	v29 =	vadd.f32 v34, v29;
	v32 =	vmul.f32 v32, v14;
	v57 =	vadd.f32 v59, v57  }
0x11d: {  	v52 =	vld [tilespmem:s3+$0xFFFFFFB0];
	v47 =	vadd.f32 v63, v60;
	v48 =	vadd.f32 v35, v48;
	v59 =	vmov s7  }
0x11e: {  	v55 =	vld [tilespmem:s31+$0xFFFFFFC0];
	v49 =	vadd.f32 v53, v49;
	v35 =	vshra.s32 v59, $0x1;
	v59 =	vmul.f32 $5.000000000e-01, v59  }
0x11f: {  	v53 =	vld [tilespmem:s31+$0xFFFFFFD0];
	v47 =	vadd.f32 v47, v57;
	v45 =	vadd.f32 v48, v45;
	v60 =	vsub.s32 $0x5F3759DF, v35  }
0x120: {  	v27 =	vadd.f32 v34, v27;
	v54 =	vadd.f32 v32, v15;
	v32 =	vld [tilespmem:s31+$0xFFFFFFA0];
	s23 =	spop (v2sf);
	v35 =	vmul.f32 v60, v59  }
0x121: {  	v63 =	vadd.f32 v34, v25;
	v25 =	vld [tilespmem:s23+$0x1C400];
	v47 =	vadd.f32 v47, v49;
	(xrf2) =	vadd.scan.msk.f32 $0xffff, v45  }
0x122: {  	v28 =	vadd.f32 v34, v28;
	v62 =	vadd.f32 v34, v26;
	v34 =	vld [tilespmem:s23+$0x1C420];
	v57 =	vmul.f32 v60, v35  }
0x123: {  	(xrf2) =	vadd.scan.msk.f32 $0xffff, v47;
	v47 =	vld [tilespmem:s3+$0xFFFFFFF0]  }
0x124: {  	v31 =	vmul.f32 v31, v2;
	v48 =	vld [tilespmem:s3+$0xFFFFFFD0];
	v57 =	vsub.f32 $1.500000000e+00, v57  }
0x125: {  	v26 =	vmul.f32 v30, v0;
	v27 =	vmul.f32 v27, v3;
	v49 =	vld [tilespmem:s31+$0xFFFFFFE0]  }
0x126: {  	v55 =	vadd.f32 v56, v55;
	v45 =	vld [tilespmem:s3+$0xFFFFFFE0];
	v32 =	vadd.f32 v58, v32;
	v30 =	vmul.f32 v60, v57  }
0x127: {  	v29 =	vmul.f32 v29, v1;
	v58 =	vadd.f32 v27, v10;
	v35 =	vadd.f32 v31, v9;
	v31 =	vld [tilespmem:s23+$0x1C410]  }
0x128: {  	v47 =	vadd.f32 v47, v51;
	v51 =	vld [tilespmem:s23+$0x1C470];
	v57 =	vadd.f32 v26, v7;
	v60 =	vmul.f32 v30, v59  }
0x129: {  	v26 =	vadd.f32 v44, v33;
	v33 =	vadd.f32 v50, v46;
	v44 =	vld [tilespmem:s23+$0x1C430]  }
0x12a: {  	v50 =	vadd.f32 v29, v8;
	v29 =	vadd.f32 v52, v61;
	v52 =	vld [tilespmem:s23+$0x1C440];
	v27 =	vmul.f32 v60, v30  }
0x12b: {  	v56 =	vld [tilespmem:s23+$0x1C450];
	v45 =	vadd.f32 v45, v49;
	v46 =	vadd.f32 v48, v53;
	v61, _, _ =	vpop (xrf2)  }
0x12c: {  	v48 =	vld [tilespmem:s23+$0x1C460];
	(v2sf) =	vpush v61, $0xF;
	v27 =	vsub.f32 $1.500000000e+00, v27  }
0x12d: {  	v25 =	vadd.f32 v25, v26;
	v26 =	vadd.f32 v31, v33;
	v33 =	vmul.f32 v28, v4  }
0x12e: {  	v31 =	vadd.f32 v51, v47;
	v28 =	vadd.f32 v44, v29;
	v60, _, _ =	vpop (xrf2);
	v61 =	vmul.f32 v27, v30  }
0x12f: {  	v49 =	vmul.f32 v26, v26;
	v29 =	vadd.f32 v52, v55;
	(v2sf) =	vpush v60, $0xF  }
0x130: {  	v52 =	vmul.f32 v28, v28;
	v27 =	vadd.f32 v34, v32;
	v59 =	vmul.f32 v61, v59  }
0x131: {  	v60 =	vld [tilespmem:$0x1FFF0];
	v30 =	vadd.f32 v56, v46;
	v34 =	vmul.f32 v62, v5;
	v32 =	vadd.f32 v48, v45  }
0x132: {  	v45 =	vadd.f32 v26, v25;
	v48 =	vmul.f32 v25, v25;
	v44 =	vmul.f32 v59, v61  }
0x133: {  	v56 =	vmul.f32 v29, v29;
	v46 =	vadd.f32 v28, v27;
	v47 =	vadd.f32 v30, v29  }
0x134: {  	v51 =	vmul.f32 v27, v27;
	v55 =	vadd.f32 v31, v32;
	v44 =	vsub.f32 $1.500000000e+00, v44  }
0x135: {  	v53 =	vmul.f32 v32, v32;
	v48 =	vadd.f32 v49, v48;
	v59 =	vmul.f32 v30, v30  }
0x136: {  	s6 =	ssub.f32 $0.0e+00, s19;
	(v2sf) =	vpush v60, $0x1;
	v45 =	vadd.f32 v46, v45;
	v44 =	vmul.f32 v44, v61  }
0x137: {  	v46 =	vadd.f32 v55, v47;
	v47 =	vmul.f32 v31, v31;
	v51 =	vadd.f32 v52, v51  }
0x138: {  	v52 =	vadd.f32 v59, v56;
	v60 =	vmul.f32 s6, v44;
	v39 =	vmul.f32 v44, v39  }
0x139: {  	[tilespmem:s15+$0x30] =	vst v58;
	v58 =	vadd.f32 v47, v53;
	v40 =	vmul.f32 v44, v40;
	v42 =	vmul.f32 v44, v42  }
0x13a: {  	v43 =	vmul.f32 v44, v43;
	v38 =	vmul.f32 v44, v38;
	v39 =	vadd.f32 v60, v39  }
0x13b: {  	v41 =	vmul.f32 v44, v41;
	v37 =	vmul.f32 v44, v37;
	s14 =	spop (v2sf);
	v40 =	vadd.f32 v60, v40  }
0x13c: {  	[tilespmem:s15+$0x70] =	vst v54;
	v36 =	vmul.f32 v44, v36;
	s6 =	smul.f32 $7.812500000e-03, s14;
	v62 =	vadd.f32 v60, v42;
	v61 =	vmul.f32 v39, v2  }
0x13d: {  	[tilespmem:s15+$0x0] =	vst v35;
	v54 =	vadd.f32 v60, v43;
	v38 =	vadd.f32 v60, v38;
	v40 =	vmul.f32 v40, v0  }
0x13e: {  	[tilespmem:s15+$0x10] =	vst v57;
	v41 =	vadd.f32 v60, v41;
	s19 =	smul.f32 s6, s6;
	s18 =	spop (v2sf);
	v39 =	vmul.f32 v62, v1;
	v35 =	vadd.f32 v61, v9  }
0x13f: {  	s29 =	simm.s32 $0x4680;
	[tilespmem:s15+$0x20] =	vst v50;
	v37 =	vadd.f32 v60, v37;
	v42 =	vmul.f32 v54, v3;
	s7 =	smul.f32 $7.812500000e-03, s18;
	v40 =	vadd.f32 v40, v7  }
0x140: {  	v36 =	vadd.f32 v60, v36;
	v38 =	vmul.f32 v38, v4;
	v55 =	vadd.f32 v39, v8;
	[tilespmem:s29+$0xFFFFFF80] =	vst v35  }
0x141: {  	v60 =	vadd.f32 v46, v45;
	v57 =	vmul.f32 v41, v5;
	v56 =	vadd.f32 v42, v10;
	s7 =	ssub.f32 s7, s19;
	[tilespmem:s29+$0xFFFFFF90] =	vst v40  }
0x142: {  	s20 =	sand.u32 $0x7, s16;
	v59 =	vmul.f32 v37, v6;
	v36 =	vmul.f32 v36, v14;
	v38 =	vadd.f32 v38, v11;
	[tilespmem:s29+$0xFFFFFFA0] =	vst v55  }
0x143: {  	s22 =	sand.u32 $0x3, s17;
	s14 =	sshll.u32 s20, $0xD;
	v37 =	vadd.f32 v51, v48;
	v61 =	vadd.f32 v57, v12;
	[tilespmem:s29+$0xFFFFFFB0] =	vst v56;
	s19 =	sadd.f32 $9.999999740e-06, s7  }
0x144: {  	s23 =	sshll.u32 s22, $0xE;
	s14 =	sadd.s32 $0xC400, s14;
	v62 =	vadd.f32 v59, v13;
	v39 =	vadd.f32 v36, v15;
	[tilespmem:s29+$0xFFFFFFC0] =	vst v38  }
0x145: {  	s18 =	simm.s32 $0x6;
	v35 =	vmul.f32 v63, v6;
	v38 =	vadd.f32 v58, v52;
	[tilespmem:s29+$0xFFFFFFD0] =	vst v61;
	s7 =	sadd.s32 $0xC400, s23;
	s23 =	sadd.s32 $0xE4F0, s13;
	v63 =	vmov s19  }
0x146: {  	(xrf2) =	vadd.scan.msk.f32 $0xffff, v60;
	[tilespmem:s29+$0xFFFFFFE0] =	vst v62;
	s13 =	sshll.u32 s21, $0x8;
	s20 =	spop (v2sf);
	s19 =	simm.s32 $0x208;
	v45 =	vshra.s32 v63, $0x1;
	v36 =	vmul.f32 $5.000000000e-01, v63  }
.LBB2_3:
0x147: {  	v40 =	vld [tilespmem:s19+$0x0];
	v37 =	vadd.f32 v38, v37;
	[tilespmem:s29+$0xFFFFFFF0] =	vst v39;
	v38 =	vsub.s32 $0x5F3759DF, v45;
	v33 =	vadd.f32 v33, v11  }
0x148: {  	v34 =	vadd.f32 v34, v12;
	v35 =	vadd.f32 v35, v13;
	v39 =	vld [tilespmem:s20+$0x1C400];
	v41 =	vmul.f32 v38, v36  }
0x149: {  	(xrf2) =	vadd.scan.msk.f32 $0xffff, v37;
	v37 =	vld [tilespmem:s20+$0x1C410];
	[tilespmem:s15+$0x40] =	vst v33  }
0x14a: {  	v33 =	vld [tilespmem:s20+$0x1C420];
	v41 =	vmul.f32 v38, v41;
	[tilespmem:s15+$0x50] =	vst v34  }
0x14b: {  	v34 =	vld [tilespmem:s30+$0x0];
	[tilespmem:s15+$0x60] =	vst v35;
	s15 =	smov.u32 s25;
	s25 =	smov.u32 s29  }
0x14c: {  	v35 =	vld [tilespmem:s12+$0x0];
	v41 =	vsub.f32 $1.500000000e+00, v41  }
0x14d: {  	v42 =	vld [tilespmem:s30+$0x10]  }
0x14e: {  	v43 =	vld [tilespmem:s12+$0x10];
	v38 =	vmul.f32 v38, v41  }
0x14f: {  	v41 =	vld [tilespmem:s30+$0x20]  }
0x150: {  	v44, _, _ =	vpop (xrf2);
	v45 =	vld [tilespmem:s12+$0x20];
	v46 =	vmul.f32 v38, v36  }
0x151: {  	v47 =	vld [tilespmem:s30+$0x30]  }
0x152: {  	v48 =	vld [tilespmem:s12+$0x30];
	v46 =	vmul.f32 v46, v38  }
0x153: {  	(v2sf) =	vpush v44, $0xF;
	v44, _, _ =	vpop (xrf2);
	v49 =	vld [tilespmem:s30+$0x40]  }
0x154: {  	(v2sf) =	vpush v44, $0xF;
	v44 =	vld [tilespmem:s12+$0x40];
	v46 =	vsub.f32 $1.500000000e+00, v46  }
0x155: {  	v50 =	vld [tilespmem:s30+$0x50]  }
0x156: {  	v51 =	vld [tilespmem:s12+$0x50];
	v38 =	vmul.f32 v46, v38  }
0x157: {  	v46 =	vld [tilespmem:s30+$0x60]  }
0x158: {  	v40 =	vshll.u32 v40, $0x9;
	v52 =	vld [tilespmem:s12+$0x60];
	v53 =	vmul.f32 v38, v36  }
0x159: {  	v36 =	vshra.s32 v40, $0x2;
	v40 =	vld [tilespmem:s30+$0x70];
	s30 =	smov.u32 s31  }
0x15a: {  	(v2sf) =	vpush v36, $0x0;
	v54 =	vld [tilespmem:s12+$0x70];
	v53 =	vmul.f32 v53, v38;
	s12 =	smov.u32 s3  }
0x15b: {  	v34 =	vadd.f32 v35, v34;
	v35 =	vadd.f32 v43, v42;
	v42 =	vld [tilespmem:s20+$0x1C430]  }
0x15c: {  	v41 =	vadd.f32 v45, v41;
	v43 =	vld [tilespmem:s20+$0x1C440];
	v45 =	vsub.f32 $1.500000000e+00, v53  }
0x15d: {  	v47 =	vadd.f32 v48, v47;
	v44 =	vadd.f32 v44, v49;
	v48 =	vld [tilespmem:s20+$0x1C450]  }
0x15e: {  	s6 =	ssub.f32 $0.0e+00, s6;
	v49 =	vadd.f32 v51, v50;
	v46 =	vadd.f32 v52, v46;
	v50 =	vld [tilespmem:s20+$0x1C460];
	v38 =	vmul.f32 v45, v38  }
0x15f: {  	v34 =	vadd.f32 v39, v34;
	v39 =	vadd.f32 v54, v40;
	v40 =	vld [tilespmem:s20+$0x1C470]  }
0x160: {  	v35 =	vadd.f32 v37, v35;
	v37 =	vmul.f32 s6, v38;
	v23 =	vmul.f32 v38, v23  }
0x161: {  	v33 =	vadd.f32 v33, v41;
	v41 =	vadd.f32 v42, v47;
	v42 =	vmul.f32 v38, v18;
	v18 =	vmovc v34  }
0x162: {  	s31 =	sadd.s32 $0x100, s31;
	v43 =	vadd.f32 v43, v44;
	v44 =	vmul.f32 v38, v16;
	v16 =	vmovc v35;
	s6 =	spop (v2sf);
	v45 =	vadd.f32 v37, v23  }
0x163: {  	s3 =	sadd.s32 $0x100, s3;
	v48 =	vadd.f32 v48, v49;
	v49 =	vmul.f32 v38, v19;
	v19 =	vmovc v33;
	v47 =	vld [tilespmem:s31+$0xFFFFFF80];
	s6 =	smul.f32 $7.812500000e-03, s6;
	s20 =	spop (v2sf);
	v46 =	vadd.f32 v50, v46  }
0x164: {  	v50 =	vld [tilespmem:s3+$0xFFFFFF80];
	s20 =	smul.f32 $7.812500000e-03, s20;
	v23 =	vadd.f32 v40, v39;
	v39 =	vadd.f32 v16, v18;
	v40 =	vmul.f32 v45, v14  }
0x165: {  	v34 =	vmul.f32 v34, v18;
	v51 =	vadd.f32 v41, v19;
	v52 =	vadd.f32 v48, v43;
	v45 =	vld [tilespmem:s31+$0xFFFFFF90];
	s22 =	smul.f32 s6, s6  }
0x166: {  	v35 =	vmul.f32 v35, v16;
	v33 =	vmul.f32 v33, v19;
	v53 =	vld [tilespmem:s3+$0xFFFFFF90];
	v40 =	vadd.f32 v40, v15  }
0x167: {  	v56 =	vmul.f32 v41, v41;
	v57 =	vmul.f32 v43, v43;
	v55 =	vadd.f32 v23, v46;
	v54 =	vld [tilespmem:s31+$0xFFFFFFA0];
	s22 =	ssub.f32 s20, s22  }
0x168: {  	v42 =	vadd.f32 v37, v42;
	v59 =	vmul.f32 v48, v48;
	v60 =	vmul.f32 v46, v46;
	v58 =	vld [tilespmem:s3+$0xFFFFFFA0];
	[tilespmem:s15+$0x70] =	vst v40  }
0x169: {  	v39 =	vadd.f32 v51, v39;
	v51 =	vadd.f32 v55, v52;
	v52 =	vmul.f32 v23, v23;
	v40 =	vld [tilespmem:s31+$0xFFFFFFB0];
	s20 =	spop (v2sf);
	s22 =	sadd.f32 $9.999999740e-06, s22  }
0x16a: {  	v34 =	vadd.f32 v35, v34;
	v35 =	vmul.f32 v38, v17;
	v17 =	vmovc v41;
	v33 =	vadd.f32 v56, v33;
	v55 =	vld [tilespmem:s3+$0xFFFFFFB0]  }
0x16b: {  	v57 =	vadd.f32 v59, v57;
	v52 =	vadd.f32 v52, v60;
	v41 =	vld [tilespmem:s31+$0xFFFFFFC0];
	v56 =	vmov s22  }
0x16c: {  	v39 =	vadd.f32 v51, v39;
	v59 =	vld [tilespmem:s3+$0xFFFFFFC0];
	v60 =	vshra.s32 v56, $0x1;
	v56 =	vmul.f32 $5.000000000e-01, v56  }
0x16d: {  	v33 =	vadd.f32 v33, v34;
	v34 =	vadd.f32 v52, v57;
	v51 =	vld [tilespmem:s31+$0xFFFFFFD0];
	v60 =	vsub.s32 $0x5F3759DF, v60  }
0x16e: {  	v52 =	vld [tilespmem:s3+$0xFFFFFFD0];
	v57 =	vmul.f32 v60, v56;
	(xrf2) =	vadd.scan.msk.f32 $0xffff, v39;
	v39 =	vadd.f32 v37, v44;
	v44 =	vmul.f32 v38, v20  }
0x16f: {  	v62 =	vmul.f32 v38, v22;
	v33 =	vadd.f32 v34, v33;
	v34 =	vmul.f32 v38, v21;
	v20 =	vmovc v43;
	v61 =	vld [tilespmem:s31+$0xFFFFFFE0]  }
0x170: {  	v49 =	vadd.f32 v37, v49;
	v35 =	vadd.f32 v37, v35;
	v21 =	vmovc v48;
	v38 =	vld [tilespmem:s3+$0xFFFFFFE0];
	v43 =	vmul.f32 v60, v57  }
0x171: {  	v34 =	vadd.f32 v37, v34;
	v48 =	vld [tilespmem:s31+$0xFFFFFFF0];
	(xrf2) =	vadd.scan.msk.f32 $0xffff, v33;
	v33 =	vmul.f32 v42, v2;
	v42 =	vadd.f32 v37, v44  }
0x172: {  	v22 =	vmovc v46;
	v39 =	vmul.f32 v39, v0;
	v37 =	vadd.f32 v37, v62;
	v44 =	vld [tilespmem:s3+$0xFFFFFFF0];
	v43 =	vsub.f32 $1.500000000e+00, v43  }
0x173: {  	v49 =	vmul.f32 v49, v1;
	v62 =	vmul.f32 v35, v3;
	v46 =	vld [tilespmem:s20+$0x1C400];
	v57 =	vadd.f32 v33, v9  }
0x174: {  	v39 =	vadd.f32 v39, v7;
	v33 =	vmul.f32 v42, v4;
	v63 =	vld [tilespmem:s20+$0x1C410];
	v43 =	vmul.f32 v60, v43  }
0x175: {  	v49 =	vadd.f32 v49, v8;
	v34 =	vmul.f32 v34, v5;
	v35 =	vmul.f32 v37, v6;
	v42 =	vld [tilespmem:s20+$0x1C420];
	[tilespmem:s15+$0x0] =	vst v57  }
0x176: {  	v37 =	vadd.f32 v50, v47;
	v47 =	vld [tilespmem:s20+$0x1C430];
	v50 =	vmul.f32 v43, v56;
	[tilespmem:s15+$0x10] =	vst v39;
	v39 =	vadd.f32 v62, v10  }
0x177: {  	v45 =	vadd.f32 v53, v45;
	v53 =	vadd.f32 v58, v54;
	v54 =	vld [tilespmem:s20+$0x1C440];
	[tilespmem:s15+$0x20] =	vst v49  }
0x178: {  	v40 =	vadd.f32 v55, v40;
	v41 =	vadd.f32 v59, v41;
	v49 =	vld [tilespmem:s20+$0x1C450];
	v50 =	vmul.f32 v50, v43;
	v55, _, _ =	vpop (xrf2);
	[tilespmem:s15+$0x30] =	vst v39  }
0x179: {  	v38 =	vadd.f32 v38, v61;
	v39 =	vadd.f32 v52, v51;
	v51 =	vld [tilespmem:s20+$0x1C460]  }
0x17a: {  	v44 =	vadd.f32 v44, v48;
	v48 =	vld [tilespmem:s20+$0x1C470];
	v50 =	vsub.f32 $1.500000000e+00, v50  }
0x17b: {  	v37 =	vadd.f32 v46, v37;
	(v2sf) =	vpush v55, $0xF;
	v46, _, _ =	vpop (xrf2)  }
0x17c: {  	v45 =	vadd.f32 v63, v45;
	v43 =	vmul.f32 v50, v43;
	(v2sf) =	vpush v46, $0xF  }
0x17d: {  	v42 =	vadd.f32 v42, v53;
	v40 =	vadd.f32 v47, v40  }
0x17e: {  	v41 =	vadd.f32 v54, v41;
	v39 =	vadd.f32 v49, v39;
	v46 =	vmul.f32 v43, v56  }
0x17f: {  	v38 =	vadd.f32 v51, v38;
	v44 =	vadd.f32 v48, v44  }
0x180: {  	v47 =	vadd.f32 v45, v37;
	v48 =	vadd.f32 v40, v42;
	v46 =	vmul.f32 v46, v43  }
0x181: {  	v50 =	vmul.f32 v37, v37;
	v51 =	vmul.f32 v45, v45;
	v49 =	vadd.f32 v39, v41  }
0x182: {  	v52 =	vmul.f32 v42, v42;
	v53 =	vmul.f32 v40, v40;
	v46 =	vsub.f32 $1.500000000e+00, v46  }
0x183: {  	v55 =	vmul.f32 v41, v41;
	v56 =	vmul.f32 v39, v39;
	v54 =	vadd.f32 v44, v38  }
0x184: {  	s6 =	ssub.f32 $0.0e+00, s6;
	v57 =	vmul.f32 v38, v38;
	v43 =	vmul.f32 v46, v43;
	(v2sf) =	vpush v24, $0x1;
	v24 =	vmovc v36  }
0x185: {  	v36 =	vadd.f32 v48, v47;
	v46 =	vadd.f32 v54, v49;
	v47 =	vmul.f32 v44, v44  }
0x186: {  	v48 =	vadd.f32 v51, v50;
	v49 =	vmul.f32 s6, v43;
	v50 =	vmul.f32 v43, v25;
	v25 =	vmovc v37  }
0x187: {  	v51 =	vadd.f32 v56, v55;
	v37 =	vadd.f32 v53, v52;
	v52 =	vmul.f32 v43, v26;
	v26 =	vmovc v45  }
0x188: {  	v53 =	vmul.f32 v43, v28;
	v45 =	vadd.f32 v49, v50;
	v50 =	vmul.f32 v43, v27;
	v27 =	vmovc v42  }
0x189: {  	v54 =	vmul.f32 v43, v30;
	v28 =	vmovc v40;
	v42 =	vadd.f32 v49, v52;
	v52 =	vmul.f32 v43, v29  }
0x18a: {  	v29 =	vmovc v41;
	v40 =	vmul.f32 v45, v2;
	v45 =	vadd.f32 v49, v50;
	v50 =	vmul.f32 v43, v32;
	s6 =	spop (v2sf)  }
0x18b: {  	v30 =	vmovc v39;
	v41 =	vmul.f32 v42, v0;
	v42 =	vadd.f32 v49, v53;
	v43 =	vmul.f32 v43, v31;
	s6 =	smul.f32 $7.812500000e-03, s6;
	s20 =	spop (v2sf)  }
0x18c: {  	v32 =	vmovc v38;
	v39 =	vadd.f32 v40, v9;
	v40 =	vmul.f32 v45, v1;
	v45 =	vadd.f32 v49, v52;
	s20 =	smul.f32 $7.812500000e-03, s20  }
0x18d: {  	s29 =	sadd.s32 $0x100, s29;
	v31 =	vmovc v44;
	v38 =	vadd.f32 v41, v7;
	v41 =	vmul.f32 v42, v3;
	v42 =	vadd.f32 v49, v54;
	s22 =	smul.f32 s6, s6  }
0x18e: {  	s18 =	sadd.s32 $0x2, s18;
	v44 =	vadd.f32 v49, v50;
	[tilespmem:s29+$0xFFFFFF80] =	vst v39;
	v39 =	vadd.f32 v40, v8;
	v40 =	vmul.f32 v45, v4  }
0x18f: {  	p2 =	slt.u32 s18, $0x3E;
	[tilespmem:s29+$0xFFFFFF90] =	vst v38;
	v38 =	vadd.f32 v41, v10;
	v41 =	vmul.f32 v42, v5;
	v42 =	vadd.f32 v49, v43;
	s20 =	ssub.f32 s20, s22  }
.Ltmp0:
0x190: {  	v43 =	vadd.f32 v47, v57;
	[tilespmem:s29+$0xFFFFFFA0] =	vst v39;
	v39 =	vadd.f32 v40, v11;
	v40 =	vmul.f32 v44, v6;
	(pc) =	sbr.rel @p2 .LBB2_3-.Ltmp0, $4  }
0x191: {  	v36 =	vadd.f32 v46, v36;
	[tilespmem:s29+$0xFFFFFFB0] =	vst v38;
	v41 =	vadd.f32 v41, v12;
	v42 =	vmul.f32 v42, v14;
	s22 =	sadd.f32 $9.999999740e-06, s20  }
0x192: {  	v37 =	vadd.f32 v37, v48;
	[tilespmem:s29+$0xFFFFFFC0] =	vst v39;
	v40 =	vadd.f32 v40, v13  }
0x193: {  	v38 =	vadd.f32 v43, v51;
	[tilespmem:s29+$0xFFFFFFD0] =	vst v41;
	v39 =	vadd.f32 v42, v15;
	s20 =	spop (v2sf);
	v41 =	vmov s22  }
0x194: {  	s19 =	sadd.s32 $0x2, s19;
	(xrf2) =	vadd.scan.msk.f32 $0xffff, v36;
	[tilespmem:s29+$0xFFFFFFE0] =	vst v40;
	v45 =	vshra.s32 v41, $0x1;
	v36 =	vmul.f32 $5.000000000e-01, v41  }
0x195: {  	v37 =	vadd.f32 v38, v37;
	_ =	sdelay $0x1  }
0x196: {  	(xrf2) =	vadd.scan.msk.f32 $0xffff, v37;
	_ =	sdelay $0x7  }
0x197: {  	[tilespmem:s29+$0xFFFFFFF0] =	vst v39  }
0x198: {  	v38 =	vld [tilespmem:s20+$0x1C410];
	v61, _, _ =	vpop (xrf2)  }
0x199: {  	v40 =	vld [tilespmem:s20+$0x1C420];
	(v2sf) =	vpush v61, $0xF;
	v62, _, _ =	vpop (xrf2)  }
0x19a: {  	v41 =	vld [tilespmem:s30+$0x0];
	(v2sf) =	vpush v62, $0xF  }
0x19b: {  	v63 =	vld [tilespmem:s12+$0x0]  }
0x19c: {  	v42 =	vld [tilespmem:s30+$0x10]  }
0x19d: {  	v43 =	vld [tilespmem:s12+$0x10]  }
0x19e: {  	v44 =	vld [tilespmem:s30+$0x20]  }
0x19f: {  	v46 =	vld [tilespmem:s12+$0x20]  }
0x1a0: {  	v47 =	vld [tilespmem:s30+$0x30]  }
0x1a1: {  	v48 =	vld [tilespmem:s12+$0x30]  }
0x1a2: {  	v49 =	vld [tilespmem:s30+$0x40]  }
0x1a3: {  	v50 =	vld [tilespmem:s12+$0x40]  }
0x1a4: {  	v51 =	vld [tilespmem:s30+$0x50]  }
0x1a5: {  	v52 =	vld [tilespmem:s12+$0x50]  }
0x1a6: {  	v53 =	vld [tilespmem:s30+$0x60]  }
0x1a7: {  	v55 =	vld [tilespmem:s30+$0x70]  }
0x1a8: {  	v56 =	vld [tilespmem:s12+$0x70];
	s18 =	spop (v2sf)  }
0x1a9: {  	v37 =	vld [tilespmem:s20+$0x1C400];
	s22 =	smul.f32 $7.812500000e-03, s18;
	s19 =	spop (v2sf)  }
0x1aa: {  	v57 =	vld [tilespmem:s20+$0x1C430];
	s18 =	smul.f32 $7.812500000e-03, s19  }
0x1ab: {  	v58 =	vld [tilespmem:s20+$0x1C440];
	v39 =	vadd.f32 v63, v41;
	s19 =	smul.f32 s22, s22  }
0x1ac: {  	v42 =	vadd.f32 v43, v42;
	v44 =	vadd.f32 v46, v44;
	v46 =	vld [tilespmem:s20+$0x1C450]  }
0x1ad: {  	v54 =	vld [tilespmem:s12+$0x60];
	v47 =	vadd.f32 v48, v47;
	v60 =	vadd.f32 v50, v49;
	s18 =	ssub.f32 s18, s19  }
0x1ae: {  	v59 =	vadd.f32 v56, v55;
	v41 =	vadd.f32 v37, v39  }
0x1af: {  	v49 =	vld [tilespmem:s20+$0x1C460];
	v43 =	vadd.f32 v38, v42;
	v61 =	vadd.f32 v52, v51;
	s18 =	sadd.f32 $9.999999740e-06, s18  }
0x1b0: {  	v42 =	vadd.f32 v40, v44;
	v40 =	vadd.f32 v57, v47  }
0x1b1: {  	v63 =	vld [tilespmem:s20+$0x1C470];
	v37 =	vadd.f32 v58, v60;
	v38 =	vadd.f32 v46, v61;
	v60 =	vmov s18  }
0x1b2: {  	v62 =	vadd.f32 v54, v53;
	v61 =	vshra.s32 v60, $0x1;
	v47 =	vmul.f32 $5.000000000e-01, v60  }
0x1b3: {  	v48 =	vadd.f32 v43, v41;
	v52 =	vmul.f32 v43, v43;
	v46 =	vsub.s32 $0x5F3759DF, v61  }
0x1b4: {  	v55 =	vmul.f32 v40, v40;
	v39 =	vadd.f32 v49, v62;
	v62 =	vmul.f32 v46, v47  }
0x1b5: {  	v51 =	vadd.f32 v40, v42;
	v57 =	vmul.f32 v37, v37;
	v53 =	vmul.f32 v42, v42  }
0x1b6: {  	v44 =	vadd.f32 v63, v59;
	v54 =	vadd.f32 v38, v37;
	v50 =	vmul.f32 v46, v62  }
0x1b7: {  	v58 =	vmul.f32 v38, v38;
	v49 =	vmul.f32 v41, v41;
	v63 =	vadd.f32 v55, v53  }
0x1b8: {  	v59 =	vmul.f32 v39, v39;
	v60 =	vmul.f32 v44, v44;
	v50 =	vsub.f32 $1.500000000e+00, v50  }
0x1b9: {  	v58 =	vadd.f32 v58, v57;
	v56 =	vadd.f32 v44, v39  }
0x1ba: {  	v49 =	vadd.f32 v52, v49;
	v61 =	vadd.f32 v60, v59;
	v46 =	vmul.f32 v46, v50  }
0x1bb: {  	v48 =	vadd.f32 v51, v48;
	v62 =	vadd.f32 v56, v54  }
0x1bc: {  	v49 =	vadd.f32 v63, v49;
	v63 =	vadd.f32 v61, v58;
	v56 =	vmul.f32 v46, v47  }
0x1bd: {  	v48 =	vadd.f32 v62, v48  }
0x1be: {  	v49 =	vadd.f32 v63, v49;
	v57 =	vmul.f32 v56, v46  }
0x1bf: {  	(xrf2) =	vadd.scan.msk.f32 $0xffff, v48  }
0x1c0: {  	(xrf2) =	vadd.scan.msk.f32 $0xffff, v49;
	v58 =	vsub.f32 $1.500000000e+00, v57;
	_ =	sdelay $0x1  }
0x1c1: {  	v46 =	vmul.f32 v58, v46;
	_ =	sdelay $0x1  }
0x1c2: {  	v47 =	vmul.f32 v46, v47;
	_ =	sdelay $0x1  }
0x1c3: {  	v47 =	vmul.f32 v47, v46;
	_ =	sdelay $0x1  }
0x1c4: {  	v47 =	vsub.f32 $1.500000000e+00, v47  }
0x1c5: {  	v59, _, _ =	vpop (xrf2)  }
0x1c6: {  	s12 =	ssub.f32 $0.0e+00, s22;
	(v2sf) =	vpush v59, $0xF;
	v60, _, _ =	vpop (xrf2);
	v46 =	vmul.f32 v47, v46  }
0x1c7: {  	(v2sf) =	vpush v60, $0xF  }
0x1c8: {  	(v2sf) =	vpush v24, $0x1;
	v24 =	vmul.f32 s12, v46;
	v25 =	vmul.f32 v46, v25  }
0x1c9: {  	v26 =	vmul.f32 v46, v26  }
0x1ca: {  	v27 =	vmul.f32 v46, v27;
	v28 =	vmul.f32 v46, v28;
	v25 =	vadd.f32 v24, v25  }
0x1cb: {  	v29 =	vmul.f32 v46, v29;
	v30 =	vmul.f32 v46, v30;
	v26 =	vadd.f32 v24, v26  }
0x1cc: {  	v32 =	vmul.f32 v46, v32;
	v27 =	vadd.f32 v24, v27;
	v25 =	vmul.f32 v25, v2  }
0x1cd: {  	v31 =	vmul.f32 v46, v31;
	v28 =	vadd.f32 v24, v28;
	v26 =	vmul.f32 v26, v0  }
0x1ce: {  	v29 =	vadd.f32 v24, v29;
	v27 =	vmul.f32 v27, v1;
	v25 =	vadd.f32 v25, v9  }
0x1cf: {  	s12 =	sadd.s32 $0x100, s29;
	v30 =	vadd.f32 v24, v30;
	v28 =	vmul.f32 v28, v3;
	v26 =	vadd.f32 v26, v7  }
0x1d0: {  	[tilespmem:s12+$0xFFFFFF80] =	vst v25;
	v25 =	vadd.f32 v27, v8;
	v27 =	vmul.f32 v29, v4;
	v29 =	vadd.f32 v24, v32  }
0x1d1: {  	[tilespmem:s12+$0xFFFFFF90] =	vst v26;
	v26 =	vadd.f32 v28, v10;
	v28 =	vmul.f32 v30, v5;
	v24 =	vadd.f32 v24, v31  }
0x1d2: {  	[tilespmem:s12+$0xFFFFFFA0] =	vst v25;
	v25 =	vadd.f32 v27, v11;
	v27 =	vmul.f32 v29, v6  }
0x1d3: {  	[tilespmem:s12+$0xFFFFFFB0] =	vst v26;
	v26 =	vadd.f32 v28, v12;
	v24 =	vmul.f32 v24, v14  }
0x1d4: {  	[tilespmem:s12+$0xFFFFFFC0] =	vst v25;
	v25 =	vadd.f32 v27, v13  }
0x1d5: {  	s18 =	spop (v2sf);
	[tilespmem:s12+$0xFFFFFFD0] =	vst v26;
	v24 =	vadd.f32 v24, v15  }
0x1d6: {  	s19 =	spop (v2sf);
	[tilespmem:s12+$0xFFFFFFE0] =	vst v25  }
0x1d7: {  	s22 =	spop (v2sf);
	[tilespmem:s12+$0xFFFFFFF0] =	vst v24  }
0x1d8: {  	v24 =	vld [tilespmem:s22+$0x1C400]  }
0x1d9: {  	v25 =	vld [tilespmem:s22+$0x1C410]  }
0x1da: {  	v26 =	vld [tilespmem:s22+$0x1C420]  }
0x1db: {  	v27 =	vld [tilespmem:s31+$0x0]  }
0x1dc: {  	v28 =	vld [tilespmem:s3+$0x0]  }
0x1dd: {  	v29 =	vld [tilespmem:s31+$0x10]  }
0x1de: {  	v30 =	vld [tilespmem:s3+$0x10]  }
0x1df: {  	v31 =	vld [tilespmem:s31+$0x20]  }
0x1e0: {  	v32 =	vld [tilespmem:s3+$0x20]  }
0x1e1: {  	v46 =	vld [tilespmem:s31+$0x30]  }
0x1e2: {  	v47 =	vld [tilespmem:s3+$0x30]  }
0x1e3: {  	v48 =	vld [tilespmem:s31+$0x40]  }
0x1e4: {  	v61 =	vld [tilespmem:s3+$0x40]  }
0x1e5: {  	v62 =	vld [tilespmem:s31+$0x50]  }
0x1e6: {  	v63 =	vld [tilespmem:s3+$0x50]  }
0x1e7: {  	v52 =	vld [tilespmem:s31+$0x60]  }
0x1e8: {  	v53 =	vld [tilespmem:s3+$0x60]  }
0x1e9: {  	v54 =	vld [tilespmem:s31+$0x70]  }
0x1ea: {  	v60 =	vld [tilespmem:s3+$0x70]  }
0x1eb: {  	v56 =	vld [tilespmem:s22+$0x1C430];
	v27 =	vadd.f32 v28, v27  }
0x1ec: {  	v57 =	vld [tilespmem:s22+$0x1C440];
	v28 =	vadd.f32 v30, v29;
	v31 =	vadd.f32 v32, v31  }
0x1ed: {  	v58 =	vld [tilespmem:s22+$0x1C450];
	v32 =	vadd.f32 v47, v46;
	v61 =	vadd.f32 v61, v48  }
0x1ee: {  	v46 =	vld [tilespmem:s22+$0x1C460];
	v62 =	vadd.f32 v63, v62;
	v59 =	vadd.f32 v53, v52  }
0x1ef: {  	v63 =	vld [tilespmem:s22+$0x1C470];
	v60 =	vadd.f32 v60, v54;
	v30 =	vadd.f32 v24, v27  }
0x1f0: {  	v29 =	vadd.f32 v25, v28;
	v28 =	vadd.f32 v26, v31  }
0x1f1: {  	v27 =	vadd.f32 v56, v32;
	v26 =	vadd.f32 v57, v61  }
0x1f2: {  	v25 =	vadd.f32 v58, v62;
	v32 =	vadd.f32 v29, v30;
	v47 =	vmul.f32 v29, v29  }
0x1f3: {  	v48 =	vadd.f32 v27, v28;
	v49 =	vmul.f32 v28, v28;
	v61 =	vmul.f32 v27, v27  }
0x1f4: {  	v52 =	vmul.f32 v26, v26;
	v24 =	vadd.f32 v46, v59;
	v31 =	vadd.f32 v63, v60  }
0x1f5: {  	v51 =	vadd.f32 v25, v26;
	v62 =	vmul.f32 v25, v25;
	v46 =	vmul.f32 v30, v30  }
0x1f6: {  	v61 =	vadd.f32 v61, v49;
	v63 =	vmul.f32 v24, v24;
	v60 =	vmul.f32 v31, v31  }
0x1f7: {  	v62 =	vadd.f32 v62, v52;
	v54 =	vadd.f32 v31, v24  }
0x1f8: {  	v46 =	vadd.f32 v47, v46;
	v63 =	vadd.f32 v60, v63  }
0x1f9: {  	v32 =	vadd.f32 v48, v32;
	v52 =	vadd.f32 v54, v51  }
0x1fa: {  	v46 =	vadd.f32 v61, v46;
	v53 =	vadd.f32 v63, v62  }
0x1fb: {  	v32 =	vadd.f32 v52, v32  }
0x1fc: {  	v46 =	vadd.f32 v53, v46  }
0x1fd: {  	(xrf2) =	vadd.scan.msk.f32 $0xffff, v32  }
0x1fe: {  	(xrf2) =	vadd.scan.msk.f32 $0xffff, v46;
	_ =	sdelay $0x8  }
0x1ff: {  	v54 =	vsub.s32 $0x5F3759DF, v45;
	v55, _, _ =	vpop (xrf2)  }
0x200: {  	v56 =	vmul.f32 v54, v36;
	(v2sf) =	vpush v55, $0xF;
	v57, _, _ =	vpop (xrf2)  }
0x201: {  	(v2sf) =	vpush v57, $0xF  }
0x202: {  	s18 =	smul.f32 $7.812500000e-03, s18;
	v58 =	vmul.f32 v54, v56;
	_ =	sdelay $0x1  }
0x203: {  	s31 =	smul.f32 s18, s18;
	v45 =	vsub.f32 $1.500000000e+00, v58  }
0x204: {  	s22 =	smul.f32 $7.812500000e-03, s19  }
0x205: {  	v32 =	vmul.f32 v54, v45  }
0x206: {  	s3 =	ssub.f32 s22, s31  }
0x207: {  	v45 =	vmul.f32 v32, v36  }
0x208: {  	s3 =	sadd.f32 $9.999999740e-06, s3  }
0x209: {  	v45 =	vmul.f32 v45, v32  }
0x20a: {  	v59 =	vmov s3  }
0x20b: {  	v60 =	vshra.s32 v59, $0x1;
	v46 =	vmul.f32 $5.000000000e-01, v59;
	v45 =	vsub.f32 $1.500000000e+00, v45  }
0x20c: {  	v61 =	vsub.s32 $0x5F3759DF, v60  }
0x20d: {  	v47 =	vmul.f32 v61, v46;
	v32 =	vmul.f32 v45, v32  }
0x20e: {  	s19 =	spop (v2sf)  }
0x20f: {  	v47 =	vmul.f32 v61, v47;
	v62 =	vmul.f32 v32, v36;
	s3 =	smul.f32 $7.812500000e-03, s19;
	s20 =	spop (v2sf)  }
0x210: {  	s19 =	smul.f32 $7.812500000e-03, s20  }
0x211: {  	v47 =	vsub.f32 $1.500000000e+00, v47;
	v36 =	vmul.f32 v62, v32;
	s22 =	smul.f32 s3, s3;
	_ =	sdelay $0x1  }
0x212: {  	v45 =	vmul.f32 v61, v47;
	v36 =	vsub.f32 $1.500000000e+00, v36;
	s19 =	ssub.f32 s19, s22  }
0x213: {  	s6 =	ssub.f32 $0.0e+00, s6  }
0x214: {  	v63 =	vmul.f32 v45, v46;
	v32 =	vmul.f32 v36, v32;
	s19 =	sadd.f32 $9.999999740e-06, s19  }
0x215: {  	v33 =	vadd.f32 v33, v11;
	v34 =	vadd.f32 v34, v12  }
0x216: {  	v36 =	vmul.f32 v63, v45;
	v52 =	vmul.f32 s6, v32;
	v53 =	vmov s19  }
0x217: {  	v23 =	vmul.f32 v32, v23;
	v54 =	vshra.s32 v53, $0x1;
	v48 =	vmul.f32 $5.000000000e-01, v53  }
0x218: {  	v18 =	vmul.f32 v32, v18;
	v16 =	vmul.f32 v32, v16;
	v49 =	vsub.s32 $0x5F3759DF, v54  }
0x219: {  	v35 =	vadd.f32 v35, v13;
	v19 =	vmul.f32 v32, v19;
	v55 =	vmul.f32 v49, v48  }
0x21a: {  	v36 =	vsub.f32 $1.500000000e+00, v36;
	v17 =	vmul.f32 v32, v17;
	v20 =	vmul.f32 v32, v20  }
0x21b: {  	v21 =	vmul.f32 v32, v21;
	v23 =	vadd.f32 v52, v23;
	v56 =	vmul.f32 v49, v55  }
0x21c: {  	v36 =	vmul.f32 v36, v45;
	v18 =	vadd.f32 v52, v18;
	v16 =	vadd.f32 v52, v16  }
0x21d: {  	v22 =	vmul.f32 v32, v22;
	v19 =	vadd.f32 v52, v19;
	v45 =	vsub.f32 $1.500000000e+00, v56  }
0x21e: {  	v17 =	vadd.f32 v52, v17;
	v23 =	vmul.f32 v23, v14;
	v46 =	vmul.f32 v36, v46  }
0x21f: {  	v20 =	vadd.f32 v52, v20;
	v18 =	vmul.f32 v18, v2;
	v45 =	vmul.f32 v49, v45  }
0x220: {  	v21 =	vadd.f32 v52, v21;
	v16 =	vmul.f32 v16, v0;
	v46 =	vmul.f32 v46, v36  }
0x221: {  	v22 =	vadd.f32 v52, v22;
	v19 =	vmul.f32 v19, v1;
	v58 =	vmul.f32 v45, v48  }
0x222: {  	v17 =	vmul.f32 v17, v3;
	v20 =	vmul.f32 v20, v4;
	v57 =	vsub.f32 $1.500000000e+00, v46  }
0x223: {  	v21 =	vmul.f32 v21, v5;
	v23 =	vadd.f32 v23, v15;
	v59 =	vmul.f32 v58, v45  }
0x224: {  	s31 =	ssub.f32 $0.0e+00, s18;
	v18 =	vadd.f32 v18, v9;
	v16 =	vadd.f32 v16, v7;
	v32 =	vmul.f32 v57, v36  }
0x225: {  	v22 =	vmul.f32 v22, v6;
	v19 =	vadd.f32 v19, v8;
	v36 =	vsub.f32 $1.500000000e+00, v59  }
0x226: {  	v17 =	vadd.f32 v17, v10;
	v60 =	vmul.f32 s31, v32;
	v44 =	vmul.f32 v32, v44  }
0x227: {  	v20 =	vadd.f32 v20, v11;
	v63 =	vmul.f32 v32, v41;
	v36 =	vmul.f32 v36, v45  }
0x228: {  	v21 =	vadd.f32 v21, v12;
	[tilespmem:s25+$0x0] =	vst v18;
	v47 =	vmul.f32 v32, v42;
	v18 =	vmul.f32 v32, v37  }
0x229: {  	v22 =	vadd.f32 v22, v13;
	[tilespmem:s25+$0x70] =	vst v23;
	v51 =	vmul.f32 v32, v38;
	v62 =	vmul.f32 v36, v48  }
0x22a: {  	[tilespmem:s25+$0x10] =	vst v16;
	v16 =	vmul.f32 v32, v39;
	v44 =	vadd.f32 v60, v44;
	v23 =	vadd.f32 v60, v63  }
0x22b: {  	[tilespmem:s25+$0x30] =	vst v17;
	v18 =	vadd.f32 v60, v18;
	v17 =	vadd.f32 v60, v51;
	v48 =	vmul.f32 v62, v36  }
0x22c: {  	[tilespmem:s15+$0x40] =	vst v33;
	v16 =	vadd.f32 v60, v16;
	v61 =	vmul.f32 v44, v14;
	v49 =	vmul.f32 v32, v40  }
0x22d: {  	[tilespmem:s25+$0x20] =	vst v19;
	v19 =	vmul.f32 v23, v2;
	v18 =	vmul.f32 v18, v4;
	v52 =	vsub.f32 $1.500000000e+00, v48  }
0x22e: {  	[tilespmem:s15+$0x50] =	vst v34;
	v17 =	vmul.f32 v17, v5;
	v16 =	vmul.f32 v16, v6;
	v34 =	vadd.f32 v60, v49  }
0x22f: {  	[tilespmem:s15+$0x60] =	vst v35;
	s3 =	ssub.f32 $0.0e+00, s3;
	v53 =	vadd.f32 v60, v47;
	v45 =	vmul.f32 v32, v43;
	v23 =	vmul.f32 v52, v36  }
0x230: {  	[tilespmem:s25+$0x50] =	vst v21;
	v33 =	vadd.f32 v61, v15;
	v19 =	vadd.f32 v19, v9;
	v21 =	vmul.f32 v34, v3  }
0x231: {  	[tilespmem:s25+$0x40] =	vst v20;
	v50 =	vadd.f32 v60, v45;
	v20 =	vmul.f32 s3, v23;
	v31 =	vmul.f32 v23, v31  }
0x232: {  	[tilespmem:s25+$0x60] =	vst v22;
	v18 =	vadd.f32 v18, v11;
	v17 =	vadd.f32 v17, v12;
	v32 =	vmul.f32 v53, v1  }
0x233: {  	[tilespmem:s29+$0x70] =	vst v33;
	v21 =	vadd.f32 v21, v10;
	v54 =	vmul.f32 v50, v0;
	v31 =	vadd.f32 v20, v31  }
0x234: {  	v16 =	vadd.f32 v16, v13;
	[tilespmem:s29+$0x0] =	vst v19;
	v22 =	vadd.f32 v32, v8;
	v29 =	vmul.f32 v23, v29  }
0x235: {  	[tilespmem:s29+$0x30] =	vst v21;
	v55 =	vadd.f32 v54, v7;
	v19 =	vmul.f32 v23, v30;
	v14 =	vmul.f32 v31, v14  }
0x236: {  	[tilespmem:s29+$0x20] =	vst v22;
	v22 =	vmul.f32 v23, v28;
	v26 =	vmul.f32 v23, v26;
	v21 =	vadd.f32 v20, v29  }
0x237: {  	[tilespmem:s29+$0x40] =	vst v18;
	v14 =	vadd.f32 v14, v15;
	v15 =	vadd.f32 v20, v19;
	v19 =	vmul.f32 v23, v27  }
0x238: {  	[tilespmem:s29+$0x50] =	vst v17;
	v18 =	vmul.f32 v23, v25;
	v22 =	vadd.f32 v20, v22;
	v0 =	vmul.f32 v21, v0  }
0x239: {  	[tilespmem:s29+$0x60] =	vst v16;
	v16 =	vadd.f32 v20, v26;
	v2 =	vmul.f32 v15, v2;
	v17 =	vadd.f32 v20, v19  }
0x23a: {  	[tilespmem:s29+$0x10] =	vst v55;
	v1 =	vmul.f32 v22, v1;
	v0 =	vadd.f32 v0, v7;
	v15 =	vmul.f32 v23, v24  }
0x23b: {  	[tilespmem:s12+$0x70] =	vst v14;
	v2 =	vadd.f32 v2, v9;
	v9 =	vadd.f32 v20, v18;
	v3 =	vmul.f32 v17, v3  }
0x23c: {  	v4 =	vmul.f32 v16, v4;
	v1 =	vadd.f32 v1, v8;
	[tilespmem:s12+$0x10] =	vst v0;
	v7 =	vadd.f32 v20, v15  }
0x23d: {  	[tilespmem:s12+$0x0] =	vst v2;
	v2 =	vmul.f32 v9, v5;
	v0 =	vadd.f32 v3, v10  }
0x23e: {  	[tilespmem:s12+$0x20] =	vst v1;
	v1 =	vadd.f32 v4, v11;
	v3 =	vmul.f32 v7, v6  }
0x23f: {  	s18 =	sor.u32 s10, s13;
	[tilespmem:s12+$0x30] =	vst v0;
	v0 =	vadd.f32 v2, v12  }
0x240: {  	s3 =	sor.u32 $0xC0, s18;
	[tilespmem:s12+$0x40] =	vst v1;
	v2 =	vadd.f32 v3, v13  }
0x241: {  	s3 =	sshrl.u32 s3, $0x3;
	[tilespmem:s12+$0x50] =	vst v0  }
0x242: {  	s20 =	simm.s32 $0x180;
	s19 =	sadd.s32 s9, s3;
	[tilespmem:s12+$0x60] =	vst v2  }
0x243: {  	[tilespmem:s20], [sflag:$0x6] =	stream.linear.gather [hbm4b:s19+s8], $0x40, $0x38;
	[tilespmem:$0x1C600] =	vst v63  }
0x244: {  	s22 =	simm.s32 $0x380;
	s3 =	sadd.s32 s11, s3  }
0x245: {  	[tilespmem:s22], [sflag:$0x6] =	stream.linear.gather [hbm4b:s3+s8], $0x40, $0x38;
	[tilespmem:$0x1C600] =	vst v63  }
0x246: {  	_ =	swait.ge [sflag:s26], $0x40  }
0x247: {  	[sflag:s26] =	ssyncset.done $0x0  }
0x248: {  	[sflag:s26] =	ssyncadd.s32 $0xFFFFFFC0  }
0x249: {  	_ =	swait.ge [sflag:s26], $0x40  }
0x24a: {  	[sflag:s26] =	ssyncset.done $0x0  }
0x24b: {  	s25 =	simm.s32 $0x100;
	s31 =	simm.s32 $0x400;
	[sflag:s26] =	ssyncadd.s32 $0xFFFFFFC0  }
0x24c: {  	[tilespmem:s31], [sflag:$0x1] =	stream.indirect.gather [hbm4b:s1+s2], $0x80, s25, s2, $0xb8;
	[tilespmem:$0x1C600] =	vst v63  }
0x24d: {  	_ =	swait.ge [sflag:s28], $0x2000  }
0x24e: {  	[sflag:s28] =	ssyncset.done $0x0  }
0x24f: {  	s12 =	simm.s32 $0x280;
	[sflag:s28] =	ssyncadd.s32 $0xFFFFE000  }
0x250: {  	v0 =	vld [tilespmem:s12+$0x0];
	_ =	sdelay $0x4  }
0x251: {  	v0 =	vshll.u32 v0, $0x9  }
0x252: {  	v7 =	vshra.s32 v0, $0x2  }
0x253: {  	v1 =	vld [tilespmem:s23+$0xFFFFFF10];
	(v2sf) =	vpush v7, $0x0  }
0x254: {  	v3 =	vld [tilespmem:s23+$0xFFFFFF20]  }
0x255: {  	v5 =	vld [tilespmem:s23+$0xFFFFFF30]  }
0x256: {  	v8 =	vld [tilespmem:s23+$0xFFFFFF40]  }
0x257: {  	v10 =	vld [tilespmem:s23+$0xFFFFFF50]  }
0x258: {  	v12 =	vld [tilespmem:s23+$0xFFFFFF60]  }
0x259: {  	v14 =	vld [tilespmem:s23+$0xFFFFFF70]  }
0x25a: {  	s12 =	simm.s32 $0x2480;
	v16 =	vld [tilespmem:s23+$0xFFFFFF80]  }
0x25b: {  	v2 =	vld [tilespmem:s12+$0xFFFFFF90]  }
0x25c: {  	v4 =	vld [tilespmem:s12+$0xFFFFFFA0]  }
0x25d: {  	v6 =	vld [tilespmem:s12+$0xFFFFFFB0]  }
0x25e: {  	v9 =	vld [tilespmem:s12+$0xFFFFFFC0]  }
0x25f: {  	v11 =	vld [tilespmem:s12+$0xFFFFFFD0]  }
0x260: {  	v13 =	vld [tilespmem:s12+$0xFFFFFFE0]  }
0x261: {  	v15 =	vld [tilespmem:s12+$0xFFFFFFF0]  }
0x262: {  	v0 =	vld [tilespmem:s12+$0xFFFFFF80];
	s15 =	spop (v2sf)  }
0x263: {  	v17 =	vld [tilespmem:s15+$0x1C400]  }
0x264: {  	v18 =	vld [tilespmem:s15+$0x1C410]  }
0x265: {  	v19 =	vld [tilespmem:s15+$0x1C420]  }
0x266: {  	v20 =	vld [tilespmem:s15+$0x1C430]  }
0x267: {  	v21 =	vld [tilespmem:s15+$0x1C440]  }
0x268: {  	v0 =	vadd.f32 v1, v0;
	v1 =	vadd.f32 v3, v2;
	v2 =	vld [tilespmem:s15+$0x1C450]  }
0x269: {  	v11 =	vadd.f32 v12, v11;
	v3 =	vadd.f32 v5, v4;
	v5 =	vld [tilespmem:s15+$0x1C460]  }
0x26a: {  	v12 =	vadd.f32 v14, v13;
	v13 =	vadd.f32 v16, v15;
	v22 =	vld [tilespmem:s15+$0x1C470]  }
0x26b: {  	v4 =	vadd.f32 v8, v6;
	v6 =	vadd.f32 v10, v9  }
0x26c: {  	v9 =	vadd.f32 v17, v0;
	v25 =	vadd.f32 v18, v1  }
0x26d: {  	v8 =	vadd.f32 v19, v3;
	v15 =	vadd.f32 v20, v4  }
0x26e: {  	v10 =	vadd.f32 v21, v6;
	v11 =	vadd.f32 v2, v11  }
0x26f: {  	v12 =	vadd.f32 v5, v12;
	v13 =	vadd.f32 v22, v13  }
0x270: {  	v0 =	vadd.f32 v25, v9;
	v1 =	vmul.f32 v9, v9;
	v2 =	vmul.f32 v25, v25  }
0x271: {  	v3 =	vadd.f32 v15, v8;
	v4 =	vmul.f32 v8, v8;
	v5 =	vmul.f32 v15, v15  }
0x272: {  	v6 =	vadd.f32 v11, v10;
	v14 =	vmul.f32 v10, v10;
	v16 =	vmul.f32 v11, v11  }
0x273: {  	v17 =	vadd.f32 v13, v12;
	v18 =	vmul.f32 v12, v12;
	v19 =	vmul.f32 v13, v13  }
0x274: {  	v1 =	vadd.f32 v2, v1;
	v2 =	vadd.f32 v5, v4  }
0x275: {  	v4 =	vadd.f32 v16, v14;
	v5 =	vadd.f32 v19, v18  }
0x276: {  	v0 =	vadd.f32 v3, v0;
	v3 =	vadd.f32 v17, v6  }
0x277: {  	v1 =	vadd.f32 v2, v1;
	v2 =	vadd.f32 v5, v4  }
0x278: {  	v0 =	vadd.f32 v3, v0  }
0x279: {  	v1 =	vadd.f32 v2, v1  }
0x27a: {  	(xrf2) =	vadd.scan.msk.f32 $0xffff, v0  }
0x27b: {  	(xrf2) =	vadd.scan.msk.f32 $0xffff, v1;
	_ =	sdelay $0x8  }
0x27c: {  	v0, _, _ =	vpop (xrf2)  }
0x27d: {  	(v2sf) =	vpush v0, $0xF;
	v0, _, _ =	vpop (xrf2)  }
0x27e: {  	(v2sf) =	vpush v0, $0xF;
	_ =	sdelay $0x8  }
0x27f: {  	s18 =	simm.s32 $0x282  }
0x280: {  	v0 =	vld [tilespmem:s18+$0x0];
	_ =	sdelay $0x3  }
0x281: {  	s19 =	spop (v2sf)  }
0x282: {  	v0 =	vshll.u32 v0, $0x9;
	s20 =	smul.f32 $7.812500000e-03, s19;
	s22 =	spop (v2sf)  }
0x283: {  	s6 =	sadd.s32 $0x100, s23;
	v16 =	vshra.s32 v0, $0x2;
	s18 =	smul.f32 $7.812500000e-03, s22  }
0x284: {  	s3 =	simm.s32 $0x2580;
	v23 =	vld [tilespmem:s6+$0xFFFFFF60];
	(v2sf) =	vpush v16, $0x0;
	s25 =	smul.f32 s20, s20  }
0x285: {  	v24 =	vld [tilespmem:s3+$0xFFFFFFE0]  }
0x286: {  	v26 =	vld [tilespmem:s6+$0xFFFFFF70];
	s18 =	ssub.f32 s18, s25  }
0x287: {  	v27 =	vld [tilespmem:s3+$0xFFFFFFF0]  }
0x288: {  	v28 =	vld [tilespmem:s6+$0xFFFFFF80];
	s18 =	sadd.f32 $9.999999740e-06, s18  }
0x289: {  	v20 =	vld [tilespmem:s6+$0xFFFFFF50]  }
0x28a: {  	v21 =	vld [tilespmem:s3+$0xFFFFFFD0];
	v17 =	vmov s18  }
0x28b: {  	v6 =	vld [tilespmem:s3+$0xFFFFFFB0];
	v19 =	vshra.s32 v17, $0x1;
	v17 =	vmul.f32 $5.000000000e-01, v17  }
0x28c: {  	v14 =	vld [tilespmem:s6+$0xFFFFFF40];
	v19 =	vsub.s32 $0x5F3759DF, v19  }
0x28d: {  	v3 =	vld [tilespmem:s6+$0xFFFFFF20];
	v22 =	vmul.f32 v19, v17  }
0x28e: {  	v4 =	vld [tilespmem:s3+$0xFFFFFFA0]  }
0x28f: {  	v2 =	vld [tilespmem:s3+$0xFFFFFF90];
	v22 =	vmul.f32 v19, v22  }
0x290: {  	v1 =	vld [tilespmem:s6+$0xFFFFFF10]  }
0x291: {  	v0 =	vld [tilespmem:s3+$0xFFFFFF80];
	v22 =	vsub.f32 $1.500000000e+00, v22  }
0x292: {  	v5 =	vld [tilespmem:s6+$0xFFFFFF30]  }
0x293: {  	v18 =	vld [tilespmem:s3+$0xFFFFFFC0];
	s31 =	spop (v2sf);
	v19 =	vmul.f32 v19, v22  }
0x294: {  	v29 =	vld [tilespmem:s31+$0x1C400]  }
0x295: {  	v30 =	vld [tilespmem:s31+$0x1C420];
	v31 =	vmul.f32 v19, v17  }
0x296: {  	v0 =	vadd.f32 v1, v0;
	v1 =	vadd.f32 v3, v2;
	v2 =	vld [tilespmem:s31+$0x1C440]  }
0x297: {  	v4 =	vadd.f32 v5, v4;
	v5 =	vadd.f32 v14, v6;
	v6 =	vld [tilespmem:s31+$0x1C450];
	v3 =	vmul.f32 v31, v19  }
0x298: {  	v26 =	vadd.f32 v26, v24;
	v22 =	vld [tilespmem:s31+$0x1C410]  }
0x299: {  	v27 =	vadd.f32 v28, v27;
	v56 =	vld [tilespmem:s31+$0x1C430];
	v3 =	vsub.f32 $1.500000000e+00, v3  }
0x29a: {  	v23 =	vadd.f32 v23, v21;
	v14 =	vadd.f32 v20, v18  }
0x29b: {  	(v2sf) =	vpush v7, $0x1;
	v24 =	vadd.f32 v29, v0;
	v31 =	vld [tilespmem:s31+$0x1C460];
	v28 =	vmul.f32 v3, v19  }
0x29c: {  	v57 =	vld [tilespmem:s31+$0x1C470];
	v20 =	vadd.f32 v30, v4;
	v18 =	vadd.f32 v2, v14  }
0x29d: {  	v23 =	vadd.f32 v6, v23;
	v22 =	vadd.f32 v22, v1;
	v1 =	vmul.f32 v28, v17  }
0x29e: {  	v7 =	vld [tilespmem:$0x1C590];
	v21 =	vadd.f32 v56, v5;
	v30 =	vmul.f32 v20, v20;
	v59 =	vmul.f32 v18, v18  }
0x29f: {  	v2 =	vld [tilespmem:$0x1C500];
	v60 =	vmul.f32 v23, v23;
	v14 =	vadd.f32 v22, v24;
	v4 =	vmul.f32 v1, v28  }
0x2a0: {  	v0 =	vld [tilespmem:$0x1C510];
	v29 =	vmul.f32 v22, v22;
	v19 =	vadd.f32 v31, v26;
	v26 =	vadd.f32 v21, v20  }
0x2a1: {  	v5 =	vld [tilespmem:$0x1C550];
	v31 =	vmul.f32 v21, v21;
	v17 =	vadd.f32 v57, v27;
	v6 =	vsub.f32 $1.500000000e+00, v4  }
0x2a2: {  	v58 =	vadd.f32 v23, v18;
	v3 =	vld [tilespmem:$0x1C530];
	v27 =	vmul.f32 v24, v24;
	v62 =	vmul.f32 v19, v19  }
0x2a3: {  	s15 =	ssub.f32 $0.0e+00, s20;
	v26 =	vadd.f32 v26, v14;
	v14 =	vld [tilespmem:$0x1C570];
	v61 =	vadd.f32 v17, v19;
	v28 =	vmul.f32 v6, v28  }
0x2a4: {  	v1 =	vld [tilespmem:$0x1C520];
	v63 =	vmul.f32 v17, v17;
	v27 =	vadd.f32 v29, v27;
	v29 =	vadd.f32 v31, v30  }
0x2a5: {  	v30 =	vadd.f32 v60, v59;
	v4 =	vld [tilespmem:$0x1C540];
	v44 =	vmul.f32 s15, v28;
	v45 =	vmul.f32 v28, v9  }
0x2a6: {  	v32 =	vadd.f32 v61, v58;
	v27 =	vadd.f32 v29, v27;
	v9 =	vld [tilespmem:$0x1C580];
	v25 =	vmul.f32 v28, v25  }
0x2a7: {  	v6 =	vld [tilespmem:$0x1C560];
	v46 =	vmul.f32 v28, v8;
	v15 =	vmul.f32 v28, v15;
	v31 =	vadd.f32 v44, v45  }
0x2a8: {  	v8 =	vld [tilespmem:$0x1C5A0];
	v47 =	vmul.f32 v28, v10;
	v48 =	vmul.f32 v28, v11;
	v25 =	vadd.f32 v44, v25  }
0x2a9: {  	v10 =	vld [tilespmem:$0x1C5B0];
	v49 =	vmul.f32 v28, v12;
	v33 =	vadd.f32 v44, v46;
	v31 =	vmul.f32 v31, v2  }
0x2aa: {  	v11 =	vld [tilespmem:$0x1C5C0];
	v28 =	vmul.f32 v28, v13;
	v15 =	vadd.f32 v44, v15;
	v25 =	vmul.f32 v25, v0  }
0x2ab: {  	v12 =	vld [tilespmem:$0x1C5D0];
	v34 =	vadd.f32 v44, v47;
	v33 =	vmul.f32 v33, v1;
	v31 =	vadd.f32 v31, v9  }
0x2ac: {  	v13 =	vld [tilespmem:$0x1C5E0];
	s15 =	simm.s32 $0x64F0;
	v38 =	vadd.f32 v44, v48;
	v50 =	vmul.f32 v15, v3;
	v25 =	vadd.f32 v25, v7  }
0x2ad: {  	v15 =	vld [tilespmem:$0x1C5F0];
	v34 =	vmul.f32 v34, v4;
	v33 =	vadd.f32 v33, v8;
	[tilespmem:s15+$0xFFFFFF10] =	vst v31;
	v31 =	vadd.f32 v44, v49  }
0x2ae: {  	v38 =	vmul.f32 v38, v5;
	v51 =	vadd.f32 v50, v10;
	[tilespmem:s15+$0xFFFFFF20] =	vst v25;
	v25 =	vadd.f32 v44, v28  }
0x2af: {  	v52 =	vadd.f32 v34, v11;
	v28 =	vadd.f32 v63, v62;
	[tilespmem:s15+$0xFFFFFF30] =	vst v33;
	v31 =	vmul.f32 v31, v6  }
0x2b0: {  	v26 =	vadd.f32 v32, v26;
	v53 =	vadd.f32 v38, v12;
	[tilespmem:s15+$0xFFFFFF40] =	vst v51;
	v25 =	vmul.f32 v25, v14  }
0x2b1: {  	[tilespmem:s15+$0xFFFFFF50] =	vst v52;
	v28 =	vadd.f32 v28, v30;
	v29 =	vadd.f32 v31, v13  }
0x2b2: {  	(xrf2) =	vadd.scan.msk.f32 $0xffff, v26;
	[tilespmem:s15+$0xFFFFFF60] =	vst v53;
	v25 =	vadd.f32 v25, v15  }
0x2b3: {  	s19 =	simm.s32 $0x284;
	v27 =	vadd.f32 v28, v27;
	[tilespmem:s15+$0xFFFFFF70] =	vst v29  }
0x2b4: {  	s20 =	spop (v2sf);
	v26 =	vld [tilespmem:s19+$0x0];
	[tilespmem:s15+$0xFFFFFF80] =	vst v25  }
0x2b5: {  	(xrf2) =	vadd.scan.msk.f32 $0xffff, v27;
	v25 =	vld [tilespmem:s20+$0x1C400]  }
0x2b6: {  	v27 =	vld [tilespmem:s20+$0x1C410]  }
0x2b7: {  	v28 =	vld [tilespmem:s20+$0x1C420]  }
0x2b8: {  	v29 =	vld [tilespmem:s12+$0x0]  }
0x2b9: {  	v30 =	vld [tilespmem:s23+$0xFFFFFF90]  }
0x2ba: {  	v31 =	vld [tilespmem:s12+$0x10]  }
0x2bb: {  	v54 =	vld [tilespmem:s23+$0xFFFFFFA0]  }
0x2bc: {  	v55, _, _ =	vpop (xrf2);
	v33 =	vld [tilespmem:s12+$0x20]  }
0x2bd: {  	(v2sf) =	vpush v55, $0xF;
	v56 =	vld [tilespmem:s23+$0xFFFFFFB0]  }
0x2be: {  	v57 =	vld [tilespmem:s12+$0x30]  }
0x2bf: {  	v59 =	vld [tilespmem:s23+$0xFFFFFFC0];
	v58, _, _ =	vpop (xrf2)  }
0x2c0: {  	v60 =	vld [tilespmem:s12+$0x40];
	(v2sf) =	vpush v58, $0xF  }
0x2c1: {  	v39 =	vld [tilespmem:s23+$0xFFFFFFD0]  }
0x2c2: {  	v61 =	vld [tilespmem:s12+$0x50]  }
0x2c3: {  	v62 =	vld [tilespmem:s23+$0xFFFFFFE0]  }
0x2c4: {  	v63 =	vld [tilespmem:s12+$0x60]  }
0x2c5: {  	v26 =	vshll.u32 v26, $0x9;
	v48 =	vld [tilespmem:s23+$0xFFFFFFF0]  }
0x2c6: {  	v51 =	vshra.s32 v26, $0x2;
	v49 =	vld [tilespmem:s12+$0x70]  }
0x2c7: {  	v50 =	vld [tilespmem:s23+$0x0];
	[tilespmem:$0x1FFE0] =	vst v51  }
0x2c8: {  	v26 =	vld [tilespmem:s20+$0x1C430]  }
0x2c9: {  	v52 =	vld [tilespmem:s20+$0x1C440];
	v29 =	vadd.f32 v30, v29;
	v30 =	vadd.f32 v54, v31  }
0x2ca: {  	v53 =	vadd.f32 v56, v33;
	v55 =	vadd.f32 v59, v57  }
0x2cb: {  	v54 =	vld [tilespmem:s20+$0x1C450];
	v34 =	vadd.f32 v39, v60;
	v57 =	vadd.f32 v62, v61  }
0x2cc: {  	v56 =	vld [tilespmem:s20+$0x1C460];
	v31 =	vadd.f32 v25, v29;
	v30 =	vadd.f32 v27, v30;
	s22 =	spop (v2sf)  }
0x2cd: {  	v59 =	vld [tilespmem:s20+$0x1C470];
	v29 =	vadd.f32 v28, v53;
	v27 =	vadd.f32 v26, v55;
	s18 =	smul.f32 $7.812500000e-03, s22  }
0x2ce: {  	v60 =	vadd.f32 v50, v49;
	v28 =	vadd.f32 v52, v34  }
0x2cf: {  	s12 =	simm.s32 $0x2680;
	v36 =	vadd.f32 v30, v31;
	v38 =	vadd.f32 v27, v29;
	s31 =	smul.f32 s18, s18;
	s23 =	spop (v2sf)  }
0x2d0: {  	s25 =	sadd.s32 $0x100, s6;
	v37 =	vld [tilespmem:s12+$0xFFFFFF90];
	v61 =	vmul.f32 v31, v31;
	v58 =	vadd.f32 v48, v63;
	(v2sf) =	vpush v51, $0x0;
	s19 =	smul.f32 $7.812500000e-03, s23  }
0x2d1: {  	v40 =	vld [tilespmem:s25+$0xFFFFFF20];
	v62 =	vmul.f32 v30, v30;
	v35 =	vmul.f32 v27, v27;
	v26 =	vadd.f32 v54, v57  }
0x2d2: {  	v44 =	vld [tilespmem:s12+$0xFFFFFFA0];
	v32 =	vadd.f32 v59, v60;
	v63 =	vmul.f32 v29, v29;
	v25 =	vadd.f32 v56, v58;
	s19 =	ssub.f32 s19, s31  }
0x2d3: {  	v41 =	vld [tilespmem:s25+$0xFFFFFF40];
	v57 =	vmul.f32 v28, v28;
	v39 =	vadd.f32 v62, v61;
	v36 =	vadd.f32 v38, v36  }
0x2d4: {  	v33 =	vld [tilespmem:s25+$0xFFFFFF10];
	v42 =	vadd.f32 v26, v28;
	v58 =	vmul.f32 v26, v26;
	v56 =	vadd.f32 v32, v25;
	s19 =	sadd.f32 $9.999999740e-06, s19  }
0x2d5: {  	v49 =	vld [tilespmem:s12+$0xFFFFFFC0];
	v60 =	vmul.f32 v32, v32;
	v43 =	vadd.f32 v35, v63;
	v59 =	vmul.f32 v25, v25  }
0x2d6: {  	v34 =	vld [tilespmem:s12+$0xFFFFFF80];
	v47 =	vadd.f32 v58, v57;
	v63 =	vadd.f32 v56, v42;
	v61 =	vmov s19  }
0x2d7: {  	v52 =	vld [tilespmem:s12+$0xFFFFFFD0];
	v50 =	vadd.f32 v60, v59;
	v62 =	vshra.s32 v61, $0x1;
	v45 =	vmul.f32 $5.000000000e-01, v61  }
0x2d8: {  	v48 =	vld [tilespmem:s25+$0xFFFFFF30];
	v36 =	vadd.f32 v63, v36;
	v35 =	vsub.s32 $0x5F3759DF, v62  }
0x2d9: {  	v51 =	vld [tilespmem:s12+$0xFFFFFFB0];
	v39 =	vadd.f32 v43, v39;
	v61 =	vadd.f32 v50, v47;
	v62 =	vmul.f32 v35, v45  }
0x2da: {  	v38 =	vld [tilespmem:s25+$0xFFFFFF60];
	(xrf2) =	vadd.scan.msk.f32 $0xffff, v36  }
0x2db: {  	v57 =	vld [tilespmem:s25+$0xFFFFFF70];
	v39 =	vadd.f32 v61, v39;
	v56 =	vmul.f32 v35, v62  }
0x2dc: {  	v58 =	vld [tilespmem:s12+$0xFFFFFFF0]  }
0x2dd: {  	v42 =	vld [tilespmem:s25+$0xFFFFFF50];
	(xrf2) =	vadd.scan.msk.f32 $0xffff, v39;
	v59 =	vsub.f32 $1.500000000e+00, v56  }
0x2de: {  	v60 =	vld [tilespmem:s25+$0xFFFFFF80]  }
0x2df: {  	v63 =	vld [tilespmem:s12+$0xFFFFFFE0];
	s20 =	spop (v2sf);
	v46 =	vmul.f32 v35, v59  }
0x2e0: {  	v54 =	vld [tilespmem:s20+$0x1C410]  }
0x2e1: {  	v55 =	vld [tilespmem:s20+$0x1C420];
	v39 =	vmul.f32 v46, v45  }
0x2e2: {  	v37 =	vadd.f32 v40, v37;
	v61 =	vld [tilespmem:s20+$0x1C400]  }
0x2e3: {  	v33 =	vadd.f32 v33, v34;
	v44 =	vadd.f32 v48, v44;
	v34 =	vld [tilespmem:s20+$0x1C430];
	v39 =	vmul.f32 v39, v46  }
0x2e4: {  	v41 =	vadd.f32 v41, v51;
	v36 =	vadd.f32 v57, v63;
	v62 =	vld [tilespmem:s20+$0x1C440];
	v35, _, _ =	vpop (xrf2)  }
0x2e5: {  	v51 =	vld [tilespmem:s20+$0x1C450];
	(v2sf) =	vpush v35, $0xF;
	v63 =	vsub.f32 $1.500000000e+00, v39  }
0x2e6: {  	v52 =	vadd.f32 v38, v52;
	v49 =	vadd.f32 v42, v49;
	v50 =	vld [tilespmem:s20+$0x1C460]  }
0x2e7: {  	v47 =	vadd.f32 v60, v58;
	v60 =	vld [tilespmem:s20+$0x1C470];
	v39 =	vadd.f32 v61, v33;
	v61, _, _ =	vpop (xrf2);
	v46 =	vmul.f32 v63, v46  }
0x2e8: {  	v42 =	vadd.f32 v55, v44;
	(v2sf) =	vpush v61, $0xF  }
0x2e9: {  	v43 =	vadd.f32 v34, v41;
	v38 =	vadd.f32 v62, v49;
	v62 =	vmul.f32 v46, v45  }
0x2ea: {  	v40 =	vadd.f32 v54, v37;
	v41 =	vadd.f32 v51, v52;
	v57 =	vmul.f32 v42, v42  }
0x2eb: {  	v44 =	vadd.f32 v43, v42;
	v58 =	vmul.f32 v43, v43;
	v33 =	vmul.f32 v62, v46  }
0x2ec: {  	v52 =	vmul.f32 v41, v41;
	v37 =	vadd.f32 v50, v36;
	v36 =	vadd.f32 v60, v47  }
0x2ed: {  	v47 =	vmul.f32 v40, v40;
	v56 =	vadd.f32 v58, v57;
	v33 =	vsub.f32 $1.500000000e+00, v33  }
0x2ee: {  	v59 =	vadd.f32 v41, v38;
	v60 =	vmul.f32 v38, v38;
	v63 =	vadd.f32 v40, v39  }
0x2ef: {  	s18 =	ssub.f32 $0.0e+00, s18;
	v61 =	vadd.f32 v36, v37;
	(v2sf) =	vpush v16, $0x1;
	v33 =	vmul.f32 v33, v46  }
0x2f0: {  	v45 =	vmul.f32 v39, v39;
	v16 =	vadd.f32 v44, v63;
	v63 =	vmul.f32 v36, v36  }
0x2f1: {  	v55 =	vadd.f32 v61, v59;
	v46 =	vmul.f32 s18, v33;
	v24 =	vmul.f32 v33, v24  }
0x2f2: {  	v45 =	vadd.f32 v47, v45;
	v22 =	vmul.f32 v33, v22;
	v20 =	vmul.f32 v33, v20  }
0x2f3: {  	v21 =	vmul.f32 v33, v21;
	v18 =	vmul.f32 v33, v18;
	v24 =	vadd.f32 v46, v24  }
0x2f4: {  	s22 =	spop (v2sf);
	v23 =	vmul.f32 v33, v23;
	v19 =	vmul.f32 v33, v19;
	v22 =	vadd.f32 v46, v22  }
0x2f5: {  	v17 =	vmul.f32 v33, v17;
	s18 =	smul.f32 $7.812500000e-03, s22;
	v20 =	vadd.f32 v46, v20;
	v24 =	vmul.f32 v24, v2  }
0x2f6: {  	v21 =	vadd.f32 v46, v21;
	v18 =	vadd.f32 v46, v18;
	v22 =	vmul.f32 v22, v0  }
0x2f7: {  	s31 =	smul.f32 s18, s18;
	v17 =	vadd.f32 v46, v17;
	s23 =	spop (v2sf);
	v20 =	vmul.f32 v20, v1;
	v24 =	vadd.f32 v24, v9  }
0x2f8: {  	v19 =	vadd.f32 v46, v19;
	v21 =	vmul.f32 v21, v3;
	s19 =	smul.f32 $7.812500000e-03, s23;
	s23 =	simm.s32 $0x65F0;
	v22 =	vadd.f32 v22, v7  }
0x2f9: {  	v18 =	vmul.f32 v18, v4;
	v17 =	vmul.f32 v17, v14;
	v20 =	vadd.f32 v20, v8;
	[tilespmem:s23+$0xFFFFFF10] =	vst v24  }
0x2fa: {  	v62 =	vmul.f32 v37, v37;
	v23 =	vadd.f32 v46, v23;
	v21 =	vadd.f32 v21, v10;
	s19 =	ssub.f32 s19, s31;
	[tilespmem:s23+$0xFFFFFF20] =	vst v22  }
0x2fb: {  	v19 =	vmul.f32 v19, v6;
	v18 =	vadd.f32 v18, v11;
	v17 =	vadd.f32 v17, v15;
	[tilespmem:s23+$0xFFFFFF30] =	vst v20  }
0x2fc: {  	v22 =	vmul.f32 v23, v5;
	v23 =	vadd.f32 v52, v60;
	v20 =	vadd.f32 v63, v62;
	[tilespmem:s23+$0xFFFFFF40] =	vst v21;
	s19 =	sadd.f32 $9.999999740e-06, s19  }
0x2fd: {  	v16 =	vadd.f32 v55, v16;
	[tilespmem:s23+$0xFFFFFF50] =	vst v18;
	v18 =	vadd.f32 v19, v13  }
0x2fe: {  	[tilespmem:s23+$0xFFFFFF80] =	vst v17;
	v21 =	vadd.f32 v22, v12;
	v19 =	vadd.f32 v20, v23;
	v20 =	vmov s19  }
0x2ff: {  	s22 =	simm.s32 $0x286;
	[tilespmem:s23+$0xFFFFFF70] =	vst v18;
	v18 =	vshra.s32 v20, $0x1;
	v20 =	vmul.f32 $5.000000000e-01, v20  }
0x300: {  	(xrf2) =	vadd.scan.msk.f32 $0xffff, v16;
	s31 =	spop (v2sf);
	v22 =	vadd.f32 v56, v45;
	[tilespmem:s23+$0xFFFFFF60] =	vst v21;
	v21 =	vld [tilespmem:s22+$0x0];
	v16 =	vsub.s32 $0x5F3759DF, v18  }
0x301: {  	v17 =	vld [tilespmem:s31+$0x1C400];
	v18 =	vmul.f32 v16, v20  }
0x302: {  	v19 =	vadd.f32 v19, v22;
	v22 =	vld [tilespmem:s31+$0x1C420]  }
0x303: {  	v23 =	vld [tilespmem:s3+$0x0];
	v18 =	vmul.f32 v16, v18  }
0x304: {  	v33 =	vld [tilespmem:s6+$0xFFFFFF90];
	(xrf2) =	vadd.scan.msk.f32 $0xffff, v19  }
0x305: {  	v34 =	vld [tilespmem:s3+$0x10];
	v18 =	vsub.f32 $1.500000000e+00, v18  }
0x306: {  	v44 =	vld [tilespmem:s6+$0xFFFFFFA0]  }
0x307: {  	v57 =	vld [tilespmem:s6+$0xFFFFFFB0];
	v16 =	vmul.f32 v16, v18  }
0x308: {  	v46 =	vld [tilespmem:s3+$0x30]  }
0x309: {  	v48 =	vld [tilespmem:s6+$0xFFFFFFC0];
	v24 =	vmul.f32 v16, v20  }
0x30a: {  	v49 =	vld [tilespmem:s3+$0x40]  }
0x30b: {  	v58, _, _ =	vpop (xrf2);
	v47 =	vld [tilespmem:s6+$0xFFFFFFD0];
	v24 =	vmul.f32 v24, v16  }
0x30c: {  	(v2sf) =	vpush v58, $0xF;
	v60 =	vld [tilespmem:s3+$0x50]  }
0x30d: {  	v61 =	vld [tilespmem:s6+$0xFFFFFFE0];
	v24 =	vsub.f32 $1.500000000e+00, v24  }
0x30e: {  	v52 =	vld [tilespmem:s3+$0x60];
	v59, _, _ =	vpop (xrf2)  }
0x30f: {  	v62 =	vld [tilespmem:s6+$0xFFFFFFF0];
	(v2sf) =	vpush v59, $0xF;
	v16 =	vmul.f32 v24, v16  }
0x310: {  	v18 =	vld [tilespmem:s3+$0x20]  }
0x311: {  	v63 =	vld [tilespmem:s3+$0x70];
	v21 =	vshll.u32 v21, $0x9;
	v20 =	vmul.f32 v16, v20  }
0x312: {  	v24 =	vshra.s32 v21, $0x2;
	v21 =	vld [tilespmem:s6+$0x0]  }
0x313: {  	v19 =	vld [tilespmem:s31+$0x1C410];
	v23 =	vadd.f32 v33, v23;
	v34 =	vadd.f32 v44, v34;
	v20 =	vmul.f32 v20, v16  }
0x314: {  	v56 =	vld [tilespmem:s31+$0x1C430];
	v47 =	vadd.f32 v47, v49;
	v60 =	vadd.f32 v61, v60  }
0x315: {  	v58 =	vld [tilespmem:s31+$0x1C440];
	v57 =	vadd.f32 v57, v18;
	v18 =	vsub.f32 $1.500000000e+00, v20  }
0x316: {  	v61 =	vld [tilespmem:s31+$0x1C460];
	v62 =	vadd.f32 v62, v52;
	(v2sf) =	vpush v24, $0x0  }
0x317: {  	s19 =	ssub.f32 $0.0e+00, s18;
	v63 =	vadd.f32 v21, v63;
	v20 =	vadd.f32 v48, v46;
	v51 =	vmul.f32 v18, v16  }
0x318: {  	v18 =	vadd.f32 v17, v23;
	v16 =	vadd.f32 v19, v34  }
0x319: {  	v19 =	vadd.f32 v22, v57;
	v17 =	vadd.f32 v56, v20;
	v34 =	vmul.f32 s19, v51  }
0x31a: {  	v59 =	vld [tilespmem:s31+$0x1C450];
	v20 =	vadd.f32 v58, v47;
	v21 =	vmul.f32 v51, v32;
	v31 =	vmul.f32 v51, v31  }
0x31b: {  	s20 =	spop (v2sf);
	v22 =	vadd.f32 v61, v62;
	v30 =	vmul.f32 v51, v30;
	v49 =	vmul.f32 v18, v18  }
0x31c: {  	s30 =	sadd.s32 $0x100, s25;
	s6 =	smul.f32 $7.812500000e-03, s20;
	v23 =	vld [tilespmem:s31+$0x1C470];
	v45 =	vadd.f32 v16, v18;
	v52 =	vmul.f32 v16, v16;
	v53 =	vmul.f32 v19, v19  }
0x31d: {  	v50 =	vld [tilespmem:s30+$0xFFFFFF20];
	v47 =	vadd.f32 v17, v19;
	v55 =	vmul.f32 v17, v17;
	v57 =	vmul.f32 v20, v20  }
0x31e: {  	v44 =	vld [tilespmem:s30+$0xFFFFFF10];
	s3 =	simm.s32 $0x2780;
	s31 =	smul.f32 s6, s6;
	v35 =	vmul.f32 v22, v22;
	v29 =	vmul.f32 v51, v29;
	v32 =	vadd.f32 v34, v21;
	s22 =	spop (v2sf)  }
0x31f: {  	v33 =	vld [tilespmem:s3+$0xFFFFFF80];
	v27 =	vmul.f32 v51, v27;
	v21 =	vadd.f32 v59, v60;
	v45 =	vadd.f32 v47, v45;
	s18 =	smul.f32 $7.812500000e-03, s22  }
0x320: {  	v46 =	vld [tilespmem:s3+$0xFFFFFF90];
	v28 =	vmul.f32 v51, v28;
	v49 =	vadd.f32 v52, v49;
	v53 =	vadd.f32 v55, v53  }
0x321: {  	v58 =	vld [tilespmem:s30+$0xFFFFFF30];
	v26 =	vmul.f32 v51, v26;
	v31 =	vadd.f32 v34, v31;
	v23 =	vadd.f32 v23, v63;
	s18 =	ssub.f32 s18, s31  }
0x322: {  	v61 =	vld [tilespmem:s3+$0xFFFFFFB0];
	v25 =	vmul.f32 v51, v25;
	v30 =	vadd.f32 v34, v30;
	v29 =	vadd.f32 v34, v29  }
0x323: {  	v51 =	vld [tilespmem:s3+$0xFFFFFFF0];
	v48 =	vadd.f32 v21, v20;
	v59 =	vmul.f32 v21, v21;
	v56 =	vadd.f32 v23, v22;
	s18 =	sadd.f32 $9.999999740e-06, s18  }
0x324: {  	v52 =	vld [tilespmem:s30+$0xFFFFFF40];
	v32 =	vmul.f32 v32, v14;
	v49 =	vadd.f32 v53, v49;
	v63 =	vmul.f32 v23, v23  }
0x325: {  	v55 =	vld [tilespmem:s3+$0xFFFFFFC0];
	v57 =	vadd.f32 v59, v57;
	v48 =	vadd.f32 v56, v48;
	v59 =	vmov s18  }
0x326: {  	v53 =	vld [tilespmem:s3+$0xFFFFFFD0];
	v47 =	vadd.f32 v63, v35;
	v35 =	vshra.s32 v59, $0x1;
	v59 =	vmul.f32 $5.000000000e-01, v59  }
0x327: {  	v54 =	vadd.f32 v32, v15;
	v32 =	vld [tilespmem:s3+$0xFFFFFFA0];
	v45 =	vadd.f32 v48, v45;
	v60 =	vsub.s32 $0x5F3759DF, v35  }
0x328: {  	v27 =	vadd.f32 v34, v27;
	s19 =	spop (v2sf);
	v56 =	vld [tilespmem:s30+$0xFFFFFF50];
	v47 =	vadd.f32 v47, v57;
	v35 =	vmul.f32 v60, v59  }
0x329: {  	v28 =	vadd.f32 v34, v28;
	v63 =	vadd.f32 v34, v25;
	v25 =	vld [tilespmem:s19+$0x1C400];
	(xrf2) =	vadd.scan.msk.f32 $0xffff, v45  }
0x32a: {  	v62 =	vadd.f32 v34, v26;
	v34 =	vld [tilespmem:s19+$0x1C420];
	v47 =	vadd.f32 v47, v49;
	v57 =	vmul.f32 v60, v35  }
0x32b: {  	v48 =	vld [tilespmem:s30+$0xFFFFFF60]  }
0x32c: {  	v27 =	vmul.f32 v27, v3;
	v49 =	vld [tilespmem:s3+$0xFFFFFFE0];
	(xrf2) =	vadd.scan.msk.f32 $0xffff, v47;
	v57 =	vsub.f32 $1.500000000e+00, v57  }
0x32d: {  	v31 =	vmul.f32 v31, v2;
	v26 =	vmul.f32 v30, v0;
	v47 =	vld [tilespmem:s30+$0xFFFFFF80]  }
0x32e: {  	v45 =	vld [tilespmem:s30+$0xFFFFFF70];
	v32 =	vadd.f32 v58, v32;
	v58 =	vadd.f32 v27, v10;
	v30 =	vmul.f32 v60, v57  }
0x32f: {  	v29 =	vmul.f32 v29, v1;
	v35 =	vadd.f32 v31, v9;
	v31 =	vld [tilespmem:s19+$0x1C410];
	v57 =	vadd.f32 v26, v7  }
0x330: {  	v26 =	vadd.f32 v44, v33;
	v33 =	vadd.f32 v50, v46;
	v44 =	vld [tilespmem:s19+$0x1C430];
	v60 =	vmul.f32 v30, v59  }
0x331: {  	v50 =	vadd.f32 v29, v8;
	v29 =	vadd.f32 v52, v61;
	v52 =	vld [tilespmem:s19+$0x1C440]  }
0x332: {  	v55 =	vadd.f32 v56, v55;
	v47 =	vadd.f32 v47, v51;
	v51 =	vld [tilespmem:s19+$0x1C470];
	v27 =	vmul.f32 v60, v30  }
0x333: {  	v56 =	vld [tilespmem:s19+$0x1C450];
	v45 =	vadd.f32 v45, v49;
	v46 =	vadd.f32 v48, v53;
	v61, _, _ =	vpop (xrf2)  }
0x334: {  	v48 =	vld [tilespmem:s19+$0x1C460];
	(v2sf) =	vpush v61, $0xF;
	v27 =	vsub.f32 $1.500000000e+00, v27  }
0x335: {  	v25 =	vadd.f32 v25, v26;
	v26 =	vadd.f32 v31, v33;
	v33 =	vmul.f32 v28, v4  }
0x336: {  	v28 =	vadd.f32 v44, v29;
	v29 =	vadd.f32 v52, v55;
	v60, _, _ =	vpop (xrf2);
	v61 =	vmul.f32 v27, v30  }
0x337: {  	v49 =	vmul.f32 v26, v26;
	v31 =	vadd.f32 v51, v47;
	(v2sf) =	vpush v60, $0xF  }
0x338: {  	v52 =	vmul.f32 v28, v28;
	v27 =	vadd.f32 v34, v32;
	v59 =	vmul.f32 v61, v59  }
0x339: {  	v60 =	vld [tilespmem:$0x1FFE0];
	v30 =	vadd.f32 v56, v46;
	v34 =	vmul.f32 v62, v5;
	v32 =	vadd.f32 v48, v45  }
0x33a: {  	v45 =	vadd.f32 v26, v25;
	v48 =	vmul.f32 v25, v25;
	v44 =	vmul.f32 v59, v61  }
0x33b: {  	v56 =	vmul.f32 v29, v29;
	v46 =	vadd.f32 v28, v27;
	v47 =	vadd.f32 v30, v29  }
0x33c: {  	v51 =	vmul.f32 v27, v27;
	v55 =	vadd.f32 v31, v32;
	v44 =	vsub.f32 $1.500000000e+00, v44  }
0x33d: {  	v53 =	vmul.f32 v32, v32;
	v48 =	vadd.f32 v49, v48;
	v59 =	vmul.f32 v30, v30  }
0x33e: {  	s6 =	ssub.f32 $0.0e+00, s6;
	(v2sf) =	vpush v60, $0x1;
	v45 =	vadd.f32 v46, v45;
	v44 =	vmul.f32 v44, v61  }
0x33f: {  	v46 =	vadd.f32 v55, v47;
	v47 =	vmul.f32 v31, v31;
	v51 =	vadd.f32 v52, v51  }
0x340: {  	v52 =	vadd.f32 v59, v56;
	v60 =	vmul.f32 s6, v44;
	v39 =	vmul.f32 v44, v39  }
0x341: {  	[tilespmem:s15+$0xFFFFFFC0] =	vst v58;
	v58 =	vadd.f32 v47, v53;
	v40 =	vmul.f32 v44, v40;
	v42 =	vmul.f32 v44, v42  }
0x342: {  	v43 =	vmul.f32 v44, v43;
	v38 =	vmul.f32 v44, v38;
	v39 =	vadd.f32 v60, v39  }
0x343: {  	v41 =	vmul.f32 v44, v41;
	v37 =	vmul.f32 v44, v37;
	s20 =	spop (v2sf);
	v40 =	vadd.f32 v60, v40  }
0x344: {  	[tilespmem:s15+$0x0] =	vst v54;
	v36 =	vmul.f32 v44, v36;
	v62 =	vadd.f32 v60, v42;
	s6 =	smul.f32 $7.812500000e-03, s20;
	v61 =	vmul.f32 v39, v2  }
0x345: {  	[tilespmem:s15+$0xFFFFFF90] =	vst v35;
	v54 =	vadd.f32 v60, v43;
	v38 =	vadd.f32 v60, v38;
	v40 =	vmul.f32 v40, v0  }
0x346: {  	[tilespmem:s15+$0xFFFFFFA0] =	vst v57;
	v41 =	vadd.f32 v60, v41;
	s22 =	spop (v2sf);
	v39 =	vmul.f32 v62, v1;
	s31 =	smul.f32 s6, s6;
	v35 =	vadd.f32 v61, v9  }
0x347: {  	s29 =	simm.s32 $0x66F0;
	[tilespmem:s15+$0xFFFFFFB0] =	vst v50;
	v37 =	vadd.f32 v60, v37;
	v42 =	vmul.f32 v54, v3;
	s18 =	smul.f32 $7.812500000e-03, s22;
	v40 =	vadd.f32 v40, v7  }
0x348: {  	v36 =	vadd.f32 v60, v36;
	v38 =	vmul.f32 v38, v4;
	v55 =	vadd.f32 v39, v8;
	[tilespmem:s29+$0xFFFFFF10] =	vst v35  }
0x349: {  	v60 =	vadd.f32 v46, v45;
	v57 =	vmul.f32 v41, v5;
	v56 =	vadd.f32 v42, v10;
	s18 =	ssub.f32 s18, s31;
	[tilespmem:s29+$0xFFFFFF20] =	vst v40  }
0x34a: {  	v59 =	vmul.f32 v37, v6;
	v36 =	vmul.f32 v36, v14;
	v38 =	vadd.f32 v38, v11;
	[tilespmem:s29+$0xFFFFFF30] =	vst v55  }
0x34b: {  	v37 =	vadd.f32 v51, v48;
	v61 =	vadd.f32 v57, v12;
	[tilespmem:s29+$0xFFFFFF40] =	vst v56;
	s18 =	sadd.f32 $9.999999740e-06, s18  }
0x34c: {  	v62 =	vadd.f32 v59, v13;
	v39 =	vadd.f32 v36, v15;
	[tilespmem:s29+$0xFFFFFF50] =	vst v38  }
0x34d: {  	v35 =	vmul.f32 v63, v6;
	v38 =	vadd.f32 v58, v52;
	[tilespmem:s29+$0xFFFFFF60] =	vst v61;
	v63 =	vmov s18  }
0x34e: {  	s19 =	simm.s32 $0x288;
	(xrf2) =	vadd.scan.msk.f32 $0xffff, v60;
	[tilespmem:s29+$0xFFFFFF70] =	vst v62;
	s20 =	spop (v2sf);
	s18 =	simm.s32 $0x6;
	v45 =	vshra.s32 v63, $0x1;
	v36 =	vmul.f32 $5.000000000e-01, v63  }
.LBB2_5:
0x34f: {  	v40 =	vld [tilespmem:s19+$0x0];
	v37 =	vadd.f32 v38, v37;
	[tilespmem:s29+$0xFFFFFF80] =	vst v39;
	v38 =	vsub.s32 $0x5F3759DF, v45;
	v33 =	vadd.f32 v33, v11  }
0x350: {  	v34 =	vadd.f32 v34, v12;
	v35 =	vadd.f32 v35, v13;
	v39 =	vld [tilespmem:s20+$0x1C400];
	v41 =	vmul.f32 v38, v36  }
0x351: {  	(xrf2) =	vadd.scan.msk.f32 $0xffff, v37;
	v37 =	vld [tilespmem:s20+$0x1C410];
	[tilespmem:s15+$0xFFFFFFD0] =	vst v33  }
0x352: {  	v33 =	vld [tilespmem:s20+$0x1C420];
	v41 =	vmul.f32 v38, v41;
	[tilespmem:s15+$0xFFFFFFE0] =	vst v34  }
0x353: {  	v34 =	vld [tilespmem:s12+$0x0];
	[tilespmem:s15+$0xFFFFFFF0] =	vst v35;
	s15 =	smov.u32 s23;
	s23 =	smov.u32 s29  }
0x354: {  	v35 =	vld [tilespmem:s25+$0xFFFFFF90];
	v41 =	vsub.f32 $1.500000000e+00, v41  }
0x355: {  	v42 =	vld [tilespmem:s12+$0x10]  }
0x356: {  	v43 =	vld [tilespmem:s25+$0xFFFFFFA0];
	v38 =	vmul.f32 v38, v41  }
0x357: {  	v41 =	vld [tilespmem:s12+$0x20]  }
0x358: {  	v44, _, _ =	vpop (xrf2);
	v45 =	vld [tilespmem:s25+$0xFFFFFFB0];
	v46 =	vmul.f32 v38, v36  }
0x359: {  	v47 =	vld [tilespmem:s12+$0x30]  }
0x35a: {  	v48 =	vld [tilespmem:s25+$0xFFFFFFC0];
	v46 =	vmul.f32 v46, v38  }
0x35b: {  	(v2sf) =	vpush v44, $0xF;
	v44, _, _ =	vpop (xrf2);
	v49 =	vld [tilespmem:s12+$0x40]  }
0x35c: {  	(v2sf) =	vpush v44, $0xF;
	v44 =	vld [tilespmem:s25+$0xFFFFFFD0];
	v46 =	vsub.f32 $1.500000000e+00, v46  }
0x35d: {  	v50 =	vld [tilespmem:s12+$0x50]  }
0x35e: {  	v51 =	vld [tilespmem:s25+$0xFFFFFFE0];
	v38 =	vmul.f32 v46, v38  }
0x35f: {  	v46 =	vld [tilespmem:s12+$0x60]  }
0x360: {  	v40 =	vshll.u32 v40, $0x9;
	v52 =	vld [tilespmem:s25+$0xFFFFFFF0];
	v53 =	vmul.f32 v38, v36  }
0x361: {  	v36 =	vshra.s32 v40, $0x2;
	v40 =	vld [tilespmem:s12+$0x70];
	s12 =	smov.u32 s3  }
0x362: {  	(v2sf) =	vpush v36, $0x0;
	v54 =	vld [tilespmem:s25+$0x0];
	v53 =	vmul.f32 v53, v38;
	s25 =	smov.u32 s30  }
0x363: {  	v34 =	vadd.f32 v35, v34;
	v35 =	vadd.f32 v43, v42;
	v42 =	vld [tilespmem:s20+$0x1C430]  }
0x364: {  	v41 =	vadd.f32 v45, v41;
	v43 =	vld [tilespmem:s20+$0x1C440];
	v45 =	vsub.f32 $1.500000000e+00, v53  }
0x365: {  	v47 =	vadd.f32 v48, v47;
	v44 =	vadd.f32 v44, v49;
	v48 =	vld [tilespmem:s20+$0x1C450]  }
0x366: {  	s6 =	ssub.f32 $0.0e+00, s6;
	v49 =	vadd.f32 v51, v50;
	v46 =	vadd.f32 v52, v46;
	v50 =	vld [tilespmem:s20+$0x1C460];
	v38 =	vmul.f32 v45, v38  }
0x367: {  	v34 =	vadd.f32 v39, v34;
	v39 =	vadd.f32 v54, v40;
	v40 =	vld [tilespmem:s20+$0x1C470]  }
0x368: {  	v35 =	vadd.f32 v37, v35;
	v37 =	vmul.f32 s6, v38;
	v23 =	vmul.f32 v38, v23  }
0x369: {  	v33 =	vadd.f32 v33, v41;
	v41 =	vadd.f32 v42, v47;
	v42 =	vmul.f32 v38, v18;
	v18 =	vmovc v34  }
0x36a: {  	s3 =	sadd.s32 $0x100, s3;
	v43 =	vadd.f32 v43, v44;
	v44 =	vmul.f32 v38, v16;
	v16 =	vmovc v35;
	s6 =	spop (v2sf);
	v45 =	vadd.f32 v37, v23  }
0x36b: {  	s30 =	sadd.s32 $0x100, s30;
	v48 =	vadd.f32 v48, v49;
	v49 =	vmul.f32 v38, v19;
	v19 =	vmovc v33;
	v47 =	vld [tilespmem:s3+$0xFFFFFF80];
	s6 =	smul.f32 $7.812500000e-03, s6;
	s20 =	spop (v2sf);
	v46 =	vadd.f32 v50, v46  }
0x36c: {  	v50 =	vld [tilespmem:s30+$0xFFFFFF10];
	s20 =	smul.f32 $7.812500000e-03, s20;
	v23 =	vadd.f32 v40, v39;
	v39 =	vadd.f32 v16, v18;
	v40 =	vmul.f32 v45, v14  }
0x36d: {  	v34 =	vmul.f32 v34, v18;
	v51 =	vadd.f32 v41, v19;
	v52 =	vadd.f32 v48, v43;
	v45 =	vld [tilespmem:s3+$0xFFFFFF90];
	s22 =	smul.f32 s6, s6  }
0x36e: {  	v35 =	vmul.f32 v35, v16;
	v33 =	vmul.f32 v33, v19;
	v53 =	vld [tilespmem:s30+$0xFFFFFF20];
	v40 =	vadd.f32 v40, v15  }
0x36f: {  	v56 =	vmul.f32 v41, v41;
	v57 =	vmul.f32 v43, v43;
	v55 =	vadd.f32 v23, v46;
	v54 =	vld [tilespmem:s3+$0xFFFFFFA0];
	s22 =	ssub.f32 s20, s22  }
0x370: {  	v42 =	vadd.f32 v37, v42;
	v59 =	vmul.f32 v48, v48;
	v60 =	vmul.f32 v46, v46;
	v58 =	vld [tilespmem:s30+$0xFFFFFF30];
	[tilespmem:s15+$0x0] =	vst v40  }
0x371: {  	v39 =	vadd.f32 v51, v39;
	v51 =	vadd.f32 v55, v52;
	v52 =	vmul.f32 v23, v23;
	v40 =	vld [tilespmem:s3+$0xFFFFFFB0];
	s20 =	spop (v2sf);
	s22 =	sadd.f32 $9.999999740e-06, s22  }
0x372: {  	v34 =	vadd.f32 v35, v34;
	v35 =	vmul.f32 v38, v17;
	v17 =	vmovc v41;
	v33 =	vadd.f32 v56, v33;
	v55 =	vld [tilespmem:s30+$0xFFFFFF40]  }
0x373: {  	v57 =	vadd.f32 v59, v57;
	v52 =	vadd.f32 v52, v60;
	v41 =	vld [tilespmem:s3+$0xFFFFFFC0];
	v56 =	vmov s22  }
0x374: {  	v39 =	vadd.f32 v51, v39;
	v59 =	vld [tilespmem:s30+$0xFFFFFF50];
	v60 =	vshra.s32 v56, $0x1;
	v56 =	vmul.f32 $5.000000000e-01, v56  }
0x375: {  	v33 =	vadd.f32 v33, v34;
	v34 =	vadd.f32 v52, v57;
	v51 =	vld [tilespmem:s3+$0xFFFFFFD0];
	v60 =	vsub.s32 $0x5F3759DF, v60  }
0x376: {  	v52 =	vld [tilespmem:s30+$0xFFFFFF60];
	v57 =	vmul.f32 v60, v56;
	(xrf2) =	vadd.scan.msk.f32 $0xffff, v39;
	v39 =	vadd.f32 v37, v44;
	v44 =	vmul.f32 v38, v20  }
0x377: {  	v62 =	vmul.f32 v38, v22;
	v33 =	vadd.f32 v34, v33;
	v34 =	vmul.f32 v38, v21;
	v20 =	vmovc v43;
	v61 =	vld [tilespmem:s3+$0xFFFFFFE0]  }
0x378: {  	v49 =	vadd.f32 v37, v49;
	v35 =	vadd.f32 v37, v35;
	v21 =	vmovc v48;
	v38 =	vld [tilespmem:s30+$0xFFFFFF70];
	v43 =	vmul.f32 v60, v57  }
0x379: {  	v34 =	vadd.f32 v37, v34;
	v48 =	vld [tilespmem:s3+$0xFFFFFFF0];
	(xrf2) =	vadd.scan.msk.f32 $0xffff, v33;
	v33 =	vmul.f32 v42, v2;
	v42 =	vadd.f32 v37, v44  }
0x37a: {  	v22 =	vmovc v46;
	v39 =	vmul.f32 v39, v0;
	v37 =	vadd.f32 v37, v62;
	v44 =	vld [tilespmem:s30+$0xFFFFFF80];
	v43 =	vsub.f32 $1.500000000e+00, v43  }
0x37b: {  	v49 =	vmul.f32 v49, v1;
	v62 =	vmul.f32 v35, v3;
	v46 =	vld [tilespmem:s20+$0x1C400];
	v57 =	vadd.f32 v33, v9  }
0x37c: {  	v39 =	vadd.f32 v39, v7;
	v33 =	vmul.f32 v42, v4;
	v63 =	vld [tilespmem:s20+$0x1C410];
	v43 =	vmul.f32 v60, v43  }
0x37d: {  	v49 =	vadd.f32 v49, v8;
	v34 =	vmul.f32 v34, v5;
	v35 =	vmul.f32 v37, v6;
	v42 =	vld [tilespmem:s20+$0x1C420];
	[tilespmem:s15+$0xFFFFFF90] =	vst v57  }
0x37e: {  	v37 =	vadd.f32 v50, v47;
	v47 =	vld [tilespmem:s20+$0x1C430];
	v50 =	vmul.f32 v43, v56;
	[tilespmem:s15+$0xFFFFFFA0] =	vst v39;
	v39 =	vadd.f32 v62, v10  }
0x37f: {  	v45 =	vadd.f32 v53, v45;
	v53 =	vadd.f32 v58, v54;
	v54 =	vld [tilespmem:s20+$0x1C440];
	[tilespmem:s15+$0xFFFFFFB0] =	vst v49  }
0x380: {  	v40 =	vadd.f32 v55, v40;
	v41 =	vadd.f32 v59, v41;
	v49 =	vld [tilespmem:s20+$0x1C450];
	v50 =	vmul.f32 v50, v43;
	v55, _, _ =	vpop (xrf2);
	[tilespmem:s15+$0xFFFFFFC0] =	vst v39  }
0x381: {  	v38 =	vadd.f32 v38, v61;
	v39 =	vadd.f32 v52, v51;
	v51 =	vld [tilespmem:s20+$0x1C460]  }
0x382: {  	v44 =	vadd.f32 v44, v48;
	v48 =	vld [tilespmem:s20+$0x1C470];
	v50 =	vsub.f32 $1.500000000e+00, v50  }
0x383: {  	v37 =	vadd.f32 v46, v37;
	(v2sf) =	vpush v55, $0xF;
	v46, _, _ =	vpop (xrf2)  }
0x384: {  	v45 =	vadd.f32 v63, v45;
	v43 =	vmul.f32 v50, v43;
	(v2sf) =	vpush v46, $0xF  }
0x385: {  	v42 =	vadd.f32 v42, v53;
	v40 =	vadd.f32 v47, v40  }
0x386: {  	v41 =	vadd.f32 v54, v41;
	v39 =	vadd.f32 v49, v39;
	v46 =	vmul.f32 v43, v56  }
0x387: {  	v38 =	vadd.f32 v51, v38;
	v44 =	vadd.f32 v48, v44  }
0x388: {  	v47 =	vadd.f32 v45, v37;
	v48 =	vadd.f32 v40, v42;
	v46 =	vmul.f32 v46, v43  }
0x389: {  	v50 =	vmul.f32 v37, v37;
	v51 =	vmul.f32 v45, v45;
	v49 =	vadd.f32 v39, v41  }
0x38a: {  	v52 =	vmul.f32 v42, v42;
	v53 =	vmul.f32 v40, v40;
	v46 =	vsub.f32 $1.500000000e+00, v46  }
0x38b: {  	v55 =	vmul.f32 v41, v41;
	v56 =	vmul.f32 v39, v39;
	v54 =	vadd.f32 v44, v38  }
0x38c: {  	s6 =	ssub.f32 $0.0e+00, s6;
	v57 =	vmul.f32 v38, v38;
	v43 =	vmul.f32 v46, v43;
	(v2sf) =	vpush v24, $0x1;
	v24 =	vmovc v36  }
0x38d: {  	v36 =	vadd.f32 v48, v47;
	v46 =	vadd.f32 v54, v49;
	v47 =	vmul.f32 v44, v44  }
0x38e: {  	v48 =	vadd.f32 v51, v50;
	v49 =	vmul.f32 s6, v43;
	v50 =	vmul.f32 v43, v25;
	v25 =	vmovc v37  }
0x38f: {  	v51 =	vadd.f32 v56, v55;
	v37 =	vadd.f32 v53, v52;
	v52 =	vmul.f32 v43, v26;
	v26 =	vmovc v45  }
0x390: {  	v53 =	vmul.f32 v43, v28;
	v45 =	vadd.f32 v49, v50;
	v50 =	vmul.f32 v43, v27;
	v27 =	vmovc v42  }
0x391: {  	v54 =	vmul.f32 v43, v30;
	v28 =	vmovc v40;
	v42 =	vadd.f32 v49, v52;
	v52 =	vmul.f32 v43, v29  }
0x392: {  	v29 =	vmovc v41;
	v40 =	vmul.f32 v45, v2;
	v45 =	vadd.f32 v49, v50;
	v50 =	vmul.f32 v43, v32;
	s6 =	spop (v2sf)  }
0x393: {  	v30 =	vmovc v39;
	v41 =	vmul.f32 v42, v0;
	v42 =	vadd.f32 v49, v53;
	v43 =	vmul.f32 v43, v31;
	s6 =	smul.f32 $7.812500000e-03, s6;
	s20 =	spop (v2sf)  }
0x394: {  	v32 =	vmovc v38;
	v39 =	vadd.f32 v40, v9;
	v40 =	vmul.f32 v45, v1;
	v45 =	vadd.f32 v49, v52;
	s20 =	smul.f32 $7.812500000e-03, s20  }
0x395: {  	s29 =	sadd.s32 $0x100, s29;
	v31 =	vmovc v44;
	v38 =	vadd.f32 v41, v7;
	v41 =	vmul.f32 v42, v3;
	v42 =	vadd.f32 v49, v54;
	s22 =	smul.f32 s6, s6  }
0x396: {  	s18 =	sadd.s32 $0x2, s18;
	v44 =	vadd.f32 v49, v50;
	[tilespmem:s29+$0xFFFFFF10] =	vst v39;
	v39 =	vadd.f32 v40, v8;
	v40 =	vmul.f32 v45, v4  }
0x397: {  	p2 =	slt.u32 s18, $0x3E;
	[tilespmem:s29+$0xFFFFFF20] =	vst v38;
	v38 =	vadd.f32 v41, v10;
	v41 =	vmul.f32 v42, v5;
	v42 =	vadd.f32 v49, v43;
	s20 =	ssub.f32 s20, s22  }
.Ltmp1:
0x398: {  	v43 =	vadd.f32 v47, v57;
	[tilespmem:s29+$0xFFFFFF30] =	vst v39;
	v39 =	vadd.f32 v40, v11;
	v40 =	vmul.f32 v44, v6;
	(pc) =	sbr.rel @p2 .LBB2_5-.Ltmp1, $4  }
0x399: {  	v36 =	vadd.f32 v46, v36;
	[tilespmem:s29+$0xFFFFFF40] =	vst v38;
	v41 =	vadd.f32 v41, v12;
	v42 =	vmul.f32 v42, v14;
	s22 =	sadd.f32 $9.999999740e-06, s20  }
0x39a: {  	v37 =	vadd.f32 v37, v48;
	[tilespmem:s29+$0xFFFFFF50] =	vst v39;
	v40 =	vadd.f32 v40, v13  }
0x39b: {  	v38 =	vadd.f32 v43, v51;
	[tilespmem:s29+$0xFFFFFF60] =	vst v41;
	v39 =	vadd.f32 v42, v15;
	s20 =	spop (v2sf);
	v41 =	vmov s22  }
0x39c: {  	s19 =	sadd.s32 $0x2, s19;
	(xrf2) =	vadd.scan.msk.f32 $0xffff, v36;
	[tilespmem:s29+$0xFFFFFF70] =	vst v40;
	v45 =	vshra.s32 v41, $0x1;
	v36 =	vmul.f32 $5.000000000e-01, v41  }
0x39d: {  	v37 =	vadd.f32 v38, v37;
	_ =	sdelay $0x1  }
0x39e: {  	(xrf2) =	vadd.scan.msk.f32 $0xffff, v37;
	_ =	sdelay $0x6  }
0x39f: {  	[tilespmem:s29+$0xFFFFFF80] =	vst v39;
	v61, _, _ =	vpop (xrf2)  }
0x3a0: {  	v38 =	vld [tilespmem:s20+$0x1C410];
	(v2sf) =	vpush v61, $0xF  }
0x3a1: {  	v40 =	vld [tilespmem:s20+$0x1C420]  }
0x3a2: {  	v41 =	vld [tilespmem:s12+$0x0];
	v62, _, _ =	vpop (xrf2)  }
0x3a3: {  	v63 =	vld [tilespmem:s25+$0xFFFFFF90];
	(v2sf) =	vpush v62, $0xF  }
0x3a4: {  	v42 =	vld [tilespmem:s12+$0x10]  }
0x3a5: {  	v43 =	vld [tilespmem:s25+$0xFFFFFFA0]  }
0x3a6: {  	v44 =	vld [tilespmem:s12+$0x20]  }
0x3a7: {  	v46 =	vld [tilespmem:s25+$0xFFFFFFB0]  }
0x3a8: {  	v47 =	vld [tilespmem:s12+$0x30]  }
0x3a9: {  	v48 =	vld [tilespmem:s25+$0xFFFFFFC0]  }
0x3aa: {  	v49 =	vld [tilespmem:s12+$0x40]  }
0x3ab: {  	v50 =	vld [tilespmem:s25+$0xFFFFFFD0]  }
0x3ac: {  	v51 =	vld [tilespmem:s12+$0x50]  }
0x3ad: {  	v52 =	vld [tilespmem:s25+$0xFFFFFFE0]  }
0x3ae: {  	v53 =	vld [tilespmem:s12+$0x60]  }
0x3af: {  	v55 =	vld [tilespmem:s12+$0x70];
	s19 =	spop (v2sf)  }
0x3b0: {  	v56 =	vld [tilespmem:s25+$0x0];
	s12 =	smul.f32 $7.812500000e-03, s19  }
0x3b1: {  	v37 =	vld [tilespmem:s20+$0x1C400]  }
0x3b2: {  	v57 =	vld [tilespmem:s20+$0x1C430];
	s18 =	spop (v2sf);
	s19 =	smul.f32 s12, s12  }
0x3b3: {  	v58 =	vld [tilespmem:s20+$0x1C440];
	v39 =	vadd.f32 v63, v41;
	s18 =	smul.f32 $7.812500000e-03, s18  }
0x3b4: {  	v42 =	vadd.f32 v43, v42;
	v44 =	vadd.f32 v46, v44;
	v46 =	vld [tilespmem:s20+$0x1C450]  }
0x3b5: {  	v54 =	vld [tilespmem:s25+$0xFFFFFFF0];
	v47 =	vadd.f32 v48, v47;
	v60 =	vadd.f32 v50, v49;
	s18 =	ssub.f32 s18, s19  }
0x3b6: {  	v59 =	vadd.f32 v56, v55;
	v41 =	vadd.f32 v37, v39  }
0x3b7: {  	v49 =	vld [tilespmem:s20+$0x1C460];
	v43 =	vadd.f32 v38, v42;
	v61 =	vadd.f32 v52, v51;
	s18 =	sadd.f32 $9.999999740e-06, s18  }
0x3b8: {  	v42 =	vadd.f32 v40, v44;
	v40 =	vadd.f32 v57, v47  }
0x3b9: {  	v63 =	vld [tilespmem:s20+$0x1C470];
	v37 =	vadd.f32 v58, v60;
	v38 =	vadd.f32 v46, v61;
	v60 =	vmov s18  }
0x3ba: {  	v62 =	vadd.f32 v54, v53;
	v61 =	vshra.s32 v60, $0x1;
	v47 =	vmul.f32 $5.000000000e-01, v60  }
0x3bb: {  	v48 =	vadd.f32 v43, v41;
	v52 =	vmul.f32 v43, v43;
	v46 =	vsub.s32 $0x5F3759DF, v61  }
0x3bc: {  	v55 =	vmul.f32 v40, v40;
	v39 =	vadd.f32 v49, v62;
	v62 =	vmul.f32 v46, v47  }
0x3bd: {  	v51 =	vadd.f32 v40, v42;
	v57 =	vmul.f32 v37, v37;
	v53 =	vmul.f32 v42, v42  }
0x3be: {  	v44 =	vadd.f32 v63, v59;
	v54 =	vadd.f32 v38, v37;
	v50 =	vmul.f32 v46, v62  }
0x3bf: {  	v58 =	vmul.f32 v38, v38;
	v49 =	vmul.f32 v41, v41;
	v63 =	vadd.f32 v55, v53  }
0x3c0: {  	v59 =	vmul.f32 v39, v39;
	v60 =	vmul.f32 v44, v44;
	v50 =	vsub.f32 $1.500000000e+00, v50  }
0x3c1: {  	v58 =	vadd.f32 v58, v57;
	v56 =	vadd.f32 v44, v39  }
0x3c2: {  	v49 =	vadd.f32 v52, v49;
	v60 =	vadd.f32 v60, v59;
	v46 =	vmul.f32 v46, v50  }
0x3c3: {  	v48 =	vadd.f32 v51, v48;
	v61 =	vadd.f32 v56, v54  }
0x3c4: {  	v49 =	vadd.f32 v63, v49;
	v62 =	vadd.f32 v60, v58;
	v63 =	vmul.f32 v46, v47  }
0x3c5: {  	v48 =	vadd.f32 v61, v48  }
0x3c6: {  	v49 =	vadd.f32 v62, v49;
	v56 =	vmul.f32 v63, v46  }
0x3c7: {  	(xrf2) =	vadd.scan.msk.f32 $0xffff, v48  }
0x3c8: {  	(xrf2) =	vadd.scan.msk.f32 $0xffff, v49;
	v57 =	vsub.f32 $1.500000000e+00, v56;
	_ =	sdelay $0x1  }
0x3c9: {  	v46 =	vmul.f32 v57, v46;
	_ =	sdelay $0x1  }
0x3ca: {  	v47 =	vmul.f32 v46, v47;
	_ =	sdelay $0x1  }
0x3cb: {  	v47 =	vmul.f32 v47, v46;
	_ =	sdelay $0x1  }
0x3cc: {  	v47 =	vsub.f32 $1.500000000e+00, v47  }
0x3cd: {  	v58, _, _ =	vpop (xrf2)  }
0x3ce: {  	s12 =	ssub.f32 $0.0e+00, s12;
	(v2sf) =	vpush v58, $0xF;
	v59, _, _ =	vpop (xrf2);
	v46 =	vmul.f32 v47, v46  }
0x3cf: {  	(v2sf) =	vpush v59, $0xF  }
0x3d0: {  	(v2sf) =	vpush v24, $0x1;
	v24 =	vmul.f32 s12, v46;
	v25 =	vmul.f32 v46, v25  }
0x3d1: {  	v26 =	vmul.f32 v46, v26  }
0x3d2: {  	v27 =	vmul.f32 v46, v27;
	v28 =	vmul.f32 v46, v28;
	v25 =	vadd.f32 v24, v25  }
0x3d3: {  	v29 =	vmul.f32 v46, v29;
	v30 =	vmul.f32 v46, v30;
	v26 =	vadd.f32 v24, v26  }
0x3d4: {  	v32 =	vmul.f32 v46, v32;
	v27 =	vadd.f32 v24, v27;
	v25 =	vmul.f32 v25, v2  }
0x3d5: {  	v31 =	vmul.f32 v46, v31;
	v28 =	vadd.f32 v24, v28;
	v26 =	vmul.f32 v26, v0  }
0x3d6: {  	v29 =	vadd.f32 v24, v29;
	v27 =	vmul.f32 v27, v1;
	v25 =	vadd.f32 v25, v9  }
0x3d7: {  	s12 =	sadd.s32 $0x100, s29;
	v30 =	vadd.f32 v24, v30;
	v28 =	vmul.f32 v28, v3;
	v26 =	vadd.f32 v26, v7  }
0x3d8: {  	[tilespmem:s12+$0xFFFFFF10] =	vst v25;
	v25 =	vadd.f32 v27, v8;
	v27 =	vmul.f32 v29, v4;
	v29 =	vadd.f32 v24, v32  }
0x3d9: {  	[tilespmem:s12+$0xFFFFFF20] =	vst v26;
	v26 =	vadd.f32 v28, v10;
	v28 =	vmul.f32 v30, v5;
	v24 =	vadd.f32 v24, v31  }
0x3da: {  	[tilespmem:s12+$0xFFFFFF30] =	vst v25;
	v25 =	vadd.f32 v27, v11;
	v27 =	vmul.f32 v29, v6  }
0x3db: {  	[tilespmem:s12+$0xFFFFFF40] =	vst v26;
	v26 =	vadd.f32 v28, v12;
	v24 =	vmul.f32 v24, v14  }
0x3dc: {  	[tilespmem:s12+$0xFFFFFF50] =	vst v25;
	v25 =	vadd.f32 v27, v13  }
0x3dd: {  	s22 =	spop (v2sf);
	[tilespmem:s12+$0xFFFFFF60] =	vst v26;
	v24 =	vadd.f32 v24, v15  }
0x3de: {  	s25 =	spop (v2sf);
	[tilespmem:s12+$0xFFFFFF70] =	vst v25  }
0x3df: {  	s31 =	spop (v2sf);
	[tilespmem:s12+$0xFFFFFF80] =	vst v24  }
0x3e0: {  	v24 =	vld [tilespmem:s31+$0x1C400]  }
0x3e1: {  	v25 =	vld [tilespmem:s31+$0x1C410]  }
0x3e2: {  	v26 =	vld [tilespmem:s31+$0x1C420]  }
0x3e3: {  	v27 =	vld [tilespmem:s3+$0x0]  }
0x3e4: {  	v28 =	vld [tilespmem:s30+$0xFFFFFF90]  }
0x3e5: {  	v29 =	vld [tilespmem:s3+$0x10]  }
0x3e6: {  	v30 =	vld [tilespmem:s30+$0xFFFFFFA0]  }
0x3e7: {  	v31 =	vld [tilespmem:s3+$0x20]  }
0x3e8: {  	v32 =	vld [tilespmem:s30+$0xFFFFFFB0]  }
0x3e9: {  	v46 =	vld [tilespmem:s3+$0x30]  }
0x3ea: {  	v47 =	vld [tilespmem:s30+$0xFFFFFFC0]  }
0x3eb: {  	v48 =	vld [tilespmem:s3+$0x40]  }
0x3ec: {  	v60 =	vld [tilespmem:s30+$0xFFFFFFD0]  }
0x3ed: {  	v61 =	vld [tilespmem:s3+$0x50]  }
0x3ee: {  	v62 =	vld [tilespmem:s30+$0xFFFFFFE0]  }
0x3ef: {  	v52 =	vld [tilespmem:s3+$0x60]  }
0x3f0: {  	v63 =	vld [tilespmem:s30+$0xFFFFFFF0]  }
0x3f1: {  	v54 =	vld [tilespmem:s3+$0x70]  }
0x3f2: {  	v55 =	vld [tilespmem:s30+$0x0]  }
0x3f3: {  	v56 =	vld [tilespmem:s31+$0x1C430];
	v27 =	vadd.f32 v28, v27  }
0x3f4: {  	v57 =	vld [tilespmem:s31+$0x1C440];
	v28 =	vadd.f32 v30, v29;
	v31 =	vadd.f32 v32, v31  }
0x3f5: {  	v58 =	vld [tilespmem:s31+$0x1C450];
	v32 =	vadd.f32 v47, v46;
	v60 =	vadd.f32 v60, v48  }
0x3f6: {  	v46 =	vld [tilespmem:s31+$0x1C460];
	v61 =	vadd.f32 v62, v61;
	v63 =	vadd.f32 v63, v52  }
0x3f7: {  	v62 =	vld [tilespmem:s31+$0x1C470];
	v59 =	vadd.f32 v55, v54;
	v30 =	vadd.f32 v24, v27  }
0x3f8: {  	v29 =	vadd.f32 v25, v28;
	v28 =	vadd.f32 v26, v31  }
0x3f9: {  	v27 =	vadd.f32 v56, v32;
	v26 =	vadd.f32 v57, v60  }
0x3fa: {  	v25 =	vadd.f32 v58, v61;
	v32 =	vadd.f32 v29, v30;
	v47 =	vmul.f32 v29, v29  }
0x3fb: {  	v48 =	vadd.f32 v27, v28;
	v49 =	vmul.f32 v28, v28;
	v60 =	vmul.f32 v27, v27  }
0x3fc: {  	v52 =	vmul.f32 v26, v26;
	v24 =	vadd.f32 v46, v63;
	v31 =	vadd.f32 v62, v59  }
0x3fd: {  	v51 =	vadd.f32 v25, v26;
	v61 =	vmul.f32 v25, v25;
	v46 =	vmul.f32 v30, v30  }
0x3fe: {  	v60 =	vadd.f32 v60, v49;
	v62 =	vmul.f32 v24, v24;
	v63 =	vmul.f32 v31, v31  }
0x3ff: {  	v61 =	vadd.f32 v61, v52;
	v54 =	vadd.f32 v31, v24  }
0x400: {  	v46 =	vadd.f32 v47, v46;
	v62 =	vadd.f32 v63, v62  }
0x401: {  	v32 =	vadd.f32 v48, v32;
	v63 =	vadd.f32 v54, v51  }
0x402: {  	v46 =	vadd.f32 v60, v46;
	v49 =	vadd.f32 v62, v61  }
0x403: {  	v32 =	vadd.f32 v63, v32  }
0x404: {  	v46 =	vadd.f32 v49, v46  }
0x405: {  	(xrf2) =	vadd.scan.msk.f32 $0xffff, v32  }
0x406: {  	(xrf2) =	vadd.scan.msk.f32 $0xffff, v46;
	_ =	sdelay $0x7  }
0x407: {  	v50 =	vsub.s32 $0x5F3759DF, v45  }
0x408: {  	v52 =	vmul.f32 v50, v36;
	v51, _, _ =	vpop (xrf2)  }
0x409: {  	s18 =	smul.f32 $7.812500000e-03, s22;
	(v2sf) =	vpush v51, $0xF;
	v53, _, _ =	vpop (xrf2)  }
0x40a: {  	v54 =	vmul.f32 v50, v52;
	(v2sf) =	vpush v53, $0xF  }
0x40b: {  	s20 =	smul.f32 s18, s18  }
0x40c: {  	s19 =	smul.f32 $7.812500000e-03, s25;
	v45 =	vsub.f32 $1.500000000e+00, v54;
	_ =	sdelay $0x1  }
0x40d: {  	s3 =	ssub.f32 s19, s20;
	v32 =	vmul.f32 v50, v45;
	_ =	sdelay $0x1  }
0x40e: {  	s3 =	sadd.f32 $9.999999740e-06, s3;
	v45 =	vmul.f32 v32, v36;
	_ =	sdelay $0x1  }
0x40f: {  	v55 =	vmov s3;
	v45 =	vmul.f32 v45, v32  }
0x410: {  	v56 =	vshra.s32 v55, $0x1;
	v46 =	vmul.f32 $5.000000000e-01, v55  }
0x411: {  	v57 =	vsub.s32 $0x5F3759DF, v56;
	v45 =	vsub.f32 $1.500000000e+00, v45  }
0x412: {  	v47 =	vmul.f32 v57, v46  }
0x413: {  	v32 =	vmul.f32 v45, v32  }
0x414: {  	v47 =	vmul.f32 v57, v47  }
0x415: {  	v58 =	vmul.f32 v32, v36;
	s22 =	spop (v2sf)  }
0x416: {  	v47 =	vsub.f32 $1.500000000e+00, v47;
	s3 =	smul.f32 $7.812500000e-03, s22;
	s25 =	spop (v2sf)  }
0x417: {  	v36 =	vmul.f32 v58, v32;
	s19 =	smul.f32 $7.812500000e-03, s25  }
0x418: {  	v45 =	vmul.f32 v57, v47;
	s31 =	smul.f32 s3, s3  }
0x419: {  	v36 =	vsub.f32 $1.500000000e+00, v36  }
0x41a: {  	v59 =	vmul.f32 v45, v46;
	s19 =	ssub.f32 s19, s31  }
0x41b: {  	s6 =	ssub.f32 $0.0e+00, s6;
	v32 =	vmul.f32 v36, v32  }
0x41c: {  	v33 =	vadd.f32 v33, v11;
	v36 =	vmul.f32 v59, v45;
	s19 =	sadd.f32 $9.999999740e-06, s19  }
0x41d: {  	v34 =	vadd.f32 v34, v12;
	v60 =	vmul.f32 s6, v32;
	v23 =	vmul.f32 v32, v23  }
0x41e: {  	v36 =	vsub.f32 $1.500000000e+00, v36;
	v18 =	vmul.f32 v32, v18;
	v61 =	vmov s19  }
0x41f: {  	v16 =	vmul.f32 v32, v16;
	v62 =	vshra.s32 v61, $0x1;
	v48 =	vmul.f32 $5.000000000e-01, v61  }
0x420: {  	v19 =	vmul.f32 v32, v19;
	v17 =	vmul.f32 v32, v17;
	v49 =	vsub.s32 $0x5F3759DF, v62  }
0x421: {  	v35 =	vadd.f32 v35, v13;
	v20 =	vmul.f32 v32, v20;
	v63 =	vmul.f32 v49, v48  }
0x422: {  	v21 =	vmul.f32 v32, v21;
	v23 =	vadd.f32 v60, v23;
	v36 =	vmul.f32 v36, v45  }
0x423: {  	v18 =	vadd.f32 v60, v18;
	v16 =	vadd.f32 v60, v16;
	v51 =	vmul.f32 v49, v63  }
0x424: {  	v22 =	vmul.f32 v32, v22;
	v19 =	vadd.f32 v60, v19;
	v17 =	vadd.f32 v60, v17  }
0x425: {  	v23 =	vmul.f32 v23, v14;
	v46 =	vmul.f32 v36, v46;
	v45 =	vsub.f32 $1.500000000e+00, v51  }
0x426: {  	v20 =	vadd.f32 v60, v20;
	v18 =	vmul.f32 v18, v2;
	v16 =	vmul.f32 v16, v0  }
0x427: {  	v21 =	vadd.f32 v60, v21;
	v46 =	vmul.f32 v46, v36;
	v45 =	vmul.f32 v49, v45  }
0x428: {  	v22 =	vadd.f32 v60, v22;
	v19 =	vmul.f32 v19, v1;
	v17 =	vmul.f32 v17, v3  }
0x429: {  	v20 =	vmul.f32 v20, v4;
	v52 =	vsub.f32 $1.500000000e+00, v46;
	v53 =	vmul.f32 v45, v48  }
0x42a: {  	v21 =	vmul.f32 v21, v5;
	v23 =	vadd.f32 v23, v15;
	v18 =	vadd.f32 v18, v9  }
0x42b: {  	s18 =	ssub.f32 $0.0e+00, s18;
	v16 =	vadd.f32 v16, v7;
	v32 =	vmul.f32 v52, v36;
	v54 =	vmul.f32 v53, v45  }
0x42c: {  	v22 =	vmul.f32 v22, v6;
	v19 =	vadd.f32 v19, v8;
	v17 =	vadd.f32 v17, v10  }
0x42d: {  	v55 =	vmul.f32 s18, v32;
	v44 =	vmul.f32 v32, v44;
	v36 =	vsub.f32 $1.500000000e+00, v54  }
0x42e: {  	v20 =	vadd.f32 v20, v11;
	v58 =	vmul.f32 v32, v41;
	v59 =	vmul.f32 v32, v43  }
0x42f: {  	v21 =	vadd.f32 v21, v12;
	[tilespmem:s23+$0xFFFFFF90] =	vst v18;
	v18 =	vmul.f32 v32, v37;
	v36 =	vmul.f32 v36, v45  }
0x430: {  	v22 =	vadd.f32 v22, v13;
	[tilespmem:s23+$0xFFFFFFA0] =	vst v16;
	v41 =	vmul.f32 v32, v38;
	v16 =	vmul.f32 v32, v39  }
0x431: {  	[tilespmem:s23+$0x0] =	vst v23;
	v44 =	vadd.f32 v55, v44;
	v23 =	vadd.f32 v55, v58;
	v57 =	vmul.f32 v36, v48  }
0x432: {  	[tilespmem:s23+$0xFFFFFFC0] =	vst v17;
	v60 =	vmul.f32 v32, v42;
	v18 =	vadd.f32 v55, v18;
	v17 =	vadd.f32 v55, v41  }
0x433: {  	[tilespmem:s15+$0xFFFFFFD0] =	vst v33;
	v16 =	vadd.f32 v55, v16;
	v56 =	vmul.f32 v44, v14;
	v61 =	vmul.f32 v57, v36  }
0x434: {  	[tilespmem:s23+$0xFFFFFFB0] =	vst v19;
	v44 =	vadd.f32 v55, v60;
	v19 =	vmul.f32 v23, v2;
	v62 =	vmul.f32 v32, v40  }
0x435: {  	[tilespmem:s15+$0xFFFFFFE0] =	vst v34;
	v18 =	vmul.f32 v18, v4;
	v17 =	vmul.f32 v17, v5;
	v43 =	vsub.f32 $1.500000000e+00, v61  }
0x436: {  	[tilespmem:s15+$0xFFFFFFF0] =	vst v35;
	v16 =	vmul.f32 v16, v6;
	v32 =	vmul.f32 v44, v1;
	v34 =	vadd.f32 v55, v62  }
0x437: {  	[tilespmem:s23+$0xFFFFFFE0] =	vst v21;
	s3 =	ssub.f32 $0.0e+00, s3;
	v33 =	vadd.f32 v56, v15;
	v19 =	vadd.f32 v19, v9;
	v23 =	vmul.f32 v43, v36  }
0x438: {  	[tilespmem:s23+$0xFFFFFFF0] =	vst v22;
	v18 =	vadd.f32 v18, v11;
	v22 =	vadd.f32 v32, v8;
	v21 =	vmul.f32 v34, v3  }
0x439: {  	[tilespmem:s23+$0xFFFFFFD0] =	vst v20;
	v63 =	vadd.f32 v55, v59;
	v20 =	vmul.f32 s3, v23;
	v31 =	vmul.f32 v23, v31  }
0x43a: {  	v17 =	vadd.f32 v17, v12;
	[tilespmem:s29+$0x0] =	vst v33;
	v21 =	vadd.f32 v21, v10;
	v29 =	vmul.f32 v23, v29  }
0x43b: {  	v16 =	vadd.f32 v16, v13;
	[tilespmem:s29+$0xFFFFFFB0] =	vst v22;
	v45 =	vmul.f32 v63, v0;
	v31 =	vadd.f32 v20, v31  }
0x43c: {  	[tilespmem:s29+$0xFFFFFFC0] =	vst v21;
	v22 =	vmul.f32 v23, v28;
	v26 =	vmul.f32 v23, v26;
	v21 =	vadd.f32 v20, v29  }
0x43d: {  	[tilespmem:s29+$0xFFFFFF90] =	vst v19;
	v46 =	vadd.f32 v45, v7;
	v19 =	vmul.f32 v23, v30;
	v14 =	vmul.f32 v31, v14  }
0x43e: {  	[tilespmem:s29+$0xFFFFFFF0] =	vst v16;
	v22 =	vadd.f32 v20, v22;
	v16 =	vadd.f32 v20, v26;
	v48 =	vmul.f32 v21, v0  }
0x43f: {  	[tilespmem:s29+$0xFFFFFFD0] =	vst v18;
	v14 =	vadd.f32 v14, v15;
	v15 =	vadd.f32 v20, v19;
	v19 =	vmul.f32 v23, v27  }
0x440: {  	[tilespmem:s29+$0xFFFFFFE0] =	vst v17;
	v49 =	vmul.f32 v22, v1  }
0x441: {  	[tilespmem:s29+$0xFFFFFFA0] =	vst v46;
	v52 =	vmul.f32 v16, v4;
	v0 =	vadd.f32 v48, v7;
	v17 =	vadd.f32 v20, v19  }
0x442: {  	v18 =	vmul.f32 v23, v25;
	v1 =	vadd.f32 v49, v8;
	v47 =	vmul.f32 v15, v2;
	[tilespmem:s12+$0x0] =	vst v14  }
0x443: {  	v56 =	vadd.f32 v52, v11;
	v15 =	vmul.f32 v23, v24;
	[tilespmem:s12+$0xFFFFFFA0] =	vst v0;
	v50 =	vmul.f32 v17, v3  }
0x444: {  	[tilespmem:s12+$0xFFFFFFB0] =	vst v1;
	v2 =	vadd.f32 v47, v9;
	v9 =	vadd.f32 v20, v18  }
0x445: {  	[tilespmem:s12+$0xFFFFFFD0] =	vst v56;
	v51 =	vadd.f32 v20, v15;
	v54 =	vadd.f32 v50, v10  }
0x446: {  	[tilespmem:s12+$0xFFFFFF90] =	vst v2;
	v53 =	vmul.f32 v9, v5  }
0x447: {  	v55 =	vmul.f32 v51, v6;
	[tilespmem:s12+$0xFFFFFFC0] =	vst v54  }
0x448: {  	p2 =	seq.s32 s21, $0x3F;
	v57 =	vadd.f32 v53, v12;
	s3 =	rddreg [dreg:$0xe]  }
0x449: {  	v58 =	vadd.f32 v55, v13;
	s3 =	sadd.s32 @!p2 s13, s3  }
0x44a: {  	[tilespmem:s12+$0xFFFFFFE0] =	vst v57;
	s3 =	sshrl.u32 @!p2 s3, $0x3  }
0x44b: {  	[tilespmem:s12+$0xFFFFFFF0] =	vst v58;
	s12 =	simm.s32 @!p2 $0x0;
	s6 =	sadd.s32 @!p2 s9, s3  }
0x44c: {  	[tilespmem:s12], [sflag:$0x3] =	stream.linear.gather @!p2 [hbm4b:s6+s12], $0x40, $0x38;
	[tilespmem:$0x1C600] =	vst v63  }
0x44d: {  	s19 =	sadd.s32 s10, s13;
	s3 =	sadd.s32 @!p2 s11, s3;
	s6 =	simm.s32 @!p2 $0x200  }
0x44e: {  	[tilespmem:s6], [sflag:$0x3] =	stream.linear.gather @!p2 [hbm4b:s3+s12], $0x40, $0x38;
	[tilespmem:$0x1C600] =	vst v63  }
0x44f: {  	s3 =	sshll.u32 s19, $0x4  }
0x450: {  	s20 =	simm.s32 $0x4400;
	s3 =	sadd.s32 s24, s3  }
0x451: {  	[hbm4b:s3+s8] =	stream.linear.scatter [tilespmem:s20], [sflag:$0x7], $0x4000, $0x38;
	[tilespmem:$0x1C600] =	vst v63  }
0x452: {  	_ =	swait.ge [sflag:s0], $0x40  }
0x453: {  	[sflag:s0] =	ssyncset.done $0x0  }
0x454: {  	[sflag:s0] =	ssyncadd.s32 $0xFFFFFFC0  }
0x455: {  	_ =	swait.ge [sflag:s0], $0x40  }
0x456: {  	[sflag:s0] =	ssyncset.done $0x0  }
0x457: {  	s23 =	simm.s32 $0x180;
	s22 =	simm.s32 $0x2400;
	[sflag:s0] =	ssyncadd.s32 $0xFFFFFFC0  }
0x458: {  	[tilespmem:s22], [sflag:$0x2] =	stream.indirect.gather [hbm4b:s1+s2], $0x80, s23, s2, $0xb8;
	[tilespmem:$0x1C600] =	vst v63  }
0x459: {  	_ =	swait.ge [sflag:s4], $0x2000  }
0x45a: {  	[sflag:s4] =	ssyncset.done $0x0  }
0x45b: {  	s3 =	simm.s32 @!p1 $0x8;
	[sflag:s4] =	ssyncadd.s32 $0xFFFFE000  }
0x45c: {  	_ =	swait.ge @!p1 [sflag:s3], $0x4000  }
0x45d: {  	[sflag:s3] =	ssyncset.done @!p1 $0x0  }
0x45e: {  	s25 =	simm.s32 $0x300;
	[sflag:s3] =	ssyncadd.s32 @!p1 $0xFFFFC000  }
0x45f: {  	v59 =	vld [tilespmem:s25+$0x0];
	_ =	sdelay $0x4  }
0x460: {  	v0 =	vshll.u32 v59, $0x9  }
0x461: {  	s23 =	simm.s32 $0x0;
	v26 =	vshra.s32 v0, $0x2  }
0x462: {  	v60 =	vld [tilespmem:s23+$0x400];
	(v2sf) =	vpush v26, $0x0  }
0x463: {  	v61 =	vld [tilespmem:s23+$0x410]  }
0x464: {  	v62 =	vld [tilespmem:s23+$0x420]  }
0x465: {  	v16 =	vmov s7;
	v63 =	vld [tilespmem:s23+$0x430]  }
0x466: {  	v32 =	vld [tilespmem:s23+$0x440]  }
0x467: {  	v33 =	vld [tilespmem:s23+$0x450]  }
0x468: {  	v34 =	vld [tilespmem:s23+$0x460]  }
0x469: {  	v35 =	vld [tilespmem:s23+$0x470]  }
0x46a: {  	v8 =	vld.idx.msk [tilespmem:v16+s23+$0x4000 ss:$0x1], $0xffff  }
0x46b: {  	v9 =	vld.idx.msk [tilespmem:v16+s23+$0x4010 ss:$0x1], $0xffff  }
0x46c: {  	v10 =	vld.idx.msk [tilespmem:v16+s23+$0x4020 ss:$0x1], $0xffff  }
0x46d: {  	v11 =	vld.idx.msk [tilespmem:v16+s23+$0x4030 ss:$0x1], $0xffff  }
0x46e: {  	v12 =	vld.idx.msk [tilespmem:v16+s23+$0x4040 ss:$0x1], $0xffff  }
0x46f: {  	v13 =	vld.idx.msk [tilespmem:v16+s23+$0x4050 ss:$0x1], $0xffff  }
0x470: {  	v14 =	vld.idx.msk [tilespmem:v16+s23+$0x4060 ss:$0x1], $0xffff  }
0x471: {  	v15 =	vld.idx.msk [tilespmem:v16+s23+$0x4070 ss:$0x1], $0xffff;
	s29 =	spop (v2sf)  }
0x472: {  	v17 =	vld [tilespmem:s29+$0x1C400]  }
0x473: {  	v18 =	vld [tilespmem:s29+$0x1C410]  }
0x474: {  	v19 =	vld [tilespmem:s29+$0x1C420]  }
0x475: {  	v20 =	vld [tilespmem:s29+$0x1C430]  }
0x476: {  	v21 =	vld [tilespmem:s29+$0x1C440]  }
0x477: {  	v1 =	vadd.f32 v9, v61;
	v0 =	vadd.f32 v8, v60;
	v8 =	vld [tilespmem:s29+$0x1C450]  }
0x478: {  	v2 =	vadd.f32 v10, v62;
	v3 =	vadd.f32 v11, v63;
	v9 =	vld [tilespmem:s29+$0x1C460]  }
0x479: {  	v4 =	vadd.f32 v12, v32;
	v5 =	vadd.f32 v13, v33;
	v10 =	vld [tilespmem:s29+$0x1C470]  }
0x47a: {  	v6 =	vadd.f32 v14, v34;
	v36 =	vadd.f32 v15, v35  }
0x47b: {  	v11 =	vadd.f32 v17, v0;
	v13 =	vadd.f32 v18, v1  }
0x47c: {  	v32 =	vadd.f32 v19, v2;
	v31 =	vadd.f32 v20, v3  }
0x47d: {  	v30 =	vadd.f32 v21, v4;
	v29 =	vadd.f32 v8, v5  }
0x47e: {  	v27 =	vadd.f32 v9, v6;
	v28 =	vadd.f32 v10, v36  }
0x47f: {  	v37 =	vadd.f32 v13, v11;
	v38 =	vmul.f32 v11, v11;
	v39 =	vmul.f32 v13, v13  }
0x480: {  	v3 =	vadd.f32 v31, v32;
	v40 =	vmul.f32 v32, v32;
	v41 =	vmul.f32 v31, v31  }
0x481: {  	v42 =	vadd.f32 v29, v30;
	v43 =	vmul.f32 v30, v30;
	v8 =	vmul.f32 v29, v29  }
0x482: {  	v9 =	vadd.f32 v28, v27;
	v10 =	vmul.f32 v27, v27;
	v12 =	vmul.f32 v28, v28  }
0x483: {  	v1 =	vadd.f32 v39, v38;
	v44 =	vadd.f32 v41, v40  }
0x484: {  	v45 =	vadd.f32 v8, v43;
	v46 =	vadd.f32 v12, v10  }
0x485: {  	v0 =	vadd.f32 v3, v37;
	v47 =	vadd.f32 v9, v42  }
0x486: {  	v1 =	vadd.f32 v44, v1;
	v48 =	vadd.f32 v46, v45  }
0x487: {  	v0 =	vadd.f32 v47, v0  }
0x488: {  	v1 =	vadd.f32 v48, v1  }
0x489: {  	(xrf2) =	vadd.scan.msk.f32 $0xffff, v0  }
0x48a: {  	(xrf2) =	vadd.scan.msk.f32 $0xffff, v1;
	_ =	sdelay $0x8  }
0x48b: {  	v0, _, _ =	vpop (xrf2)  }
0x48c: {  	(v2sf) =	vpush v0, $0xF;
	v49, _, _ =	vpop (xrf2)  }
0x48d: {  	(v2sf) =	vpush v49, $0xF;
	_ =	sdelay $0x6  }
0x48e: {  	s31 =	simm.s32 $0x302  }
0x48f: {  	v50 =	vld [tilespmem:s31+$0x0];
	_ =	sdelay $0x4  }
0x490: {  	v0 =	vshll.u32 v50, $0x9  }
0x491: {  	s15 =	simm.s32 $0x100;
	v17 =	vshra.s32 v0, $0x2;
	s6 =	spop (v2sf)  }
0x492: {  	v51 =	vld [tilespmem:s15+$0x400];
	(v2sf) =	vpush v17, $0x0;
	s3 =	smul.f32 $7.812500000e-03, s6;
	s7 =	spop (v2sf)  }
0x493: {  	v52 =	vld [tilespmem:s15+$0x410];
	s6 =	smul.f32 $7.812500000e-03, s7  }
0x494: {  	v53 =	vld [tilespmem:s15+$0x420];
	s12 =	smul.f32 s3, s3  }
0x495: {  	v54 =	vld [tilespmem:s15+$0x430]  }
0x496: {  	v55 =	vld [tilespmem:s15+$0x440];
	s6 =	ssub.f32 s6, s12  }
0x497: {  	v56 =	vld [tilespmem:s15+$0x450]  }
0x498: {  	v57 =	vld [tilespmem:s15+$0x460];
	s6 =	sadd.f32 $9.999999740e-06, s6  }
0x499: {  	v58 =	vld [tilespmem:s15+$0x470]  }
0x49a: {  	v22 =	vld.idx.msk [tilespmem:v16+s15+$0x4070 ss:$0x1], $0xffff;
	v8 =	vmov s6  }
0x49b: {  	v14 =	vld.idx.msk [tilespmem:v16+s15+$0x4020 ss:$0x1], $0xffff;
	v12 =	vshra.s32 v8, $0x1;
	v8 =	vmul.f32 $5.000000000e-01, v8  }
0x49c: {  	v15 =	vld.idx.msk [tilespmem:v16+s15+$0x4030 ss:$0x1], $0xffff;
	v12 =	vsub.s32 $0x5F3759DF, v12  }
0x49d: {  	v19 =	vld.idx.msk [tilespmem:v16+s15+$0x4040 ss:$0x1], $0xffff;
	v18 =	vmul.f32 v12, v8  }
0x49e: {  	v20 =	vld.idx.msk [tilespmem:v16+s15+$0x4050 ss:$0x1], $0xffff  }
0x49f: {  	v21 =	vld.idx.msk [tilespmem:v16+s15+$0x4060 ss:$0x1], $0xffff;
	v18 =	vmul.f32 v12, v18  }
0x4a0: {  	v9 =	vld.idx.msk [tilespmem:v16+s15+$0x4000 ss:$0x1], $0xffff  }
0x4a1: {  	v10 =	vld.idx.msk [tilespmem:v16+s15+$0x4010 ss:$0x1], $0xffff;
	s18 =	spop (v2sf);
	v18 =	vsub.f32 $1.500000000e+00, v18  }
0x4a2: {  	v23 =	vld [tilespmem:s18+$0x1C400]  }
0x4a3: {  	v24 =	vld [tilespmem:s18+$0x1C410];
	v12 =	vmul.f32 v12, v18  }
0x4a4: {  	v59 =	vld [tilespmem:s18+$0x1C430]  }
0x4a5: {  	v0 =	vadd.f32 v9, v51;
	v9 =	vld [tilespmem:s18+$0x1C440];
	v25 =	vmul.f32 v12, v8  }
0x4a6: {  	v1 =	vadd.f32 v10, v52;
	v10 =	vadd.f32 v14, v53;
	v14 =	vld [tilespmem:s18+$0x1C450]  }
0x4a7: {  	v7 =	vadd.f32 v22, v58;
	v61 =	vld [tilespmem:s18+$0x1C470];
	v60 =	vmul.f32 v25, v12  }
0x4a8: {  	v3 =	vadd.f32 v15, v54;
	v4 =	vadd.f32 v19, v55;
	v18 =	vld [tilespmem:s18+$0x1C420]  }
0x4a9: {  	v19 =	vadd.f32 v20, v56;
	v15 =	vld [tilespmem:s18+$0x1C460];
	v2 =	vsub.f32 $1.500000000e+00, v60  }
0x4aa: {  	v6 =	vadd.f32 v21, v57;
	v24 =	vadd.f32 v24, v1  }
0x4ab: {  	v22 =	vadd.f32 v59, v3;
	v21 =	vadd.f32 v9, v4;
	v12 =	vmul.f32 v2, v12  }
0x4ac: {  	v20 =	vadd.f32 v14, v19;
	v19 =	vadd.f32 v61, v7  }
0x4ad: {  	v25 =	vadd.f32 v23, v0;
	v23 =	vadd.f32 v18, v10;
	v8 =	vmul.f32 v12, v8  }
0x4ae: {  	v18 =	vadd.f32 v15, v6;
	v0 =	vmul.f32 v24, v24;
	v46 =	vmul.f32 v22, v22  }
0x4af: {  	v5 =	vld [tilespmem:$0x1C510];
	v15 =	vadd.f32 v20, v21;
	v48 =	vmul.f32 v21, v21;
	v62 =	vmul.f32 v8, v12  }
0x4b0: {  	v43 =	vld [tilespmem:$0x1C500];
	v50 =	vmul.f32 v20, v20;
	v9 =	vadd.f32 v24, v25;
	v63 =	vmul.f32 v25, v25  }
0x4b1: {  	v44 =	vld [tilespmem:$0x1C570];
	v10 =	vadd.f32 v22, v23;
	v45 =	vmul.f32 v23, v23;
	v47 =	vsub.f32 $1.500000000e+00, v62  }
0x4b2: {  	v1 =	vld [tilespmem:$0x1C530];
	v49 =	vadd.f32 v19, v18;
	v52 =	vmul.f32 v18, v18;
	v38 =	vadd.f32 v50, v48  }
0x4b3: {  	v3 =	vld [tilespmem:$0x1C540];
	v33 =	vadd.f32 v0, v63;
	v37 =	vmul.f32 v47, v12;
	v12 =	vmul.f32 v19, v19  }
0x4b4: {  	v4 =	vld [tilespmem:$0x1C550];
	v51 =	vadd.f32 v10, v9;
	v15 =	vadd.f32 v49, v15  }
0x4b5: {  	v7 =	vld [tilespmem:$0x1C580];
	v53 =	vadd.f32 v46, v45;
	v56 =	vadd.f32 v12, v52  }
0x4b6: {  	v14 =	vld [tilespmem:$0x1C5B0];
	v57 =	vadd.f32 v15, v51  }
0x4b7: {  	v6 =	vld [tilespmem:$0x1C560];
	v33 =	vadd.f32 v53, v33;
	v59 =	vadd.f32 v56, v38  }
0x4b8: {  	s3 =	ssub.f32 $0.0e+00, s3;
	v2 =	vld [tilespmem:$0x1C520];
	(xrf2) =	vadd.scan.msk.f32 $0xffff, v57  }
0x4b9: {  	(v2sf) =	vpush v26, $0x1;
	v63 =	vld [tilespmem:$0x1C5D0];
	v26 =	vadd.f32 v59, v33  }
0x4ba: {  	v0 =	vld [tilespmem:$0x1C5E0];
	v54 =	vmul.f32 s3, v37;
	v55 =	vmul.f32 v37, v11  }
0x4bb: {  	v10 =	vld [tilespmem:$0x1C5C0];
	v58 =	vmul.f32 v37, v13;
	(xrf2) =	vadd.scan.msk.f32 $0xffff, v26;
	v26 =	vmul.f32 v37, v30  }
0x4bc: {  	v8 =	vld [tilespmem:$0x1C590];
	v32 =	vmul.f32 v37, v32;
	v31 =	vmul.f32 v37, v31;
	v36 =	vadd.f32 v54, v55  }
0x4bd: {  	[tilespmem:$0x1FFD0] =	vst v43;
	v9 =	vld [tilespmem:$0x1C5A0];
	v29 =	vmul.f32 v37, v29;
	v60 =	vadd.f32 v54, v58;
	v26 =	vadd.f32 v54, v26  }
0x4be: {  	v62 =	vld [tilespmem:s23+$0x490];
	v27 =	vmul.f32 v37, v27;
	v32 =	vadd.f32 v54, v32;
	v36 =	vmul.f32 v36, v43  }
0x4bf: {  	s19 =	simm.s32 $0x304;
	v11 =	vld [tilespmem:$0x1C5F0];
	v31 =	vadd.f32 v54, v31;
	v61 =	vmul.f32 v60, v5;
	v26 =	vmul.f32 v26, v3  }
0x4c0: {  	v52 =	vld [tilespmem:s19+$0x0];
	v29 =	vadd.f32 v54, v29;
	v32 =	vmul.f32 v32, v2;
	v36 =	vadd.f32 v36, v7  }
0x4c1: {  	v28 =	vmul.f32 v37, v28;
	v33 =	vld [tilespmem:s23+$0x480];
	v34 =	vadd.f32 v61, v8;
	v26 =	vadd.f32 v26, v10  }
0x4c2: {  	v27 =	vadd.f32 v54, v27;
	v31 =	vmul.f32 v31, v1;
	v51, _, _ =	vpop (xrf2);
	v30 =	vld [tilespmem:s23+$0x4A0];
	v32 =	vadd.f32 v32, v9;
	[tilespmem:s23+$0x8400] =	vst v36  }
0x4c3: {  	v28 =	vadd.f32 v54, v28;
	v29 =	vmul.f32 v29, v4;
	(v2sf) =	vpush v51, $0xF;
	v37 =	vld [tilespmem:s23+$0x4F0];
	[tilespmem:s23+$0x8410] =	vst v34  }
0x4c4: {  	v27 =	vmul.f32 v27, v6;
	v31 =	vadd.f32 v31, v14;
	v36 =	vld [tilespmem:s23+$0x4B0];
	[tilespmem:s23+$0x8420] =	vst v32  }
0x4c5: {  	v28 =	vmul.f32 v28, v44;
	v29 =	vadd.f32 v29, v63;
	v34 =	vld [tilespmem:s23+$0x4C0];
	[tilespmem:s23+$0x8440] =	vst v26;
	v26, _, _ =	vpop (xrf2)  }
0x4c6: {  	v27 =	vadd.f32 v27, v0;
	v32 =	vld [tilespmem:s23+$0x4D0];
	[tilespmem:s23+$0x8430] =	vst v31;
	(v2sf) =	vpush v26, $0xF  }
0x4c7: {  	s25 =	simm.s32 $0x200;
	v31 =	vld [tilespmem:s23+$0x4E0];
	[tilespmem:s23+$0x8450] =	vst v29;
	v26 =	vadd.f32 v28, v11  }
0x4c8: {  	[tilespmem:s23+$0x8460] =	vst v27;
	v27 =	vld [tilespmem:s25+$0x410]  }
0x4c9: {  	s20 =	spop (v2sf);
	v28 =	vld [tilespmem:s25+$0x400];
	[tilespmem:s23+$0x8470] =	vst v26  }
0x4ca: {  	v26 =	vld [tilespmem:s20+$0x1C400]  }
0x4cb: {  	v29 =	vld [tilespmem:s20+$0x1C410]  }
0x4cc: {  	v39 =	vld [tilespmem:s20+$0x1C420]  }
0x4cd: {  	v53 =	vld.idx.msk [tilespmem:v16+s23+$0x4080 ss:$0x1], $0xffff  }
0x4ce: {  	v54 =	vld.idx.msk [tilespmem:v16+s23+$0x4090 ss:$0x1], $0xffff  }
0x4cf: {  	v55 =	vld.idx.msk [tilespmem:v16+s23+$0x40A0 ss:$0x1], $0xffff  }
0x4d0: {  	v12 =	vmov v43;
	v43 =	vld.idx.msk [tilespmem:v16+s23+$0x40B0 ss:$0x1], $0xffff  }
0x4d1: {  	v56 =	vld.idx.msk [tilespmem:v16+s23+$0x40C0 ss:$0x1], $0xffff  }
0x4d2: {  	v35 =	vshll.u32 v52, $0x9;
	v57 =	vld.idx.msk [tilespmem:v16+s23+$0x40D0 ss:$0x1], $0xffff;
	s22 =	spop (v2sf)  }
0x4d3: {  	v15 =	vshra.s32 v35, $0x2;
	v58 =	vld.idx.msk [tilespmem:v16+s23+$0x40E0 ss:$0x1], $0xffff;
	s3 =	smul.f32 $7.812500000e-03, s22  }
0x4d4: {  	v59 =	vld.idx.msk [tilespmem:v16+s23+$0x40F0 ss:$0x1], $0xffff;
	[tilespmem:$0x1FFC0] =	vst v15  }
0x4d5: {  	v60 =	vld [tilespmem:s20+$0x1C430];
	s31 =	smul.f32 s3, s3;
	s29 =	spop (v2sf)  }
0x4d6: {  	(v2sf) =	vpush v15, $0x0;
	v61 =	vld [tilespmem:s20+$0x1C440];
	v33 =	vadd.f32 v53, v33;
	s7 =	smul.f32 $7.812500000e-03, s29  }
0x4d7: {  	v52 =	vld [tilespmem:s20+$0x1C460];
	v38 =	vadd.f32 v54, v62;
	v30 =	vadd.f32 v55, v30  }
0x4d8: {  	v62 =	vld [tilespmem:s20+$0x1C450];
	v36 =	vadd.f32 v43, v36;
	v53 =	vadd.f32 v56, v34;
	s18 =	ssub.f32 s7, s31  }
0x4d9: {  	v54 =	vadd.f32 v57, v32;
	v31 =	vadd.f32 v58, v31  }
0x4da: {  	v56 =	vadd.f32 v59, v37;
	v40 =	vadd.f32 v26, v33;
	s6 =	sadd.f32 $9.999999740e-06, s18  }
0x4db: {  	v50 =	vld [tilespmem:s25+$0x420];
	v15 =	vadd.f32 v29, v38;
	v58 =	vadd.f32 v60, v36  }
0x4dc: {  	v55 =	vld [tilespmem:s20+$0x1C470];
	v59 =	vadd.f32 v61, v53;
	v60 =	vadd.f32 v52, v31;
	v31 =	vmov s6  }
0x4dd: {  	v26 =	vld [tilespmem:s25+$0x430];
	[tilespmem:$0x1FF60] =	vst v15;
	v33 =	vadd.f32 v62, v54;
	v61 =	vshra.s32 v31, $0x1;
	v31 =	vmul.f32 $5.000000000e-01, v31  }
0x4de: {  	v13 =	vmovc v44;
	v57 =	vadd.f32 v39, v30;
	v46 =	vmul.f32 v40, v40;
	v29 =	vld [tilespmem:s25+$0x440];
	[tilespmem:$0x1FF80] =	vst v58;
	v44 =	vsub.s32 $0x5F3759DF, v61  }
0x4df: {  	v47 =	vmul.f32 v15, v15;
	v30 =	vld [tilespmem:s25+$0x450];
	[tilespmem:$0x1FFA0] =	vst v33;
	v62 =	vmul.f32 v44, v31  }
0x4e0: {  	v43 =	vadd.f32 v15, v40;
	v51 =	vmul.f32 v57, v57;
	v53 =	vmul.f32 v58, v58;
	v41 =	vld [tilespmem:s25+$0x460]  }
0x4e1: {  	v49 =	vadd.f32 v58, v57;
	v39 =	vadd.f32 v55, v56;
	v42 =	vld [tilespmem:s25+$0x470];
	v52 =	vmul.f32 v44, v62  }
0x4e2: {  	v34 =	vmul.f32 v59, v59;
	v46 =	vadd.f32 v47, v46;
	v51 =	vadd.f32 v53, v51;
	v45 =	vld.idx.msk [tilespmem:v16+s25+$0x4000 ss:$0x1], $0xffff  }
0x4e3: {  	v38 =	vmul.f32 v60, v60;
	v55 =	vadd.f32 v33, v59;
	v48 =	vld.idx.msk [tilespmem:v16+s25+$0x4010 ss:$0x1], $0xffff;
	[tilespmem:$0x1FF70] =	vst v57;
	v52 =	vsub.f32 $1.500000000e+00, v52  }
0x4e4: {  	v35 =	vadd.f32 v39, v60;
	v37 =	vmul.f32 v33, v33;
	v54 =	vld.idx.msk [tilespmem:v16+s25+$0x4020 ss:$0x1], $0xffff;
	[tilespmem:$0x1FF90] =	vst v59  }
0x4e5: {  	v57 =	vld.idx.msk [tilespmem:v16+s25+$0x4030 ss:$0x1], $0xffff;
	[tilespmem:$0x1FFB0] =	vst v60;
	v62 =	vmul.f32 v39, v39;
	v44 =	vmul.f32 v44, v52  }
0x4e6: {  	v43 =	vadd.f32 v49, v43;
	v33 =	vadd.f32 v35, v55;
	v47 =	vld.idx.msk [tilespmem:v16+s25+$0x4050 ss:$0x1], $0xffff  }
0x4e7: {  	v56 =	vadd.f32 v37, v34;
	v53 =	vld.idx.msk [tilespmem:v16+s25+$0x4060 ss:$0x1], $0xffff;
	v32 =	vadd.f32 v62, v38;
	v35 =	vmul.f32 v44, v31  }
0x4e8: {  	v55 =	vld.idx.msk [tilespmem:v16+s25+$0x4070 ss:$0x1], $0xffff;
	v43 =	vadd.f32 v33, v43  }
0x4e9: {  	v46 =	vadd.f32 v51, v46;
	s19 =	spop (v2sf);
	v61 =	vld.idx.msk [tilespmem:v16+s25+$0x4040 ss:$0x1], $0xffff;
	v34 =	vadd.f32 v32, v56;
	v49 =	vmul.f32 v35, v44  }
0x4ea: {  	(xrf2) =	vadd.scan.msk.f32 $0xffff, v43;
	v56 =	vld [tilespmem:s19+$0x1C410]  }
0x4eb: {  	v36 =	vld [tilespmem:s19+$0x1C420];
	v46 =	vadd.f32 v34, v46;
	v33 =	vsub.f32 $1.500000000e+00, v49  }
0x4ec: {  	v38 =	vld [tilespmem:s19+$0x1C440]  }
0x4ed: {  	v37 =	vld [tilespmem:s19+$0x1C430];
	v27 =	vadd.f32 v48, v27;
	(xrf2) =	vadd.scan.msk.f32 $0xffff, v46;
	v44 =	vmul.f32 v33, v44  }
0x4ee: {  	v28 =	vadd.f32 v45, v28;
	v60 =	vadd.f32 v54, v50;
	v52 =	vld [tilespmem:s19+$0x1C400]  }
0x4ef: {  	v62 =	vld [tilespmem:s19+$0x1C450];
	v29 =	vadd.f32 v61, v29;
	v50 =	vadd.f32 v56, v27;
	v27 =	vmul.f32 v44, v31  }
0x4f0: {  	v26 =	vadd.f32 v57, v26;
	v30 =	vadd.f32 v47, v30;
	v34 =	vld [tilespmem:s19+$0x1C460]  }
0x4f1: {  	v53 =	vadd.f32 v53, v41;
	v41 =	vadd.f32 v38, v29;
	v35 =	vld [tilespmem:s19+$0x1C470];
	v29 =	vmul.f32 v27, v44  }
0x4f2: {  	v47 =	vadd.f32 v36, v60;
	v48 =	vadd.f32 v37, v26  }
0x4f3: {  	v49 =	vadd.f32 v52, v28;
	v29 =	vsub.f32 $1.500000000e+00, v29  }
0x4f4: {  	v38 =	vmul.f32 v48, v48;
	v28 =	vadd.f32 v55, v42;
	v42 =	vadd.f32 v62, v30;
	v30, _, _ =	vpop (xrf2)  }
0x4f5: {  	s3 =	ssub.f32 $0.0e+00, s3;
	v26 =	vadd.f32 v34, v53;
	(v2sf) =	vpush v30, $0xF;
	v29 =	vmul.f32 v29, v44  }
0x4f6: {  	v46 =	vmul.f32 v47, v47;
	v31 =	vadd.f32 v48, v47;
	v27 =	vadd.f32 v35, v28  }
0x4f7: {  	v28 =	vadd.f32 v50, v49;
	v30, _, _ =	vpop (xrf2);
	v59 =	vmul.f32 s3, v29;
	v25 =	vmul.f32 v29, v25  }
0x4f8: {  	v57 =	vmul.f32 v41, v41;
	v58 =	vadd.f32 v27, v26;
	(v2sf) =	vpush v30, $0xF  }
0x4f9: {  	v37 =	vmul.f32 v50, v50;
	v30 =	vadd.f32 v42, v41;
	v25 =	vadd.f32 v59, v25  }
0x4fa: {  	(v2sf) =	vpush v17, $0x1;
	v24 =	vmul.f32 v29, v24;
	v17 =	vmul.f32 v29, v22;
	v22 =	vld [tilespmem:s15+$0x480];
	[tilespmem:$0x1FEB0] =	vst v5  }
0x4fb: {  	v28 =	vadd.f32 v31, v28;
	v30 =	vadd.f32 v58, v30;
	[tilespmem:$0x1FEC0] =	vst v7;
	v25 =	vmul.f32 v25, v12  }
0x4fc: {  	v36 =	vmul.f32 v49, v49;
	v44 =	vadd.f32 v38, v46;
	v46 =	vld [tilespmem:s15+$0x490];
	v24 =	vadd.f32 v59, v24  }
0x4fd: {  	v23 =	vmul.f32 v29, v23;
	v28 =	vadd.f32 v30, v28;
	v30 =	vld [tilespmem:s15+$0x4A0];
	[tilespmem:$0x1FED0] =	vst v2;
	v25 =	vadd.f32 v25, v7  }
0x4fe: {  	v60 =	vmul.f32 v42, v42;
	v43 =	vadd.f32 v37, v36;
	[tilespmem:$0x1FEE0] =	vst v8;
	v24 =	vmul.f32 v24, v5  }
0x4ff: {  	v31 =	vmul.f32 v26, v26;
	v61 =	vmul.f32 v27, v27;
	v23 =	vadd.f32 v59, v23;
	[tilespmem:s15+$0x8400] =	vst v25  }
0x500: {  	v24 =	vadd.f32 v24, v8;
	v25 =	vadd.f32 v44, v43;
	v43 =	vld [tilespmem:s15+$0x4B0];
	[tilespmem:$0x1FEF0] =	vst v1  }
0x501: {  	v62 =	vadd.f32 v60, v57;
	v31 =	vadd.f32 v61, v31;
	v23 =	vmul.f32 v23, v2;
	[tilespmem:$0x1FF00] =	vst v9  }
0x502: {  	v21 =	vmul.f32 v29, v21;
	v20 =	vmul.f32 v29, v20;
	v17 =	vadd.f32 v59, v17;
	[tilespmem:s15+$0x8410] =	vst v24  }
0x503: {  	v19 =	vmul.f32 v29, v19;
	(xrf2) =	vadd.scan.msk.f32 $0xffff, v28;
	v23 =	vadd.f32 v23, v9;
	v28 =	vld [tilespmem:s15+$0x4C0];
	[tilespmem:$0x1FF10] =	vst v3  }
0x504: {  	v31 =	vadd.f32 v31, v62;
	v21 =	vadd.f32 v59, v21;
	v17 =	vmul.f32 v17, v1;
	s20 =	spop (v2sf);
	[tilespmem:$0x1FF20] =	vst v14  }
0x505: {  	v18 =	vmul.f32 v29, v18;
	v20 =	vadd.f32 v59, v20;
	v19 =	vadd.f32 v59, v19;
	s3 =	smul.f32 $7.812500000e-03, s20;
	[tilespmem:s15+$0x8420] =	vst v23  }
0x506: {  	v21 =	vmul.f32 v21, v3;
	v17 =	vadd.f32 v17, v14;
	v24 =	vadd.f32 v31, v25;
	v23 =	vld [tilespmem:s15+$0x4D0];
	[tilespmem:$0x1FF30] =	vst v4  }
0x507: {  	v18 =	vadd.f32 v59, v18;
	v20 =	vmul.f32 v20, v4;
	s31 =	smul.f32 s3, s3;
	s22 =	spop (v2sf);
	[tilespmem:$0x1FF40] =	vst v10  }
0x508: {  	v19 =	vmul.f32 v19, v13;
	v21 =	vadd.f32 v21, v10;
	(xrf2) =	vadd.scan.msk.f32 $0xffff, v24;
	s6 =	smul.f32 $7.812500000e-03, s22;
	[tilespmem:s15+$0x8430] =	vst v17  }
0x509: {  	v20 =	vadd.f32 v20, v63;
	v17 =	vmul.f32 v18, v6;
	[tilespmem:$0x1FF50] =	vst v6  }
0x50a: {  	s29 =	simm.s32 $0x306;
	v19 =	vadd.f32 v19, v11;
	s6 =	ssub.f32 s6, s31;
	v18 =	vld [tilespmem:s15+$0x4E0];
	[tilespmem:s15+$0x8440] =	vst v21  }
0x50b: {  	v24 =	vld [tilespmem:s29+$0x0];
	v17 =	vadd.f32 v17, v0;
	[tilespmem:s15+$0x8450] =	vst v20  }
0x50c: {  	s30 =	simm.s32 $0x300;
	v21 =	vld [tilespmem:s15+$0x4F0];
	[tilespmem:s15+$0x8470] =	vst v19;
	s6 =	sadd.f32 $9.999999740e-06, s6  }
0x50d: {  	s18 =	spop (v2sf);
	v37 =	vld [tilespmem:s30+$0x400];
	[tilespmem:s15+$0x8460] =	vst v17  }
0x50e: {  	v17 =	vmov s6;
	v19 =	vld [tilespmem:s18+$0x1C400]  }
0x50f: {  	v51 =	vld [tilespmem:s18+$0x1C410]  }
0x510: {  	v52 =	vld [tilespmem:s18+$0x1C420]  }
0x511: {  	v5 =	vld.idx.msk [tilespmem:v16+s15+$0x4080 ss:$0x1], $0xffff;
	v20 =	vshra.s32 v17, $0x1;
	v45 =	vmul.f32 $5.000000000e-01, v17;
	v17, _, _ =	vpop (xrf2)  }
0x512: {  	v6 =	vld.idx.msk [tilespmem:v16+s15+$0x40A0 ss:$0x1], $0xffff;
	(v2sf) =	vpush v17, $0xF;
	v17, _, _ =	vpop (xrf2)  }
0x513: {  	v7 =	vld.idx.msk [tilespmem:v16+s15+$0x40B0 ss:$0x1], $0xffff;
	v20 =	vsub.s32 $0x5F3759DF, v20;
	(v2sf) =	vpush v17, $0xF  }
0x514: {  	v33 =	vld.idx.msk [tilespmem:v16+s15+$0x40C0 ss:$0x1], $0xffff;
	v25 =	vmul.f32 v20, v45  }
0x515: {  	v34 =	vld.idx.msk [tilespmem:v16+s15+$0x40D0 ss:$0x1], $0xffff  }
0x516: {  	v35 =	vld.idx.msk [tilespmem:v16+s15+$0x40F0 ss:$0x1], $0xffff;
	v25 =	vmul.f32 v20, v25  }
0x517: {  	v12 =	vmov v0;
	v0 =	vld [tilespmem:s18+$0x1C430]  }
0x518: {  	v17 =	vld.idx.msk [tilespmem:v16+s15+$0x4090 ss:$0x1], $0xffff;
	v25 =	vsub.f32 $1.500000000e+00, v25  }
0x519: {  	v1 =	vld [tilespmem:s18+$0x1C450];
	v24 =	vshll.u32 v24, $0x9;
	v22 =	vadd.f32 v5, v22;
	v30 =	vadd.f32 v6, v30  }
0x51a: {  	v43 =	vadd.f32 v7, v43;
	v58 =	vmul.f32 v20, v25;
	v20 =	vld.idx.msk [tilespmem:v16+s15+$0x40E0 ss:$0x1], $0xffff;
	v25 =	vshra.s32 v24, $0x2  }
0x51b: {  	v28 =	vadd.f32 v33, v28;
	v24 =	vld [tilespmem:s18+$0x1C440];
	(v2sf) =	vpush v25, $0x0  }
0x51c: {  	v4 =	vld [tilespmem:s18+$0x1C470];
	v5 =	vadd.f32 v34, v23;
	v59 =	vadd.f32 v35, v21  }
0x51d: {  	v38 =	vld [tilespmem:s30+$0x410];
	v21 =	vadd.f32 v52, v30;
	v46 =	vadd.f32 v17, v46  }
0x51e: {  	v2 =	vld [tilespmem:s18+$0x1C460];
	v17 =	vadd.f32 v19, v22;
	v22 =	vadd.f32 v0, v43  }
0x51f: {  	v44 =	vld [tilespmem:s30+$0x420];
	v33 =	vmul.f32 v21, v21;
	v36 =	vmul.f32 v58, v45;
	v23 =	vadd.f32 v51, v46  }
0x520: {  	v55 =	vld [tilespmem:s30+$0x430];
	v34 =	vmul.f32 v22, v22;
	v18 =	vadd.f32 v20, v18;
	v19 =	vadd.f32 v24, v28  }
0x521: {  	v57 =	vld [tilespmem:s30+$0x440];
	v60 =	vmul.f32 v36, v58;
	v20 =	vadd.f32 v1, v5;
	v24 =	vadd.f32 v4, v59;
	s19 =	spop (v2sf)  }
0x522: {  	v15 =	vmovc v63;
	v63 =	vld [tilespmem:s30+$0x450];
	v6 =	vmul.f32 v17, v17;
	v7 =	vadd.f32 v23, v17;
	v56 =	vadd.f32 v34, v33;
	s6 =	smul.f32 $7.812500000e-03, s19;
	s20 =	spop (v2sf)  }
0x523: {  	v62 =	vld.idx.msk [tilespmem:v16+s30+$0x4030 ss:$0x1], $0xffff;
	v51 =	vmul.f32 v23, v23;
	v3 =	vsub.f32 $1.500000000e+00, v60;
	v18 =	vadd.f32 v2, v18;
	s7 =	smul.f32 $7.812500000e-03, s20  }
0x524: {  	v35 =	vld [tilespmem:s30+$0x460];
	v1 =	vmul.f32 v19, v19;
	v2 =	vmul.f32 v20, v20;
	v31 =	vadd.f32 v20, v19;
	s22 =	smul.f32 s6, s6  }
0x525: {  	v52 =	vld.idx.msk [tilespmem:v16+s30+$0x4010 ss:$0x1], $0xffff;
	v54 =	vmul.f32 v3, v58;
	v3 =	vadd.f32 v22, v21;
	v30 =	vadd.f32 v24, v18  }
0x526: {  	v43 =	vld.idx.msk [tilespmem:v16+s30+$0x4000 ss:$0x1], $0xffff;
	v46 =	vadd.f32 v51, v6;
	v29 =	vmul.f32 v24, v24;
	v5 =	vmul.f32 v18, v18;
	s7 =	ssub.f32 s7, s22  }
0x527: {  	v0 =	vld.idx.msk [tilespmem:v16+s30+$0x4020 ss:$0x1], $0xffff;
	v53 =	vadd.f32 v3, v7;
	v30 =	vadd.f32 v30, v31  }
0x528: {  	v4 =	vld.idx.msk [tilespmem:v16+s30+$0x4040 ss:$0x1], $0xffff;
	v51 =	vadd.f32 v2, v1;
	v29 =	vadd.f32 v29, v5;
	s7 =	sadd.f32 $9.999999740e-06, s7  }
0x529: {  	v34 =	vld.idx.msk [tilespmem:v16+s30+$0x4050 ss:$0x1], $0xffff;
	v30 =	vadd.f32 v30, v53  }
0x52a: {  	v33 =	vld.idx.msk [tilespmem:v16+s30+$0x4060 ss:$0x1], $0xffff;
	v46 =	vadd.f32 v56, v46;
	v29 =	vadd.f32 v29, v51;
	s29 =	spop (v2sf);
	v28 =	vmov s7  }
0x52b: {  	(xrf2) =	vadd.scan.msk.f32 $0xffff, v30;
	v51 =	vld [tilespmem:s29+$0x1C410];
	v6 =	vshra.s32 v28, $0x1;
	v32 =	vmul.f32 $5.000000000e-01, v28  }
0x52c: {  	v45 =	vmul.f32 v54, v45;
	v29 =	vadd.f32 v29, v46;
	v46 =	vld [tilespmem:s29+$0x1C430];
	v31 =	vsub.s32 $0x5F3759DF, v6  }
0x52d: {  	v1 =	vld [tilespmem:s29+$0x1C440];
	v7 =	vmul.f32 v31, v32  }
0x52e: {  	v37 =	vadd.f32 v43, v37;
	v61 =	vadd.f32 v0, v44;
	v0 =	vmul.f32 v45, v54;
	(xrf2) =	vadd.scan.msk.f32 $0xffff, v29;
	v3 =	vld [tilespmem:s29+$0x1C450]  }
0x52f: {  	v2 =	vadd.f32 v62, v55;
	v4 =	vadd.f32 v4, v57;
	v5 =	vld [tilespmem:s29+$0x1C460];
	v56 =	vmul.f32 v31, v7  }
0x530: {  	v44 =	vsub.f32 $1.500000000e+00, v0;
	v30 =	vadd.f32 v52, v38;
	v53 =	vld [tilespmem:s29+$0x1C420]  }
0x531: {  	v36 =	vld [tilespmem:s30+$0x470];
	v34 =	vadd.f32 v34, v63;
	v29 =	vsub.f32 $1.500000000e+00, v56  }
0x532: {  	v33 =	vadd.f32 v33, v35;
	v54 =	vmul.f32 v44, v54;
	v58 =	vld [tilespmem:s29+$0x1C400];
	v30 =	vadd.f32 v51, v30  }
0x533: {  	v28 =	vld.idx.msk [tilespmem:v16+s30+$0x4070 ss:$0x1], $0xffff;
	v46 =	vadd.f32 v46, v2;
	v45 =	vadd.f32 v1, v4;
	v6 =	vmul.f32 v31, v29  }
0x534: {  	v44 =	vadd.f32 v3, v34;
	v43 =	vadd.f32 v5, v33;
	v34 =	vmul.f32 v54, v39  }
0x535: {  	v7 =	vld [tilespmem:s29+$0x1C470];
	v63 =	vmul.f32 v30, v30;
	v60, _, _ =	vpop (xrf2);
	v31 =	vadd.f32 v53, v61;
	v53 =	vmul.f32 v6, v32  }
0x536: {  	s3 =	ssub.f32 $0.0e+00, s3;
	v3 =	vmul.f32 v46, v46;
	v4 =	vmul.f32 v45, v45;
	(v2sf) =	vpush v60, $0xF;
	v60 =	vld [tilespmem:$0x1FF70]  }
0x537: {  	v5 =	vmul.f32 v44, v44;
	v29 =	vadd.f32 v58, v37;
	v58 =	vmul.f32 v53, v6  }
0x538: {  	v36 =	vadd.f32 v28, v36;
	v28 =	vmul.f32 s3, v54;
	v0, _, _ =	vpop (xrf2);
	v61 =	vadd.f32 v44, v45  }
0x539: {  	v37 =	vmul.f32 v54, v40;
	(v2sf) =	vpush v0, $0xF;
	v33 =	vsub.f32 $1.500000000e+00, v58  }
0x53a: {  	v59 =	vadd.f32 v30, v29;
	v38 =	vadd.f32 v46, v31;
	v62 =	vmul.f32 v29, v29  }
0x53b: {  	v39 =	vadd.f32 v7, v36;
	v56 =	vmul.f32 v54, v60;
	v60 =	vld [tilespmem:$0x1FFC0];
	v35 =	vmul.f32 v33, v6  }
0x53c: {  	v2 =	vmul.f32 v31, v31;
	v37 =	vadd.f32 v28, v37;
	v36 =	vadd.f32 v38, v59;
	v59 =	vld [tilespmem:$0x1FF60]  }
0x53d: {  	v1 =	vadd.f32 v39, v43;
	v38 =	vadd.f32 v5, v4;
	v4 =	vld [tilespmem:$0x1FF90];
	v32 =	vmul.f32 v35, v32  }
0x53e: {  	v7 =	vmul.f32 v39, v39;
	v52 =	vadd.f32 v63, v62;
	v5 =	vld [tilespmem:$0x1FFA0];
	v6 =	vmul.f32 v43, v43  }
0x53f: {  	v55 =	vadd.f32 v3, v2;
	v40 =	vadd.f32 v1, v61;
	v61 =	vld [tilespmem:$0x1FF80];
	v62 =	vmul.f32 v32, v35  }
0x540: {  	v63 =	vadd.f32 v28, v34;
	v53 =	vadd.f32 v7, v6;
	v6 =	vld [tilespmem:$0x1FFB0]  }
0x541: {  	v58 =	vadd.f32 v55, v52;
	v51 =	vmul.f32 v54, v59;
	v7 =	vsub.f32 $1.500000000e+00, v62  }
0x542: {  	v40 =	vadd.f32 v40, v36;
	v34 =	vmul.f32 v54, v4;
	v59 =	vmul.f32 v63, v13  }
0x543: {  	s31 =	ssub.f32 $0.0e+00, s6;
	(v2sf) =	vpush v60, $0x1;
	v33 =	vmul.f32 v54, v5;
	v62 =	vld [tilespmem:$0x1FFD0];
	v52 =	vmul.f32 v7, v35  }
0x544: {  	v57 =	vmul.f32 v54, v61;
	v61 =	vadd.f32 v59, v11;
	v38 =	vadd.f32 v53, v38  }
0x545: {  	v36 =	vadd.f32 v28, v51;
	v32 =	vmul.f32 v54, v6;
	v51 =	vmul.f32 s31, v52  }
0x546: {  	(xrf2) =	vadd.scan.msk.f32 $0xffff, v40;
	v54 =	vadd.f32 v38, v58;
	v49 =	vmul.f32 v52, v49;
	v63 =	vmul.f32 v52, v50  }
0x547: {  	[tilespmem:s23+$0x84F0] =	vst v61;
	v38 =	vadd.f32 v28, v56;
	v50 =	vmul.f32 v52, v47;
	v47 =	vmul.f32 v52, v42  }
0x548: {  	s12 =	simm.s32 $0x308;
	(xrf2) =	vadd.scan.msk.f32 $0xffff, v54;
	v35 =	vmul.f32 v37, v62;
	v37 =	vadd.f32 v28, v57;
	v53 =	vadd.f32 v51, v49  }
0x549: {  	s6 =	simm.s32 $0x6;
	s7 =	sor.u32 $0x80, s13;
	s3 =	simm.s32 $0xC00;
	v9 =	vmovc v62;
	v49 =	vmul.f32 v52, v48;
	v54 =	vadd.f32 v51, v63;
	v48 =	vmul.f32 v52, v41  }
.LBB2_7:
0x54a: {  	v0 =	vld [tilespmem:$0x1FEB0]  }
0x54b: {  	v55 =	vld [tilespmem:s12+$0x0]  }
0x54c: {  	v7 =	vld [tilespmem:$0x1FEE0]  }
0x54d: {  	v40 =	vmov v46;
	v46 =	vld [tilespmem:s25+$0x480]  }
0x54e: {  	v6 =	vld [tilespmem:$0x1FEC0]  }
0x54f: {  	v2 =	vld [tilespmem:$0x1FED0];
	v3 =	vmul.f32 v54, v0  }
0x550: {  	v8 =	vld [tilespmem:$0x1FF00]  }
0x551: {  	v1 =	vmul.f32 v53, v9;
	v62 =	vadd.f32 v3, v7;
	v3 =	vld [tilespmem:$0x1FF10]  }
0x552: {  	v59 =	vld [tilespmem:$0x1FF20]  }
0x553: {  	v61 =	vadd.f32 v1, v6;
	v1 =	vld [tilespmem:$0x1FEF0]  }
0x554: {  	v60 =	vmul.f32 v52, v26;
	v4 =	vld [tilespmem:$0x1FF30];
	v48 =	vadd.f32 v51, v48  }
0x555: {  	v5 =	vld [tilespmem:$0x1FF50];
	v50 =	vadd.f32 v51, v50  }
0x556: {  	v41 =	vmovc v45;
	v49 =	vadd.f32 v51, v49;
	s18 =	spop (v2sf);
	v45 =	vmul.f32 v48, v3;
	v48 =	vadd.f32 v51, v60;
	v60 =	vld [tilespmem:$0x1FF40]  }
0x557: {  	v27 =	vmul.f32 v52, v27;
	v52 =	vld [tilespmem:s25+$0x490];
	v50 =	vmul.f32 v50, v2;
	s19 =	smul.f32 $7.812500000e-03, s18;
	s29 =	spop (v2sf)  }
0x558: {  	v42 =	vmov v44;
	v44 =	vld [tilespmem:s25+$0x4E0];
	v47 =	vadd.f32 v51, v47;
	s18 =	smul.f32 $7.812500000e-03, s29;
	v49 =	vmul.f32 v49, v1  }
0x559: {  	v54 =	vld [tilespmem:s25+$0x4A0];
	[tilespmem:s25+$0x8400] =	vst v61;
	v63 =	vadd.f32 v50, v8;
	s20 =	smul.f32 s19, s19  }
0x55a: {  	v27 =	vadd.f32 v51, v27;
	v47 =	vmul.f32 v47, v4;
	v50 =	vld [tilespmem:s25+$0x4B0];
	[tilespmem:s25+$0x8410] =	vst v62;
	v58 =	vadd.f32 v49, v59  }
0x55b: {  	v53, _, _ =	vpop (xrf2);
	[tilespmem:s25+$0x8420] =	vst v63;
	v49 =	vld [tilespmem:s25+$0x4C0];
	s20 =	ssub.f32 s18, s20;
	v63 =	vmul.f32 v48, v5;
	v62 =	vadd.f32 v45, v60  }
0x55c: {  	s3 =	sadd.s32 $0x400, s3;
	v10 =	vmul.f32 v27, v13;
	v57 =	vadd.f32 v47, v15;
	(v2sf) =	vpush v53, $0xF;
	v48 =	vld [tilespmem:s25+$0x4D0];
	[tilespmem:s25+$0x8430] =	vst v58  }
0x55d: {  	v56 =	vadd.f32 v28, v34;
	s31 =	sshra.s32 s3, $0x2;
	s22 =	sadd.f32 $9.999999740e-06, s20;
	v45 =	vld [tilespmem:s25+$0x4F0];
	[tilespmem:s25+$0x8440] =	vst v62;
	v62 =	vadd.f32 v63, v12  }
0x55e: {  	v36 =	vmul.f32 v36, v0;
	v61, _, _ =	vpop (xrf2);
	v58 =	vadd.f32 v28, v33;
	v63 =	vadd.f32 v10, v11;
	v33 =	vld [tilespmem:s31+$0x400];
	[tilespmem:s25+$0x8450] =	vst v57  }
0x55f: {  	v38 =	vmul.f32 v38, v2;
	(v2sf) =	vpush v61, $0xF;
	v0 =	vmov s22;
	v34 =	vld [tilespmem:s31+$0x410];
	[tilespmem:s25+$0x8460] =	vst v62  }
0x560: {  	v27 =	vmovc v39;
	s20 =	spop (v2sf);
	v28 =	vadd.f32 v28, v32;
	v2 =	vshra.s32 v0, $0x1;
	v39 =	vmul.f32 $5.000000000e-01, v0;
	v32 =	vld [tilespmem:s31+$0x420];
	[tilespmem:s25+$0x8470] =	vst v63  }
0x561: {  	v26 =	vmov v43;
	v43 =	vsub.s32 $0x5F3759DF, v2;
	v53 =	vld [tilespmem:s20+$0x1C400]  }
0x562: {  	v51 =	vmul.f32 v56, v3;
	v57 =	vmul.f32 v43, v39;
	v56 =	vld [tilespmem:s20+$0x1C410]  }
0x563: {  	v35 =	vadd.f32 v35, v6;
	v47 =	vmul.f32 v58, v4;
	v58 =	vld [tilespmem:s20+$0x1C420]  }
0x564: {  	v36 =	vadd.f32 v36, v7;
	v37 =	vmul.f32 v37, v1;
	v57 =	vmul.f32 v43, v57;
	v6 =	vld.idx.msk [tilespmem:v16+s25+$0x4080 ss:$0x1], $0xffff  }
0x565: {  	v38 =	vadd.f32 v38, v8;
	v7 =	vld.idx.msk [tilespmem:v16+s25+$0x4090 ss:$0x1], $0xffff;
	[tilespmem:s23+$0x8480] =	vst v35  }
0x566: {  	v37 =	vadd.f32 v37, v59;
	v35 =	vld.idx.msk [tilespmem:v16+s25+$0x40A0 ss:$0x1], $0xffff;
	v57 =	vsub.f32 $1.500000000e+00, v57;
	[tilespmem:s23+$0x8490] =	vst v36  }
0x567: {  	v28 =	vmul.f32 v28, v5;
	v51 =	vadd.f32 v51, v60;
	v36 =	vld.idx.msk [tilespmem:v16+s25+$0x40B0 ss:$0x1], $0xffff;
	[tilespmem:s23+$0x84A0] =	vst v38  }
0x568: {  	v47 =	vadd.f32 v47, v15;
	v38 =	vld.idx.msk [tilespmem:v16+s25+$0x40C0 ss:$0x1], $0xffff;
	v43 =	vmul.f32 v43, v57;
	[tilespmem:s23+$0x84B0] =	vst v37  }
0x569: {  	v28 =	vadd.f32 v28, v12;
	v0 =	vld.idx.msk [tilespmem:v16+s25+$0x40D0 ss:$0x1], $0xffff;
	[tilespmem:s23+$0x84C0] =	vst v51  }
0x56a: {  	v1 =	vshll.u32 v55, $0x9;
	v51 =	vld.idx.msk [tilespmem:v16+s25+$0x40E0 ss:$0x1], $0xffff;
	v2 =	vmul.f32 v43, v39;
	[tilespmem:s23+$0x84D0] =	vst v47  }
0x56b: {  	s29 =	spop (v2sf);
	v37 =	vshra.s32 v1, $0x2;
	v47 =	vld.idx.msk [tilespmem:v16+s25+$0x40F0 ss:$0x1], $0xffff;
	[tilespmem:s23+$0x84E0] =	vst v28  }
0x56c: {  	s18 =	smul.f32 $7.812500000e-03, s29;
	(v2sf) =	vpush v37, $0x0;
	v46 =	vadd.f32 v6, v46;
	v28 =	vld [tilespmem:s20+$0x1C430];
	v55 =	vmul.f32 v2, v43  }
0x56d: {  	v52 =	vadd.f32 v7, v52;
	v35 =	vadd.f32 v35, v54;
	v3 =	vld [tilespmem:s20+$0x1C440]  }
0x56e: {  	s29 =	smul.f32 s18, s18;
	s23 =	smov.u32 s15;
	s15 =	smov.u32 s25;
	v4 =	vld [tilespmem:s20+$0x1C450];
	v36 =	vadd.f32 v36, v50;
	v55 =	vsub.f32 $1.500000000e+00, v55  }
0x56f: {  	s25 =	smov.u32 s30;
	s30 =	smov.u32 s31;
	s31 =	spop (v2sf);
	v5 =	vld [tilespmem:s20+$0x1C460];
	v46 =	vadd.f32 v53, v46;
	v52 =	vadd.f32 v56, v52  }
0x570: {  	s22 =	smul.f32 $7.812500000e-03, s31;
	v6 =	vld [tilespmem:s20+$0x1C470];
	v38 =	vadd.f32 v38, v49;
	v35 =	vadd.f32 v58, v35;
	v43 =	vmul.f32 v55, v43  }
0x571: {  	v53 =	vld [tilespmem:s30+$0x450];
	v48 =	vadd.f32 v0, v48;
	v56 =	vmul.f32 v46, v46;
	v57 =	vmul.f32 v52, v52  }
0x572: {  	v54 =	vld.idx.msk [tilespmem:v16+s30+$0x4000 ss:$0x1], $0xffff;
	s29 =	ssub.f32 s22, s29;
	v50 =	vadd.f32 v52, v46;
	v44 =	vadd.f32 v51, v44;
	v39 =	vmul.f32 v43, v39  }
0x573: {  	v62 =	vld.idx.msk [tilespmem:v16+s30+$0x4020 ss:$0x1], $0xffff;
	v45 =	vadd.f32 v47, v45;
	v56 =	vadd.f32 v57, v56  }
0x574: {  	v1 =	vld.idx.msk [tilespmem:v16+s30+$0x4030 ss:$0x1], $0xffff;
	s20 =	sadd.f32 $9.999999740e-06, s29;
	v36 =	vadd.f32 v28, v36;
	v38 =	vadd.f32 v3, v38;
	v28 =	vmul.f32 v39, v43  }
0x575: {  	v58 =	vld.idx.msk [tilespmem:v16+s30+$0x4010 ss:$0x1], $0xffff;
	v60 =	vmul.f32 v35, v35;
	v48 =	vadd.f32 v4, v48;
	v44 =	vadd.f32 v5, v44  }
0x576: {  	v51 =	vld [tilespmem:s30+$0x430];
	v49 =	vmov s20;
	v45 =	vadd.f32 v6, v45;
	v28 =	vsub.f32 $1.500000000e+00, v28  }
0x577: {  	v47 =	vld [tilespmem:s30+$0x440];
	v59 =	vadd.f32 v36, v35;
	v61 =	vmul.f32 v36, v36;
	v63 =	vadd.f32 v48, v38  }
0x578: {  	s19 =	ssub.f32 $0.0e+00, s19;
	v55 =	vld [tilespmem:s30+$0x460];
	v0 =	vmul.f32 v38, v38;
	v2 =	vadd.f32 v45, v44;
	v43 =	vmul.f32 v28, v43  }
0x579: {  	v57 =	vld.idx.msk [tilespmem:v16+s30+$0x4060 ss:$0x1], $0xffff;
	v3 =	vmul.f32 v48, v48;
	v4 =	vmul.f32 v44, v44;
	v50 =	vadd.f32 v59, v50  }
0x57a: {  	v5 =	vld.idx.msk [tilespmem:v16+s30+$0x4040 ss:$0x1], $0xffff;
	v2 =	vadd.f32 v2, v63;
	v28 =	vmul.f32 s19, v43;
	v59 =	vmul.f32 v43, v24;
	v24 =	vmovc v45  }
0x57b: {  	v6 =	vld.idx.msk [tilespmem:v16+s30+$0x4050 ss:$0x1], $0xffff;
	v60 =	vadd.f32 v61, v60;
	v63 =	vshra.s32 v49, $0x1;
	v45 =	vmul.f32 v45, v24  }
0x57c: {  	v39 =	vld [tilespmem:s30+$0x470];
	v49 =	vmul.f32 $5.000000000e-01, v49;
	v2 =	vadd.f32 v2, v50;
	v59 =	vadd.f32 v28, v59  }
0x57d: {  	v61 =	vld.idx.msk [tilespmem:v16+s30+$0x4070 ss:$0x1], $0xffff;
	v0 =	vadd.f32 v3, v0;
	s31 =	spop (v2sf);
	v3 =	vadd.f32 v45, v4;
	v45 =	vsub.s32 $0x5F3759DF, v63  }
0x57e: {  	v56 =	vadd.f32 v60, v56;
	v50 =	vld [tilespmem:s31+$0x1C430];
	(xrf2) =	vadd.scan.msk.f32 $0xffff, v2;
	v7 =	vmul.f32 v59, v13;
	v63 =	vmul.f32 v45, v49  }
0x57f: {  	v2 =	vmul.f32 v43, v17;
	v17 =	vmovc v46;
	v46 =	vadd.f32 v54, v33;
	v54 =	vadd.f32 v58, v34;
	v58 =	vld [tilespmem:s31+$0x1C440]  }
0x580: {  	v4 =	vld [tilespmem:s31+$0x1C400];
	v0 =	vadd.f32 v3, v0;
	v10 =	vadd.f32 v7, v11;
	v63 =	vmul.f32 v45, v63  }
0x581: {  	v62 =	vadd.f32 v62, v32;
	v6 =	vadd.f32 v6, v53;
	v59 =	vld [tilespmem:s31+$0x1C410]  }
0x582: {  	v60 =	vmul.f32 v43, v23;
	v3 =	vld [tilespmem:s31+$0x1C420];
	v0 =	vadd.f32 v0, v56;
	[tilespmem:s23+$0x84F0] =	vst v10;
	v10 =	vsub.f32 $1.500000000e+00, v63  }
0x583: {  	v34 =	vmul.f32 v43, v19;
	v2 =	vadd.f32 v28, v2;
	v56 =	vmul.f32 v43, v21;
	v21 =	vmovc v35  }
0x584: {  	v35 =	vadd.f32 v57, v55;
	v8 =	vld [tilespmem:s31+$0x1C450];
	(xrf2) =	vadd.scan.msk.f32 $0xffff, v0;
	v0 =	vadd.f32 v1, v51;
	v51 =	vmul.f32 v45, v10  }
0x585: {  	v33 =	vmul.f32 v43, v20;
	v57 =	vadd.f32 v61, v39;
	v1 =	vadd.f32 v5, v47;
	v5 =	vld [tilespmem:s31+$0x1C460]  }
0x586: {  	v4 =	vadd.f32 v4, v46;
	v63 =	vld [tilespmem:s31+$0x1C470];
	v53 =	vadd.f32 v59, v54;
	v61 =	vmul.f32 v51, v49  }
0x587: {  	v32 =	vmul.f32 v43, v18;
	v3 =	vadd.f32 v3, v62;
	v46 =	vadd.f32 v50, v0  }
0x588: {  	v7 =	vmul.f32 v43, v22;
	v45 =	vadd.f32 v58, v1;
	v62 =	vmul.f32 v61, v51  }
0x589: {  	v18 =	vmovc v44;
	v55 =	vmul.f32 v53, v53;
	v54 =	vadd.f32 v46, v3;
	v44 =	vadd.f32 v8, v6  }
0x58a: {  	v19 =	vmovc v38;
	v38 =	vmul.f32 v3, v3;
	v43 =	vadd.f32 v5, v35;
	v0 =	vsub.f32 $1.500000000e+00, v62  }
0x58b: {  	v58 =	vmul.f32 v46, v46;
	v39 =	vadd.f32 v63, v57;
	v63 =	vadd.f32 v53, v4  }
0x58c: {  	v23 =	vmovc v52;
	v35 =	vmul.f32 v4, v4;
	v8 =	vadd.f32 v44, v45;
	v0 =	vmul.f32 v0, v51  }
0x58d: {  	v52, _, _ =	vpop (xrf2);
	v61 =	vadd.f32 v39, v43;
	v1 =	vadd.f32 v54, v63;
	v63 =	vmul.f32 v43, v43  }
0x58e: {  	(v2sf) =	vpush v52, $0xF;
	v54 =	vmul.f32 v39, v39;
	v49 =	vmul.f32 v0, v49  }
0x58f: {  	v59 =	vmul.f32 v45, v45;
	v62 =	vmul.f32 v44, v44;
	v5 =	vadd.f32 v61, v8  }
0x590: {  	v8 =	vadd.f32 v55, v35;
	v6 =	vadd.f32 v54, v63;
	v57, _, _ =	vpop (xrf2);
	v55 =	vmul.f32 v49, v0  }
0x591: {  	(v2sf) =	vpush v57, $0xF;
	v57 =	vadd.f32 v58, v38  }
0x592: {  	v58 =	vadd.f32 v62, v59;
	v35 =	vsub.f32 $1.500000000e+00, v55  }
0x593: {  	s6 =	sadd.s32 $0x2, s6;
	v22 =	vmov v36;
	v36 =	vadd.f32 v28, v60;
	v1 =	vadd.f32 v5, v1  }
0x594: {  	p1 =	slt.u32 s6, $0x3E;
	s18 =	ssub.f32 $0.0e+00, s18;
	v59 =	vadd.f32 v57, v8;
	v6 =	vadd.f32 v6, v58;
	v52 =	vmul.f32 v35, v0  }
.Ltmp2:
0x595: {  	v38 =	vadd.f32 v28, v56;
	(v2sf) =	vpush v25, $0x1;
	v35 =	vmul.f32 v2, v9;
	(pc) =	sbr.rel @p1 .LBB2_7-.Ltmp2, $4  }
0x596: {  	v20 =	vmovc v48;
	v25 =	vmovc v37;
	v61 =	vadd.f32 v6, v59;
	v51 =	vmul.f32 s18, v52;
	v62 =	vmul.f32 v52, v29  }
0x597: {  	v37 =	vadd.f32 v28, v7;
	(xrf2) =	vadd.scan.msk.f32 $0xffff, v1;
	v63 =	vmul.f32 v52, v30;
	v50 =	vmul.f32 v52, v31  }
0x598: {  	(xrf2) =	vadd.scan.msk.f32 $0xffff, v61;
	v29 =	vmovc v4;
	v30 =	vmov v53;
	v49 =	vmul.f32 v52, v40;
	v48 =	vmul.f32 v52, v41  }
0x599: {  	s12 =	sadd.s32 $0x2, s12;
	v47 =	vmul.f32 v52, v42;
	v31 =	vmovc v3;
	v53 =	vadd.f32 v51, v62;
	v54 =	vadd.f32 v51, v63  }
0x59a: {  	v57 =	vld [tilespmem:$0x1FEC0]  }
0x59b: {  	v55 =	vld [tilespmem:$0x1FEB0];
	_ =	sdelay $0x1  }
0x59c: {  	v58 =	vld [tilespmem:$0x1FEE0];
	v0 =	vmul.f32 v53, v9;
	_ =	sdelay $0x1  }
0x59d: {  	v0 =	vadd.f32 v0, v57  }
0x59e: {  	v3 =	vmul.f32 v54, v55  }
0x59f: {  	v56 =	vld [tilespmem:$0x1FED0];
	[tilespmem:s25+$0x8400] =	vst v0  }
0x5a0: {  	v3 =	vadd.f32 v3, v58;
	v60 =	vld [tilespmem:$0x1FEF0]  }
0x5a1: {  	v59 =	vld [tilespmem:$0x1FF00]  }
0x5a2: {  	v2 =	vadd.f32 v51, v50;
	[tilespmem:s25+$0x8410] =	vst v3  }
0x5a3: {  	v61 =	vld [tilespmem:$0x1FF20]  }
0x5a4: {  	v6 =	vadd.f32 v51, v49;
	v2 =	vmul.f32 v2, v56;
	_ =	sdelay $0x1  }
0x5a5: {  	v6 =	vmul.f32 v6, v60;
	v2 =	vadd.f32 v2, v59;
	_ =	sdelay $0x1  }
0x5a6: {  	v53 =	vmul.f32 v52, v26;
	v26, _, _ =	vpop (xrf2);
	v62 =	vld [tilespmem:$0x1FF10];
	v6 =	vadd.f32 v6, v61;
	[tilespmem:s25+$0x8420] =	vst v2  }
0x5a7: {  	v14 =	vmov v9;
	v54 =	vmul.f32 v52, v27;
	(v2sf) =	vpush v26, $0xF;
	v26, _, _ =	vpop (xrf2);
	v9 =	vld [tilespmem:$0x1FF30]  }
0x5a8: {  	(v2sf) =	vpush v26, $0xF;
	v63 =	vld [tilespmem:$0x1FF40];
	[tilespmem:s25+$0x8430] =	vst v6  }
0x5a9: {  	v3 =	vadd.f32 v51, v54;
	v10 =	vld [tilespmem:$0x1FF50]  }
0x5aa: {  	v8 =	vadd.f32 v51, v48  }
0x5ab: {  	v1 =	vld [tilespmem:s25+$0x480];
	v27 =	vadd.f32 v51, v47;
	v3 =	vmul.f32 v3, v13  }
0x5ac: {  	v4 =	vld [tilespmem:s25+$0x490];
	v0 =	vadd.f32 v51, v53;
	v8 =	vmul.f32 v8, v62  }
0x5ad: {  	v5 =	vld [tilespmem:s25+$0x4A0];
	v3 =	vadd.f32 v3, v11;
	v26 =	vmul.f32 v27, v9  }
0x5ae: {  	v7 =	vld [tilespmem:s25+$0x4B0];
	v8 =	vadd.f32 v8, v63;
	v0 =	vmul.f32 v0, v10  }
0x5af: {  	v40 =	vld [tilespmem:s25+$0x4C0];
	[tilespmem:s25+$0x8470] =	vst v3;
	v26 =	vadd.f32 v26, v15  }
0x5b0: {  	s3 =	spop (v2sf);
	v2 =	vld [tilespmem:s25+$0x4D0];
	[tilespmem:s25+$0x8440] =	vst v8;
	v0 =	vadd.f32 v0, v12  }
0x5b1: {  	s6 =	spop (v2sf);
	v6 =	vld [tilespmem:s25+$0x4E0];
	[tilespmem:s25+$0x8450] =	vst v26  }
0x5b2: {  	s18 =	spop (v2sf);
	v8 =	vld [tilespmem:s25+$0x4F0];
	[tilespmem:s25+$0x8460] =	vst v0  }
0x5b3: {  	v0 =	vld [tilespmem:s18+$0x1C400]  }
0x5b4: {  	v3 =	vld [tilespmem:s18+$0x1C410]  }
0x5b5: {  	v26 =	vld [tilespmem:s18+$0x1C420]  }
0x5b6: {  	s12 =	spop (v2sf);
	v27 =	vld.idx.msk [tilespmem:v16+s25+$0x4080 ss:$0x1], $0xffff  }
0x5b7: {  	s12 =	smul.f32 $7.812500000e-03, s12;
	s19 =	spop (v2sf);
	v41 =	vld.idx.msk [tilespmem:v16+s25+$0x4090 ss:$0x1], $0xffff  }
0x5b8: {  	s19 =	smul.f32 $7.812500000e-03, s19;
	v42 =	vld.idx.msk [tilespmem:v16+s25+$0x40A0 ss:$0x1], $0xffff  }
0x5b9: {  	s20 =	smul.f32 s12, s12;
	v47 =	vld.idx.msk [tilespmem:v16+s25+$0x40B0 ss:$0x1], $0xffff  }
0x5ba: {  	v48 =	vld.idx.msk [tilespmem:v16+s25+$0x40C0 ss:$0x1], $0xffff  }
0x5bb: {  	v50 =	vld.idx.msk [tilespmem:v16+s25+$0x40E0 ss:$0x1], $0xffff;
	s19 =	ssub.f32 s19, s20  }
0x5bc: {  	v49 =	vld.idx.msk [tilespmem:v16+s25+$0x40D0 ss:$0x1], $0xffff  }
0x5bd: {  	v51 =	vld.idx.msk [tilespmem:v16+s25+$0x40F0 ss:$0x1], $0xffff;
	s19 =	sadd.f32 $9.999999740e-06, s19;
	v1 =	vadd.f32 v27, v1  }
0x5be: {  	v52 =	vld [tilespmem:s18+$0x1C430];
	v4 =	vadd.f32 v41, v4;
	v5 =	vadd.f32 v42, v5  }
0x5bf: {  	v54 =	vld [tilespmem:s18+$0x1C460];
	v7 =	vadd.f32 v47, v7;
	v40 =	vadd.f32 v48, v40;
	v41 =	vmov s19  }
0x5c0: {  	v27 =	vld [tilespmem:s18+$0x1C440];
	v6 =	vadd.f32 v50, v6;
	v47 =	vshra.s32 v41, $0x1;
	v50 =	vmul.f32 $5.000000000e-01, v41  }
0x5c1: {  	v53 =	vld [tilespmem:s18+$0x1C450];
	v2 =	vadd.f32 v49, v2;
	v48 =	vadd.f32 v0, v1;
	v1 =	vsub.s32 $0x5F3759DF, v47  }
0x5c2: {  	v49 =	vld [tilespmem:s18+$0x1C470];
	v0 =	vadd.f32 v51, v8;
	v42 =	vadd.f32 v3, v4;
	v51 =	vmul.f32 v1, v50  }
0x5c3: {  	v47 =	vadd.f32 v26, v5;
	v41 =	vadd.f32 v52, v7  }
0x5c4: {  	v26 =	vadd.f32 v54, v6;
	v3 =	vmul.f32 v48, v48;
	v54 =	vmul.f32 v1, v51  }
0x5c5: {  	v4 =	vmul.f32 v42, v42;
	v5 =	vadd.f32 v41, v47;
	v27 =	vadd.f32 v27, v40  }
0x5c6: {  	v6 =	vmul.f32 v47, v47;
	v40 =	vadd.f32 v53, v2;
	v2 =	vsub.f32 $1.500000000e+00, v54  }
0x5c7: {  	v7 =	vmul.f32 v41, v41;
	v49 =	vadd.f32 v49, v0;
	v0 =	vadd.f32 v42, v48  }
0x5c8: {  	v53 =	vmul.f32 v26, v26;
	v3 =	vadd.f32 v4, v3;
	v1 =	vmul.f32 v1, v2  }
0x5c9: {  	v4 =	vadd.f32 v7, v6;
	v51 =	vmul.f32 v27, v27;
	v52 =	vmul.f32 v40, v40  }
0x5ca: {  	v0 =	vadd.f32 v5, v0;
	v5 =	vmul.f32 v49, v49;
	v54 =	vmul.f32 v1, v50  }
0x5cb: {  	v8 =	vadd.f32 v40, v27;
	v2 =	vadd.f32 v49, v26  }
0x5cc: {  	v52 =	vadd.f32 v52, v51;
	v5 =	vadd.f32 v5, v53;
	v53 =	vmul.f32 v54, v1  }
0x5cd: {  	v3 =	vadd.f32 v4, v3;
	v2 =	vadd.f32 v2, v8  }
0x5ce: {  	v54 =	vadd.f32 v5, v52;
	v51 =	vsub.f32 $1.500000000e+00, v53  }
0x5cf: {  	v0 =	vadd.f32 v2, v0  }
0x5d0: {  	v52 =	vadd.f32 v54, v3;
	v1 =	vmul.f32 v51, v1  }
0x5d1: {  	(xrf2) =	vadd.scan.msk.f32 $0xffff, v0  }
0x5d2: {  	(xrf2) =	vadd.scan.msk.f32 $0xffff, v52;
	v53 =	vmul.f32 v1, v50;
	_ =	sdelay $0x1  }
0x5d3: {  	v0 =	vmul.f32 v53, v1;
	_ =	sdelay $0x1  }
0x5d4: {  	v0 =	vsub.f32 $1.500000000e+00, v0;
	_ =	sdelay $0x1  }
0x5d5: {  	s12 =	ssub.f32 $0.0e+00, s12;
	v0 =	vmul.f32 v0, v1;
	_ =	sdelay $0x1  }
0x5d6: {  	v1 =	vmul.f32 s12, v0  }
0x5d7: {  	v50, _, _ =	vpop (xrf2);
	v54 =	vmul.f32 v0, v29;
	v52 =	vmul.f32 v0, v30  }
0x5d8: {  	(v2sf) =	vpush v50, $0xF;
	v51, _, _ =	vpop (xrf2);
	v53 =	vmul.f32 v0, v31;
	v8 =	vmul.f32 v0, v45  }
0x5d9: {  	v50 =	vmul.f32 v0, v43;
	(v2sf) =	vpush v51, $0xF;
	v2 =	vadd.f32 v1, v54  }
0x5da: {  	v4 =	vadd.f32 v1, v52;
	(v2sf) =	vpush v25, $0x1;
	v54 =	vmul.f32 v0, v46  }
0x5db: {  	v3 =	vadd.f32 v1, v53;
	v46 =	vmul.f32 v0, v44;
	v2 =	vmul.f32 v2, v14  }
0x5dc: {  	v8 =	vadd.f32 v1, v8;
	v0 =	vmul.f32 v0, v39;
	v4 =	vmul.f32 v4, v55  }
0x5dd: {  	v5 =	vadd.f32 v1, v54;
	v3 =	vmul.f32 v3, v56;
	v2 =	vadd.f32 v2, v57  }
0x5de: {  	v8 =	vmul.f32 v8, v62;
	v0 =	vadd.f32 v1, v0;
	v4 =	vadd.f32 v4, v58  }
0x5df: {  	v6 =	vld [tilespmem:s30+$0x480];
	v51 =	vadd.f32 v1, v50;
	v5 =	vmul.f32 v5, v60;
	v3 =	vadd.f32 v3, v59;
	[tilespmem:s30+$0x8400] =	vst v2  }
0x5e0: {  	v7 =	vld [tilespmem:s30+$0x490];
	v52 =	vadd.f32 v8, v63;
	v0 =	vmul.f32 v0, v13;
	[tilespmem:s30+$0x8410] =	vst v4;
	v2 =	vadd.f32 v1, v46  }
0x5e1: {  	v29 =	vld [tilespmem:s30+$0x4B0];
	v5 =	vadd.f32 v5, v61;
	[tilespmem:s30+$0x8420] =	vst v3;
	v3 =	vmul.f32 v51, v10  }
0x5e2: {  	v30 =	vld [tilespmem:s30+$0x4C0];
	[tilespmem:s30+$0x8440] =	vst v52;
	v0 =	vadd.f32 v0, v11;
	v2 =	vmul.f32 v2, v9  }
0x5e3: {  	v25 =	vld [tilespmem:s30+$0x4A0];
	[tilespmem:s30+$0x8430] =	vst v5;
	v53 =	vadd.f32 v3, v12  }
0x5e4: {  	v4 =	vld [tilespmem:s30+$0x4D0];
	[tilespmem:s30+$0x8470] =	vst v0;
	v2 =	vadd.f32 v2, v15  }
0x5e5: {  	v5 =	vld [tilespmem:s30+$0x4E0];
	[tilespmem:s30+$0x8460] =	vst v53  }
0x5e6: {  	v3 =	vld [tilespmem:s30+$0x4F0];
	[tilespmem:s30+$0x8450] =	vst v2  }
0x5e7: {  	v8 =	vld.idx.msk [tilespmem:v16+s30+$0x4080 ss:$0x1], $0xffff  }
0x5e8: {  	v31 =	vld.idx.msk [tilespmem:v16+s30+$0x4090 ss:$0x1], $0xffff  }
0x5e9: {  	v39 =	vld.idx.msk [tilespmem:v16+s30+$0x40A0 ss:$0x1], $0xffff  }
0x5ea: {  	v54 =	vld.idx.msk [tilespmem:v16+s30+$0x40B0 ss:$0x1], $0xffff  }
0x5eb: {  	v44 =	vld.idx.msk [tilespmem:v16+s30+$0x40C0 ss:$0x1], $0xffff  }
0x5ec: {  	s18 =	spop (v2sf);
	v45 =	vld.idx.msk [tilespmem:v16+s30+$0x40D0 ss:$0x1], $0xffff  }
0x5ed: {  	v46 =	vld.idx.msk [tilespmem:v16+s30+$0x40E0 ss:$0x1], $0xffff;
	s20 =	spop (v2sf)  }
0x5ee: {  	v16 =	vld.idx.msk [tilespmem:v16+s30+$0x40F0 ss:$0x1], $0xffff;
	s22 =	spop (v2sf)  }
0x5ef: {  	v0 =	vld [tilespmem:s22+$0x1C400]  }
0x5f0: {  	v1 =	vld [tilespmem:s22+$0x1C410]  }
0x5f1: {  	v2 =	vld [tilespmem:s22+$0x1C420]  }
0x5f2: {  	v50 =	vld [tilespmem:s22+$0x1C430]  }
0x5f3: {  	v51 =	vld [tilespmem:s22+$0x1C440]  }
0x5f4: {  	v52 =	vld [tilespmem:s22+$0x1C460];
	v6 =	vadd.f32 v8, v6;
	v7 =	vadd.f32 v31, v7  }
0x5f5: {  	v8 =	vld [tilespmem:s22+$0x1C450];
	v25 =	vadd.f32 v39, v25;
	v29 =	vadd.f32 v54, v29  }
0x5f6: {  	v30 =	vadd.f32 v44, v30;
	v4 =	vadd.f32 v45, v4;
	v54 =	vld [tilespmem:s22+$0x1C470]  }
0x5f7: {  	v5 =	vadd.f32 v46, v5;
	v46 =	vadd.f32 v16, v3  }
0x5f8: {  	v43 =	vadd.f32 v0, v6;
	v39 =	vadd.f32 v1, v7  }
0x5f9: {  	v31 =	vadd.f32 v2, v25;
	v29 =	vadd.f32 v50, v29  }
0x5fa: {  	v30 =	vadd.f32 v51, v30;
	v16 =	vadd.f32 v52, v5  }
0x5fb: {  	v25 =	vadd.f32 v8, v4;
	v44 =	vadd.f32 v54, v46  }
0x5fc: {  	v0 =	vadd.f32 v39, v43;
	v1 =	vmul.f32 v43, v43;
	v2 =	vmul.f32 v39, v39  }
0x5fd: {  	v3 =	vadd.f32 v29, v31;
	v4 =	vmul.f32 v31, v31;
	v52 =	vmul.f32 v29, v29  }
0x5fe: {  	v53 =	vmul.f32 v30, v30;
	v46 =	vmul.f32 v16, v16;
	v6 =	vadd.f32 v25, v30  }
0x5ff: {  	v8 =	vmul.f32 v25, v25;
	v45 =	vadd.f32 v44, v16;
	v54 =	vmul.f32 v44, v44  }
0x600: {  	v1 =	vadd.f32 v2, v1;
	v52 =	vadd.f32 v52, v4  }
0x601: {  	v53 =	vadd.f32 v8, v53;
	v54 =	vadd.f32 v54, v46  }
0x602: {  	v0 =	vadd.f32 v3, v0;
	v6 =	vadd.f32 v45, v6  }
0x603: {  	v1 =	vadd.f32 v52, v1;
	v7 =	vadd.f32 v54, v53  }
0x604: {  	v0 =	vadd.f32 v6, v0  }
0x605: {  	s19 =	smul.f32 $7.812500000e-03, s3;
	v1 =	vadd.f32 v7, v1  }
0x606: {  	s29 =	smul.f32 $7.812500000e-03, s6;
	(xrf2) =	vadd.scan.msk.f32 $0xffff, v0  }
0x607: {  	s31 =	smul.f32 s19, s19;
	(xrf2) =	vadd.scan.msk.f32 $0xffff, v1;
	_ =	sdelay $0x1  }
0x608: {  	s3 =	ssub.f32 s29, s31;
	_ =	sdelay $0x1  }
0x609: {  	s3 =	sadd.f32 $9.999999740e-06, s3;
	_ =	sdelay $0x1  }
0x60a: {  	v45 =	vmov s3  }
0x60b: {  	s6 =	smul.f32 $7.812500000e-03, s18;
	v46 =	vshra.s32 v45, $0x1;
	v0 =	vmul.f32 $5.000000000e-01, v45  }
0x60c: {  	s18 =	smul.f32 $7.812500000e-03, s20;
	v1 =	vsub.s32 $0x5F3759DF, v46  }
0x60d: {  	s12 =	smul.f32 s6, s6;
	v50 =	vmul.f32 v1, v0;
	v51, _, _ =	vpop (xrf2)  }
0x60e: {  	(v2sf) =	vpush v51, $0xF;
	v52, _, _ =	vpop (xrf2)  }
0x60f: {  	s3 =	ssub.f32 s18, s12;
	v2 =	vmul.f32 v1, v50;
	(v2sf) =	vpush v52, $0xF;
	_ =	sdelay $0x1  }
0x610: {  	s3 =	sadd.f32 $9.999999740e-06, s3;
	v2 =	vsub.f32 $1.500000000e+00, v2;
	_ =	sdelay $0x1  }
0x611: {  	v53 =	vmov s3;
	v1 =	vmul.f32 v1, v2  }
0x612: {  	v54 =	vshra.s32 v53, $0x1;
	v3 =	vmul.f32 $5.000000000e-01, v53  }
0x613: {  	v45 =	vsub.s32 $0x5F3759DF, v54;
	v2 =	vmul.f32 v1, v0  }
0x614: {  	v4 =	vmul.f32 v45, v3  }
0x615: {  	v2 =	vmul.f32 v2, v1  }
0x616: {  	v4 =	vmul.f32 v45, v4  }
0x617: {  	v2 =	vsub.f32 $1.500000000e+00, v2  }
0x618: {  	v4 =	vsub.f32 $1.500000000e+00, v4  }
0x619: {  	v1 =	vmul.f32 v2, v1  }
0x61a: {  	v2 =	vmul.f32 v45, v4  }
0x61b: {  	v0 =	vmul.f32 v1, v0;
	s20 =	spop (v2sf)  }
0x61c: {  	v8 =	vmul.f32 v38, v56;
	v38 =	vmul.f32 v2, v3;
	s3 =	smul.f32 $7.812500000e-03, s20;
	s22 =	spop (v2sf)  }
0x61d: {  	v46 =	vadd.f32 v28, v34;
	v50 =	vadd.f32 v28, v33;
	v0 =	vmul.f32 v0, v1;
	s12 =	smul.f32 $7.812500000e-03, s22  }
0x61e: {  	v8 =	vadd.f32 v8, v59;
	v28 =	vadd.f32 v28, v32;
	v6 =	vmul.f32 v38, v2;
	s29 =	smul.f32 s3, s3  }
0x61f: {  	v5 =	vmul.f32 v46, v62;
	v53 =	vmul.f32 v50, v9;
	v0 =	vsub.f32 $1.500000000e+00, v0  }
0x620: {  	v54 =	vmul.f32 v28, v10;
	v51 =	vmul.f32 v36, v55;
	v6 =	vsub.f32 $1.500000000e+00, v6;
	s12 =	ssub.f32 s12, s29  }
0x621: {  	s31 =	ssub.f32 $0.0e+00, s19;
	v5 =	vadd.f32 v5, v63;
	v52 =	vmul.f32 v37, v60;
	v0 =	vmul.f32 v0, v1  }
0x622: {  	v28 =	vadd.f32 v35, v57;
	v7 =	vadd.f32 v51, v58;
	v2 =	vmul.f32 v6, v2;
	s12 =	sadd.f32 $9.999999740e-06, s12  }
0x623: {  	v33 =	vadd.f32 v52, v61;
	v45 =	vmul.f32 s31, v0;
	v24 =	vmul.f32 v0, v24  }
0x624: {  	v17 =	vmul.f32 v0, v17;
	v52 =	vmul.f32 v0, v23;
	v46 =	vmov s12  }
0x625: {  	v21 =	vmul.f32 v0, v21;
	v50 =	vshra.s32 v46, $0x1;
	v34 =	vmul.f32 $5.000000000e-01, v46  }
0x626: {  	v3 =	vmul.f32 v2, v3;
	v22 =	vmul.f32 v0, v22;
	v35 =	vsub.s32 $0x5F3759DF, v50  }
0x627: {  	v4 =	vadd.f32 v53, v15;
	v19 =	vmul.f32 v0, v19;
	v51 =	vmul.f32 v35, v34  }
0x628: {  	v20 =	vmul.f32 v0, v20;
	v0 =	vmul.f32 v0, v18;
	v24 =	vadd.f32 v45, v24  }
0x629: {  	v17 =	vadd.f32 v45, v17;
	v6 =	vadd.f32 v45, v52;
	v23 =	vmul.f32 v35, v51  }
0x62a: {  	v3 =	vmul.f32 v3, v2;
	v21 =	vadd.f32 v45, v21;
	v22 =	vadd.f32 v45, v22  }
0x62b: {  	v19 =	vadd.f32 v45, v19;
	v24 =	vmul.f32 v24, v13;
	v23 =	vsub.f32 $1.500000000e+00, v23  }
0x62c: {  	v53 =	vadd.f32 v45, v20;
	v17 =	vmul.f32 v17, v14;
	v6 =	vmul.f32 v6, v55  }
0x62d: {  	v0 =	vadd.f32 v45, v0;
	v20 =	vmul.f32 v21, v56;
	v18 =	vmul.f32 v35, v23  }
0x62e: {  	v3 =	vsub.f32 $1.500000000e+00, v3;
	v22 =	vmul.f32 v22, v60;
	v19 =	vmul.f32 v19, v62  }
0x62f: {  	[tilespmem:s23+$0x84A0] =	vst v8;
	v1 =	vadd.f32 v54, v12;
	v0 =	vmul.f32 v0, v10;
	v23 =	vmul.f32 v18, v34  }
0x630: {  	[tilespmem:s23+$0x84C0] =	vst v5;
	v24 =	vadd.f32 v24, v11;
	v2 =	vmul.f32 v3, v2;
	v3 =	vmul.f32 v53, v9  }
0x631: {  	s6 =	ssub.f32 $0.0e+00, s6;
	[tilespmem:s23+$0x8480] =	vst v28;
	v8 =	vadd.f32 v17, v57;
	v6 =	vadd.f32 v6, v58;
	v21 =	vmul.f32 v23, v18  }
0x632: {  	[tilespmem:s23+$0x8490] =	vst v7;
	v36 =	vadd.f32 v19, v63;
	v0 =	vadd.f32 v0, v12;
	v54 =	vmul.f32 v2, v49  }
0x633: {  	[tilespmem:s23+$0x84B0] =	vst v33;
	v19 =	vmul.f32 v2, v48;
	v23 =	vmul.f32 s6, v2;
	v21 =	vsub.f32 $1.500000000e+00, v21  }
0x634: {  	[tilespmem:s23+$0x84D0] =	vst v4;
	v3 =	vadd.f32 v3, v15;
	v37 =	vmul.f32 v2, v42;
	v38 =	vmul.f32 v2, v41  }
0x635: {  	[tilespmem:s15+$0x84F0] =	vst v24;
	v24 =	vmul.f32 v2, v27;
	v35 =	vadd.f32 v23, v54;
	v17 =	vmul.f32 v21, v18  }
0x636: {  	[tilespmem:s23+$0x84E0] =	vst v1;
	v27 =	vmul.f32 v2, v40;
	v19 =	vadd.f32 v23, v19;
	v4 =	vadd.f32 v23, v37  }
0x637: {  	[tilespmem:s15+$0x8480] =	vst v8;
	v1 =	vadd.f32 v23, v38;
	v18 =	vadd.f32 v20, v59;
	v21 =	vmul.f32 v17, v34  }
0x638: {  	[tilespmem:s15+$0x8490] =	vst v6;
	v20 =	vadd.f32 v22, v61;
	v7 =	vmul.f32 v35, v13;
	v22 =	vmul.f32 v2, v47  }
0x639: {  	[tilespmem:s15+$0x84C0] =	vst v36;
	v42 =	vadd.f32 v23, v27;
	v2 =	vmul.f32 v2, v26;
	v21 =	vmul.f32 v21, v17  }
0x63a: {  	[tilespmem:s15+$0x84E0] =	vst v0;
	v41 =	vmul.f32 v19, v14;
	v4 =	vmul.f32 v4, v55;
	v19 =	vadd.f32 v23, v22  }
0x63b: {  	[tilespmem:s15+$0x84D0] =	vst v3;
	v1 =	vmul.f32 v1, v60;
	v7 =	vadd.f32 v7, v11;
	v8 =	vsub.f32 $1.500000000e+00, v21  }
0x63c: {  	v46 =	vmul.f32 v42, v9;
	[tilespmem:s15+$0x84A0] =	vst v18;
	v2 =	vadd.f32 v23, v2;
	v6 =	vadd.f32 v41, v57  }
0x63d: {  	s3 =	ssub.f32 $0.0e+00, s3;
	[tilespmem:s15+$0x84B0] =	vst v20;
	v4 =	vadd.f32 v4, v58;
	v1 =	vadd.f32 v1, v61;
	v8 =	vmul.f32 v8, v17  }
0x63e: {  	v0 =	vadd.f32 v46, v15;
	v18 =	vmul.f32 v19, v56;
	[tilespmem:s25+$0x84F0] =	vst v7;
	v2 =	vmul.f32 v2, v10  }
0x63f: {  	[tilespmem:s25+$0x8480] =	vst v6;
	v17 =	vadd.f32 v23, v24;
	v19 =	vmul.f32 s3, v8;
	v20 =	vmul.f32 v8, v44  }
0x640: {  	[tilespmem:s25+$0x8490] =	vst v4;
	v48 =	vadd.f32 v18, v59;
	v2 =	vadd.f32 v2, v12;
	v49 =	vmul.f32 v8, v43  }
0x641: {  	[tilespmem:s25+$0x84B0] =	vst v1;
	v45 =	vmul.f32 v17, v62;
	v50 =	vmul.f32 v8, v39;
	v47 =	vadd.f32 v19, v20  }
0x642: {  	[tilespmem:s25+$0x84D0] =	vst v0;
	v51 =	vmul.f32 v8, v31;
	v52 =	vmul.f32 v8, v29;
	v6 =	vadd.f32 v19, v49  }
0x643: {  	v21 =	vmovc v14;
	v14 =	vmul.f32 v8, v30;
	v4 =	vadd.f32 v19, v50;
	v5 =	vmul.f32 v47, v13  }
0x644: {  	[tilespmem:s25+$0x84A0] =	vst v48;
	v3 =	vadd.f32 v45, v63;
	v7 =	vadd.f32 v19, v51;
	v6 =	vmul.f32 v6, v21  }
0x645: {  	[tilespmem:s25+$0x84E0] =	vst v2;
	v1 =	vadd.f32 v19, v52;
	v4 =	vmul.f32 v4, v55;
	v5 =	vadd.f32 v5, v11  }
0x646: {  	[tilespmem:s25+$0x84C0] =	vst v3;
	v55 =	vadd.f32 v19, v14;
	v7 =	vmul.f32 v7, v56;
	v6 =	vadd.f32 v6, v57  }
0x647: {  	v53 =	vmul.f32 v8, v25;
	v1 =	vmul.f32 v1, v60;
	v4 =	vadd.f32 v4, v58;
	[tilespmem:s30+$0x84F0] =	vst v5  }
0x648: {  	v54 =	vmul.f32 v8, v16;
	v2 =	vmul.f32 v55, v62;
	v58 =	vadd.f32 v7, v59;
	[tilespmem:s30+$0x8480] =	vst v6  }
0x649: {  	v3 =	vadd.f32 v19, v53;
	v1 =	vadd.f32 v1, v61;
	[tilespmem:s30+$0x8490] =	vst v4  }
0x64a: {  	v0 =	vadd.f32 v19, v54;
	v2 =	vadd.f32 v2, v63;
	[tilespmem:s30+$0x84A0] =	vst v58  }
0x64b: {  	v3 =	vmul.f32 v3, v9;
	[tilespmem:s30+$0x84B0] =	vst v1  }
0x64c: {  	v0 =	vmul.f32 v0, v10;
	[tilespmem:s30+$0x84C0] =	vst v2  }
0x64d: {  	v3 =	vadd.f32 v3, v15;
	s3 =	rddreg [dreg:$0xf]  }
0x64e: {  	v0 =	vadd.f32 v0, v12;
	s3 =	sadd.s32 @!p2 s13, s3  }
0x64f: {  	[tilespmem:s30+$0x84D0] =	vst v3;
	s3 =	sshrl.u32 @!p2 s3, $0x3  }
0x650: {  	s12 =	simm.s32 @!p2 $0x0;
	s15 =	simm.s32 @!p2 $0x80;
	[tilespmem:s30+$0x84E0] =	vst v0;
	s6 =	sadd.s32 @!p2 s9, s3  }
0x651: {  	[tilespmem:s15], [sflag:$0x4] =	stream.linear.gather @!p2 [hbm4b:s6+s12], $0x40, $0x38;
	[tilespmem:$0x1C600] =	vst v63  }
0x652: {  	s3 =	sadd.s32 @!p2 s11, s3;
	s6 =	simm.s32 @!p2 $0x280  }
0x653: {  	[tilespmem:s6], [sflag:$0x4] =	stream.linear.gather @!p2 [hbm4b:s3+s12], $0x40, $0x38;
	[tilespmem:$0x1C600] =	vst v63  }
0x654: {  	s3 =	simm.s32 @!p2 $0x3  }
0x655: {  	_ =	swait.ge @!p2 [sflag:s3], $0x40  }
0x656: {  	[sflag:s3] =	ssyncset.done @!p2 $0x0  }
0x657: {  	[sflag:s3] =	ssyncadd.s32 @!p2 $0xFFFFFFC0  }
0x658: {  	_ =	swait.ge @!p2 [sflag:s3], $0x40  }
0x659: {  	[sflag:s3] =	ssyncset.done @!p2 $0x0  }
0x65a: {  	s6 =	simm.s32 @!p2 $0x400;
	[sflag:s3] =	ssyncadd.s32 @!p2 $0xFFFFFFC0;
	s3 =	simm.s32 @!p2 $0x40  }
0x65b: {  	[tilespmem:s6], [sflag:$0x1] =	stream.indirect.gather @!p2 [hbm4b:s1+s3], $0x80, s12, s3, $0xb8;
	[tilespmem:$0x1C600] =	vst v63  }
0x65c: {  	_ =	swait.ge [sflag:s28], $0x2000  }
0x65d: {  	[sflag:s28] =	ssyncset.done $0x0  }
0x65e: {  	s15 =	simm.s32 $0x380;
	[sflag:s28] =	ssyncadd.s32 $0xFFFFE000  }
0x65f: {  	v59 =	vld [tilespmem:s15+$0x0];
	_ =	sdelay $0x4  }
0x660: {  	v0 =	vshll.u32 v59, $0x9  }
0x661: {  	s23 =	simm.s32 $0x0;
	v26 =	vshra.s32 v0, $0x2  }
0x662: {  	v60 =	vld [tilespmem:s23+$0x2400];
	(v2sf) =	vpush v26, $0x0  }
0x663: {  	v61 =	vld [tilespmem:s23+$0x2410]  }
0x664: {  	v62 =	vld [tilespmem:s23+$0x2420]  }
0x665: {  	v16 =	vmov s14;
	v63 =	vld [tilespmem:s23+$0x2430]  }
0x666: {  	v32 =	vld [tilespmem:s23+$0x2440]  }
0x667: {  	v33 =	vld [tilespmem:s23+$0x2450]  }
0x668: {  	v34 =	vld [tilespmem:s23+$0x2460]  }
0x669: {  	v35 =	vld [tilespmem:s23+$0x2470]  }
0x66a: {  	v8 =	vld.idx.msk [tilespmem:v16+s23+$0x6000 ss:$0x1], $0xffff  }
0x66b: {  	v9 =	vld.idx.msk [tilespmem:v16+s23+$0x6010 ss:$0x1], $0xffff  }
0x66c: {  	v10 =	vld.idx.msk [tilespmem:v16+s23+$0x6020 ss:$0x1], $0xffff  }
0x66d: {  	v11 =	vld.idx.msk [tilespmem:v16+s23+$0x6030 ss:$0x1], $0xffff  }
0x66e: {  	v12 =	vld.idx.msk [tilespmem:v16+s23+$0x6040 ss:$0x1], $0xffff  }
0x66f: {  	v13 =	vld.idx.msk [tilespmem:v16+s23+$0x6050 ss:$0x1], $0xffff  }
0x670: {  	v14 =	vld.idx.msk [tilespmem:v16+s23+$0x6060 ss:$0x1], $0xffff  }
0x671: {  	v15 =	vld.idx.msk [tilespmem:v16+s23+$0x6070 ss:$0x1], $0xffff;
	s18 =	spop (v2sf)  }
0x672: {  	v17 =	vld [tilespmem:s18+$0x1C400]  }
0x673: {  	v18 =	vld [tilespmem:s18+$0x1C410]  }
0x674: {  	v19 =	vld [tilespmem:s18+$0x1C420]  }
0x675: {  	v20 =	vld [tilespmem:s18+$0x1C430]  }
0x676: {  	v21 =	vld [tilespmem:s18+$0x1C440]  }
0x677: {  	v1 =	vadd.f32 v9, v61;
	v0 =	vadd.f32 v8, v60;
	v8 =	vld [tilespmem:s18+$0x1C450]  }
0x678: {  	v2 =	vadd.f32 v10, v62;
	v3 =	vadd.f32 v11, v63;
	v9 =	vld [tilespmem:s18+$0x1C460]  }
0x679: {  	v4 =	vadd.f32 v12, v32;
	v5 =	vadd.f32 v13, v33;
	v10 =	vld [tilespmem:s18+$0x1C470]  }
0x67a: {  	v6 =	vadd.f32 v14, v34;
	v36 =	vadd.f32 v15, v35  }
0x67b: {  	v11 =	vadd.f32 v17, v0;
	v13 =	vadd.f32 v18, v1  }
0x67c: {  	v32 =	vadd.f32 v19, v2;
	v31 =	vadd.f32 v20, v3  }
0x67d: {  	v30 =	vadd.f32 v21, v4;
	v29 =	vadd.f32 v8, v5  }
0x67e: {  	v27 =	vadd.f32 v9, v6;
	v28 =	vadd.f32 v10, v36  }
0x67f: {  	v37 =	vadd.f32 v13, v11;
	v38 =	vmul.f32 v11, v11;
	v39 =	vmul.f32 v13, v13  }
0x680: {  	v3 =	vadd.f32 v31, v32;
	v40 =	vmul.f32 v32, v32;
	v41 =	vmul.f32 v31, v31  }
0x681: {  	v42 =	vadd.f32 v29, v30;
	v43 =	vmul.f32 v30, v30;
	v8 =	vmul.f32 v29, v29  }
0x682: {  	v9 =	vadd.f32 v28, v27;
	v10 =	vmul.f32 v27, v27;
	v12 =	vmul.f32 v28, v28  }
0x683: {  	v1 =	vadd.f32 v39, v38;
	v44 =	vadd.f32 v41, v40  }
0x684: {  	v45 =	vadd.f32 v8, v43;
	v46 =	vadd.f32 v12, v10  }
0x685: {  	v0 =	vadd.f32 v3, v37;
	v47 =	vadd.f32 v9, v42  }
0x686: {  	v1 =	vadd.f32 v44, v1;
	v48 =	vadd.f32 v46, v45  }
0x687: {  	v0 =	vadd.f32 v47, v0  }
0x688: {  	v1 =	vadd.f32 v48, v1  }
0x689: {  	(xrf2) =	vadd.scan.msk.f32 $0xffff, v0  }
0x68a: {  	(xrf2) =	vadd.scan.msk.f32 $0xffff, v1;
	_ =	sdelay $0x8  }
0x68b: {  	v0, _, _ =	vpop (xrf2)  }
0x68c: {  	(v2sf) =	vpush v0, $0xF;
	v49, _, _ =	vpop (xrf2)  }
0x68d: {  	(v2sf) =	vpush v49, $0xF;
	_ =	sdelay $0x6  }
0x68e: {  	s19 =	simm.s32 $0x382  }
0x68f: {  	v50 =	vld [tilespmem:s19+$0x0];
	_ =	sdelay $0x4  }
0x690: {  	v0 =	vshll.u32 v50, $0x9  }
0x691: {  	s14 =	simm.s32 $0x100;
	v17 =	vshra.s32 v0, $0x2;
	s20 =	spop (v2sf)  }
0x692: {  	v51 =	vld [tilespmem:s14+$0x2400];
	(v2sf) =	vpush v17, $0x0;
	s3 =	smul.f32 $7.812500000e-03, s20;
	s22 =	spop (v2sf)  }
0x693: {  	v52 =	vld [tilespmem:s14+$0x2410];
	s6 =	smul.f32 $7.812500000e-03, s22  }
0x694: {  	v53 =	vld [tilespmem:s14+$0x2420];
	s25 =	smul.f32 s3, s3  }
0x695: {  	v54 =	vld [tilespmem:s14+$0x2430]  }
0x696: {  	v55 =	vld [tilespmem:s14+$0x2440];
	s6 =	ssub.f32 s6, s25  }
0x697: {  	v56 =	vld [tilespmem:s14+$0x2450]  }
0x698: {  	v57 =	vld [tilespmem:s14+$0x2460];
	s6 =	sadd.f32 $9.999999740e-06, s6  }
0x699: {  	v58 =	vld [tilespmem:s14+$0x2470]  }
0x69a: {  	v22 =	vld.idx.msk [tilespmem:v16+s14+$0x6070 ss:$0x1], $0xffff;
	v8 =	vmov s6  }
0x69b: {  	v14 =	vld.idx.msk [tilespmem:v16+s14+$0x6020 ss:$0x1], $0xffff;
	v12 =	vshra.s32 v8, $0x1;
	v8 =	vmul.f32 $5.000000000e-01, v8  }
0x69c: {  	v15 =	vld.idx.msk [tilespmem:v16+s14+$0x6030 ss:$0x1], $0xffff;
	v12 =	vsub.s32 $0x5F3759DF, v12  }
0x69d: {  	v19 =	vld.idx.msk [tilespmem:v16+s14+$0x6040 ss:$0x1], $0xffff;
	v18 =	vmul.f32 v12, v8  }
0x69e: {  	v20 =	vld.idx.msk [tilespmem:v16+s14+$0x6050 ss:$0x1], $0xffff  }
0x69f: {  	v21 =	vld.idx.msk [tilespmem:v16+s14+$0x6060 ss:$0x1], $0xffff;
	v18 =	vmul.f32 v12, v18  }
0x6a0: {  	v9 =	vld.idx.msk [tilespmem:v16+s14+$0x6000 ss:$0x1], $0xffff  }
0x6a1: {  	v10 =	vld.idx.msk [tilespmem:v16+s14+$0x6010 ss:$0x1], $0xffff;
	s29 =	spop (v2sf);
	v18 =	vsub.f32 $1.500000000e+00, v18  }
0x6a2: {  	v23 =	vld [tilespmem:s29+$0x1C400]  }
0x6a3: {  	v24 =	vld [tilespmem:s29+$0x1C410];
	v12 =	vmul.f32 v12, v18  }
0x6a4: {  	v59 =	vld [tilespmem:s29+$0x1C430]  }
0x6a5: {  	v0 =	vadd.f32 v9, v51;
	v9 =	vld [tilespmem:s29+$0x1C440];
	v25 =	vmul.f32 v12, v8  }
0x6a6: {  	v1 =	vadd.f32 v10, v52;
	v10 =	vadd.f32 v14, v53;
	v14 =	vld [tilespmem:s29+$0x1C450]  }
0x6a7: {  	v7 =	vadd.f32 v22, v58;
	v61 =	vld [tilespmem:s29+$0x1C470];
	v60 =	vmul.f32 v25, v12  }
0x6a8: {  	v3 =	vadd.f32 v15, v54;
	v4 =	vadd.f32 v19, v55;
	v18 =	vld [tilespmem:s29+$0x1C420]  }
0x6a9: {  	v19 =	vadd.f32 v20, v56;
	v15 =	vld [tilespmem:s29+$0x1C460];
	v2 =	vsub.f32 $1.500000000e+00, v60  }
0x6aa: {  	v6 =	vadd.f32 v21, v57;
	v24 =	vadd.f32 v24, v1  }
0x6ab: {  	v22 =	vadd.f32 v59, v3;
	v21 =	vadd.f32 v9, v4;
	v12 =	vmul.f32 v2, v12  }
0x6ac: {  	v20 =	vadd.f32 v14, v19;
	v19 =	vadd.f32 v61, v7  }
0x6ad: {  	v25 =	vadd.f32 v23, v0;
	v23 =	vadd.f32 v18, v10;
	v8 =	vmul.f32 v12, v8  }
0x6ae: {  	v18 =	vadd.f32 v15, v6;
	v0 =	vmul.f32 v24, v24;
	v46 =	vmul.f32 v22, v22  }
0x6af: {  	v5 =	vld [tilespmem:$0x1C510];
	v15 =	vadd.f32 v20, v21;
	v48 =	vmul.f32 v21, v21;
	v62 =	vmul.f32 v8, v12  }
0x6b0: {  	v43 =	vld [tilespmem:$0x1C500];
	v50 =	vmul.f32 v20, v20;
	v9 =	vadd.f32 v24, v25;
	v63 =	vmul.f32 v25, v25  }
0x6b1: {  	v44 =	vld [tilespmem:$0x1C570];
	v10 =	vadd.f32 v22, v23;
	v45 =	vmul.f32 v23, v23;
	v47 =	vsub.f32 $1.500000000e+00, v62  }
0x6b2: {  	v1 =	vld [tilespmem:$0x1C530];
	v49 =	vadd.f32 v19, v18;
	v52 =	vmul.f32 v18, v18;
	v38 =	vadd.f32 v50, v48  }
0x6b3: {  	v3 =	vld [tilespmem:$0x1C540];
	v33 =	vadd.f32 v0, v63;
	v37 =	vmul.f32 v47, v12;
	v12 =	vmul.f32 v19, v19  }
0x6b4: {  	v4 =	vld [tilespmem:$0x1C550];
	v51 =	vadd.f32 v10, v9;
	v15 =	vadd.f32 v49, v15  }
0x6b5: {  	v7 =	vld [tilespmem:$0x1C580];
	v53 =	vadd.f32 v46, v45;
	v56 =	vadd.f32 v12, v52  }
0x6b6: {  	v14 =	vld [tilespmem:$0x1C5B0];
	v57 =	vadd.f32 v15, v51  }
0x6b7: {  	v6 =	vld [tilespmem:$0x1C560];
	v33 =	vadd.f32 v53, v33;
	v59 =	vadd.f32 v56, v38  }
0x6b8: {  	s3 =	ssub.f32 $0.0e+00, s3;
	v2 =	vld [tilespmem:$0x1C520];
	(xrf2) =	vadd.scan.msk.f32 $0xffff, v57  }
0x6b9: {  	(v2sf) =	vpush v26, $0x1;
	v63 =	vld [tilespmem:$0x1C5D0];
	v26 =	vadd.f32 v59, v33  }
0x6ba: {  	v0 =	vld [tilespmem:$0x1C5E0];
	v54 =	vmul.f32 s3, v37;
	v55 =	vmul.f32 v37, v11  }
0x6bb: {  	v10 =	vld [tilespmem:$0x1C5C0];
	v58 =	vmul.f32 v37, v13;
	(xrf2) =	vadd.scan.msk.f32 $0xffff, v26;
	v26 =	vmul.f32 v37, v30  }
0x6bc: {  	v8 =	vld [tilespmem:$0x1C590];
	v32 =	vmul.f32 v37, v32;
	v31 =	vmul.f32 v37, v31;
	v36 =	vadd.f32 v54, v55  }
0x6bd: {  	[tilespmem:$0x1FEA0] =	vst v43;
	v9 =	vld [tilespmem:$0x1C5A0];
	v29 =	vmul.f32 v37, v29;
	v60 =	vadd.f32 v54, v58;
	v26 =	vadd.f32 v54, v26  }
0x6be: {  	v62 =	vld [tilespmem:s23+$0x2490];
	v27 =	vmul.f32 v37, v27;
	v32 =	vadd.f32 v54, v32;
	v36 =	vmul.f32 v36, v43  }
0x6bf: {  	s30 =	simm.s32 $0x384;
	v11 =	vld [tilespmem:$0x1C5F0];
	v31 =	vadd.f32 v54, v31;
	v61 =	vmul.f32 v60, v5;
	v26 =	vmul.f32 v26, v3  }
0x6c0: {  	v52 =	vld [tilespmem:s30+$0x0];
	v29 =	vadd.f32 v54, v29;
	v32 =	vmul.f32 v32, v2;
	v36 =	vadd.f32 v36, v7  }
0x6c1: {  	v28 =	vmul.f32 v37, v28;
	v33 =	vld [tilespmem:s23+$0x2480];
	v34 =	vadd.f32 v61, v8;
	v26 =	vadd.f32 v26, v10  }
0x6c2: {  	v27 =	vadd.f32 v54, v27;
	v31 =	vmul.f32 v31, v1;
	v51, _, _ =	vpop (xrf2);
	v30 =	vld [tilespmem:s23+$0x24A0];
	v32 =	vadd.f32 v32, v9;
	[tilespmem:s23+$0xA400] =	vst v36  }
0x6c3: {  	v28 =	vadd.f32 v54, v28;
	v29 =	vmul.f32 v29, v4;
	(v2sf) =	vpush v51, $0xF;
	v37 =	vld [tilespmem:s23+$0x24F0];
	[tilespmem:s23+$0xA410] =	vst v34  }
0x6c4: {  	v27 =	vmul.f32 v27, v6;
	v31 =	vadd.f32 v31, v14;
	v36 =	vld [tilespmem:s23+$0x24B0];
	[tilespmem:s23+$0xA420] =	vst v32  }
0x6c5: {  	v28 =	vmul.f32 v28, v44;
	v29 =	vadd.f32 v29, v63;
	v34 =	vld [tilespmem:s23+$0x24C0];
	[tilespmem:s23+$0xA440] =	vst v26;
	v26, _, _ =	vpop (xrf2)  }
0x6c6: {  	v27 =	vadd.f32 v27, v0;
	v32 =	vld [tilespmem:s23+$0x24D0];
	[tilespmem:s23+$0xA430] =	vst v31;
	(v2sf) =	vpush v26, $0xF  }
0x6c7: {  	s15 =	simm.s32 $0x200;
	v31 =	vld [tilespmem:s23+$0x24E0];
	[tilespmem:s23+$0xA450] =	vst v29;
	v26 =	vadd.f32 v28, v11  }
0x6c8: {  	[tilespmem:s23+$0xA460] =	vst v27;
	v27 =	vld [tilespmem:s15+$0x2410]  }
0x6c9: {  	s31 =	spop (v2sf);
	v28 =	vld [tilespmem:s15+$0x2400];
	[tilespmem:s23+$0xA470] =	vst v26  }
0x6ca: {  	v26 =	vld [tilespmem:s31+$0x1C400]  }
0x6cb: {  	v29 =	vld [tilespmem:s31+$0x1C410]  }
0x6cc: {  	v39 =	vld [tilespmem:s31+$0x1C420]  }
0x6cd: {  	v53 =	vld.idx.msk [tilespmem:v16+s23+$0x6080 ss:$0x1], $0xffff  }
0x6ce: {  	v54 =	vld.idx.msk [tilespmem:v16+s23+$0x6090 ss:$0x1], $0xffff  }
0x6cf: {  	v55 =	vld.idx.msk [tilespmem:v16+s23+$0x60A0 ss:$0x1], $0xffff  }
0x6d0: {  	v12 =	vmov v43;
	v43 =	vld.idx.msk [tilespmem:v16+s23+$0x60B0 ss:$0x1], $0xffff  }
0x6d1: {  	v56 =	vld.idx.msk [tilespmem:v16+s23+$0x60C0 ss:$0x1], $0xffff  }
0x6d2: {  	v35 =	vshll.u32 v52, $0x9;
	v57 =	vld.idx.msk [tilespmem:v16+s23+$0x60D0 ss:$0x1], $0xffff;
	s12 =	spop (v2sf)  }
0x6d3: {  	v15 =	vshra.s32 v35, $0x2;
	v58 =	vld.idx.msk [tilespmem:v16+s23+$0x60E0 ss:$0x1], $0xffff;
	s3 =	smul.f32 $7.812500000e-03, s12  }
0x6d4: {  	v59 =	vld.idx.msk [tilespmem:v16+s23+$0x60F0 ss:$0x1], $0xffff;
	[tilespmem:$0x1FE90] =	vst v15  }
0x6d5: {  	v60 =	vld [tilespmem:s31+$0x1C430];
	(v2sf) =	vpush v15, $0x0;
	s19 =	smul.f32 s3, s3;
	s18 =	spop (v2sf)  }
0x6d6: {  	v52 =	vld [tilespmem:s31+$0x1C460];
	v33 =	vadd.f32 v53, v33;
	v38 =	vadd.f32 v54, v62;
	s12 =	smul.f32 $7.812500000e-03, s18  }
0x6d7: {  	v62 =	vld [tilespmem:s31+$0x1C450];
	v30 =	vadd.f32 v55, v30;
	v36 =	vadd.f32 v43, v36  }
0x6d8: {  	v61 =	vld [tilespmem:s31+$0x1C440];
	v53 =	vadd.f32 v56, v34;
	v54 =	vadd.f32 v57, v32;
	s20 =	ssub.f32 s12, s19  }
0x6d9: {  	v31 =	vadd.f32 v58, v31;
	v56 =	vadd.f32 v59, v37  }
0x6da: {  	v50 =	vld [tilespmem:s15+$0x2420];
	v40 =	vadd.f32 v26, v33;
	v15 =	vadd.f32 v29, v38;
	s6 =	sadd.f32 $9.999999740e-06, s20  }
0x6db: {  	v55 =	vld [tilespmem:s31+$0x1C470];
	v57 =	vadd.f32 v39, v30;
	v58 =	vadd.f32 v60, v36  }
0x6dc: {  	v26 =	vld [tilespmem:s15+$0x2430];
	v60 =	vadd.f32 v52, v31;
	[tilespmem:$0x1FE30] =	vst v15;
	v33 =	vadd.f32 v62, v54;
	v31 =	vmov s6  }
0x6dd: {  	v59 =	vadd.f32 v61, v53;
	v29 =	vld [tilespmem:s15+$0x2440];
	[tilespmem:$0x1FE50] =	vst v58;
	v61 =	vshra.s32 v31, $0x1;
	v31 =	vmul.f32 $5.000000000e-01, v31  }
0x6de: {  	v13 =	vmovc v44;
	v46 =	vmul.f32 v40, v40;
	v47 =	vmul.f32 v15, v15;
	v30 =	vld [tilespmem:s15+$0x2450];
	[tilespmem:$0x1FE70] =	vst v33;
	v44 =	vsub.s32 $0x5F3759DF, v61  }
0x6df: {  	v43 =	vadd.f32 v15, v40;
	v51 =	vmul.f32 v57, v57;
	v41 =	vld [tilespmem:s15+$0x2460];
	v62 =	vmul.f32 v44, v31  }
0x6e0: {  	v49 =	vadd.f32 v58, v57;
	v53 =	vmul.f32 v58, v58;
	v32 =	vmul.f32 v59, v59;
	v42 =	vld [tilespmem:s15+$0x2470]  }
0x6e1: {  	v37 =	vmul.f32 v60, v60;
	v39 =	vadd.f32 v55, v56;
	v45 =	vld.idx.msk [tilespmem:v16+s15+$0x6000 ss:$0x1], $0xffff;
	v52 =	vmul.f32 v44, v62  }
0x6e2: {  	v46 =	vadd.f32 v47, v46;
	v51 =	vadd.f32 v53, v51;
	v48 =	vld.idx.msk [tilespmem:v16+s15+$0x6010 ss:$0x1], $0xffff;
	[tilespmem:$0x1FE40] =	vst v57  }
0x6e3: {  	v35 =	vmul.f32 v33, v33;
	v38 =	vmul.f32 v39, v39;
	v54 =	vld.idx.msk [tilespmem:v16+s15+$0x6020 ss:$0x1], $0xffff;
	[tilespmem:$0x1FE60] =	vst v59;
	v52 =	vsub.f32 $1.500000000e+00, v52  }
0x6e4: {  	v55 =	vadd.f32 v33, v59;
	v34 =	vadd.f32 v39, v60;
	v57 =	vld.idx.msk [tilespmem:v16+s15+$0x6030 ss:$0x1], $0xffff;
	[tilespmem:$0x1FE80] =	vst v60  }
0x6e5: {  	v56 =	vadd.f32 v35, v32;
	v32 =	vadd.f32 v38, v37;
	v47 =	vld.idx.msk [tilespmem:v16+s15+$0x6050 ss:$0x1], $0xffff;
	v44 =	vmul.f32 v44, v52  }
0x6e6: {  	v43 =	vadd.f32 v49, v43;
	v33 =	vadd.f32 v34, v55;
	v53 =	vld.idx.msk [tilespmem:v16+s15+$0x6060 ss:$0x1], $0xffff  }
0x6e7: {  	v46 =	vadd.f32 v51, v46;
	s22 =	spop (v2sf);
	v55 =	vld.idx.msk [tilespmem:v16+s15+$0x6070 ss:$0x1], $0xffff;
	v34 =	vadd.f32 v32, v56;
	v35 =	vmul.f32 v44, v31  }
0x6e8: {  	v43 =	vadd.f32 v33, v43;
	v56 =	vld [tilespmem:s22+$0x1C410]  }
0x6e9: {  	v36 =	vld [tilespmem:s22+$0x1C420];
	v46 =	vadd.f32 v34, v46;
	v49 =	vmul.f32 v35, v44  }
0x6ea: {  	(xrf2) =	vadd.scan.msk.f32 $0xffff, v43;
	v61 =	vld.idx.msk [tilespmem:v16+s15+$0x6040 ss:$0x1], $0xffff  }
0x6eb: {  	v37 =	vld [tilespmem:s22+$0x1C430];
	(xrf2) =	vadd.scan.msk.f32 $0xffff, v46;
	v33 =	vsub.f32 $1.500000000e+00, v49  }
0x6ec: {  	v38 =	vld [tilespmem:s22+$0x1C440]  }
0x6ed: {  	v28 =	vadd.f32 v45, v28;
	v27 =	vadd.f32 v48, v27;
	v34 =	vld [tilespmem:s22+$0x1C460];
	v44 =	vmul.f32 v33, v44  }
0x6ee: {  	v60 =	vadd.f32 v54, v50;
	v26 =	vadd.f32 v57, v26;
	v52 =	vld [tilespmem:s22+$0x1C400]  }
0x6ef: {  	v50 =	vadd.f32 v56, v27;
	v62 =	vld [tilespmem:s22+$0x1C450];
	v29 =	vadd.f32 v61, v29;
	v27 =	vmul.f32 v44, v31  }
0x6f0: {  	v30 =	vadd.f32 v47, v30;
	v53 =	vadd.f32 v53, v41  }
0x6f1: {  	v47 =	vadd.f32 v36, v60;
	v41 =	vadd.f32 v38, v29;
	v29 =	vmul.f32 v27, v44  }
0x6f2: {  	v48 =	vadd.f32 v37, v26;
	v26 =	vadd.f32 v34, v53;
	v35 =	vld [tilespmem:s22+$0x1C470]  }
0x6f3: {  	v49 =	vadd.f32 v52, v28;
	v29 =	vsub.f32 $1.500000000e+00, v29  }
0x6f4: {  	v28 =	vadd.f32 v55, v42;
	v42 =	vadd.f32 v62, v30;
	v30, _, _ =	vpop (xrf2)  }
0x6f5: {  	s3 =	ssub.f32 $0.0e+00, s3;
	v37 =	vmul.f32 v50, v50;
	(v2sf) =	vpush v30, $0xF;
	v30, _, _ =	vpop (xrf2);
	v29 =	vmul.f32 v29, v44  }
0x6f6: {  	v46 =	vmul.f32 v47, v47;
	(v2sf) =	vpush v30, $0xF;
	v30 =	vadd.f32 v42, v41  }
0x6f7: {  	v27 =	vadd.f32 v35, v28;
	v59 =	vmul.f32 s3, v29;
	v25 =	vmul.f32 v29, v25  }
0x6f8: {  	v38 =	vmul.f32 v48, v48;
	v31 =	vadd.f32 v48, v47;
	v28 =	vadd.f32 v50, v49  }
0x6f9: {  	v57 =	vmul.f32 v41, v41;
	v58 =	vadd.f32 v27, v26;
	v25 =	vadd.f32 v59, v25  }
0x6fa: {  	(v2sf) =	vpush v17, $0x1;
	v24 =	vmul.f32 v29, v24;
	v17 =	vmul.f32 v29, v22;
	v22 =	vld [tilespmem:s14+$0x2480];
	[tilespmem:$0x1FD80] =	vst v5  }
0x6fb: {  	v28 =	vadd.f32 v31, v28;
	v30 =	vadd.f32 v58, v30;
	[tilespmem:$0x1FD90] =	vst v7;
	v25 =	vmul.f32 v25, v12  }
0x6fc: {  	v36 =	vmul.f32 v49, v49;
	v44 =	vadd.f32 v38, v46;
	v46 =	vld [tilespmem:s14+$0x2490];
	v24 =	vadd.f32 v59, v24  }
0x6fd: {  	v23 =	vmul.f32 v29, v23;
	v28 =	vadd.f32 v30, v28;
	v30 =	vld [tilespmem:s14+$0x24A0];
	[tilespmem:$0x1FDA0] =	vst v2;
	v25 =	vadd.f32 v25, v7  }
0x6fe: {  	v60 =	vmul.f32 v42, v42;
	v43 =	vadd.f32 v37, v36;
	[tilespmem:$0x1FDB0] =	vst v8;
	v24 =	vmul.f32 v24, v5  }
0x6ff: {  	v31 =	vmul.f32 v26, v26;
	v61 =	vmul.f32 v27, v27;
	v23 =	vadd.f32 v59, v23;
	[tilespmem:s14+$0xA400] =	vst v25  }
0x700: {  	v24 =	vadd.f32 v24, v8;
	v25 =	vadd.f32 v44, v43;
	v43 =	vld [tilespmem:s14+$0x24B0];
	[tilespmem:$0x1FDC0] =	vst v1  }
0x701: {  	v62 =	vadd.f32 v60, v57;
	v31 =	vadd.f32 v61, v31;
	v23 =	vmul.f32 v23, v2;
	[tilespmem:$0x1FDD0] =	vst v9  }
0x702: {  	v21 =	vmul.f32 v29, v21;
	v20 =	vmul.f32 v29, v20;
	v17 =	vadd.f32 v59, v17;
	[tilespmem:s14+$0xA410] =	vst v24  }
0x703: {  	v19 =	vmul.f32 v29, v19;
	(xrf2) =	vadd.scan.msk.f32 $0xffff, v28;
	v23 =	vadd.f32 v23, v9;
	v28 =	vld [tilespmem:s14+$0x24C0];
	[tilespmem:$0x1FDE0] =	vst v3  }
0x704: {  	v31 =	vadd.f32 v31, v62;
	v21 =	vadd.f32 v59, v21;
	v17 =	vmul.f32 v17, v1;
	[tilespmem:$0x1FDF0] =	vst v14  }
0x705: {  	v18 =	vmul.f32 v29, v18;
	v20 =	vadd.f32 v59, v20;
	v19 =	vadd.f32 v59, v19;
	s25 =	spop (v2sf);
	[tilespmem:s14+$0xA420] =	vst v23  }
0x706: {  	v21 =	vmul.f32 v21, v3;
	s3 =	smul.f32 $7.812500000e-03, s25;
	s29 =	spop (v2sf);
	v17 =	vadd.f32 v17, v14;
	v24 =	vadd.f32 v31, v25;
	v23 =	vld [tilespmem:s14+$0x24D0];
	[tilespmem:$0x1FE00] =	vst v4  }
0x707: {  	v18 =	vadd.f32 v59, v18;
	v20 =	vmul.f32 v20, v4;
	s6 =	smul.f32 $7.812500000e-03, s29;
	[tilespmem:$0x1FE10] =	vst v10  }
0x708: {  	v19 =	vmul.f32 v19, v13;
	v21 =	vadd.f32 v21, v10;
	s31 =	smul.f32 s3, s3;
	(xrf2) =	vadd.scan.msk.f32 $0xffff, v24;
	[tilespmem:s14+$0xA430] =	vst v17  }
0x709: {  	v20 =	vadd.f32 v20, v63;
	v17 =	vmul.f32 v18, v6;
	[tilespmem:$0x1FE20] =	vst v6  }
0x70a: {  	s30 =	simm.s32 $0x386;
	v19 =	vadd.f32 v19, v11;
	s6 =	ssub.f32 s6, s31;
	v18 =	vld [tilespmem:s14+$0x24E0];
	[tilespmem:s14+$0xA440] =	vst v21  }
0x70b: {  	v24 =	vld [tilespmem:s30+$0x0];
	v17 =	vadd.f32 v17, v0;
	[tilespmem:s14+$0xA450] =	vst v20  }
0x70c: {  	s25 =	simm.s32 $0x300;
	s6 =	sadd.f32 $9.999999740e-06, s6;
	v21 =	vld [tilespmem:s14+$0x24F0];
	[tilespmem:s14+$0xA470] =	vst v19  }
0x70d: {  	s19 =	spop (v2sf);
	v37 =	vld [tilespmem:s25+$0x2400];
	[tilespmem:s14+$0xA460] =	vst v17  }
0x70e: {  	v17 =	vmov s6;
	v19 =	vld [tilespmem:s19+$0x1C400]  }
0x70f: {  	v51 =	vld [tilespmem:s19+$0x1C410]  }
0x710: {  	v52 =	vld [tilespmem:s19+$0x1C420]  }
0x711: {  	v20 =	vshra.s32 v17, $0x1;
	v45 =	vmul.f32 $5.000000000e-01, v17;
	v5 =	vld.idx.msk [tilespmem:v16+s14+$0x6080 ss:$0x1], $0xffff;
	v17, _, _ =	vpop (xrf2)  }
0x712: {  	v6 =	vld.idx.msk [tilespmem:v16+s14+$0x60A0 ss:$0x1], $0xffff;
	(v2sf) =	vpush v17, $0xF;
	v17, _, _ =	vpop (xrf2)  }
0x713: {  	v7 =	vld.idx.msk [tilespmem:v16+s14+$0x60B0 ss:$0x1], $0xffff;
	v20 =	vsub.s32 $0x5F3759DF, v20;
	(v2sf) =	vpush v17, $0xF  }
0x714: {  	v33 =	vld.idx.msk [tilespmem:v16+s14+$0x60C0 ss:$0x1], $0xffff;
	v25 =	vmul.f32 v20, v45  }
0x715: {  	v34 =	vld.idx.msk [tilespmem:v16+s14+$0x60D0 ss:$0x1], $0xffff  }
0x716: {  	v35 =	vld.idx.msk [tilespmem:v16+s14+$0x60F0 ss:$0x1], $0xffff;
	v25 =	vmul.f32 v20, v25  }
0x717: {  	v12 =	vmov v0;
	v0 =	vld [tilespmem:s19+$0x1C430]  }
0x718: {  	v17 =	vld.idx.msk [tilespmem:v16+s14+$0x6090 ss:$0x1], $0xffff;
	v25 =	vsub.f32 $1.500000000e+00, v25  }
0x719: {  	v1 =	vld [tilespmem:s19+$0x1C450];
	v24 =	vshll.u32 v24, $0x9;
	v22 =	vadd.f32 v5, v22;
	v30 =	vadd.f32 v6, v30  }
0x71a: {  	v43 =	vadd.f32 v7, v43;
	v58 =	vmul.f32 v20, v25;
	v20 =	vld.idx.msk [tilespmem:v16+s14+$0x60E0 ss:$0x1], $0xffff;
	v25 =	vshra.s32 v24, $0x2  }
0x71b: {  	v28 =	vadd.f32 v33, v28;
	v24 =	vld [tilespmem:s19+$0x1C440];
	(v2sf) =	vpush v25, $0x0  }
0x71c: {  	v4 =	vld [tilespmem:s19+$0x1C470];
	v5 =	vadd.f32 v34, v23;
	v59 =	vadd.f32 v35, v21  }
0x71d: {  	v38 =	vld [tilespmem:s25+$0x2410];
	v21 =	vadd.f32 v52, v30;
	v46 =	vadd.f32 v17, v46  }
0x71e: {  	v2 =	vld [tilespmem:s19+$0x1C460];
	v17 =	vadd.f32 v19, v22;
	v22 =	vadd.f32 v0, v43  }
0x71f: {  	v44 =	vld [tilespmem:s25+$0x2420];
	v33 =	vmul.f32 v21, v21;
	v36 =	vmul.f32 v58, v45;
	v23 =	vadd.f32 v51, v46  }
0x720: {  	v55 =	vld [tilespmem:s25+$0x2430];
	v34 =	vmul.f32 v22, v22;
	v18 =	vadd.f32 v20, v18;
	v19 =	vadd.f32 v24, v28  }
0x721: {  	v57 =	vld [tilespmem:s25+$0x2440];
	v60 =	vmul.f32 v36, v58;
	v20 =	vadd.f32 v1, v5;
	v24 =	vadd.f32 v4, v59;
	s20 =	spop (v2sf)  }
0x722: {  	v15 =	vmovc v63;
	v63 =	vld [tilespmem:s25+$0x2450];
	v6 =	vmul.f32 v17, v17;
	v7 =	vadd.f32 v23, v17;
	v56 =	vadd.f32 v34, v33;
	s6 =	smul.f32 $7.812500000e-03, s20;
	s22 =	spop (v2sf)  }
0x723: {  	v62 =	vld.idx.msk [tilespmem:v16+s25+$0x6030 ss:$0x1], $0xffff;
	v51 =	vmul.f32 v23, v23;
	v3 =	vsub.f32 $1.500000000e+00, v60;
	v18 =	vadd.f32 v2, v18;
	s12 =	smul.f32 $7.812500000e-03, s22  }
0x724: {  	v35 =	vld [tilespmem:s25+$0x2460];
	v1 =	vmul.f32 v19, v19;
	v2 =	vmul.f32 v20, v20;
	v31 =	vadd.f32 v20, v19;
	s29 =	smul.f32 s6, s6  }
0x725: {  	v52 =	vld.idx.msk [tilespmem:v16+s25+$0x6010 ss:$0x1], $0xffff;
	v54 =	vmul.f32 v3, v58;
	v3 =	vadd.f32 v22, v21;
	v30 =	vadd.f32 v24, v18  }
0x726: {  	v43 =	vld.idx.msk [tilespmem:v16+s25+$0x6000 ss:$0x1], $0xffff;
	v46 =	vadd.f32 v51, v6;
	v29 =	vmul.f32 v24, v24;
	v5 =	vmul.f32 v18, v18;
	s12 =	ssub.f32 s12, s29  }
0x727: {  	v0 =	vld.idx.msk [tilespmem:v16+s25+$0x6020 ss:$0x1], $0xffff;
	v53 =	vadd.f32 v3, v7;
	v30 =	vadd.f32 v30, v31  }
0x728: {  	v4 =	vld.idx.msk [tilespmem:v16+s25+$0x6040 ss:$0x1], $0xffff;
	v51 =	vadd.f32 v2, v1;
	v29 =	vadd.f32 v29, v5;
	s12 =	sadd.f32 $9.999999740e-06, s12  }
0x729: {  	v34 =	vld.idx.msk [tilespmem:v16+s25+$0x6050 ss:$0x1], $0xffff;
	v30 =	vadd.f32 v30, v53  }
0x72a: {  	v33 =	vld.idx.msk [tilespmem:v16+s25+$0x6060 ss:$0x1], $0xffff;
	v46 =	vadd.f32 v56, v46;
	v29 =	vadd.f32 v29, v51;
	s30 =	spop (v2sf);
	v28 =	vmov s12  }
0x72b: {  	(xrf2) =	vadd.scan.msk.f32 $0xffff, v30;
	v51 =	vld [tilespmem:s30+$0x1C410];
	v6 =	vshra.s32 v28, $0x1;
	v32 =	vmul.f32 $5.000000000e-01, v28  }
0x72c: {  	v45 =	vmul.f32 v54, v45;
	v29 =	vadd.f32 v29, v46;
	v46 =	vld [tilespmem:s30+$0x1C430];
	v31 =	vsub.s32 $0x5F3759DF, v6  }
0x72d: {  	v1 =	vld [tilespmem:s30+$0x1C440];
	v7 =	vmul.f32 v31, v32  }
0x72e: {  	v37 =	vadd.f32 v43, v37;
	v61 =	vadd.f32 v0, v44;
	v0 =	vmul.f32 v45, v54;
	(xrf2) =	vadd.scan.msk.f32 $0xffff, v29;
	v3 =	vld [tilespmem:s30+$0x1C450]  }
0x72f: {  	v2 =	vadd.f32 v62, v55;
	v4 =	vadd.f32 v4, v57;
	v5 =	vld [tilespmem:s30+$0x1C460];
	v56 =	vmul.f32 v31, v7  }
0x730: {  	v44 =	vsub.f32 $1.500000000e+00, v0;
	v30 =	vadd.f32 v52, v38;
	v53 =	vld [tilespmem:s30+$0x1C420]  }
0x731: {  	v36 =	vld [tilespmem:s25+$0x2470];
	v34 =	vadd.f32 v34, v63;
	v29 =	vsub.f32 $1.500000000e+00, v56  }
0x732: {  	v33 =	vadd.f32 v33, v35;
	v54 =	vmul.f32 v44, v54;
	v58 =	vld [tilespmem:s30+$0x1C400];
	v30 =	vadd.f32 v51, v30  }
0x733: {  	v28 =	vld.idx.msk [tilespmem:v16+s25+$0x6070 ss:$0x1], $0xffff;
	v46 =	vadd.f32 v46, v2;
	v45 =	vadd.f32 v1, v4;
	v6 =	vmul.f32 v31, v29  }
0x734: {  	v44 =	vadd.f32 v3, v34;
	v43 =	vadd.f32 v5, v33;
	v34 =	vmul.f32 v54, v39  }
0x735: {  	v7 =	vld [tilespmem:s30+$0x1C470];
	v63 =	vmul.f32 v30, v30;
	v60, _, _ =	vpop (xrf2);
	v31 =	vadd.f32 v53, v61;
	v53 =	vmul.f32 v6, v32  }
0x736: {  	s3 =	ssub.f32 $0.0e+00, s3;
	v3 =	vmul.f32 v46, v46;
	v4 =	vmul.f32 v45, v45;
	(v2sf) =	vpush v60, $0xF;
	v60 =	vld [tilespmem:$0x1FE40]  }
0x737: {  	v5 =	vmul.f32 v44, v44;
	v29 =	vadd.f32 v58, v37;
	v58 =	vmul.f32 v53, v6  }
0x738: {  	v36 =	vadd.f32 v28, v36;
	v28 =	vmul.f32 s3, v54;
	v0, _, _ =	vpop (xrf2);
	v61 =	vadd.f32 v44, v45  }
0x739: {  	v37 =	vmul.f32 v54, v40;
	(v2sf) =	vpush v0, $0xF;
	v33 =	vsub.f32 $1.500000000e+00, v58  }
0x73a: {  	v59 =	vadd.f32 v30, v29;
	v38 =	vadd.f32 v46, v31;
	v62 =	vmul.f32 v29, v29  }
0x73b: {  	v39 =	vadd.f32 v7, v36;
	v56 =	vmul.f32 v54, v60;
	v60 =	vld [tilespmem:$0x1FE90];
	v35 =	vmul.f32 v33, v6  }
0x73c: {  	v2 =	vmul.f32 v31, v31;
	v37 =	vadd.f32 v28, v37;
	v36 =	vadd.f32 v38, v59;
	v59 =	vld [tilespmem:$0x1FE30]  }
0x73d: {  	v1 =	vadd.f32 v39, v43;
	v38 =	vadd.f32 v5, v4;
	v4 =	vld [tilespmem:$0x1FE60];
	v32 =	vmul.f32 v35, v32  }
0x73e: {  	v7 =	vmul.f32 v39, v39;
	v52 =	vadd.f32 v63, v62;
	v5 =	vld [tilespmem:$0x1FE70];
	v6 =	vmul.f32 v43, v43  }
0x73f: {  	v55 =	vadd.f32 v3, v2;
	v40 =	vadd.f32 v1, v61;
	v61 =	vld [tilespmem:$0x1FE50];
	v62 =	vmul.f32 v32, v35  }
0x740: {  	v63 =	vadd.f32 v28, v34;
	v53 =	vadd.f32 v7, v6;
	v6 =	vld [tilespmem:$0x1FE80]  }
0x741: {  	v58 =	vadd.f32 v55, v52;
	v51 =	vmul.f32 v54, v59;
	v7 =	vsub.f32 $1.500000000e+00, v62  }
0x742: {  	v40 =	vadd.f32 v40, v36;
	v34 =	vmul.f32 v54, v4;
	v59 =	vmul.f32 v63, v13  }
0x743: {  	s31 =	ssub.f32 $0.0e+00, s6;
	(v2sf) =	vpush v60, $0x1;
	v33 =	vmul.f32 v54, v5;
	v62 =	vld [tilespmem:$0x1FEA0];
	v52 =	vmul.f32 v7, v35  }
0x744: {  	v57 =	vmul.f32 v54, v61;
	v61 =	vadd.f32 v59, v11;
	v38 =	vadd.f32 v53, v38  }
0x745: {  	v36 =	vadd.f32 v28, v51;
	v32 =	vmul.f32 v54, v6;
	v51 =	vmul.f32 s31, v52  }
0x746: {  	(xrf2) =	vadd.scan.msk.f32 $0xffff, v40;
	v54 =	vadd.f32 v38, v58;
	v49 =	vmul.f32 v52, v49;
	v63 =	vmul.f32 v52, v50  }
0x747: {  	[tilespmem:s23+$0xA4F0] =	vst v61;
	v38 =	vadd.f32 v28, v56;
	v50 =	vmul.f32 v52, v47;
	v47 =	vmul.f32 v52, v42  }
0x748: {  	(xrf2) =	vadd.scan.msk.f32 $0xffff, v54;
	v35 =	vmul.f32 v37, v62;
	v37 =	vadd.f32 v28, v57;
	v53 =	vadd.f32 v51, v49  }
0x749: {  	s6 =	simm.s32 $0x6;
	s12 =	simm.s32 $0x388;
	s3 =	simm.s32 $0xC00;
	v9 =	vmovc v62;
	v49 =	vmul.f32 v52, v48;
	v54 =	vadd.f32 v51, v63;
	v48 =	vmul.f32 v52, v41  }
.LBB2_9:
0x74a: {  	v0 =	vld [tilespmem:$0x1FD80]  }
0x74b: {  	v55 =	vld [tilespmem:s12+$0x0]  }
0x74c: {  	v7 =	vld [tilespmem:$0x1FDB0]  }
0x74d: {  	v40 =	vmov v46;
	v46 =	vld [tilespmem:s15+$0x2480]  }
0x74e: {  	v6 =	vld [tilespmem:$0x1FD90]  }
0x74f: {  	v2 =	vld [tilespmem:$0x1FDA0];
	v3 =	vmul.f32 v54, v0  }
0x750: {  	v8 =	vld [tilespmem:$0x1FDD0]  }
0x751: {  	v1 =	vmul.f32 v53, v9;
	v62 =	vadd.f32 v3, v7;
	v3 =	vld [tilespmem:$0x1FDE0]  }
0x752: {  	v59 =	vld [tilespmem:$0x1FDF0]  }
0x753: {  	v61 =	vadd.f32 v1, v6;
	v1 =	vld [tilespmem:$0x1FDC0]  }
0x754: {  	v60 =	vmul.f32 v52, v26;
	v4 =	vld [tilespmem:$0x1FE00];
	v48 =	vadd.f32 v51, v48  }
0x755: {  	v5 =	vld [tilespmem:$0x1FE20];
	v50 =	vadd.f32 v51, v50  }
0x756: {  	v41 =	vmovc v45;
	v49 =	vadd.f32 v51, v49;
	s18 =	spop (v2sf);
	v45 =	vmul.f32 v48, v3;
	v48 =	vadd.f32 v51, v60;
	v60 =	vld [tilespmem:$0x1FE10]  }
0x757: {  	v27 =	vmul.f32 v52, v27;
	v52 =	vld [tilespmem:s15+$0x2490];
	v50 =	vmul.f32 v50, v2;
	s19 =	smul.f32 $7.812500000e-03, s18;
	s22 =	spop (v2sf)  }
0x758: {  	v42 =	vmov v44;
	v44 =	vld [tilespmem:s15+$0x24E0];
	v47 =	vadd.f32 v51, v47;
	s18 =	smul.f32 $7.812500000e-03, s22;
	v49 =	vmul.f32 v49, v1  }
0x759: {  	v54 =	vld [tilespmem:s15+$0x24A0];
	[tilespmem:s15+$0xA400] =	vst v61;
	v63 =	vadd.f32 v50, v8;
	s20 =	smul.f32 s19, s19  }
0x75a: {  	v27 =	vadd.f32 v51, v27;
	v47 =	vmul.f32 v47, v4;
	v50 =	vld [tilespmem:s15+$0x24B0];
	[tilespmem:s15+$0xA410] =	vst v62;
	v58 =	vadd.f32 v49, v59  }
0x75b: {  	[tilespmem:s15+$0xA420] =	vst v63;
	v49 =	vld [tilespmem:s15+$0x24C0];
	s20 =	ssub.f32 s18, s20;
	v63 =	vmul.f32 v48, v5;
	v62 =	vadd.f32 v45, v60  }
0x75c: {  	v56 =	vadd.f32 v28, v34;
	s3 =	sadd.s32 $0x400, s3;
	v10 =	vmul.f32 v27, v13;
	v57 =	vadd.f32 v47, v15;
	v53, _, _ =	vpop (xrf2);
	v48 =	vld [tilespmem:s15+$0x24D0];
	[tilespmem:s15+$0xA430] =	vst v58  }
0x75d: {  	s29 =	sshra.s32 s3, $0x2;
	(v2sf) =	vpush v53, $0xF;
	s22 =	sadd.f32 $9.999999740e-06, s20;
	v45 =	vld [tilespmem:s15+$0x24F0];
	[tilespmem:s15+$0xA440] =	vst v62;
	v62 =	vadd.f32 v63, v12  }
0x75e: {  	v36 =	vmul.f32 v36, v0;
	v61, _, _ =	vpop (xrf2);
	v58 =	vadd.f32 v28, v33;
	v63 =	vadd.f32 v10, v11;
	v33 =	vld [tilespmem:s29+$0x2400];
	[tilespmem:s15+$0xA450] =	vst v57  }
0x75f: {  	v38 =	vmul.f32 v38, v2;
	(v2sf) =	vpush v61, $0xF;
	v0 =	vmov s22;
	v34 =	vld [tilespmem:s29+$0x2410];
	[tilespmem:s15+$0xA460] =	vst v62  }
0x760: {  	v27 =	vmovc v39;
	s30 =	spop (v2sf);
	v28 =	vadd.f32 v28, v32;
	v2 =	vshra.s32 v0, $0x1;
	v39 =	vmul.f32 $5.000000000e-01, v0;
	v32 =	vld [tilespmem:s29+$0x2420];
	[tilespmem:s15+$0xA470] =	vst v63  }
0x761: {  	v26 =	vmov v43;
	v43 =	vsub.s32 $0x5F3759DF, v2;
	v53 =	vld [tilespmem:s30+$0x1C400]  }
0x762: {  	v51 =	vmul.f32 v56, v3;
	v57 =	vmul.f32 v43, v39;
	v56 =	vld [tilespmem:s30+$0x1C410]  }
0x763: {  	v35 =	vadd.f32 v35, v6;
	v47 =	vmul.f32 v58, v4;
	v58 =	vld [tilespmem:s30+$0x1C420]  }
0x764: {  	v36 =	vadd.f32 v36, v7;
	v37 =	vmul.f32 v37, v1;
	v57 =	vmul.f32 v43, v57;
	v6 =	vld.idx.msk [tilespmem:v16+s15+$0x6080 ss:$0x1], $0xffff  }
0x765: {  	v38 =	vadd.f32 v38, v8;
	v7 =	vld.idx.msk [tilespmem:v16+s15+$0x6090 ss:$0x1], $0xffff;
	[tilespmem:s23+$0xA480] =	vst v35  }
0x766: {  	v37 =	vadd.f32 v37, v59;
	v35 =	vld.idx.msk [tilespmem:v16+s15+$0x60A0 ss:$0x1], $0xffff;
	v57 =	vsub.f32 $1.500000000e+00, v57;
	[tilespmem:s23+$0xA490] =	vst v36  }
0x767: {  	v28 =	vmul.f32 v28, v5;
	v51 =	vadd.f32 v51, v60;
	v36 =	vld.idx.msk [tilespmem:v16+s15+$0x60B0 ss:$0x1], $0xffff;
	[tilespmem:s23+$0xA4A0] =	vst v38  }
0x768: {  	v47 =	vadd.f32 v47, v15;
	v38 =	vld.idx.msk [tilespmem:v16+s15+$0x60C0 ss:$0x1], $0xffff;
	v43 =	vmul.f32 v43, v57;
	[tilespmem:s23+$0xA4B0] =	vst v37  }
0x769: {  	v28 =	vadd.f32 v28, v12;
	v0 =	vld.idx.msk [tilespmem:v16+s15+$0x60D0 ss:$0x1], $0xffff;
	[tilespmem:s23+$0xA4C0] =	vst v51  }
0x76a: {  	v1 =	vshll.u32 v55, $0x9;
	v51 =	vld.idx.msk [tilespmem:v16+s15+$0x60E0 ss:$0x1], $0xffff;
	v2 =	vmul.f32 v43, v39;
	[tilespmem:s23+$0xA4D0] =	vst v47  }
0x76b: {  	v37 =	vshra.s32 v1, $0x2;
	v47 =	vld.idx.msk [tilespmem:v16+s15+$0x60F0 ss:$0x1], $0xffff;
	[tilespmem:s23+$0xA4E0] =	vst v28  }
0x76c: {  	s31 =	spop (v2sf);
	(v2sf) =	vpush v37, $0x0;
	v46 =	vadd.f32 v6, v46;
	v28 =	vld [tilespmem:s30+$0x1C430];
	v55 =	vmul.f32 v2, v43  }
0x76d: {  	s18 =	smul.f32 $7.812500000e-03, s31;
	v52 =	vadd.f32 v7, v52;
	s23 =	smov.u32 s14;
	s14 =	smov.u32 s15;
	v35 =	vadd.f32 v35, v54;
	v3 =	vld [tilespmem:s30+$0x1C440]  }
0x76e: {  	s15 =	smov.u32 s25;
	s25 =	smov.u32 s29;
	s29 =	spop (v2sf);
	v4 =	vld [tilespmem:s30+$0x1C450];
	v36 =	vadd.f32 v36, v50;
	v55 =	vsub.f32 $1.500000000e+00, v55  }
0x76f: {  	s22 =	smul.f32 $7.812500000e-03, s29;
	v5 =	vld [tilespmem:s30+$0x1C460];
	v46 =	vadd.f32 v53, v46;
	v52 =	vadd.f32 v56, v52  }
0x770: {  	s29 =	smul.f32 s18, s18;
	v6 =	vld [tilespmem:s30+$0x1C470];
	v38 =	vadd.f32 v38, v49;
	v35 =	vadd.f32 v58, v35;
	v43 =	vmul.f32 v55, v43  }
0x771: {  	v53 =	vld [tilespmem:s25+$0x2450];
	v48 =	vadd.f32 v0, v48;
	v56 =	vmul.f32 v46, v46;
	v57 =	vmul.f32 v52, v52  }
0x772: {  	v54 =	vld.idx.msk [tilespmem:v16+s25+$0x6000 ss:$0x1], $0xffff;
	s30 =	ssub.f32 s22, s29;
	v50 =	vadd.f32 v52, v46;
	v44 =	vadd.f32 v51, v44;
	v39 =	vmul.f32 v43, v39  }
0x773: {  	v62 =	vld.idx.msk [tilespmem:v16+s25+$0x6020 ss:$0x1], $0xffff;
	v45 =	vadd.f32 v47, v45;
	v56 =	vadd.f32 v57, v56  }
0x774: {  	v1 =	vld.idx.msk [tilespmem:v16+s25+$0x6030 ss:$0x1], $0xffff;
	s20 =	sadd.f32 $9.999999740e-06, s30;
	v36 =	vadd.f32 v28, v36;
	v38 =	vadd.f32 v3, v38;
	v28 =	vmul.f32 v39, v43  }
0x775: {  	v58 =	vld.idx.msk [tilespmem:v16+s25+$0x6010 ss:$0x1], $0xffff;
	v60 =	vmul.f32 v35, v35;
	v48 =	vadd.f32 v4, v48;
	v44 =	vadd.f32 v5, v44  }
0x776: {  	v51 =	vld [tilespmem:s25+$0x2430];
	v49 =	vmov s20;
	v45 =	vadd.f32 v6, v45;
	v28 =	vsub.f32 $1.500000000e+00, v28  }
0x777: {  	v47 =	vld [tilespmem:s25+$0x2440];
	v59 =	vadd.f32 v36, v35;
	v61 =	vmul.f32 v36, v36;
	v63 =	vadd.f32 v48, v38  }
0x778: {  	s19 =	ssub.f32 $0.0e+00, s19;
	v55 =	vld [tilespmem:s25+$0x2460];
	v0 =	vmul.f32 v38, v38;
	v2 =	vadd.f32 v45, v44;
	v43 =	vmul.f32 v28, v43  }
0x779: {  	v57 =	vld.idx.msk [tilespmem:v16+s25+$0x6060 ss:$0x1], $0xffff;
	v3 =	vmul.f32 v48, v48;
	v4 =	vmul.f32 v44, v44;
	v50 =	vadd.f32 v59, v50  }
0x77a: {  	v5 =	vld.idx.msk [tilespmem:v16+s25+$0x6040 ss:$0x1], $0xffff;
	v2 =	vadd.f32 v2, v63;
	v28 =	vmul.f32 s19, v43;
	v59 =	vmul.f32 v43, v24;
	v24 =	vmovc v45  }
0x77b: {  	v6 =	vld.idx.msk [tilespmem:v16+s25+$0x6050 ss:$0x1], $0xffff;
	v60 =	vadd.f32 v61, v60;
	v63 =	vshra.s32 v49, $0x1;
	v45 =	vmul.f32 v45, v24  }
0x77c: {  	v39 =	vld [tilespmem:s25+$0x2470];
	v49 =	vmul.f32 $5.000000000e-01, v49;
	v2 =	vadd.f32 v2, v50;
	v59 =	vadd.f32 v28, v59  }
0x77d: {  	v61 =	vld.idx.msk [tilespmem:v16+s25+$0x6070 ss:$0x1], $0xffff;
	v0 =	vadd.f32 v3, v0;
	s31 =	spop (v2sf);
	v3 =	vadd.f32 v45, v4;
	v45 =	vsub.s32 $0x5F3759DF, v63  }
0x77e: {  	v56 =	vadd.f32 v60, v56;
	v50 =	vld [tilespmem:s31+$0x1C430];
	(xrf2) =	vadd.scan.msk.f32 $0xffff, v2;
	v7 =	vmul.f32 v59, v13;
	v63 =	vmul.f32 v45, v49  }
0x77f: {  	v2 =	vmul.f32 v43, v17;
	v17 =	vmovc v46;
	v46 =	vadd.f32 v54, v33;
	v54 =	vadd.f32 v58, v34;
	v58 =	vld [tilespmem:s31+$0x1C440]  }
0x780: {  	v4 =	vld [tilespmem:s31+$0x1C400];
	v0 =	vadd.f32 v3, v0;
	v10 =	vadd.f32 v7, v11;
	v63 =	vmul.f32 v45, v63  }
0x781: {  	v62 =	vadd.f32 v62, v32;
	v6 =	vadd.f32 v6, v53;
	v59 =	vld [tilespmem:s31+$0x1C410]  }
0x782: {  	v60 =	vmul.f32 v43, v23;
	v3 =	vld [tilespmem:s31+$0x1C420];
	v0 =	vadd.f32 v0, v56;
	[tilespmem:s23+$0xA4F0] =	vst v10;
	v10 =	vsub.f32 $1.500000000e+00, v63  }
0x783: {  	v34 =	vmul.f32 v43, v19;
	v2 =	vadd.f32 v28, v2;
	v56 =	vmul.f32 v43, v21;
	v21 =	vmovc v35  }
0x784: {  	v35 =	vadd.f32 v57, v55;
	v8 =	vld [tilespmem:s31+$0x1C450];
	(xrf2) =	vadd.scan.msk.f32 $0xffff, v0;
	v0 =	vadd.f32 v1, v51;
	v51 =	vmul.f32 v45, v10  }
0x785: {  	v33 =	vmul.f32 v43, v20;
	v57 =	vadd.f32 v61, v39;
	v1 =	vadd.f32 v5, v47;
	v5 =	vld [tilespmem:s31+$0x1C460]  }
0x786: {  	v4 =	vadd.f32 v4, v46;
	v63 =	vld [tilespmem:s31+$0x1C470];
	v53 =	vadd.f32 v59, v54;
	v61 =	vmul.f32 v51, v49  }
0x787: {  	v32 =	vmul.f32 v43, v18;
	v3 =	vadd.f32 v3, v62;
	v46 =	vadd.f32 v50, v0  }
0x788: {  	v7 =	vmul.f32 v43, v22;
	v45 =	vadd.f32 v58, v1;
	v62 =	vmul.f32 v61, v51  }
0x789: {  	v18 =	vmovc v44;
	v55 =	vmul.f32 v53, v53;
	v54 =	vadd.f32 v46, v3;
	v44 =	vadd.f32 v8, v6  }
0x78a: {  	v19 =	vmovc v38;
	v38 =	vmul.f32 v3, v3;
	v43 =	vadd.f32 v5, v35;
	v0 =	vsub.f32 $1.500000000e+00, v62  }
0x78b: {  	v58 =	vmul.f32 v46, v46;
	v39 =	vadd.f32 v63, v57;
	v63 =	vadd.f32 v53, v4  }
0x78c: {  	v23 =	vmovc v52;
	v35 =	vmul.f32 v4, v4;
	v8 =	vadd.f32 v44, v45;
	v0 =	vmul.f32 v0, v51  }
0x78d: {  	v52, _, _ =	vpop (xrf2);
	v61 =	vadd.f32 v39, v43;
	v1 =	vadd.f32 v54, v63;
	v63 =	vmul.f32 v43, v43  }
0x78e: {  	(v2sf) =	vpush v52, $0xF;
	v54 =	vmul.f32 v39, v39;
	v49 =	vmul.f32 v0, v49  }
0x78f: {  	v59 =	vmul.f32 v45, v45;
	v62 =	vmul.f32 v44, v44;
	v5 =	vadd.f32 v61, v8  }
0x790: {  	v8 =	vadd.f32 v55, v35;
	v6 =	vadd.f32 v54, v63;
	v57, _, _ =	vpop (xrf2);
	v55 =	vmul.f32 v49, v0  }
0x791: {  	(v2sf) =	vpush v57, $0xF;
	v57 =	vadd.f32 v58, v38  }
0x792: {  	v58 =	vadd.f32 v62, v59;
	v35 =	vsub.f32 $1.500000000e+00, v55  }
0x793: {  	s6 =	sadd.s32 $0x2, s6;
	v22 =	vmov v36;
	v36 =	vadd.f32 v28, v60;
	v1 =	vadd.f32 v5, v1  }
0x794: {  	p1 =	slt.u32 s6, $0x3E;
	s18 =	ssub.f32 $0.0e+00, s18;
	v59 =	vadd.f32 v57, v8;
	v6 =	vadd.f32 v6, v58;
	v52 =	vmul.f32 v35, v0  }
.Ltmp3:
0x795: {  	v38 =	vadd.f32 v28, v56;
	(v2sf) =	vpush v25, $0x1;
	v35 =	vmul.f32 v2, v9;
	(pc) =	sbr.rel @p1 .LBB2_9-.Ltmp3, $4  }
0x796: {  	v20 =	vmovc v48;
	v25 =	vmovc v37;
	v61 =	vadd.f32 v6, v59;
	v51 =	vmul.f32 s18, v52;
	v62 =	vmul.f32 v52, v29  }
0x797: {  	v37 =	vadd.f32 v28, v7;
	(xrf2) =	vadd.scan.msk.f32 $0xffff, v1;
	v63 =	vmul.f32 v52, v30;
	v50 =	vmul.f32 v52, v31  }
0x798: {  	(xrf2) =	vadd.scan.msk.f32 $0xffff, v61;
	v29 =	vmovc v4;
	v30 =	vmov v53;
	v49 =	vmul.f32 v52, v40;
	v48 =	vmul.f32 v52, v41  }
0x799: {  	s12 =	sadd.s32 $0x2, s12;
	v47 =	vmul.f32 v52, v42;
	v31 =	vmovc v3;
	v53 =	vadd.f32 v51, v62;
	v54 =	vadd.f32 v51, v63  }
0x79a: {  	v57 =	vld [tilespmem:$0x1FD90]  }
0x79b: {  	v55 =	vld [tilespmem:$0x1FD80];
	_ =	sdelay $0x1  }
0x79c: {  	v58 =	vld [tilespmem:$0x1FDB0];
	v0 =	vmul.f32 v53, v9;
	_ =	sdelay $0x1  }
0x79d: {  	v0 =	vadd.f32 v0, v57  }
0x79e: {  	v3 =	vmul.f32 v54, v55  }
0x79f: {  	v56 =	vld [tilespmem:$0x1FDA0];
	[tilespmem:s15+$0xA400] =	vst v0  }
0x7a0: {  	v3 =	vadd.f32 v3, v58;
	v60 =	vld [tilespmem:$0x1FDC0]  }
0x7a1: {  	v59 =	vld [tilespmem:$0x1FDD0]  }
0x7a2: {  	v2 =	vadd.f32 v51, v50;
	[tilespmem:s15+$0xA410] =	vst v3  }
0x7a3: {  	v61 =	vld [tilespmem:$0x1FDF0]  }
0x7a4: {  	v6 =	vadd.f32 v51, v49;
	v2 =	vmul.f32 v2, v56;
	_ =	sdelay $0x1  }
0x7a5: {  	v6 =	vmul.f32 v6, v60;
	v2 =	vadd.f32 v2, v59;
	_ =	sdelay $0x1  }
0x7a6: {  	v50, _, _ =	vpop (xrf2);
	v62 =	vld [tilespmem:$0x1FDE0];
	v6 =	vadd.f32 v6, v61;
	[tilespmem:s15+$0xA420] =	vst v2  }
0x7a7: {  	v14 =	vmov v9;
	v53 =	vmul.f32 v52, v27;
	(v2sf) =	vpush v50, $0xF;
	v41, _, _ =	vpop (xrf2);
	v9 =	vld [tilespmem:$0x1FE00]  }
0x7a8: {  	(v2sf) =	vpush v41, $0xF;
	v63 =	vld [tilespmem:$0x1FE10];
	[tilespmem:s15+$0xA430] =	vst v6  }
0x7a9: {  	v3 =	vadd.f32 v51, v53;
	v10 =	vld [tilespmem:$0x1FE20]  }
0x7aa: {  	v49 =	vmul.f32 v52, v26;
	v8 =	vadd.f32 v51, v48  }
0x7ab: {  	v1 =	vld [tilespmem:s15+$0x2480];
	v54 =	vadd.f32 v51, v47;
	v3 =	vmul.f32 v3, v13  }
0x7ac: {  	v4 =	vld [tilespmem:s15+$0x2490];
	v0 =	vadd.f32 v51, v49;
	v8 =	vmul.f32 v8, v62  }
0x7ad: {  	v5 =	vld [tilespmem:s15+$0x24A0];
	v3 =	vadd.f32 v3, v11;
	v42 =	vmul.f32 v54, v9  }
0x7ae: {  	v7 =	vld [tilespmem:s15+$0x24B0];
	v8 =	vadd.f32 v8, v63;
	v0 =	vmul.f32 v0, v10  }
0x7af: {  	v40 =	vld [tilespmem:s15+$0x24C0];
	[tilespmem:s15+$0xA470] =	vst v3;
	v26 =	vadd.f32 v42, v15  }
0x7b0: {  	s3 =	spop (v2sf);
	v2 =	vld [tilespmem:s15+$0x24D0];
	[tilespmem:s15+$0xA440] =	vst v8;
	v0 =	vadd.f32 v0, v12  }
0x7b1: {  	s6 =	spop (v2sf);
	v6 =	vld [tilespmem:s15+$0x24E0];
	[tilespmem:s15+$0xA450] =	vst v26  }
0x7b2: {  	s18 =	spop (v2sf);
	v8 =	vld [tilespmem:s15+$0x24F0];
	[tilespmem:s15+$0xA460] =	vst v0  }
0x7b3: {  	v0 =	vld [tilespmem:s18+$0x1C400]  }
0x7b4: {  	v3 =	vld [tilespmem:s18+$0x1C410]  }
0x7b5: {  	v26 =	vld [tilespmem:s18+$0x1C420]  }
0x7b6: {  	s12 =	spop (v2sf);
	v27 =	vld.idx.msk [tilespmem:v16+s15+$0x6080 ss:$0x1], $0xffff  }
0x7b7: {  	s12 =	smul.f32 $7.812500000e-03, s12;
	s19 =	spop (v2sf);
	v41 =	vld.idx.msk [tilespmem:v16+s15+$0x6090 ss:$0x1], $0xffff  }
0x7b8: {  	s19 =	smul.f32 $7.812500000e-03, s19;
	v42 =	vld.idx.msk [tilespmem:v16+s15+$0x60A0 ss:$0x1], $0xffff  }
0x7b9: {  	s20 =	smul.f32 s12, s12;
	v47 =	vld.idx.msk [tilespmem:v16+s15+$0x60B0 ss:$0x1], $0xffff  }
0x7ba: {  	v48 =	vld.idx.msk [tilespmem:v16+s15+$0x60C0 ss:$0x1], $0xffff  }
0x7bb: {  	v50 =	vld.idx.msk [tilespmem:v16+s15+$0x60E0 ss:$0x1], $0xffff;
	s19 =	ssub.f32 s19, s20  }
0x7bc: {  	v49 =	vld.idx.msk [tilespmem:v16+s15+$0x60D0 ss:$0x1], $0xffff  }
0x7bd: {  	v51 =	vld.idx.msk [tilespmem:v16+s15+$0x60F0 ss:$0x1], $0xffff;
	s19 =	sadd.f32 $9.999999740e-06, s19  }
0x7be: {  	v52 =	vld [tilespmem:s18+$0x1C430];
	v1 =	vadd.f32 v27, v1;
	v4 =	vadd.f32 v41, v4  }
0x7bf: {  	v54 =	vld [tilespmem:s18+$0x1C460];
	v5 =	vadd.f32 v42, v5;
	v7 =	vadd.f32 v47, v7;
	v41 =	vmov s19  }
0x7c0: {  	v27 =	vld [tilespmem:s18+$0x1C440];
	v6 =	vadd.f32 v50, v6;
	v47 =	vshra.s32 v41, $0x1;
	v50 =	vmul.f32 $5.000000000e-01, v41  }
0x7c1: {  	v53 =	vld [tilespmem:s18+$0x1C450];
	v40 =	vadd.f32 v48, v40;
	v48 =	vadd.f32 v0, v1;
	v1 =	vsub.s32 $0x5F3759DF, v47  }
0x7c2: {  	v2 =	vadd.f32 v49, v2;
	v8 =	vadd.f32 v51, v8;
	v51 =	vmul.f32 v1, v50  }
0x7c3: {  	v49 =	vld [tilespmem:s18+$0x1C470];
	v42 =	vadd.f32 v3, v4;
	v47 =	vadd.f32 v26, v5  }
0x7c4: {  	v41 =	vadd.f32 v52, v7;
	v26 =	vadd.f32 v54, v6;
	v52 =	vmul.f32 v1, v51  }
0x7c5: {  	v0 =	vadd.f32 v42, v48;
	v27 =	vadd.f32 v27, v40  }
0x7c6: {  	v40 =	vadd.f32 v53, v2;
	v2 =	vsub.f32 $1.500000000e+00, v52  }
0x7c7: {  	v3 =	vmul.f32 v48, v48;
	v4 =	vmul.f32 v42, v42;
	v5 =	vadd.f32 v41, v47  }
0x7c8: {  	v6 =	vmul.f32 v47, v47;
	v49 =	vadd.f32 v49, v8;
	v1 =	vmul.f32 v1, v2  }
0x7c9: {  	v7 =	vmul.f32 v41, v41;
	v0 =	vadd.f32 v5, v0;
	v3 =	vadd.f32 v4, v3  }
0x7ca: {  	v8 =	vadd.f32 v40, v27;
	v51 =	vmul.f32 v27, v27;
	v53 =	vmul.f32 v1, v50  }
0x7cb: {  	v52 =	vmul.f32 v26, v26;
	v5 =	vmul.f32 v49, v49;
	v54 =	vadd.f32 v49, v26  }
0x7cc: {  	v6 =	vadd.f32 v7, v6;
	v2 =	vmul.f32 v40, v40;
	v4 =	vmul.f32 v53, v1  }
0x7cd: {  	v5 =	vadd.f32 v5, v52;
	v7 =	vadd.f32 v54, v8  }
0x7ce: {  	v2 =	vadd.f32 v2, v51;
	v4 =	vsub.f32 $1.500000000e+00, v4  }
0x7cf: {  	v0 =	vadd.f32 v7, v0  }
0x7d0: {  	v3 =	vadd.f32 v6, v3;
	v2 =	vadd.f32 v5, v2;
	v1 =	vmul.f32 v4, v1  }
0x7d1: {  	(xrf2) =	vadd.scan.msk.f32 $0xffff, v0  }
0x7d2: {  	v2 =	vadd.f32 v2, v3;
	v53 =	vmul.f32 v1, v50;
	_ =	sdelay $0x1  }
0x7d3: {  	(xrf2) =	vadd.scan.msk.f32 $0xffff, v2;
	v0 =	vmul.f32 v53, v1;
	_ =	sdelay $0x1  }
0x7d4: {  	v0 =	vsub.f32 $1.500000000e+00, v0;
	_ =	sdelay $0x1  }
0x7d5: {  	s12 =	ssub.f32 $0.0e+00, s12;
	v0 =	vmul.f32 v0, v1;
	_ =	sdelay $0x1  }
0x7d6: {  	v1 =	vmul.f32 s12, v0  }
0x7d7: {  	v7, _, _ =	vpop (xrf2);
	v54 =	vmul.f32 v0, v29;
	v29 =	vmul.f32 v0, v30  }
0x7d8: {  	(v2sf) =	vpush v7, $0xF;
	v30 =	vmul.f32 v0, v31;
	v31 =	vmul.f32 v0, v46  }
0x7d9: {  	v45 =	vmul.f32 v0, v45;
	v46 =	vmul.f32 v0, v44;
	v2 =	vadd.f32 v1, v54  }
0x7da: {  	v8, _, _ =	vpop (xrf2);
	v50 =	vmul.f32 v0, v43;
	v0 =	vmul.f32 v0, v39;
	v4 =	vadd.f32 v1, v29  }
0x7db: {  	(v2sf) =	vpush v8, $0xF;
	v3 =	vadd.f32 v1, v30;
	v2 =	vmul.f32 v2, v14  }
0x7dc: {  	(v2sf) =	vpush v25, $0x1;
	v5 =	vadd.f32 v1, v31;
	v4 =	vmul.f32 v4, v55  }
0x7dd: {  	v8 =	vadd.f32 v1, v45;
	v3 =	vmul.f32 v3, v56;
	v2 =	vadd.f32 v2, v57  }
0x7de: {  	v0 =	vadd.f32 v1, v0;
	v5 =	vmul.f32 v5, v60;
	v4 =	vadd.f32 v4, v58  }
0x7df: {  	v6 =	vld [tilespmem:s25+$0x2480];
	v51 =	vadd.f32 v1, v50;
	v8 =	vmul.f32 v8, v62;
	v3 =	vadd.f32 v3, v59;
	[tilespmem:s25+$0xA400] =	vst v2  }
0x7e0: {  	v7 =	vld [tilespmem:s25+$0x2490];
	v0 =	vmul.f32 v0, v13;
	v5 =	vadd.f32 v5, v61;
	[tilespmem:s25+$0xA410] =	vst v4;
	v2 =	vadd.f32 v1, v46  }
0x7e1: {  	v25 =	vld [tilespmem:s25+$0x24A0];
	v52 =	vadd.f32 v8, v63;
	[tilespmem:s25+$0xA420] =	vst v3;
	v3 =	vmul.f32 v51, v10  }
0x7e2: {  	v29 =	vld [tilespmem:s25+$0x24B0];
	v0 =	vadd.f32 v0, v11;
	[tilespmem:s25+$0xA430] =	vst v5;
	v2 =	vmul.f32 v2, v9  }
0x7e3: {  	v30 =	vld [tilespmem:s25+$0x24C0];
	[tilespmem:s25+$0xA440] =	vst v52;
	v53 =	vadd.f32 v3, v12  }
0x7e4: {  	v4 =	vld [tilespmem:s25+$0x24D0];
	[tilespmem:s25+$0xA470] =	vst v0;
	v2 =	vadd.f32 v2, v15  }
0x7e5: {  	v5 =	vld [tilespmem:s25+$0x24E0];
	[tilespmem:s25+$0xA460] =	vst v53  }
0x7e6: {  	v3 =	vld [tilespmem:s25+$0x24F0];
	[tilespmem:s25+$0xA450] =	vst v2  }
0x7e7: {  	v8 =	vld.idx.msk [tilespmem:v16+s25+$0x6080 ss:$0x1], $0xffff  }
0x7e8: {  	v31 =	vld.idx.msk [tilespmem:v16+s25+$0x6090 ss:$0x1], $0xffff  }
0x7e9: {  	v39 =	vld.idx.msk [tilespmem:v16+s25+$0x60A0 ss:$0x1], $0xffff  }
0x7ea: {  	v54 =	vld.idx.msk [tilespmem:v16+s25+$0x60B0 ss:$0x1], $0xffff  }
0x7eb: {  	v44 =	vld.idx.msk [tilespmem:v16+s25+$0x60C0 ss:$0x1], $0xffff  }
0x7ec: {  	s30 =	spop (v2sf);
	v45 =	vld.idx.msk [tilespmem:v16+s25+$0x60D0 ss:$0x1], $0xffff  }
0x7ed: {  	v46 =	vld.idx.msk [tilespmem:v16+s25+$0x60E0 ss:$0x1], $0xffff;
	s31 =	spop (v2sf)  }
0x7ee: {  	v16 =	vld.idx.msk [tilespmem:v16+s25+$0x60F0 ss:$0x1], $0xffff;
	s20 =	spop (v2sf)  }
0x7ef: {  	v0 =	vld [tilespmem:s20+$0x1C400]  }
0x7f0: {  	v1 =	vld [tilespmem:s20+$0x1C410]  }
0x7f1: {  	v2 =	vld [tilespmem:s20+$0x1C420]  }
0x7f2: {  	v50 =	vld [tilespmem:s20+$0x1C430]  }
0x7f3: {  	v51 =	vld [tilespmem:s20+$0x1C440]  }
0x7f4: {  	v52 =	vld [tilespmem:s20+$0x1C460];
	v6 =	vadd.f32 v8, v6;
	v7 =	vadd.f32 v31, v7  }
0x7f5: {  	v8 =	vld [tilespmem:s20+$0x1C450];
	v25 =	vadd.f32 v39, v25;
	v29 =	vadd.f32 v54, v29  }
0x7f6: {  	v30 =	vadd.f32 v44, v30;
	v4 =	vadd.f32 v45, v4;
	v54 =	vld [tilespmem:s20+$0x1C470]  }
0x7f7: {  	v5 =	vadd.f32 v46, v5;
	v46 =	vadd.f32 v16, v3  }
0x7f8: {  	v43 =	vadd.f32 v0, v6;
	v39 =	vadd.f32 v1, v7  }
0x7f9: {  	v31 =	vadd.f32 v2, v25;
	v29 =	vadd.f32 v50, v29  }
0x7fa: {  	v30 =	vadd.f32 v51, v30;
	v16 =	vadd.f32 v52, v5  }
0x7fb: {  	v25 =	vadd.f32 v8, v4;
	v44 =	vadd.f32 v54, v46  }
0x7fc: {  	v0 =	vadd.f32 v39, v43;
	v1 =	vmul.f32 v43, v43;
	v52 =	vmul.f32 v39, v39  }
0x7fd: {  	v3 =	vadd.f32 v29, v31;
	v4 =	vmul.f32 v31, v31;
	v53 =	vmul.f32 v29, v29  }
0x7fe: {  	v50 =	vmul.f32 v30, v30;
	v51 =	vmul.f32 v16, v16;
	v54 =	vadd.f32 v25, v30  }
0x7ff: {  	v8 =	vmul.f32 v25, v25;
	v1 =	vadd.f32 v52, v1;
	v52 =	vmul.f32 v44, v44  }
0x800: {  	v4 =	vadd.f32 v53, v4;
	v53 =	vadd.f32 v44, v16  }
0x801: {  	v7 =	vadd.f32 v8, v50;
	v2 =	vadd.f32 v52, v51  }
0x802: {  	v0 =	vadd.f32 v3, v0;
	v54 =	vadd.f32 v53, v54  }
0x803: {  	v1 =	vadd.f32 v4, v1;
	v2 =	vadd.f32 v2, v7  }
0x804: {  	v0 =	vadd.f32 v54, v0  }
0x805: {  	s19 =	smul.f32 $7.812500000e-03, s3;
	v1 =	vadd.f32 v2, v1  }
0x806: {  	s22 =	smul.f32 $7.812500000e-03, s6;
	(xrf2) =	vadd.scan.msk.f32 $0xffff, v0  }
0x807: {  	s29 =	smul.f32 s19, s19;
	(xrf2) =	vadd.scan.msk.f32 $0xffff, v1;
	_ =	sdelay $0x1  }
0x808: {  	s3 =	ssub.f32 s22, s29;
	_ =	sdelay $0x1  }
0x809: {  	s3 =	sadd.f32 $9.999999740e-06, s3;
	_ =	sdelay $0x1  }
0x80a: {  	v5 =	vmov s3  }
0x80b: {  	s30 =	smul.f32 $7.812500000e-03, s30;
	v6 =	vshra.s32 v5, $0x1;
	v0 =	vmul.f32 $5.000000000e-01, v5  }
0x80c: {  	v1 =	vsub.s32 $0x5F3759DF, v6  }
0x80d: {  	s12 =	smul.f32 s30, s30;
	v7 =	vmul.f32 v1, v0;
	v8, _, _ =	vpop (xrf2)  }
0x80e: {  	s31 =	smul.f32 $7.812500000e-03, s31;
	(v2sf) =	vpush v8, $0xF;
	v45, _, _ =	vpop (xrf2)  }
0x80f: {  	v2 =	vmul.f32 v1, v7;
	(v2sf) =	vpush v45, $0xF  }
0x810: {  	s3 =	ssub.f32 s31, s12  }
0x811: {  	v2 =	vsub.f32 $1.500000000e+00, v2  }
0x812: {  	s3 =	sadd.f32 $9.999999740e-06, s3  }
0x813: {  	v1 =	vmul.f32 v1, v2  }
0x814: {  	v46 =	vmov s3  }
0x815: {  	v3 =	vmul.f32 $5.000000000e-01, v46;
	v50 =	vshra.s32 v46, $0x1;
	v2 =	vmul.f32 v1, v0  }
0x816: {  	v51 =	vsub.s32 $0x5F3759DF, v50  }
0x817: {  	v4 =	vmul.f32 v51, v3;
	v2 =	vmul.f32 v2, v1;
	_ =	sdelay $0x1  }
0x818: {  	v4 =	vmul.f32 v51, v4;
	v2 =	vsub.f32 $1.500000000e+00, v2;
	_ =	sdelay $0x1  }
0x819: {  	v4 =	vsub.f32 $1.500000000e+00, v4;
	v1 =	vmul.f32 v2, v1  }
0x81a: {  	v54 =	vmul.f32 v36, v55  }
0x81b: {  	v2 =	vmul.f32 v51, v4;
	v0 =	vmul.f32 v1, v0;
	s18 =	spop (v2sf)  }
0x81c: {  	v52 =	vadd.f32 v28, v34;
	v36 =	vmul.f32 v38, v56;
	v38 =	vmul.f32 v37, v60;
	s3 =	smul.f32 $7.812500000e-03, s18;
	s20 =	spop (v2sf)  }
0x81d: {  	v51 =	vmul.f32 v2, v3;
	v0 =	vmul.f32 v0, v1;
	s12 =	smul.f32 $7.812500000e-03, s20  }
0x81e: {  	v53 =	vadd.f32 v28, v33;
	v5 =	vmul.f32 v52, v62;
	s22 =	smul.f32 s3, s3  }
0x81f: {  	v33 =	vadd.f32 v38, v61;
	v6 =	vmul.f32 v51, v2;
	v0 =	vsub.f32 $1.500000000e+00, v0  }
0x820: {  	v46 =	vmul.f32 v53, v9;
	v5 =	vadd.f32 v5, v63;
	v45 =	vadd.f32 v28, v32;
	s12 =	ssub.f32 s12, s22  }
0x821: {  	s29 =	ssub.f32 $0.0e+00, s19;
	v7 =	vadd.f32 v54, v58;
	v6 =	vsub.f32 $1.500000000e+00, v6;
	v0 =	vmul.f32 v0, v1  }
0x822: {  	v8 =	vadd.f32 v36, v59;
	v28 =	vadd.f32 v35, v57;
	v50 =	vmul.f32 v45, v10;
	s12 =	sadd.f32 $9.999999740e-06, s12  }
0x823: {  	v4 =	vadd.f32 v46, v15;
	v2 =	vmul.f32 v6, v2;
	v32 =	vmul.f32 s29, v0  }
0x824: {  	v24 =	vmul.f32 v0, v24;
	v17 =	vmul.f32 v0, v17;
	v52 =	vmov s12  }
0x825: {  	v45 =	vmul.f32 v0, v23;
	v53 =	vshra.s32 v52, $0x1;
	v34 =	vmul.f32 $5.000000000e-01, v52  }
0x826: {  	v21 =	vmul.f32 v0, v21;
	v3 =	vmul.f32 v2, v3;
	v35 =	vsub.s32 $0x5F3759DF, v53  }
0x827: {  	v1 =	vadd.f32 v50, v12;
	v22 =	vmul.f32 v0, v22;
	v54 =	vmul.f32 v35, v34  }
0x828: {  	v19 =	vmul.f32 v0, v19;
	v20 =	vmul.f32 v0, v20;
	v24 =	vadd.f32 v32, v24  }
0x829: {  	v17 =	vadd.f32 v32, v17;
	v6 =	vadd.f32 v32, v45;
	v46 =	vmul.f32 v35, v54  }
0x82a: {  	v0 =	vmul.f32 v0, v18;
	v21 =	vadd.f32 v32, v21;
	v22 =	vadd.f32 v32, v22  }
0x82b: {  	v3 =	vmul.f32 v3, v2;
	v19 =	vadd.f32 v32, v19;
	v23 =	vsub.f32 $1.500000000e+00, v46  }
0x82c: {  	v51 =	vadd.f32 v32, v20;
	v24 =	vmul.f32 v24, v13;
	v17 =	vmul.f32 v17, v14  }
0x82d: {  	v0 =	vadd.f32 v32, v0;
	v6 =	vmul.f32 v6, v55;
	v50 =	vmul.f32 v35, v23  }
0x82e: {  	v3 =	vsub.f32 $1.500000000e+00, v3;
	v22 =	vmul.f32 v22, v60;
	v19 =	vmul.f32 v19, v62  }
0x82f: {  	v0 =	vmul.f32 v0, v10;
	v24 =	vadd.f32 v24, v11;
	v23 =	vmul.f32 v50, v34  }
0x830: {  	[tilespmem:s23+$0xA4B0] =	vst v33;
	v2 =	vmul.f32 v3, v2;
	v3 =	vmul.f32 v51, v9;
	v37 =	vadd.f32 v17, v57  }
0x831: {  	s6 =	ssub.f32 $0.0e+00, s30;
	[tilespmem:s23+$0xA4C0] =	vst v5;
	v6 =	vadd.f32 v6, v58;
	v0 =	vadd.f32 v0, v12;
	v53 =	vmul.f32 v23, v50  }
0x832: {  	[tilespmem:s23+$0xA490] =	vst v7;
	v3 =	vadd.f32 v3, v15;
	v51 =	vmul.f32 v2, v42;
	v52 =	vmul.f32 v21, v56  }
0x833: {  	[tilespmem:s23+$0xA4A0] =	vst v8;
	v54 =	vmul.f32 v2, v49;
	v23 =	vmul.f32 s6, v2;
	v21 =	vsub.f32 $1.500000000e+00, v53  }
0x834: {  	[tilespmem:s23+$0xA480] =	vst v28;
	v32 =	vmul.f32 v2, v40;
	v45 =	vadd.f32 v52, v59;
	v52 =	vmul.f32 v2, v47  }
0x835: {  	[tilespmem:s23+$0xA4D0] =	vst v4;
	v49 =	vadd.f32 v19, v63;
	v36 =	vadd.f32 v23, v54;
	v38 =	vmul.f32 v21, v50  }
0x836: {  	[tilespmem:s23+$0xA4E0] =	vst v1;
	v46 =	vadd.f32 v22, v61;
	v53 =	vmul.f32 v2, v41;
	v54 =	vmul.f32 v2, v27  }
0x837: {  	[tilespmem:s14+$0xA4F0] =	vst v24;
	v4 =	vadd.f32 v23, v51;
	v7 =	vmul.f32 v36, v13;
	v21 =	vmul.f32 v38, v34  }
0x838: {  	[tilespmem:s14+$0xA480] =	vst v37;
	v40 =	vadd.f32 v23, v32;
	v50 =	vmul.f32 v2, v48;
	v2 =	vmul.f32 v2, v26  }
0x839: {  	[tilespmem:s14+$0xA490] =	vst v6;
	v36 =	vadd.f32 v23, v52;
	v1 =	vadd.f32 v23, v53;
	v21 =	vmul.f32 v21, v38  }
0x83a: {  	[tilespmem:s14+$0xA4E0] =	vst v0;
	v4 =	vmul.f32 v4, v55;
	v37 =	vadd.f32 v23, v54;
	v19 =	vadd.f32 v23, v50  }
0x83b: {  	[tilespmem:s14+$0xA4A0] =	vst v45;
	v45 =	vmul.f32 v40, v9;
	v7 =	vadd.f32 v7, v11;
	v33 =	vsub.f32 $1.500000000e+00, v21  }
0x83c: {  	[tilespmem:s14+$0xA4D0] =	vst v3;
	v1 =	vmul.f32 v1, v60;
	v2 =	vadd.f32 v23, v2;
	v4 =	vadd.f32 v4, v58  }
0x83d: {  	s3 =	ssub.f32 $0.0e+00, s3;
	[tilespmem:s14+$0xA4C0] =	vst v49;
	v0 =	vadd.f32 v45, v15;
	v34 =	vmul.f32 v19, v14;
	v8 =	vmul.f32 v33, v38  }
0x83e: {  	[tilespmem:s14+$0xA4B0] =	vst v46;
	v2 =	vmul.f32 v2, v10;
	v1 =	vadd.f32 v1, v61;
	v38 =	vmul.f32 v36, v56  }
0x83f: {  	v35 =	vmovc v14;
	[tilespmem:s15+$0xA4F0] =	vst v7;
	v6 =	vadd.f32 v34, v57;
	v41 =	vmul.f32 s3, v8;
	v42 =	vmul.f32 v8, v44  }
0x840: {  	[tilespmem:s15+$0xA490] =	vst v4;
	v2 =	vadd.f32 v2, v12;
	v44 =	vmul.f32 v37, v62;
	v48 =	vmul.f32 v8, v43  }
0x841: {  	[tilespmem:s15+$0xA4D0] =	vst v0;
	v47 =	vadd.f32 v38, v59;
	v49 =	vmul.f32 v8, v39;
	v46 =	vadd.f32 v41, v42  }
0x842: {  	[tilespmem:s15+$0xA480] =	vst v6;
	v50 =	vmul.f32 v8, v31;
	v51 =	vmul.f32 v8, v29;
	v6 =	vadd.f32 v41, v48  }
0x843: {  	[tilespmem:s15+$0xA4B0] =	vst v1;
	v52 =	vmul.f32 v8, v30;
	v4 =	vadd.f32 v41, v49;
	v5 =	vmul.f32 v46, v13  }
0x844: {  	[tilespmem:s15+$0xA4E0] =	vst v2;
	v3 =	vadd.f32 v44, v63;
	v7 =	vadd.f32 v41, v50;
	v6 =	vmul.f32 v6, v35  }
0x845: {  	[tilespmem:s15+$0xA4A0] =	vst v47;
	v1 =	vadd.f32 v41, v51;
	v4 =	vmul.f32 v4, v55;
	v5 =	vadd.f32 v5, v11  }
0x846: {  	[tilespmem:s15+$0xA4C0] =	vst v3;
	v55 =	vadd.f32 v41, v52;
	v7 =	vmul.f32 v7, v56;
	v6 =	vadd.f32 v6, v57  }
0x847: {  	v53 =	vmul.f32 v8, v25;
	v1 =	vmul.f32 v1, v60;
	v4 =	vadd.f32 v4, v58;
	[tilespmem:s25+$0xA4F0] =	vst v5  }
0x848: {  	v54 =	vmul.f32 v8, v16;
	v2 =	vmul.f32 v55, v62;
	v62 =	vadd.f32 v7, v59;
	[tilespmem:s25+$0xA480] =	vst v6  }
0x849: {  	v3 =	vadd.f32 v41, v53;
	v1 =	vadd.f32 v1, v61;
	[tilespmem:s25+$0xA490] =	vst v4  }
0x84a: {  	v0 =	vadd.f32 v41, v54;
	v2 =	vadd.f32 v2, v63;
	[tilespmem:s25+$0xA4A0] =	vst v62  }
0x84b: {  	v3 =	vmul.f32 v3, v9;
	[tilespmem:s25+$0xA4B0] =	vst v1  }
0x84c: {  	v0 =	vmul.f32 v0, v10;
	[tilespmem:s25+$0xA4C0] =	vst v2  }
0x84d: {  	v3 =	vadd.f32 v3, v15;
	s3 =	rddreg [dreg:$0x10]  }
0x84e: {  	s21 =	sadd.s32 $0x1, s21;
	v0 =	vadd.f32 v0, v12;
	s3 =	sadd.s32 @!p2 s13, s3  }
0x84f: {  	p1 =	sne.s32 s21, $0x40;
	s30 =	sadd.s32 s10, s7;
	[tilespmem:s25+$0xA4D0] =	vst v3;
	s3 =	sshrl.u32 @!p2 s3, $0x3  }
0x850: {  	s12 =	simm.s32 @!p2 $0x0;
	[tilespmem:s25+$0xA4E0] =	vst v0;
	s13 =	simm.s32 @!p2 $0x100;
	s6 =	sadd.s32 @!p2 s9, s3  }
0x851: {  	[tilespmem:s13], [sflag:$0x5] =	stream.linear.gather @!p2 [hbm4b:s6+s12], $0x40, $0x38;
	[tilespmem:$0x1C600] =	vst v63  }
.Ltmp4:
0x852: {  	s3 =	sadd.s32 @!p2 s11, s3;
	s6 =	simm.s32 @!p2 $0x300;
	(pc) =	sbr.rel @p1 .LBB2_2-.Ltmp4, $4  }
0x853: {  	[tilespmem:s6], [sflag:$0x5] =	stream.linear.gather @!p2 [hbm4b:s3+s12], $0x40, $0x38;
	[tilespmem:$0x1C600] =	vst v63  }
0x854: {  	p0 =	por !p0, !p0;
	s17 =	sadd.s32 $0x2, s17;
	s3 =	sshll.u32 s30, $0x4  }
0x855: {  	s16 =	sadd.s32 $0x4, s16;
	s31 =	simm.s32 $0x8400;
	s3 =	sadd.s32 s24, s3  }
0x856: {  	[hbm4b:s3+s8] =	stream.linear.scatter [tilespmem:s31], [sflag:$0x8], $0x4000, $0x38;
	[tilespmem:$0x1C600] =	vst v63  }
0x857: {  	s3 =	simm.s32 $0x7  }
0x858: {  	_ =	swait.ge [sflag:s3], $0x4000  }
0x859: {  	[sflag:s3] =	ssyncset.done $0x0  }
0x85a: {  	s6 =	simm.s32 $0x8;
	[sflag:s3] =	ssyncadd.s32 $0xFFFFC000  }
0x85b: {  	_ =	swait.ge [sflag:s6], $0x4000  }
0x85c: {  	s7 =	rddreg [dreg:$0x12]  }
0x85d: {  	s31 =	rddreg [dreg:$0x11];
	s7 =	sadd.s32 $0x1, s7  }
0x85e: {  	p0 =	sne.s32 s7, s31  }
.Ltmp5:
0x85f: {  	_ = 	snop;
	(pc) =	sbr.rel @p0 .LBB2_1-.Ltmp5, $3  }
0x860: {  	_ =	sdelay $0x1  }
0x861: {  	[sflag:s6] =	ssyncset.done $0x0  }
0x862: {  	[sflag:s6] =	ssyncadd.s32 $0xFFFFC000  }
0x863: {  	_ =	sfence.sel $0x180000  }
0x864: {  	[bflag:$0x0] =	sbarrier.arrive $0xFFFF  }
0x865: {  	_ =	strace $0x90000047  }
0x866: {  	s0 =	stileid.u32;
	[bflag:$0x2] =	sbarrier.arrive $0xFFFF  }
0x867: {  	p0 =	sne.s32 s0, $0x0;
	s0 =	rddreg [dreg:$0x7]  }
0x868: {  	s0 =	sadd.s32 @!p0 $0x100000, s0  }
0x869: {  	[sflag:s0] =	ssyncadd.tile.s32 @!p0 $0x1;
	_ =	shalt  }
.Lfunc_end2:
_tile_overlayer_lowered:
.L_overlay_start_2:
0x86a: {  	(tag) =	ssettag $0x2  }
0x86b: {  	s0 =	rddreg [dreg:$0x0];
	s2 =	stileid.u32  }
0x86c: {  	s1 =	rddreg [dreg:$0x1];
	p0 =	sne.s32 s2, $0x0  }
0x86d: {  	s3 =	rddreg [dreg:$0x2];
	[bflag:$0x3] =	sbarrier.arrive $0xFFFF;
	s2 =	simm.s32 @!p0 $0x1C09  }
0x86e: {  	[timem:s3], [sflag:s2] =	dma.local @!p0 [hbm:s0], s1  }
0x86f: {  	s0 =	simm.s32 @!p0 $0x9  }
0x870: {  	_ =	swait.ge @!p0 [sflag:s0], s1  }
0x871: {  	s1 =	ssub.s32 @!p0 $0x0, s1;
	[sflag:s0] =	ssyncset.done @!p0 $0x0  }
0x872: {  	[sflag:s0] =	ssyncadd.s32 @!p0 s1  }
0x873: {  	[bflag:$0x3] =	sbarrier.arrive $0xFFFF  }
0x874: {  	_ =	shalt  }

</sc_bundles>
